<compile_context>
chip_gen: v7x
topology: tpu7x:2x2x1
jax: 0.10.2.dev20260603
libtpu: 0.0.44.dev20260713+nightly
codegen_flags: <defaults>
</compile_context>

<pallas_src>
import functools

import jax
import jax.numpy as jnp
from jax import lax
from jax.experimental import pallas as pl
from jax.experimental.pallas import tpu as pltpu
from jax.experimental.pallas import tpu_sc as plsc

S = 200
B = 4096
D = 64
O = 2
V = 1000000
NW = 32
B_PER_W = B // NW
C_BLK = 32768
NBUF = 20


def _rtne_hi16(u):
    return (u + jnp.uint32(0x7FFF) + ((u >> 16) & jnp.uint32(1))) \
        & jnp.uint32(0xFFFF0000)


def _proj_body(tT_ref, w_ref, o_ref):
    blk = tT_ref[...]
    r = jnp.dot(w_ref[...], blk, preferred_element_type=jnp.float32)
    u0 = lax.bitcast_convert_type(r[0], jnp.uint32)
    u1 = lax.bitcast_convert_type(r[1], jnp.uint32)
    packed = _rtne_hi16(u0) | (_rtne_hi16(u1) >> 16)
    o_ref[...] = lax.bitcast_convert_type(packed, jnp.int32)


CHUNK = 62496


def _sc_body(x_hbm, t01_hbm, b_hbm, out_hbm,
             xchunk_v, gbuf, b_v, out_v, t01_sh, *sems):
    sid = lax.axis_index("s")
    wid = sid * 2 + lax.axis_index("c")
    base = wid * B_PER_W

    off = sid * CHUNK

    @pl.when(sid < 15)
    def _():
        pltpu.sync_copy(t01_hbm.at[pl.ds(off, CHUNK)],
                        t01_sh.at[pl.ds(off, CHUNK)])

    @pl.when(sid == 15)
    def _():
        pltpu.sync_copy(t01_hbm.at[pl.ds(15 * CHUNK, V - 15 * CHUNK)],
                        t01_sh.at[pl.ds(15 * CHUNK, V - 15 * CHUNK)])

    pltpu.sync_copy(x_hbm.at[:, pl.ds(base, B_PER_W)], xchunk_v)
    pltpu.sync_copy(b_hbm, b_v)
    plsc.subcore_barrier()

    def issue(s, k):
        pltpu.async_copy(t01_sh.at[xchunk_v.at[s]], gbuf.at[k], sems[k])

    def drain(k):
        pltpu.make_async_copy(t01_sh.at[xchunk_v.at[0]],
                              gbuf.at[k], sems[k]).wait()

    hi_mask = jnp.full((16,), -65536, jnp.int32)

    def accum(k, acc):
        new = list(acc)
        for j in range(8):
            v = gbuf[k, pl.ds(16 * j, 16)]
            a0 = lax.bitcast_convert_type(v & hi_mask, jnp.float32)
            a1 = lax.bitcast_convert_type(v << 16, jnp.float32)
            new[j] = acc[j] + a0
            new[8 + j] = acc[8 + j] + a1
        return tuple(new)

    for k in range(NBUF):
        issue(k, k)

    def per_group(i, acc):
        s0 = i * NBUF
        for k in range(NBUF):
            drain(k)
            acc = accum(k, acc)

            @pl.when(s0 + k + NBUF < S)
            def _():
                issue(s0 + k + NBUF, k)
        return acc

    z = jnp.zeros((16,), jnp.float32)
    acc = lax.fori_loop(0, S // NBUF, per_group, (z,) * 16)

    for k in range(8):
        out_v[0, pl.ds(16 * k, 16)] = acc[k] + b_v[0, :]
        out_v[1, pl.ds(16 * k, 16)] = acc[8 + k] + b_v[1, :]

    pltpu.sync_copy(out_v, out_hbm.at[:, pl.ds(base, B_PER_W)])


@jax.jit
def _fast_text(x, tableT, w_scaled, b_exp):
    n_blk = (V + C_BLK - 1) // C_BLK
    t01 = pl.pallas_call(
        _proj_body,
        grid=(n_blk,),
        in_specs=[
            pl.BlockSpec((D, C_BLK), lambda i: (0, i)),
            pl.BlockSpec((O, D), lambda i: (0, 0)),
        ],
        out_specs=pl.BlockSpec((C_BLK,), lambda i: (i,)),
        out_shape=jax.ShapeDtypeStruct((V,), jnp.int32),
    )(tableT, w_scaled)

    mesh = plsc.VectorSubcoreMesh(core_axis_name="c", subcore_axis_name="s")
    out = functools.partial(
        pl.kernel,
        out_type=jax.ShapeDtypeStruct((O, B), jnp.float32),
        mesh=mesh,
        compiler_params=pltpu.CompilerParams(use_tc_tiling_on_sc=False),
        scratch_types=[
            pltpu.VMEM((S, B_PER_W), jnp.int32),
            pltpu.VMEM((NBUF, B_PER_W), jnp.int32),
            pltpu.VMEM((O, 16), jnp.float32),
            pltpu.VMEM((O, B_PER_W), jnp.float32),
            pltpu.VMEM_SHARED((V,), jnp.int32),
        ] + [pltpu.SemaphoreType.DMA] * NBUF,
    )(_sc_body)(x, t01, b_exp)
    return out


def kernel(x, emb_table, fc_w, fc_b):
    tableT = emb_table.T
    w_scaled = fc_w.astype(jnp.float32) / S
    b_exp = jnp.broadcast_to(fc_b.astype(jnp.float32)[:, None], (O, 16))
    out = _fast_text(x.astype(jnp.int32), tableT, w_scaled, b_exp)
    return out.T

# --- scband reference (transcript-rebuilt; emitter-appended) ---
"""Pipeline reference for scband-fast-text-29583734735525 (READ-ONLY COPY).

The authoritative reference and input builder live on the scoring server;
editing this copy changes nothing except your own understanding.
"""

import jax, jax.numpy as jnp
import numpy as np


def setup_inputs(seed: int = 0) -> dict:
    key = jax.random.key(seed)
    k1, k2, k3, k4 = jax.random.split(key, 4)
    x = jax.random.randint(k1, (200, 4096), 0, 1000000, dtype=jnp.int64) if jax.config.jax_enable_x64 else jax.random.randint(k1, (200, 4096), 0, 1000000, dtype=jnp.int32)
    emb_table = jax.random.normal(k2, (1000000, 64), dtype=jnp.float32)
    fc_w = jax.random.normal(k3, (2, 64), dtype=jnp.float32)
    fc_b = jax.random.normal(k4, (2,), dtype=jnp.float32)
    return {"x": x, "emb_table": emb_table, "fc_w": fc_w, "fc_b": fc_b}


def reference(x, emb_table, fc_w, fc_b):
    # embedding lookup: x is [S, B] -> embedded [S, B, D]
    embedded = jnp.take(emb_table, x, axis=0)
    # permute(1, 0, 2) -> [B, S, D]
    embedded = jnp.transpose(embedded, (1, 0, 2))
    # F.avg_pool2d(embedded, (S, 1)).squeeze(1) == mean over seq dim -> [B, D]
    pooled = jnp.mean(embedded, axis=1)
    # fc: pooled @ W^T + b -> [B, output_dim]
    return pooled @ fc_w.T + fc_b

if __name__ == "__main__":
    import jax
    _d = setup_inputs()
    print(jax.jit(kernel)(*tuple(_d.values())))

</pallas_src>

<mosaic_0001>
#map = affine_map<(d0, d1) -> (0, 0)>
#map1 = affine_map<(d0, d1) -> (0)>
module attributes {stable_mosaic.version = 14 : i64} {
  func.func @_sc_body(%arg0: i32, %arg1: i32, %arg2: memref<200x4096xi32, #tpu.memory_space<hbm>>, %arg3: memref<1000000xi32, #tpu.memory_space<hbm>>, %arg4: memref<2x16xf32, #tpu.memory_space<hbm>>, %arg5: memref<2x4096xf32, #tpu.memory_space<hbm>>, %arg6: memref<200x128xi32, #tpu.memory_space<vmem>>, %arg7: memref<20x128xi32, #tpu.memory_space<vmem>>, %arg8: memref<2x16xf32, #tpu.memory_space<vmem>>, %arg9: memref<2x128xf32, #tpu.memory_space<vmem>>, %arg10: memref<1000000xi32, #tpu.memory_space<vmem_shared>>, %arg11: memref<!tpu.dma_semaphore, #tpu.memory_space<semaphore_mem>>, %arg12: memref<!tpu.dma_semaphore, #tpu.memory_space<semaphore_mem>>, %arg13: memref<!tpu.dma_semaphore, #tpu.memory_space<semaphore_mem>>, %arg14: memref<!tpu.dma_semaphore, #tpu.memory_space<semaphore_mem>>, %arg15: memref<!tpu.dma_semaphore, #tpu.memory_space<semaphore_mem>>, %arg16: memref<!tpu.dma_semaphore, #tpu.memory_space<semaphore_mem>>, %arg17: memref<!tpu.dma_semaphore, #tpu.memory_space<semaphore_mem>>, %arg18: memref<!tpu.dma_semaphore, #tpu.memory_space<semaphore_mem>>, %arg19: memref<!tpu.dma_semaphore, #tpu.memory_space<semaphore_mem>>, %arg20: memref<!tpu.dma_semaphore, #tpu.memory_space<semaphore_mem>>, %arg21: memref<!tpu.dma_semaphore, #tpu.memory_space<semaphore_mem>>, %arg22: memref<!tpu.dma_semaphore, #tpu.memory_space<semaphore_mem>>, %arg23: memref<!tpu.dma_semaphore, #tpu.memory_space<semaphore_mem>>, %arg24: memref<!tpu.dma_semaphore, #tpu.memory_space<semaphore_mem>>, %arg25: memref<!tpu.dma_semaphore, #tpu.memory_space<semaphore_mem>>, %arg26: memref<!tpu.dma_semaphore, #tpu.memory_space<semaphore_mem>>, %arg27: memref<!tpu.dma_semaphore, #tpu.memory_space<semaphore_mem>>, %arg28: memref<!tpu.dma_semaphore, #tpu.memory_space<semaphore_mem>>, %arg29: memref<!tpu.dma_semaphore, #tpu.memory_space<semaphore_mem>>, %arg30: memref<!tpu.dma_semaphore, #tpu.memory_space<semaphore_mem>>) attributes {dimension_semantics = [#tpu.dimension_semantics<core_parallel>, #tpu.dimension_semantics<subcore_parallel>], iteration_bounds = array<i64: 2, 16>, scalar_prefetch = 0 : i64, scratch_operands = 25 : i64, tpu.core_type = #tpu.core_type<sc_vector_subcore>, window_params = [{transform_indices = #map}, {transform_indices = #map1}, {transform_indices = #map}, {transform_indices = #map}]} {
    %mul3A = arith.constant 2 : i32
    %mul3A_0 = arith.muli %arg1, %mul3A : i32
    %add3A = arith.addi %mul3A_0, %arg0 : i32
    %mul3A_1 = arith.constant 128 : i32
    %mul3A_2 = arith.muli %add3A, %mul3A_1 : i32
    %mul3A_3 = arith.constant 62496 : i32
    %mul3A_4 = arith.muli %arg1, %mul3A_3 : i32
    %lt3A = arith.constant 15 : i32
    %lt3A_5 = arith.cmpi slt, %arg1, %lt3A : i32
    %convert_element_type3A = arith.extui %lt3A_5 : i1 to i32
    %cond3A = arith.constant 0 : i32
    %cond3A_6 = arith.cmpi ne, %convert_element_type3A, %cond3A : i32
    scf.if %cond3A_6 {
      "tpu.region"() ({
        %run_scoped3A = tpu.sem_alloc : memref<!tpu.dma_semaphore, #tpu.memory_space<semaphore_mem>>
        %dma_start3A_408 = tpu.memref_slice %arg10[%mul3A_4] : memref<1000000xi32, #tpu.memory_space<vmem_shared>> -> memref<62496xi32, #tpu.memory_space<vmem_shared>>
        %dma_start3A_409 = tpu.memref_slice %arg3[%mul3A_4] : memref<1000000xi32, #tpu.memory_space<hbm>> -> memref<62496xi32, #tpu.memory_space<hbm>>
        tpu.enqueue_dma source(%dma_start3A_409 : memref<62496xi32, #tpu.memory_space<hbm>>) target(%dma_start3A_408 : memref<62496xi32, #tpu.memory_space<vmem_shared>>) target_semaphore(%run_scoped3A : memref<!tpu.dma_semaphore, #tpu.memory_space<semaphore_mem>>)
        %dma_wait3A = tpu.memref_slice %arg10[%mul3A_4] : memref<1000000xi32, #tpu.memory_space<vmem_shared>> -> memref<62496xi32, #tpu.memory_space<vmem_shared>>
        %dma_wait3A_410 = tpu.memref_slice %arg3[%mul3A_4] : memref<1000000xi32, #tpu.memory_space<hbm>> -> memref<62496xi32, #tpu.memory_space<hbm>>
        tpu.wait_dma2 semaphore(%run_scoped3A : memref<!tpu.dma_semaphore, #tpu.memory_space<semaphore_mem>>) src(%dma_wait3A_410 : memref<62496xi32, #tpu.memory_space<hbm>>) dst(%dma_wait3A : memref<62496xi32, #tpu.memory_space<vmem_shared>>)
        tpu.yield
      }) : () -> ()
    } else {
    }
    %eq3A = arith.constant 15 : i32
    %eq3A_7 = arith.cmpi eq, %arg1, %eq3A : i32
    %convert_element_type3A_8 = arith.extui %eq3A_7 : i1 to i32
    %cond3A_9 = arith.constant 0 : i32
    %cond3A_10 = arith.cmpi ne, %convert_element_type3A_8, %cond3A_9 : i32
    scf.if %cond3A_10 {
      "tpu.region"() ({
        %run_scoped3A = tpu.sem_alloc : memref<!tpu.dma_semaphore, #tpu.memory_space<semaphore_mem>>
        %dma_start3A_408 = arith.constant 937440 : i32
        %dma_start3A_409 = tpu.memref_slice %arg10[%dma_start3A_408] : memref<1000000xi32, #tpu.memory_space<vmem_shared>> -> memref<62560xi32, #tpu.memory_space<vmem_shared>>
        %dma_start3A_410 = arith.constant 937440 : i32
        %dma_start3A_411 = tpu.memref_slice %arg3[%dma_start3A_410] : memref<1000000xi32, #tpu.memory_space<hbm>> -> memref<62560xi32, #tpu.memory_space<hbm>>
        tpu.enqueue_dma source(%dma_start3A_411 : memref<62560xi32, #tpu.memory_space<hbm>>) target(%dma_start3A_409 : memref<62560xi32, #tpu.memory_space<vmem_shared>>) target_semaphore(%run_scoped3A : memref<!tpu.dma_semaphore, #tpu.memory_space<semaphore_mem>>)
        %dma_wait3A = arith.constant 937440 : i32
        %dma_wait3A_412 = tpu.memref_slice %arg10[%dma_wait3A] : memref<1000000xi32, #tpu.memory_space<vmem_shared>> -> memref<62560xi32, #tpu.memory_space<vmem_shared>>
        %dma_wait3A_413 = arith.constant 937440 : i32
        %dma_wait3A_414 = tpu.memref_slice %arg3[%dma_wait3A_413] : memref<1000000xi32, #tpu.memory_space<hbm>> -> memref<62560xi32, #tpu.memory_space<hbm>>
        tpu.wait_dma2 semaphore(%run_scoped3A : memref<!tpu.dma_semaphore, #tpu.memory_space<semaphore_mem>>) src(%dma_wait3A_414 : memref<62560xi32, #tpu.memory_space<hbm>>) dst(%dma_wait3A_412 : memref<62560xi32, #tpu.memory_space<vmem_shared>>)
        tpu.yield
      }) : () -> ()
    } else {
    }
    "tpu.region"() ({
      %run_scoped3A = tpu.sem_alloc : memref<!tpu.dma_semaphore, #tpu.memory_space<semaphore_mem>>
      %dma_start3A_408 = arith.constant 0 : i32
      %dma_start3A_409 = tpu.memref_slice %arg2[%dma_start3A_408, %mul3A_2] : memref<200x4096xi32, #tpu.memory_space<hbm>> -> memref<200x128xi32, #tpu.memory_space<hbm>>
      %dma_start3A_410 = arith.constant 0 : i32
      %dma_start3A_411 = tpu.memref_slice %arg2[%dma_start3A_410, %mul3A_2] : memref<200x4096xi32, #tpu.memory_space<hbm>> -> memref<200x128xi32, #tpu.memory_space<hbm>>
      tpu.enqueue_dma source(%dma_start3A_411 : memref<200x128xi32, #tpu.memory_space<hbm>>) target(%arg6 : memref<200x128xi32, #tpu.memory_space<vmem>>) target_semaphore(%run_scoped3A : memref<!tpu.dma_semaphore, #tpu.memory_space<semaphore_mem>>)
      %dma_wait3A = arith.constant 0 : i32
      %dma_wait3A_412 = tpu.memref_slice %arg2[%dma_wait3A, %mul3A_2] : memref<200x4096xi32, #tpu.memory_space<hbm>> -> memref<200x128xi32, #tpu.memory_space<hbm>>
      %dma_wait3A_413 = arith.constant 0 : i32
      %dma_wait3A_414 = tpu.memref_slice %arg2[%dma_wait3A_413, %mul3A_2] : memref<200x4096xi32, #tpu.memory_space<hbm>> -> memref<200x128xi32, #tpu.memory_space<hbm>>
      tpu.wait_dma2 semaphore(%run_scoped3A : memref<!tpu.dma_semaphore, #tpu.memory_space<semaphore_mem>>) src(%dma_wait3A_414 : memref<200x128xi32, #tpu.memory_space<hbm>>) dst(%arg6 : memref<200x128xi32, #tpu.memory_space<vmem>>)
      tpu.yield
    }) : () -> ()
    "tpu.region"() ({
      %run_scoped3A = tpu.sem_alloc : memref<!tpu.dma_semaphore, #tpu.memory_space<semaphore_mem>>
      tpu.enqueue_dma source(%arg4 : memref<2x16xf32, #tpu.memory_space<hbm>>) target(%arg8 : memref<2x16xf32, #tpu.memory_space<vmem>>) target_semaphore(%run_scoped3A : memref<!tpu.dma_semaphore, #tpu.memory_space<semaphore_mem>>)
      tpu.wait_dma2 semaphore(%run_scoped3A : memref<!tpu.dma_semaphore, #tpu.memory_space<semaphore_mem>>) src(%arg4 : memref<2x16xf32, #tpu.memory_space<hbm>>) dst(%arg8 : memref<2x16xf32, #tpu.memory_space<vmem>>)
      tpu.yield
    }) : () -> ()
    %barrier3A = arith.constant 0 : index
    tpu.barrier barrier_id(%barrier3A)
    %broadcast_in_dim3A = arith.constant -65536 : i32
    %broadcast_in_dim3A_11 = vector.broadcast %broadcast_in_dim3A : i32 to vector<16xi32>
    %dma_start3A = arith.constant 0 : i32
    %dma_start3A_12 = arith.constant 0 : i32
    %dma_start3A_13 = arith.constant 0 : i32
    %dma_start3A_14 = tpu.memref_slice %arg7[%dma_start3A_12, %dma_start3A_13] : memref<20x128xi32, #tpu.memory_space<vmem>> -> memref<1x128xi32, #tpu.memory_space<vmem>>
    %dma_start3A_15 = tpu.memref_squeeze %dma_start3A_14 : memref<1x128xi32, #tpu.memory_space<vmem>> -> memref<128xi32, #tpu.memory_space<vmem>>
    %dma_start3A_16 = arith.constant 0 : i32
    %dma_start3A_17 = tpu.memref_slice %arg6[%dma_start3A, %dma_start3A_16] : memref<200x128xi32, #tpu.memory_space<vmem>> -> memref<1x128xi32, #tpu.memory_space<vmem>>
    %dma_start3A_18 = tpu.memref_squeeze %dma_start3A_17 : memref<1x128xi32, #tpu.memory_space<vmem>> -> memref<128xi32, #tpu.memory_space<vmem>>
    %dma_start3A_19 = arith.constant 0 : i32
    %dma_start3A_20 = tpu.memref_slice %arg10[%dma_start3A_19] : memref<1000000xi32, #tpu.memory_space<vmem_shared>> -> memref<1000000xi32, #tpu.memory_space<vmem_shared>>
    tpu.enqueue_indirect_dma source(%dma_start3A_20 : memref<1000000xi32, #tpu.memory_space<vmem_shared>>) target(%dma_start3A_15 : memref<128xi32, #tpu.memory_space<vmem>>) offsets(%dma_start3A_18 : memref<128xi32, #tpu.memory_space<vmem>>) semaphore(%arg11 : memref<!tpu.dma_semaphore, #tpu.memory_space<semaphore_mem>>)
    %dma_start3A_21 = arith.constant 1 : i32
    %dma_start3A_22 = arith.constant 1 : i32
    %dma_start3A_23 = arith.constant 0 : i32
    %dma_start3A_24 = tpu.memref_slice %arg7[%dma_start3A_22, %dma_start3A_23] : memref<20x128xi32, #tpu.memory_space<vmem>> -> memref<1x128xi32, #tpu.memory_space<vmem>>
    %dma_start3A_25 = tpu.memref_squeeze %dma_start3A_24 : memref<1x128xi32, #tpu.memory_space<vmem>> -> memref<128xi32, #tpu.memory_space<vmem>>
    %dma_start3A_26 = arith.constant 0 : i32
    %dma_start3A_27 = tpu.memref_slice %arg6[%dma_start3A_21, %dma_start3A_26] : memref<200x128xi32, #tpu.memory_space<vmem>> -> memref<1x128xi32, #tpu.memory_space<vmem>>
    %dma_start3A_28 = tpu.memref_squeeze %dma_start3A_27 : memref<1x128xi32, #tpu.memory_space<vmem>> -> memref<128xi32, #tpu.memory_space<vmem>>
    %dma_start3A_29 = arith.constant 0 : i32
    %dma_start3A_30 = tpu.memref_slice %arg10[%dma_start3A_29] : memref<1000000xi32, #tpu.memory_space<vmem_shared>> -> memref<1000000xi32, #tpu.memory_space<vmem_shared>>
    tpu.enqueue_indirect_dma source(%dma_start3A_30 : memref<1000000xi32, #tpu.memory_space<vmem_shared>>) target(%dma_start3A_25 : memref<128xi32, #tpu.memory_space<vmem>>) offsets(%dma_start3A_28 : memref<128xi32, #tpu.memory_space<vmem>>) semaphore(%arg12 : memref<!tpu.dma_semaphore, #tpu.memory_space<semaphore_mem>>)
    %dma_start3A_31 = arith.constant 2 : i32
    %dma_start3A_32 = arith.constant 2 : i32
    %dma_start3A_33 = arith.constant 0 : i32
    %dma_start3A_34 = tpu.memref_slice %arg7[%dma_start3A_32, %dma_start3A_33] : memref<20x128xi32, #tpu.memory_space<vmem>> -> memref<1x128xi32, #tpu.memory_space<vmem>>
    %dma_start3A_35 = tpu.memref_squeeze %dma_start3A_34 : memref<1x128xi32, #tpu.memory_space<vmem>> -> memref<128xi32, #tpu.memory_space<vmem>>
    %dma_start3A_36 = arith.constant 0 : i32
    %dma_start3A_37 = tpu.memref_slice %arg6[%dma_start3A_31, %dma_start3A_36] : memref<200x128xi32, #tpu.memory_space<vmem>> -> memref<1x128xi32, #tpu.memory_space<vmem>>
    %dma_start3A_38 = tpu.memref_squeeze %dma_start3A_37 : memref<1x128xi32, #tpu.memory_space<vmem>> -> memref<128xi32, #tpu.memory_space<vmem>>
    %dma_start3A_39 = arith.constant 0 : i32
    %dma_start3A_40 = tpu.memref_slice %arg10[%dma_start3A_39] : memref<1000000xi32, #tpu.memory_space<vmem_shared>> -> memref<1000000xi32, #tpu.memory_space<vmem_shared>>
    tpu.enqueue_indirect_dma source(%dma_start3A_40 : memref<1000000xi32, #tpu.memory_space<vmem_shared>>) target(%dma_start3A_35 : memref<128xi32, #tpu.memory_space<vmem>>) offsets(%dma_start3A_38 : memref<128xi32, #tpu.memory_space<vmem>>) semaphore(%arg13 : memref<!tpu.dma_semaphore, #tpu.memory_space<semaphore_mem>>)
    %dma_start3A_41 = arith.constant 3 : i32
    %dma_start3A_42 = arith.constant 3 : i32
    %dma_start3A_43 = arith.constant 0 : i32
    %dma_start3A_44 = tpu.memref_slice %arg7[%dma_start3A_42, %dma_start3A_43] : memref<20x128xi32, #tpu.memory_space<vmem>> -> memref<1x128xi32, #tpu.memory_space<vmem>>
    %dma_start3A_45 = tpu.memref_squeeze %dma_start3A_44 : memref<1x128xi32, #tpu.memory_space<vmem>> -> memref<128xi32, #tpu.memory_space<vmem>>
    %dma_start3A_46 = arith.constant 0 : i32
    %dma_start3A_47 = tpu.memref_slice %arg6[%dma_start3A_41, %dma_start3A_46] : memref<200x128xi32, #tpu.memory_space<vmem>> -> memref<1x128xi32, #tpu.memory_space<vmem>>
    %dma_start3A_48 = tpu.memref_squeeze %dma_start3A_47 : memref<1x128xi32, #tpu.memory_space<vmem>> -> memref<128xi32, #tpu.memory_space<vmem>>
    %dma_start3A_49 = arith.constant 0 : i32
    %dma_start3A_50 = tpu.memref_slice %arg10[%dma_start3A_49] : memref<1000000xi32, #tpu.memory_space<vmem_shared>> -> memref<1000000xi32, #tpu.memory_space<vmem_shared>>
    tpu.enqueue_indirect_dma source(%dma_start3A_50 : memref<1000000xi32, #tpu.memory_space<vmem_shared>>) target(%dma_start3A_45 : memref<128xi32, #tpu.memory_space<vmem>>) offsets(%dma_start3A_48 : memref<128xi32, #tpu.memory_space<vmem>>) semaphore(%arg14 : memref<!tpu.dma_semaphore, #tpu.memory_space<semaphore_mem>>)
    %dma_start3A_51 = arith.constant 4 : i32
    %dma_start3A_52 = arith.constant 4 : i32
    %dma_start3A_53 = arith.constant 0 : i32
    %dma_start3A_54 = tpu.memref_slice %arg7[%dma_start3A_52, %dma_start3A_53] : memref<20x128xi32, #tpu.memory_space<vmem>> -> memref<1x128xi32, #tpu.memory_space<vmem>>
    %dma_start3A_55 = tpu.memref_squeeze %dma_start3A_54 : memref<1x128xi32, #tpu.memory_space<vmem>> -> memref<128xi32, #tpu.memory_space<vmem>>
    %dma_start3A_56 = arith.constant 0 : i32
    %dma_start3A_57 = tpu.memref_slice %arg6[%dma_start3A_51, %dma_start3A_56] : memref<200x128xi32, #tpu.memory_space<vmem>> -> memref<1x128xi32, #tpu.memory_space<vmem>>
    %dma_start3A_58 = tpu.memref_squeeze %dma_start3A_57 : memref<1x128xi32, #tpu.memory_space<vmem>> -> memref<128xi32, #tpu.memory_space<vmem>>
    %dma_start3A_59 = arith.constant 0 : i32
    %dma_start3A_60 = tpu.memref_slice %arg10[%dma_start3A_59] : memref<1000000xi32, #tpu.memory_space<vmem_shared>> -> memref<1000000xi32, #tpu.memory_space<vmem_shared>>
    tpu.enqueue_indirect_dma source(%dma_start3A_60 : memref<1000000xi32, #tpu.memory_space<vmem_shared>>) target(%dma_start3A_55 : memref<128xi32, #tpu.memory_space<vmem>>) offsets(%dma_start3A_58 : memref<128xi32, #tpu.memory_space<vmem>>) semaphore(%arg15 : memref<!tpu.dma_semaphore, #tpu.memory_space<semaphore_mem>>)
    %dma_start3A_61 = arith.constant 5 : i32
    %dma_start3A_62 = arith.constant 5 : i32
    %dma_start3A_63 = arith.constant 0 : i32
    %dma_start3A_64 = tpu.memref_slice %arg7[%dma_start3A_62, %dma_start3A_63] : memref<20x128xi32, #tpu.memory_space<vmem>> -> memref<1x128xi32, #tpu.memory_space<vmem>>
    %dma_start3A_65 = tpu.memref_squeeze %dma_start3A_64 : memref<1x128xi32, #tpu.memory_space<vmem>> -> memref<128xi32, #tpu.memory_space<vmem>>
    %dma_start3A_66 = arith.constant 0 : i32
    %dma_start3A_67 = tpu.memref_slice %arg6[%dma_start3A_61, %dma_start3A_66] : memref<200x128xi32, #tpu.memory_space<vmem>> -> memref<1x128xi32, #tpu.memory_space<vmem>>
    %dma_start3A_68 = tpu.memref_squeeze %dma_start3A_67 : memref<1x128xi32, #tpu.memory_space<vmem>> -> memref<128xi32, #tpu.memory_space<vmem>>
    %dma_start3A_69 = arith.constant 0 : i32
    %dma_start3A_70 = tpu.memref_slice %arg10[%dma_start3A_69] : memref<1000000xi32, #tpu.memory_space<vmem_shared>> -> memref<1000000xi32, #tpu.memory_space<vmem_shared>>
    tpu.enqueue_indirect_dma source(%dma_start3A_70 : memref<1000000xi32, #tpu.memory_space<vmem_shared>>) target(%dma_start3A_65 : memref<128xi32, #tpu.memory_space<vmem>>) offsets(%dma_start3A_68 : memref<128xi32, #tpu.memory_space<vmem>>) semaphore(%arg16 : memref<!tpu.dma_semaphore, #tpu.memory_space<semaphore_mem>>)
    %dma_start3A_71 = arith.constant 6 : i32
    %dma_start3A_72 = arith.constant 6 : i32
    %dma_start3A_73 = arith.constant 0 : i32
    %dma_start3A_74 = tpu.memref_slice %arg7[%dma_start3A_72, %dma_start3A_73] : memref<20x128xi32, #tpu.memory_space<vmem>> -> memref<1x128xi32, #tpu.memory_space<vmem>>
    %dma_start3A_75 = tpu.memref_squeeze %dma_start3A_74 : memref<1x128xi32, #tpu.memory_space<vmem>> -> memref<128xi32, #tpu.memory_space<vmem>>
    %dma_start3A_76 = arith.constant 0 : i32
    %dma_start3A_77 = tpu.memref_slice %arg6[%dma_start3A_71, %dma_start3A_76] : memref<200x128xi32, #tpu.memory_space<vmem>> -> memref<1x128xi32, #tpu.memory_space<vmem>>
    %dma_start3A_78 = tpu.memref_squeeze %dma_start3A_77 : memref<1x128xi32, #tpu.memory_space<vmem>> -> memref<128xi32, #tpu.memory_space<vmem>>
    %dma_start3A_79 = arith.constant 0 : i32
    %dma_start3A_80 = tpu.memref_slice %arg10[%dma_start3A_79] : memref<1000000xi32, #tpu.memory_space<vmem_shared>> -> memref<1000000xi32, #tpu.memory_space<vmem_shared>>
    tpu.enqueue_indirect_dma source(%dma_start3A_80 : memref<1000000xi32, #tpu.memory_space<vmem_shared>>) target(%dma_start3A_75 : memref<128xi32, #tpu.memory_space<vmem>>) offsets(%dma_start3A_78 : memref<128xi32, #tpu.memory_space<vmem>>) semaphore(%arg17 : memref<!tpu.dma_semaphore, #tpu.memory_space<semaphore_mem>>)
    %dma_start3A_81 = arith.constant 7 : i32
    %dma_start3A_82 = arith.constant 7 : i32
    %dma_start3A_83 = arith.constant 0 : i32
    %dma_start3A_84 = tpu.memref_slice %arg7[%dma_start3A_82, %dma_start3A_83] : memref<20x128xi32, #tpu.memory_space<vmem>> -> memref<1x128xi32, #tpu.memory_space<vmem>>
    %dma_start3A_85 = tpu.memref_squeeze %dma_start3A_84 : memref<1x128xi32, #tpu.memory_space<vmem>> -> memref<128xi32, #tpu.memory_space<vmem>>
    %dma_start3A_86 = arith.constant 0 : i32
    %dma_start3A_87 = tpu.memref_slice %arg6[%dma_start3A_81, %dma_start3A_86] : memref<200x128xi32, #tpu.memory_space<vmem>> -> memref<1x128xi32, #tpu.memory_space<vmem>>
    %dma_start3A_88 = tpu.memref_squeeze %dma_start3A_87 : memref<1x128xi32, #tpu.memory_space<vmem>> -> memref<128xi32, #tpu.memory_space<vmem>>
    %dma_start3A_89 = arith.constant 0 : i32
    %dma_start3A_90 = tpu.memref_slice %arg10[%dma_start3A_89] : memref<1000000xi32, #tpu.memory_space<vmem_shared>> -> memref<1000000xi32, #tpu.memory_space<vmem_shared>>
    tpu.enqueue_indirect_dma source(%dma_start3A_90 : memref<1000000xi32, #tpu.memory_space<vmem_shared>>) target(%dma_start3A_85 : memref<128xi32, #tpu.memory_space<vmem>>) offsets(%dma_start3A_88 : memref<128xi32, #tpu.memory_space<vmem>>) semaphore(%arg18 : memref<!tpu.dma_semaphore, #tpu.memory_space<semaphore_mem>>)
    %dma_start3A_91 = arith.constant 8 : i32
    %dma_start3A_92 = arith.constant 8 : i32
    %dma_start3A_93 = arith.constant 0 : i32
    %dma_start3A_94 = tpu.memref_slice %arg7[%dma_start3A_92, %dma_start3A_93] : memref<20x128xi32, #tpu.memory_space<vmem>> -> memref<1x128xi32, #tpu.memory_space<vmem>>
    %dma_start3A_95 = tpu.memref_squeeze %dma_start3A_94 : memref<1x128xi32, #tpu.memory_space<vmem>> -> memref<128xi32, #tpu.memory_space<vmem>>
    %dma_start3A_96 = arith.constant 0 : i32
    %dma_start3A_97 = tpu.memref_slice %arg6[%dma_start3A_91, %dma_start3A_96] : memref<200x128xi32, #tpu.memory_space<vmem>> -> memref<1x128xi32, #tpu.memory_space<vmem>>
    %dma_start3A_98 = tpu.memref_squeeze %dma_start3A_97 : memref<1x128xi32, #tpu.memory_space<vmem>> -> memref<128xi32, #tpu.memory_space<vmem>>
    %dma_start3A_99 = arith.constant 0 : i32
    %dma_start3A_100 = tpu.memref_slice %arg10[%dma_start3A_99] : memref<1000000xi32, #tpu.memory_space<vmem_shared>> -> memref<1000000xi32, #tpu.memory_space<vmem_shared>>
    tpu.enqueue_indirect_dma source(%dma_start3A_100 : memref<1000000xi32, #tpu.memory_space<vmem_shared>>) target(%dma_start3A_95 : memref<128xi32, #tpu.memory_space<vmem>>) offsets(%dma_start3A_98 : memref<128xi32, #tpu.memory_space<vmem>>) semaphore(%arg19 : memref<!tpu.dma_semaphore, #tpu.memory_space<semaphore_mem>>)
    %dma_start3A_101 = arith.constant 9 : i32
    %dma_start3A_102 = arith.constant 9 : i32
    %dma_start3A_103 = arith.constant 0 : i32
    %dma_start3A_104 = tpu.memref_slice %arg7[%dma_start3A_102, %dma_start3A_103] : memref<20x128xi32, #tpu.memory_space<vmem>> -> memref<1x128xi32, #tpu.memory_space<vmem>>
    %dma_start3A_105 = tpu.memref_squeeze %dma_start3A_104 : memref<1x128xi32, #tpu.memory_space<vmem>> -> memref<128xi32, #tpu.memory_space<vmem>>
    %dma_start3A_106 = arith.constant 0 : i32
    %dma_start3A_107 = tpu.memref_slice %arg6[%dma_start3A_101, %dma_start3A_106] : memref<200x128xi32, #tpu.memory_space<vmem>> -> memref<1x128xi32, #tpu.memory_space<vmem>>
    %dma_start3A_108 = tpu.memref_squeeze %dma_start3A_107 : memref<1x128xi32, #tpu.memory_space<vmem>> -> memref<128xi32, #tpu.memory_space<vmem>>
    %dma_start3A_109 = arith.constant 0 : i32
    %dma_start3A_110 = tpu.memref_slice %arg10[%dma_start3A_109] : memref<1000000xi32, #tpu.memory_space<vmem_shared>> -> memref<1000000xi32, #tpu.memory_space<vmem_shared>>
    tpu.enqueue_indirect_dma source(%dma_start3A_110 : memref<1000000xi32, #tpu.memory_space<vmem_shared>>) target(%dma_start3A_105 : memref<128xi32, #tpu.memory_space<vmem>>) offsets(%dma_start3A_108 : memref<128xi32, #tpu.memory_space<vmem>>) semaphore(%arg20 : memref<!tpu.dma_semaphore, #tpu.memory_space<semaphore_mem>>)
    %dma_start3A_111 = arith.constant 10 : i32
    %dma_start3A_112 = arith.constant 10 : i32
    %dma_start3A_113 = arith.constant 0 : i32
    %dma_start3A_114 = tpu.memref_slice %arg7[%dma_start3A_112, %dma_start3A_113] : memref<20x128xi32, #tpu.memory_space<vmem>> -> memref<1x128xi32, #tpu.memory_space<vmem>>
    %dma_start3A_115 = tpu.memref_squeeze %dma_start3A_114 : memref<1x128xi32, #tpu.memory_space<vmem>> -> memref<128xi32, #tpu.memory_space<vmem>>
    %dma_start3A_116 = arith.constant 0 : i32
    %dma_start3A_117 = tpu.memref_slice %arg6[%dma_start3A_111, %dma_start3A_116] : memref<200x128xi32, #tpu.memory_space<vmem>> -> memref<1x128xi32, #tpu.memory_space<vmem>>
    %dma_start3A_118 = tpu.memref_squeeze %dma_start3A_117 : memref<1x128xi32, #tpu.memory_space<vmem>> -> memref<128xi32, #tpu.memory_space<vmem>>
    %dma_start3A_119 = arith.constant 0 : i32
    %dma_start3A_120 = tpu.memref_slice %arg10[%dma_start3A_119] : memref<1000000xi32, #tpu.memory_space<vmem_shared>> -> memref<1000000xi32, #tpu.memory_space<vmem_shared>>
    tpu.enqueue_indirect_dma source(%dma_start3A_120 : memref<1000000xi32, #tpu.memory_space<vmem_shared>>) target(%dma_start3A_115 : memref<128xi32, #tpu.memory_space<vmem>>) offsets(%dma_start3A_118 : memref<128xi32, #tpu.memory_space<vmem>>) semaphore(%arg21 : memref<!tpu.dma_semaphore, #tpu.memory_space<semaphore_mem>>)
    %dma_start3A_121 = arith.constant 11 : i32
    %dma_start3A_122 = arith.constant 11 : i32
    %dma_start3A_123 = arith.constant 0 : i32
    %dma_start3A_124 = tpu.memref_slice %arg7[%dma_start3A_122, %dma_start3A_123] : memref<20x128xi32, #tpu.memory_space<vmem>> -> memref<1x128xi32, #tpu.memory_space<vmem>>
    %dma_start3A_125 = tpu.memref_squeeze %dma_start3A_124 : memref<1x128xi32, #tpu.memory_space<vmem>> -> memref<128xi32, #tpu.memory_space<vmem>>
    %dma_start3A_126 = arith.constant 0 : i32
    %dma_start3A_127 = tpu.memref_slice %arg6[%dma_start3A_121, %dma_start3A_126] : memref<200x128xi32, #tpu.memory_space<vmem>> -> memref<1x128xi32, #tpu.memory_space<vmem>>
    %dma_start3A_128 = tpu.memref_squeeze %dma_start3A_127 : memref<1x128xi32, #tpu.memory_space<vmem>> -> memref<128xi32, #tpu.memory_space<vmem>>
    %dma_start3A_129 = arith.constant 0 : i32
    %dma_start3A_130 = tpu.memref_slice %arg10[%dma_start3A_129] : memref<1000000xi32, #tpu.memory_space<vmem_shared>> -> memref<1000000xi32, #tpu.memory_space<vmem_shared>>
    tpu.enqueue_indirect_dma source(%dma_start3A_130 : memref<1000000xi32, #tpu.memory_space<vmem_shared>>) target(%dma_start3A_125 : memref<128xi32, #tpu.memory_space<vmem>>) offsets(%dma_start3A_128 : memref<128xi32, #tpu.memory_space<vmem>>) semaphore(%arg22 : memref<!tpu.dma_semaphore, #tpu.memory_space<semaphore_mem>>)
    %dma_start3A_131 = arith.constant 12 : i32
    %dma_start3A_132 = arith.constant 12 : i32
    %dma_start3A_133 = arith.constant 0 : i32
    %dma_start3A_134 = tpu.memref_slice %arg7[%dma_start3A_132, %dma_start3A_133] : memref<20x128xi32, #tpu.memory_space<vmem>> -> memref<1x128xi32, #tpu.memory_space<vmem>>
    %dma_start3A_135 = tpu.memref_squeeze %dma_start3A_134 : memref<1x128xi32, #tpu.memory_space<vmem>> -> memref<128xi32, #tpu.memory_space<vmem>>
    %dma_start3A_136 = arith.constant 0 : i32
    %dma_start3A_137 = tpu.memref_slice %arg6[%dma_start3A_131, %dma_start3A_136] : memref<200x128xi32, #tpu.memory_space<vmem>> -> memref<1x128xi32, #tpu.memory_space<vmem>>
    %dma_start3A_138 = tpu.memref_squeeze %dma_start3A_137 : memref<1x128xi32, #tpu.memory_space<vmem>> -> memref<128xi32, #tpu.memory_space<vmem>>
    %dma_start3A_139 = arith.constant 0 : i32
    %dma_start3A_140 = tpu.memref_slice %arg10[%dma_start3A_139] : memref<1000000xi32, #tpu.memory_space<vmem_shared>> -> memref<1000000xi32, #tpu.memory_space<vmem_shared>>
    tpu.enqueue_indirect_dma source(%dma_start3A_140 : memref<1000000xi32, #tpu.memory_space<vmem_shared>>) target(%dma_start3A_135 : memref<128xi32, #tpu.memory_space<vmem>>) offsets(%dma_start3A_138 : memref<128xi32, #tpu.memory_space<vmem>>) semaphore(%arg23 : memref<!tpu.dma_semaphore, #tpu.memory_space<semaphore_mem>>)
    %dma_start3A_141 = arith.constant 13 : i32
    %dma_start3A_142 = arith.constant 13 : i32
    %dma_start3A_143 = arith.constant 0 : i32
    %dma_start3A_144 = tpu.memref_slice %arg7[%dma_start3A_142, %dma_start3A_143] : memref<20x128xi32, #tpu.memory_space<vmem>> -> memref<1x128xi32, #tpu.memory_space<vmem>>
    %dma_start3A_145 = tpu.memref_squeeze %dma_start3A_144 : memref<1x128xi32, #tpu.memory_space<vmem>> -> memref<128xi32, #tpu.memory_space<vmem>>
    %dma_start3A_146 = arith.constant 0 : i32
    %dma_start3A_147 = tpu.memref_slice %arg6[%dma_start3A_141, %dma_start3A_146] : memref<200x128xi32, #tpu.memory_space<vmem>> -> memref<1x128xi32, #tpu.memory_space<vmem>>
    %dma_start3A_148 = tpu.memref_squeeze %dma_start3A_147 : memref<1x128xi32, #tpu.memory_space<vmem>> -> memref<128xi32, #tpu.memory_space<vmem>>
    %dma_start3A_149 = arith.constant 0 : i32
    %dma_start3A_150 = tpu.memref_slice %arg10[%dma_start3A_149] : memref<1000000xi32, #tpu.memory_space<vmem_shared>> -> memref<1000000xi32, #tpu.memory_space<vmem_shared>>
    tpu.enqueue_indirect_dma source(%dma_start3A_150 : memref<1000000xi32, #tpu.memory_space<vmem_shared>>) target(%dma_start3A_145 : memref<128xi32, #tpu.memory_space<vmem>>) offsets(%dma_start3A_148 : memref<128xi32, #tpu.memory_space<vmem>>) semaphore(%arg24 : memref<!tpu.dma_semaphore, #tpu.memory_space<semaphore_mem>>)
    %dma_start3A_151 = arith.constant 14 : i32
    %dma_start3A_152 = arith.constant 14 : i32
    %dma_start3A_153 = arith.constant 0 : i32
    %dma_start3A_154 = tpu.memref_slice %arg7[%dma_start3A_152, %dma_start3A_153] : memref<20x128xi32, #tpu.memory_space<vmem>> -> memref<1x128xi32, #tpu.memory_space<vmem>>
    %dma_start3A_155 = tpu.memref_squeeze %dma_start3A_154 : memref<1x128xi32, #tpu.memory_space<vmem>> -> memref<128xi32, #tpu.memory_space<vmem>>
    %dma_start3A_156 = arith.constant 0 : i32
    %dma_start3A_157 = tpu.memref_slice %arg6[%dma_start3A_151, %dma_start3A_156] : memref<200x128xi32, #tpu.memory_space<vmem>> -> memref<1x128xi32, #tpu.memory_space<vmem>>
    %dma_start3A_158 = tpu.memref_squeeze %dma_start3A_157 : memref<1x128xi32, #tpu.memory_space<vmem>> -> memref<128xi32, #tpu.memory_space<vmem>>
    %dma_start3A_159 = arith.constant 0 : i32
    %dma_start3A_160 = tpu.memref_slice %arg10[%dma_start3A_159] : memref<1000000xi32, #tpu.memory_space<vmem_shared>> -> memref<1000000xi32, #tpu.memory_space<vmem_shared>>
    tpu.enqueue_indirect_dma source(%dma_start3A_160 : memref<1000000xi32, #tpu.memory_space<vmem_shared>>) target(%dma_start3A_155 : memref<128xi32, #tpu.memory_space<vmem>>) offsets(%dma_start3A_158 : memref<128xi32, #tpu.memory_space<vmem>>) semaphore(%arg25 : memref<!tpu.dma_semaphore, #tpu.memory_space<semaphore_mem>>)
    %dma_start3A_161 = arith.constant 15 : i32
    %dma_start3A_162 = arith.constant 15 : i32
    %dma_start3A_163 = arith.constant 0 : i32
    %dma_start3A_164 = tpu.memref_slice %arg7[%dma_start3A_162, %dma_start3A_163] : memref<20x128xi32, #tpu.memory_space<vmem>> -> memref<1x128xi32, #tpu.memory_space<vmem>>
    %dma_start3A_165 = tpu.memref_squeeze %dma_start3A_164 : memref<1x128xi32, #tpu.memory_space<vmem>> -> memref<128xi32, #tpu.memory_space<vmem>>
    %dma_start3A_166 = arith.constant 0 : i32
    %dma_start3A_167 = tpu.memref_slice %arg6[%dma_start3A_161, %dma_start3A_166] : memref<200x128xi32, #tpu.memory_space<vmem>> -> memref<1x128xi32, #tpu.memory_space<vmem>>
    %dma_start3A_168 = tpu.memref_squeeze %dma_start3A_167 : memref<1x128xi32, #tpu.memory_space<vmem>> -> memref<128xi32, #tpu.memory_space<vmem>>
    %dma_start3A_169 = arith.constant 0 : i32
    %dma_start3A_170 = tpu.memref_slice %arg10[%dma_start3A_169] : memref<1000000xi32, #tpu.memory_space<vmem_shared>> -> memref<1000000xi32, #tpu.memory_space<vmem_shared>>
    tpu.enqueue_indirect_dma source(%dma_start3A_170 : memref<1000000xi32, #tpu.memory_space<vmem_shared>>) target(%dma_start3A_165 : memref<128xi32, #tpu.memory_space<vmem>>) offsets(%dma_start3A_168 : memref<128xi32, #tpu.memory_space<vmem>>) semaphore(%arg26 : memref<!tpu.dma_semaphore, #tpu.memory_space<semaphore_mem>>)
    %dma_start3A_171 = arith.constant 16 : i32
    %dma_start3A_172 = arith.constant 16 : i32
    %dma_start3A_173 = arith.constant 0 : i32
    %dma_start3A_174 = tpu.memref_slice %arg7[%dma_start3A_172, %dma_start3A_173] : memref<20x128xi32, #tpu.memory_space<vmem>> -> memref<1x128xi32, #tpu.memory_space<vmem>>
    %dma_start3A_175 = tpu.memref_squeeze %dma_start3A_174 : memref<1x128xi32, #tpu.memory_space<vmem>> -> memref<128xi32, #tpu.memory_space<vmem>>
    %dma_start3A_176 = arith.constant 0 : i32
    %dma_start3A_177 = tpu.memref_slice %arg6[%dma_start3A_171, %dma_start3A_176] : memref<200x128xi32, #tpu.memory_space<vmem>> -> memref<1x128xi32, #tpu.memory_space<vmem>>
    %dma_start3A_178 = tpu.memref_squeeze %dma_start3A_177 : memref<1x128xi32, #tpu.memory_space<vmem>> -> memref<128xi32, #tpu.memory_space<vmem>>
    %dma_start3A_179 = arith.constant 0 : i32
    %dma_start3A_180 = tpu.memref_slice %arg10[%dma_start3A_179] : memref<1000000xi32, #tpu.memory_space<vmem_shared>> -> memref<1000000xi32, #tpu.memory_space<vmem_shared>>
    tpu.enqueue_indirect_dma source(%dma_start3A_180 : memref<1000000xi32, #tpu.memory_space<vmem_shared>>) target(%dma_start3A_175 : memref<128xi32, #tpu.memory_space<vmem>>) offsets(%dma_start3A_178 : memref<128xi32, #tpu.memory_space<vmem>>) semaphore(%arg27 : memref<!tpu.dma_semaphore, #tpu.memory_space<semaphore_mem>>)
    %dma_start3A_181 = arith.constant 17 : i32
    %dma_start3A_182 = arith.constant 17 : i32
    %dma_start3A_183 = arith.constant 0 : i32
    %dma_start3A_184 = tpu.memref_slice %arg7[%dma_start3A_182, %dma_start3A_183] : memref<20x128xi32, #tpu.memory_space<vmem>> -> memref<1x128xi32, #tpu.memory_space<vmem>>
    %dma_start3A_185 = tpu.memref_squeeze %dma_start3A_184 : memref<1x128xi32, #tpu.memory_space<vmem>> -> memref<128xi32, #tpu.memory_space<vmem>>
    %dma_start3A_186 = arith.constant 0 : i32
    %dma_start3A_187 = tpu.memref_slice %arg6[%dma_start3A_181, %dma_start3A_186] : memref<200x128xi32, #tpu.memory_space<vmem>> -> memref<1x128xi32, #tpu.memory_space<vmem>>
    %dma_start3A_188 = tpu.memref_squeeze %dma_start3A_187 : memref<1x128xi32, #tpu.memory_space<vmem>> -> memref<128xi32, #tpu.memory_space<vmem>>
    %dma_start3A_189 = arith.constant 0 : i32
    %dma_start3A_190 = tpu.memref_slice %arg10[%dma_start3A_189] : memref<1000000xi32, #tpu.memory_space<vmem_shared>> -> memref<1000000xi32, #tpu.memory_space<vmem_shared>>
    tpu.enqueue_indirect_dma source(%dma_start3A_190 : memref<1000000xi32, #tpu.memory_space<vmem_shared>>) target(%dma_start3A_185 : memref<128xi32, #tpu.memory_space<vmem>>) offsets(%dma_start3A_188 : memref<128xi32, #tpu.memory_space<vmem>>) semaphore(%arg28 : memref<!tpu.dma_semaphore, #tpu.memory_space<semaphore_mem>>)
    %dma_start3A_191 = arith.constant 18 : i32
    %dma_start3A_192 = arith.constant 18 : i32
    %dma_start3A_193 = arith.constant 0 : i32
    %dma_start3A_194 = tpu.memref_slice %arg7[%dma_start3A_192, %dma_start3A_193] : memref<20x128xi32, #tpu.memory_space<vmem>> -> memref<1x128xi32, #tpu.memory_space<vmem>>
    %dma_start3A_195 = tpu.memref_squeeze %dma_start3A_194 : memref<1x128xi32, #tpu.memory_space<vmem>> -> memref<128xi32, #tpu.memory_space<vmem>>
    %dma_start3A_196 = arith.constant 0 : i32
    %dma_start3A_197 = tpu.memref_slice %arg6[%dma_start3A_191, %dma_start3A_196] : memref<200x128xi32, #tpu.memory_space<vmem>> -> memref<1x128xi32, #tpu.memory_space<vmem>>
    %dma_start3A_198 = tpu.memref_squeeze %dma_start3A_197 : memref<1x128xi32, #tpu.memory_space<vmem>> -> memref<128xi32, #tpu.memory_space<vmem>>
    %dma_start3A_199 = arith.constant 0 : i32
    %dma_start3A_200 = tpu.memref_slice %arg10[%dma_start3A_199] : memref<1000000xi32, #tpu.memory_space<vmem_shared>> -> memref<1000000xi32, #tpu.memory_space<vmem_shared>>
    tpu.enqueue_indirect_dma source(%dma_start3A_200 : memref<1000000xi32, #tpu.memory_space<vmem_shared>>) target(%dma_start3A_195 : memref<128xi32, #tpu.memory_space<vmem>>) offsets(%dma_start3A_198 : memref<128xi32, #tpu.memory_space<vmem>>) semaphore(%arg29 : memref<!tpu.dma_semaphore, #tpu.memory_space<semaphore_mem>>)
    %dma_start3A_201 = arith.constant 19 : i32
    %dma_start3A_202 = arith.constant 19 : i32
    %dma_start3A_203 = arith.constant 0 : i32
    %dma_start3A_204 = tpu.memref_slice %arg7[%dma_start3A_202, %dma_start3A_203] : memref<20x128xi32, #tpu.memory_space<vmem>> -> memref<1x128xi32, #tpu.memory_space<vmem>>
    %dma_start3A_205 = tpu.memref_squeeze %dma_start3A_204 : memref<1x128xi32, #tpu.memory_space<vmem>> -> memref<128xi32, #tpu.memory_space<vmem>>
    %dma_start3A_206 = arith.constant 0 : i32
    %dma_start3A_207 = tpu.memref_slice %arg6[%dma_start3A_201, %dma_start3A_206] : memref<200x128xi32, #tpu.memory_space<vmem>> -> memref<1x128xi32, #tpu.memory_space<vmem>>
    %dma_start3A_208 = tpu.memref_squeeze %dma_start3A_207 : memref<1x128xi32, #tpu.memory_space<vmem>> -> memref<128xi32, #tpu.memory_space<vmem>>
    %dma_start3A_209 = arith.constant 0 : i32
    %dma_start3A_210 = tpu.memref_slice %arg10[%dma_start3A_209] : memref<1000000xi32, #tpu.memory_space<vmem_shared>> -> memref<1000000xi32, #tpu.memory_space<vmem_shared>>
    tpu.enqueue_indirect_dma source(%dma_start3A_210 : memref<1000000xi32, #tpu.memory_space<vmem_shared>>) target(%dma_start3A_205 : memref<128xi32, #tpu.memory_space<vmem>>) offsets(%dma_start3A_208 : memref<128xi32, #tpu.memory_space<vmem>>) semaphore(%arg30 : memref<!tpu.dma_semaphore, #tpu.memory_space<semaphore_mem>>)
    %broadcast_in_dim3A_211 = arith.constant 0.000000e+00 : f32
    %broadcast_in_dim3A_212 = vector.broadcast %broadcast_in_dim3A_211 : f32 to vector<16xf32>
    %scan3A = arith.constant 0 : i32
    %scan3A_213 = arith.constant 10 : i32
    %scan3A_214 = arith.addi %scan3A, %scan3A_213 : i32
    %scan3A_215 = arith.constant 1 : i32
    %scan3A_216:16 = scf.for %scan3A_408 = %scan3A to %scan3A_214 step %scan3A_215 iter_args(%scan3A_409 = %broadcast_in_dim3A_212, %scan3A_410 = %broadcast_in_dim3A_212, %scan3A_411 = %broadcast_in_dim3A_212, %scan3A_412 = %broadcast_in_dim3A_212, %scan3A_413 = %broadcast_in_dim3A_212, %scan3A_414 = %broadcast_in_dim3A_212, %scan3A_415 = %broadcast_in_dim3A_212, %scan3A_416 = %broadcast_in_dim3A_212, %scan3A_417 = %broadcast_in_dim3A_212, %scan3A_418 = %broadcast_in_dim3A_212, %scan3A_419 = %broadcast_in_dim3A_212, %scan3A_420 = %broadcast_in_dim3A_212, %scan3A_421 = %broadcast_in_dim3A_212, %scan3A_422 = %broadcast_in_dim3A_212, %scan3A_423 = %broadcast_in_dim3A_212, %scan3A_424 = %broadcast_in_dim3A_212) -> (vector<16xf32>, vector<16xf32>, vector<16xf32>, vector<16xf32>, vector<16xf32>, vector<16xf32>, vector<16xf32>, vector<16xf32>, vector<16xf32>, vector<16xf32>, vector<16xf32>, vector<16xf32>, vector<16xf32>, vector<16xf32>, vector<16xf32>, vector<16xf32>)  : i32 {
      %mul3A_425 = arith.constant 20 : i32
      %mul3A_426 = arith.muli %scan3A_408, %mul3A_425 : i32
      %dma_wait3A = arith.constant 0 : i32
      %dma_wait3A_427 = arith.constant 0 : i32
      %dma_wait3A_428 = arith.constant 0 : i32
      %dma_wait3A_429 = tpu.memref_slice %arg7[%dma_wait3A_427, %dma_wait3A_428] : memref<20x128xi32, #tpu.memory_space<vmem>> -> memref<1x128xi32, #tpu.memory_space<vmem>>
      %dma_wait3A_430 = tpu.memref_squeeze %dma_wait3A_429 : memref<1x128xi32, #tpu.memory_space<vmem>> -> memref<128xi32, #tpu.memory_space<vmem>>
      %dma_wait3A_431 = arith.constant 0 : i32
      %dma_wait3A_432 = tpu.memref_slice %arg6[%dma_wait3A, %dma_wait3A_431] : memref<200x128xi32, #tpu.memory_space<vmem>> -> memref<1x128xi32, #tpu.memory_space<vmem>>
      %dma_wait3A_433 = tpu.memref_squeeze %dma_wait3A_432 : memref<1x128xi32, #tpu.memory_space<vmem>> -> memref<128xi32, #tpu.memory_space<vmem>>
      %dma_wait3A_434 = arith.constant 0 : i32
      %dma_wait3A_435 = tpu.memref_slice %arg10[%dma_wait3A_434] : memref<1000000xi32, #tpu.memory_space<vmem_shared>> -> memref<1000000xi32, #tpu.memory_space<vmem_shared>>
      tpu.wait_indirect_dma semaphore(%arg11 : memref<!tpu.dma_semaphore, #tpu.memory_space<semaphore_mem>>) src(%dma_wait3A_435 : memref<1000000xi32, #tpu.memory_space<vmem_shared>>) dst(%dma_wait3A_430 : memref<128xi32, #tpu.memory_space<vmem>>)
      %get3A_436 = arith.constant 0 : i32
      %get3A_437 = arith.index_cast %get3A_436 : i32 to index
      %get3A_438 = arith.constant 0 : index
      %get3A_439 = tpu.vector_load %arg7[%get3A_437, %get3A_438] {strides = array<i32>} : memref<20x128xi32, #tpu.memory_space<vmem>>, vector<1x16xi32>,
      %get3A_440 = vector.shape_cast %get3A_439 : vector<1x16xi32> to vector<16xi32>
      %and3A = arith.andi %get3A_440, %broadcast_in_dim3A_11 : vector<16xi32>
      %bitcast_convert_type3A = tpu.bitcast %and3A : vector<16xi32> -> vector<16xf32>
      %shift_left3A = arith.constant 16 : i32
      %shift_left3A_441 = vector.broadcast %shift_left3A : i32 to vector<16xi32>
      %shift_left3A_442 = arith.shli %get3A_440, %shift_left3A_441 : vector<16xi32>
      %bitcast_convert_type3A_443 = tpu.bitcast %shift_left3A_442 : vector<16xi32> -> vector<16xf32>
      %add3A_444 = arith.addf %scan3A_409, %bitcast_convert_type3A : vector<16xf32>
      %add3A_445 = arith.addf %scan3A_417, %bitcast_convert_type3A_443 : vector<16xf32>
      %get3A_446 = arith.constant 0 : i32
      %get3A_447 = arith.index_cast %get3A_446 : i32 to index
      %get3A_448 = arith.constant 16 : index
      %get3A_449 = tpu.vector_load %arg7[%get3A_447, %get3A_448] {strides = array<i32>} : memref<20x128xi32, #tpu.memory_space<vmem>>, vector<1x16xi32>,
      %get3A_450 = vector.shape_cast %get3A_449 : vector<1x16xi32> to vector<16xi32>
      %and3A_451 = arith.andi %get3A_450, %broadcast_in_dim3A_11 : vector<16xi32>
      %bitcast_convert_type3A_452 = tpu.bitcast %and3A_451 : vector<16xi32> -> vector<16xf32>
      %shift_left3A_453 = arith.constant 16 : i32
      %shift_left3A_454 = vector.broadcast %shift_left3A_453 : i32 to vector<16xi32>
      %shift_left3A_455 = arith.shli %get3A_450, %shift_left3A_454 : vector<16xi32>
      %bitcast_convert_type3A_456 = tpu.bitcast %shift_left3A_455 : vector<16xi32> -> vector<16xf32>
      %add3A_457 = arith.addf %scan3A_410, %bitcast_convert_type3A_452 : vector<16xf32>
      %add3A_458 = arith.addf %scan3A_418, %bitcast_convert_type3A_456 : vector<16xf32>
      %get3A_459 = arith.constant 0 : i32
      %get3A_460 = arith.index_cast %get3A_459 : i32 to index
      %get3A_461 = arith.constant 32 : index
      %get3A_462 = tpu.vector_load %arg7[%get3A_460, %get3A_461] {strides = array<i32>} : memref<20x128xi32, #tpu.memory_space<vmem>>, vector<1x16xi32>,
      %get3A_463 = vector.shape_cast %get3A_462 : vector<1x16xi32> to vector<16xi32>
      %and3A_464 = arith.andi %get3A_463, %broadcast_in_dim3A_11 : vector<16xi32>
      %bitcast_convert_type3A_465 = tpu.bitcast %and3A_464 : vector<16xi32> -> vector<16xf32>
      %shift_left3A_466 = arith.constant 16 : i32
      %shift_left3A_467 = vector.broadcast %shift_left3A_466 : i32 to vector<16xi32>
      %shift_left3A_468 = arith.shli %get3A_463, %shift_left3A_467 : vector<16xi32>
      %bitcast_convert_type3A_469 = tpu.bitcast %shift_left3A_468 : vector<16xi32> -> vector<16xf32>
      %add3A_470 = arith.addf %scan3A_411, %bitcast_convert_type3A_465 : vector<16xf32>
      %add3A_471 = arith.addf %scan3A_419, %bitcast_convert_type3A_469 : vector<16xf32>
      %get3A_472 = arith.constant 0 : i32
      %get3A_473 = arith.index_cast %get3A_472 : i32 to index
      %get3A_474 = arith.constant 48 : index
      %get3A_475 = tpu.vector_load %arg7[%get3A_473, %get3A_474] {strides = array<i32>} : memref<20x128xi32, #tpu.memory_space<vmem>>, vector<1x16xi32>,
      %get3A_476 = vector.shape_cast %get3A_475 : vector<1x16xi32> to vector<16xi32>
      %and3A_477 = arith.andi %get3A_476, %broadcast_in_dim3A_11 : vector<16xi32>
      %bitcast_convert_type3A_478 = tpu.bitcast %and3A_477 : vector<16xi32> -> vector<16xf32>
      %shift_left3A_479 = arith.constant 16 : i32
      %shift_left3A_480 = vector.broadcast %shift_left3A_479 : i32 to vector<16xi32>
      %shift_left3A_481 = arith.shli %get3A_476, %shift_left3A_480 : vector<16xi32>
      %bitcast_convert_type3A_482 = tpu.bitcast %shift_left3A_481 : vector<16xi32> -> vector<16xf32>
      %add3A_483 = arith.addf %scan3A_412, %bitcast_convert_type3A_478 : vector<16xf32>
      %add3A_484 = arith.addf %scan3A_420, %bitcast_convert_type3A_482 : vector<16xf32>
      %get3A_485 = arith.constant 0 : i32
      %get3A_486 = arith.index_cast %get3A_485 : i32 to index
      %get3A_487 = arith.constant 64 : index
      %get3A_488 = tpu.vector_load %arg7[%get3A_486, %get3A_487] {strides = array<i32>} : memref<20x128xi32, #tpu.memory_space<vmem>>, vector<1x16xi32>,
      %get3A_489 = vector.shape_cast %get3A_488 : vector<1x16xi32> to vector<16xi32>
      %and3A_490 = arith.andi %get3A_489, %broadcast_in_dim3A_11 : vector<16xi32>
      %bitcast_convert_type3A_491 = tpu.bitcast %and3A_490 : vector<16xi32> -> vector<16xf32>
      %shift_left3A_492 = arith.constant 16 : i32
      %shift_left3A_493 = vector.broadcast %shift_left3A_492 : i32 to vector<16xi32>
      %shift_left3A_494 = arith.shli %get3A_489, %shift_left3A_493 : vector<16xi32>
      %bitcast_convert_type3A_495 = tpu.bitcast %shift_left3A_494 : vector<16xi32> -> vector<16xf32>
      %add3A_496 = arith.addf %scan3A_413, %bitcast_convert_type3A_491 : vector<16xf32>
      %add3A_497 = arith.addf %scan3A_421, %bitcast_convert_type3A_495 : vector<16xf32>
      %get3A_498 = arith.constant 0 : i32
      %get3A_499 = arith.index_cast %get3A_498 : i32 to index
      %get3A_500 = arith.constant 80 : index
      %get3A_501 = tpu.vector_load %arg7[%get3A_499, %get3A_500] {strides = array<i32>} : memref<20x128xi32, #tpu.memory_space<vmem>>, vector<1x16xi32>,
      %get3A_502 = vector.shape_cast %get3A_501 : vector<1x16xi32> to vector<16xi32>
      %and3A_503 = arith.andi %get3A_502, %broadcast_in_dim3A_11 : vector<16xi32>
      %bitcast_convert_type3A_504 = tpu.bitcast %and3A_503 : vector<16xi32> -> vector<16xf32>
      %shift_left3A_505 = arith.constant 16 : i32
      %shift_left3A_506 = vector.broadcast %shift_left3A_505 : i32 to vector<16xi32>
      %shift_left3A_507 = arith.shli %get3A_502, %shift_left3A_506 : vector<16xi32>
      %bitcast_convert_type3A_508 = tpu.bitcast %shift_left3A_507 : vector<16xi32> -> vector<16xf32>
      %add3A_509 = arith.addf %scan3A_414, %bitcast_convert_type3A_504 : vector<16xf32>
      %add3A_510 = arith.addf %scan3A_422, %bitcast_convert_type3A_508 : vector<16xf32>
      %get3A_511 = arith.constant 0 : i32
      %get3A_512 = arith.index_cast %get3A_511 : i32 to index
      %get3A_513 = arith.constant 96 : index
      %get3A_514 = tpu.vector_load %arg7[%get3A_512, %get3A_513] {strides = array<i32>} : memref<20x128xi32, #tpu.memory_space<vmem>>, vector<1x16xi32>,
      %get3A_515 = vector.shape_cast %get3A_514 : vector<1x16xi32> to vector<16xi32>
      %and3A_516 = arith.andi %get3A_515, %broadcast_in_dim3A_11 : vector<16xi32>
      %bitcast_convert_type3A_517 = tpu.bitcast %and3A_516 : vector<16xi32> -> vector<16xf32>
      %shift_left3A_518 = arith.constant 16 : i32
      %shift_left3A_519 = vector.broadcast %shift_left3A_518 : i32 to vector<16xi32>
      %shift_left3A_520 = arith.shli %get3A_515, %shift_left3A_519 : vector<16xi32>
      %bitcast_convert_type3A_521 = tpu.bitcast %shift_left3A_520 : vector<16xi32> -> vector<16xf32>
      %add3A_522 = arith.addf %scan3A_415, %bitcast_convert_type3A_517 : vector<16xf32>
      %add3A_523 = arith.addf %scan3A_423, %bitcast_convert_type3A_521 : vector<16xf32>
      %get3A_524 = arith.constant 0 : i32
      %get3A_525 = arith.index_cast %get3A_524 : i32 to index
      %get3A_526 = arith.constant 112 : index
      %get3A_527 = tpu.vector_load %arg7[%get3A_525, %get3A_526] {strides = array<i32>} : memref<20x128xi32, #tpu.memory_space<vmem>>, vector<1x16xi32>,
      %get3A_528 = vector.shape_cast %get3A_527 : vector<1x16xi32> to vector<16xi32>
      %and3A_529 = arith.andi %get3A_528, %broadcast_in_dim3A_11 : vector<16xi32>
      %bitcast_convert_type3A_530 = tpu.bitcast %and3A_529 : vector<16xi32> -> vector<16xf32>
      %shift_left3A_531 = arith.constant 16 : i32
      %shift_left3A_532 = vector.broadcast %shift_left3A_531 : i32 to vector<16xi32>
      %shift_left3A_533 = arith.shli %get3A_528, %shift_left3A_532 : vector<16xi32>
      %bitcast_convert_type3A_534 = tpu.bitcast %shift_left3A_533 : vector<16xi32> -> vector<16xf32>
      %add3A_535 = arith.addf %scan3A_416, %bitcast_convert_type3A_530 : vector<16xf32>
      %add3A_536 = arith.addf %scan3A_424, %bitcast_convert_type3A_534 : vector<16xf32>
      %add3A_537 = arith.constant 0 : i32
      %add3A_538 = arith.addi %mul3A_426, %add3A_537 : i32
      %add3A_539 = arith.constant 20 : i32
      %add3A_540 = arith.addi %add3A_538, %add3A_539 : i32
      %lt3A_541 = arith.constant 200 : i32
      %lt3A_542 = arith.cmpi slt, %add3A_540, %lt3A_541 : i32
      %convert_element_type3A_543 = arith.extui %lt3A_542 : i1 to i32
      %cond3A_544 = arith.constant 0 : i32
      %cond3A_545 = arith.cmpi ne, %convert_element_type3A_543, %cond3A_544 : i32
      scf.if %cond3A_545 {
        %add3A_2883 = arith.constant 0 : i32
        %add3A_2884 = arith.addi %mul3A_426, %add3A_2883 : i32
        %add3A_2885 = arith.constant 20 : i32
        %add3A_2886 = arith.addi %add3A_2884, %add3A_2885 : i32
        %dma_start3A_2887 = arith.constant 0 : i32
        %dma_start3A_2888 = arith.constant 0 : i32
        %dma_start3A_2889 = tpu.memref_slice %arg7[%dma_start3A_2887, %dma_start3A_2888] : memref<20x128xi32, #tpu.memory_space<vmem>> -> memref<1x128xi32, #tpu.memory_space<vmem>>
        %dma_start3A_2890 = tpu.memref_squeeze %dma_start3A_2889 : memref<1x128xi32, #tpu.memory_space<vmem>> -> memref<128xi32, #tpu.memory_space<vmem>>
        %dma_start3A_2891 = arith.constant 0 : i32
        %dma_start3A_2892 = tpu.memref_slice %arg6[%add3A_2886, %dma_start3A_2891] : memref<200x128xi32, #tpu.memory_space<vmem>> -> memref<1x128xi32, #tpu.memory_space<vmem>>
        %dma_start3A_2893 = tpu.memref_squeeze %dma_start3A_2892 : memref<1x128xi32, #tpu.memory_space<vmem>> -> memref<128xi32, #tpu.memory_space<vmem>>
        %dma_start3A_2894 = arith.constant 0 : i32
        %dma_start3A_2895 = tpu.memref_slice %arg10[%dma_start3A_2894] : memref<1000000xi32, #tpu.memory_space<vmem_shared>> -> memref<1000000xi32, #tpu.memory_space<vmem_shared>>
        tpu.enqueue_indirect_dma source(%dma_start3A_2895 : memref<1000000xi32, #tpu.memory_space<vmem_shared>>) target(%dma_start3A_2890 : memref<128xi32, #tpu.memory_space<vmem>>) offsets(%dma_start3A_2893 : memref<128xi32, #tpu.memory_space<vmem>>) semaphore(%arg11 : memref<!tpu.dma_semaphore, #tpu.memory_space<semaphore_mem>>)
      } else {
      }
      %dma_wait3A_546 = arith.constant 0 : i32
      %dma_wait3A_547 = arith.constant 1 : i32
      %dma_wait3A_548 = arith.constant 0 : i32
      %dma_wait3A_549 = tpu.memref_slice %arg7[%dma_wait3A_547, %dma_wait3A_548] : memref<20x128xi32, #tpu.memory_space<vmem>> -> memref<1x128xi32, #tpu.memory_space<vmem>>
      %dma_wait3A_550 = tpu.memref_squeeze %dma_wait3A_549 : memref<1x128xi32, #tpu.memory_space<vmem>> -> memref<128xi32, #tpu.memory_space<vmem>>
      %dma_wait3A_551 = arith.constant 0 : i32
      %dma_wait3A_552 = tpu.memref_slice %arg6[%dma_wait3A_546, %dma_wait3A_551] : memref<200x128xi32, #tpu.memory_space<vmem>> -> memref<1x128xi32, #tpu.memory_space<vmem>>
      %dma_wait3A_553 = tpu.memref_squeeze %dma_wait3A_552 : memref<1x128xi32, #tpu.memory_space<vmem>> -> memref<128xi32, #tpu.memory_space<vmem>>
      %dma_wait3A_554 = arith.constant 0 : i32
      %dma_wait3A_555 = tpu.memref_slice %arg10[%dma_wait3A_554] : memref<1000000xi32, #tpu.memory_space<vmem_shared>> -> memref<1000000xi32, #tpu.memory_space<vmem_shared>>
      tpu.wait_indirect_dma semaphore(%arg12 : memref<!tpu.dma_semaphore, #tpu.memory_space<semaphore_mem>>) src(%dma_wait3A_555 : memref<1000000xi32, #tpu.memory_space<vmem_shared>>) dst(%dma_wait3A_550 : memref<128xi32, #tpu.memory_space<vmem>>)
      %get3A_556 = arith.constant 1 : i32
      %get3A_557 = arith.index_cast %get3A_556 : i32 to index
      %get3A_558 = arith.constant 0 : index
      %get3A_559 = tpu.vector_load %arg7[%get3A_557, %get3A_558] {strides = array<i32>} : memref<20x128xi32, #tpu.memory_space<vmem>>, vector<1x16xi32>,
      %get3A_560 = vector.shape_cast %get3A_559 : vector<1x16xi32> to vector<16xi32>
      %and3A_561 = arith.andi %get3A_560, %broadcast_in_dim3A_11 : vector<16xi32>
      %bitcast_convert_type3A_562 = tpu.bitcast %and3A_561 : vector<16xi32> -> vector<16xf32>
      %shift_left3A_563 = arith.constant 16 : i32
      %shift_left3A_564 = vector.broadcast %shift_left3A_563 : i32 to vector<16xi32>
      %shift_left3A_565 = arith.shli %get3A_560, %shift_left3A_564 : vector<16xi32>
      %bitcast_convert_type3A_566 = tpu.bitcast %shift_left3A_565 : vector<16xi32> -> vector<16xf32>
      %add3A_567 = arith.addf %add3A_444, %bitcast_convert_type3A_562 : vector<16xf32>
      %add3A_568 = arith.addf %add3A_445, %bitcast_convert_type3A_566 : vector<16xf32>
      %get3A_569 = arith.constant 1 : i32
      %get3A_570 = arith.index_cast %get3A_569 : i32 to index
      %get3A_571 = arith.constant 16 : index
      %get3A_572 = tpu.vector_load %arg7[%get3A_570, %get3A_571] {strides = array<i32>} : memref<20x128xi32, #tpu.memory_space<vmem>>, vector<1x16xi32>,
      %get3A_573 = vector.shape_cast %get3A_572 : vector<1x16xi32> to vector<16xi32>
      %and3A_574 = arith.andi %get3A_573, %broadcast_in_dim3A_11 : vector<16xi32>
      %bitcast_convert_type3A_575 = tpu.bitcast %and3A_574 : vector<16xi32> -> vector<16xf32>
      %shift_left3A_576 = arith.constant 16 : i32
      %shift_left3A_577 = vector.broadcast %shift_left3A_576 : i32 to vector<16xi32>
      %shift_left3A_578 = arith.shli %get3A_573, %shift_left3A_577 : vector<16xi32>
      %bitcast_convert_type3A_579 = tpu.bitcast %shift_left3A_578 : vector<16xi32> -> vector<16xf32>
      %add3A_580 = arith.addf %add3A_457, %bitcast_convert_type3A_575 : vector<16xf32>
      %add3A_581 = arith.addf %add3A_458, %bitcast_convert_type3A_579 : vector<16xf32>
      %get3A_582 = arith.constant 1 : i32
      %get3A_583 = arith.index_cast %get3A_582 : i32 to index
      %get3A_584 = arith.constant 32 : index
      %get3A_585 = tpu.vector_load %arg7[%get3A_583, %get3A_584] {strides = array<i32>} : memref<20x128xi32, #tpu.memory_space<vmem>>, vector<1x16xi32>,
      %get3A_586 = vector.shape_cast %get3A_585 : vector<1x16xi32> to vector<16xi32>
      %and3A_587 = arith.andi %get3A_586, %broadcast_in_dim3A_11 : vector<16xi32>
      %bitcast_convert_type3A_588 = tpu.bitcast %and3A_587 : vector<16xi32> -> vector<16xf32>
      %shift_left3A_589 = arith.constant 16 : i32
      %shift_left3A_590 = vector.broadcast %shift_left3A_589 : i32 to vector<16xi32>
      %shift_left3A_591 = arith.shli %get3A_586, %shift_left3A_590 : vector<16xi32>
      %bitcast_convert_type3A_592 = tpu.bitcast %shift_left3A_591 : vector<16xi32> -> vector<16xf32>
      %add3A_593 = arith.addf %add3A_470, %bitcast_convert_type3A_588 : vector<16xf32>
      %add3A_594 = arith.addf %add3A_471, %bitcast_convert_type3A_592 : vector<16xf32>
      %get3A_595 = arith.constant 1 : i32
      %get3A_596 = arith.index_cast %get3A_595 : i32 to index
      %get3A_597 = arith.constant 48 : index
      %get3A_598 = tpu.vector_load %arg7[%get3A_596, %get3A_597] {strides = array<i32>} : memref<20x128xi32, #tpu.memory_space<vmem>>, vector<1x16xi32>,
      %get3A_599 = vector.shape_cast %get3A_598 : vector<1x16xi32> to vector<16xi32>
      %and3A_600 = arith.andi %get3A_599, %broadcast_in_dim3A_11 : vector<16xi32>
      %bitcast_convert_type3A_601 = tpu.bitcast %and3A_600 : vector<16xi32> -> vector<16xf32>
      %shift_left3A_602 = arith.constant 16 : i32
      %shift_left3A_603 = vector.broadcast %shift_left3A_602 : i32 to vector<16xi32>
      %shift_left3A_604 = arith.shli %get3A_599, %shift_left3A_603 : vector<16xi32>
      %bitcast_convert_type3A_605 = tpu.bitcast %shift_left3A_604 : vector<16xi32> -> vector<16xf32>
      %add3A_606 = arith.addf %add3A_483, %bitcast_convert_type3A_601 : vector<16xf32>
      %add3A_607 = arith.addf %add3A_484, %bitcast_convert_type3A_605 : vector<16xf32>
      %get3A_608 = arith.constant 1 : i32
      %get3A_609 = arith.index_cast %get3A_608 : i32 to index
      %get3A_610 = arith.constant 64 : index
      %get3A_611 = tpu.vector_load %arg7[%get3A_609, %get3A_610] {strides = array<i32>} : memref<20x128xi32, #tpu.memory_space<vmem>>, vector<1x16xi32>,
      %get3A_612 = vector.shape_cast %get3A_611 : vector<1x16xi32> to vector<16xi32>
      %and3A_613 = arith.andi %get3A_612, %broadcast_in_dim3A_11 : vector<16xi32>
      %bitcast_convert_type3A_614 = tpu.bitcast %and3A_613 : vector<16xi32> -> vector<16xf32>
      %shift_left3A_615 = arith.constant 16 : i32
      %shift_left3A_616 = vector.broadcast %shift_left3A_615 : i32 to vector<16xi32>
      %shift_left3A_617 = arith.shli %get3A_612, %shift_left3A_616 : vector<16xi32>
      %bitcast_convert_type3A_618 = tpu.bitcast %shift_left3A_617 : vector<16xi32> -> vector<16xf32>
      %add3A_619 = arith.addf %add3A_496, %bitcast_convert_type3A_614 : vector<16xf32>
      %add3A_620 = arith.addf %add3A_497, %bitcast_convert_type3A_618 : vector<16xf32>
      %get3A_621 = arith.constant 1 : i32
      %get3A_622 = arith.index_cast %get3A_621 : i32 to index
      %get3A_623 = arith.constant 80 : index
      %get3A_624 = tpu.vector_load %arg7[%get3A_622, %get3A_623] {strides = array<i32>} : memref<20x128xi32, #tpu.memory_space<vmem>>, vector<1x16xi32>,
      %get3A_625 = vector.shape_cast %get3A_624 : vector<1x16xi32> to vector<16xi32>
      %and3A_626 = arith.andi %get3A_625, %broadcast_in_dim3A_11 : vector<16xi32>
      %bitcast_convert_type3A_627 = tpu.bitcast %and3A_626 : vector<16xi32> -> vector<16xf32>
      %shift_left3A_628 = arith.constant 16 : i32
      %shift_left3A_629 = vector.broadcast %shift_left3A_628 : i32 to vector<16xi32>
      %shift_left3A_630 = arith.shli %get3A_625, %shift_left3A_629 : vector<16xi32>
      %bitcast_convert_type3A_631 = tpu.bitcast %shift_left3A_630 : vector<16xi32> -> vector<16xf32>
      %add3A_632 = arith.addf %add3A_509, %bitcast_convert_type3A_627 : vector<16xf32>
      %add3A_633 = arith.addf %add3A_510, %bitcast_convert_type3A_631 : vector<16xf32>
      %get3A_634 = arith.constant 1 : i32
      %get3A_635 = arith.index_cast %get3A_634 : i32 to index
      %get3A_636 = arith.constant 96 : index
      %get3A_637 = tpu.vector_load %arg7[%get3A_635, %get3A_636] {strides = array<i32>} : memref<20x128xi32, #tpu.memory_space<vmem>>, vector<1x16xi32>,
      %get3A_638 = vector.shape_cast %get3A_637 : vector<1x16xi32> to vector<16xi32>
      %and3A_639 = arith.andi %get3A_638, %broadcast_in_dim3A_11 : vector<16xi32>
      %bitcast_convert_type3A_640 = tpu.bitcast %and3A_639 : vector<16xi32> -> vector<16xf32>
      %shift_left3A_641 = arith.constant 16 : i32
      %shift_left3A_642 = vector.broadcast %shift_left3A_641 : i32 to vector<16xi32>
      %shift_left3A_643 = arith.shli %get3A_638, %shift_left3A_642 : vector<16xi32>
      %bitcast_convert_type3A_644 = tpu.bitcast %shift_left3A_643 : vector<16xi32> -> vector<16xf32>
      %add3A_645 = arith.addf %add3A_522, %bitcast_convert_type3A_640 : vector<16xf32>
      %add3A_646 = arith.addf %add3A_523, %bitcast_convert_type3A_644 : vector<16xf32>
      %get3A_647 = arith.constant 1 : i32
      %get3A_648 = arith.index_cast %get3A_647 : i32 to index
      %get3A_649 = arith.constant 112 : index
      %get3A_650 = tpu.vector_load %arg7[%get3A_648, %get3A_649] {strides = array<i32>} : memref<20x128xi32, #tpu.memory_space<vmem>>, vector<1x16xi32>,
      %get3A_651 = vector.shape_cast %get3A_650 : vector<1x16xi32> to vector<16xi32>
      %and3A_652 = arith.andi %get3A_651, %broadcast_in_dim3A_11 : vector<16xi32>
      %bitcast_convert_type3A_653 = tpu.bitcast %and3A_652 : vector<16xi32> -> vector<16xf32>
      %shift_left3A_654 = arith.constant 16 : i32
      %shift_left3A_655 = vector.broadcast %shift_left3A_654 : i32 to vector<16xi32>
      %shift_left3A_656 = arith.shli %get3A_651, %shift_left3A_655 : vector<16xi32>
      %bitcast_convert_type3A_657 = tpu.bitcast %shift_left3A_656 : vector<16xi32> -> vector<16xf32>
      %add3A_658 = arith.addf %add3A_535, %bitcast_convert_type3A_653 : vector<16xf32>
      %add3A_659 = arith.addf %add3A_536, %bitcast_convert_type3A_657 : vector<16xf32>
      %add3A_660 = arith.constant 1 : i32
      %add3A_661 = arith.addi %mul3A_426, %add3A_660 : i32
      %add3A_662 = arith.constant 20 : i32
      %add3A_663 = arith.addi %add3A_661, %add3A_662 : i32
      %lt3A_664 = arith.constant 200 : i32
      %lt3A_665 = arith.cmpi slt, %add3A_663, %lt3A_664 : i32
      %convert_element_type3A_666 = arith.extui %lt3A_665 : i1 to i32
      %cond3A_667 = arith.constant 0 : i32
      %cond3A_668 = arith.cmpi ne, %convert_element_type3A_666, %cond3A_667 : i32
      scf.if %cond3A_668 {
        %add3A_2883 = arith.constant 1 : i32
        %add3A_2884 = arith.addi %mul3A_426, %add3A_2883 : i32
        %add3A_2885 = arith.constant 20 : i32
        %add3A_2886 = arith.addi %add3A_2884, %add3A_2885 : i32
        %dma_start3A_2887 = arith.constant 1 : i32
        %dma_start3A_2888 = arith.constant 0 : i32
        %dma_start3A_2889 = tpu.memref_slice %arg7[%dma_start3A_2887, %dma_start3A_2888] : memref<20x128xi32, #tpu.memory_space<vmem>> -> memref<1x128xi32, #tpu.memory_space<vmem>>
        %dma_start3A_2890 = tpu.memref_squeeze %dma_start3A_2889 : memref<1x128xi32, #tpu.memory_space<vmem>> -> memref<128xi32, #tpu.memory_space<vmem>>
        %dma_start3A_2891 = arith.constant 0 : i32
        %dma_start3A_2892 = tpu.memref_slice %arg6[%add3A_2886, %dma_start3A_2891] : memref<200x128xi32, #tpu.memory_space<vmem>> -> memref<1x128xi32, #tpu.memory_space<vmem>>
        %dma_start3A_2893 = tpu.memref_squeeze %dma_start3A_2892 : memref<1x128xi32, #tpu.memory_space<vmem>> -> memref<128xi32, #tpu.memory_space<vmem>>
        %dma_start3A_2894 = arith.constant 0 : i32
        %dma_start3A_2895 = tpu.memref_slice %arg10[%dma_start3A_2894] : memref<1000000xi32, #tpu.memory_space<vmem_shared>> -> memref<1000000xi32, #tpu.memory_space<vmem_shared>>
        tpu.enqueue_indirect_dma source(%dma_start3A_2895 : memref<1000000xi32, #tpu.memory_space<vmem_shared>>) target(%dma_start3A_2890 : memref<128xi32, #tpu.memory_space<vmem>>) offsets(%dma_start3A_2893 : memref<128xi32, #tpu.memory_space<vmem>>) semaphore(%arg12 : memref<!tpu.dma_semaphore, #tpu.memory_space<semaphore_mem>>)
      } else {
      }
      %dma_wait3A_669 = arith.constant 0 : i32
      %dma_wait3A_670 = arith.constant 2 : i32
      %dma_wait3A_671 = arith.constant 0 : i32
      %dma_wait3A_672 = tpu.memref_slice %arg7[%dma_wait3A_670, %dma_wait3A_671] : memref<20x128xi32, #tpu.memory_space<vmem>> -> memref<1x128xi32, #tpu.memory_space<vmem>>
      %dma_wait3A_673 = tpu.memref_squeeze %dma_wait3A_672 : memref<1x128xi32, #tpu.memory_space<vmem>> -> memref<128xi32, #tpu.memory_space<vmem>>
      %dma_wait3A_674 = arith.constant 0 : i32
      %dma_wait3A_675 = tpu.memref_slice %arg6[%dma_wait3A_669, %dma_wait3A_674] : memref<200x128xi32, #tpu.memory_space<vmem>> -> memref<1x128xi32, #tpu.memory_space<vmem>>
      %dma_wait3A_676 = tpu.memref_squeeze %dma_wait3A_675 : memref<1x128xi32, #tpu.memory_space<vmem>> -> memref<128xi32, #tpu.memory_space<vmem>>
      %dma_wait3A_677 = arith.constant 0 : i32
      %dma_wait3A_678 = tpu.memref_slice %arg10[%dma_wait3A_677] : memref<1000000xi32, #tpu.memory_space<vmem_shared>> -> memref<1000000xi32, #tpu.memory_space<vmem_shared>>
      tpu.wait_indirect_dma semaphore(%arg13 : memref<!tpu.dma_semaphore, #tpu.memory_space<semaphore_mem>>) src(%dma_wait3A_678 : memref<1000000xi32, #tpu.memory_space<vmem_shared>>) dst(%dma_wait3A_673 : memref<128xi32, #tpu.memory_space<vmem>>)
      %get3A_679 = arith.constant 2 : i32
      %get3A_680 = arith.index_cast %get3A_679 : i32 to index
      %get3A_681 = arith.constant 0 : index
      %get3A_682 = tpu.vector_load %arg7[%get3A_680, %get3A_681] {strides = array<i32>} : memref<20x128xi32, #tpu.memory_space<vmem>>, vector<1x16xi32>,
      %get3A_683 = vector.shape_cast %get3A_682 : vector<1x16xi32> to vector<16xi32>
      %and3A_684 = arith.andi %get3A_683, %broadcast_in_dim3A_11 : vector<16xi32>
      %bitcast_convert_type3A_685 = tpu.bitcast %and3A_684 : vector<16xi32> -> vector<16xf32>
      %shift_left3A_686 = arith.constant 16 : i32
      %shift_left3A_687 = vector.broadcast %shift_left3A_686 : i32 to vector<16xi32>
      %shift_left3A_688 = arith.shli %get3A_683, %shift_left3A_687 : vector<16xi32>
      %bitcast_convert_type3A_689 = tpu.bitcast %shift_left3A_688 : vector<16xi32> -> vector<16xf32>
      %add3A_690 = arith.addf %add3A_567, %bitcast_convert_type3A_685 : vector<16xf32>
      %add3A_691 = arith.addf %add3A_568, %bitcast_convert_type3A_689 : vector<16xf32>
      %get3A_692 = arith.constant 2 : i32
      %get3A_693 = arith.index_cast %get3A_692 : i32 to index
      %get3A_694 = arith.constant 16 : index
      %get3A_695 = tpu.vector_load %arg7[%get3A_693, %get3A_694] {strides = array<i32>} : memref<20x128xi32, #tpu.memory_space<vmem>>, vector<1x16xi32>,
      %get3A_696 = vector.shape_cast %get3A_695 : vector<1x16xi32> to vector<16xi32>
      %and3A_697 = arith.andi %get3A_696, %broadcast_in_dim3A_11 : vector<16xi32>
      %bitcast_convert_type3A_698 = tpu.bitcast %and3A_697 : vector<16xi32> -> vector<16xf32>
      %shift_left3A_699 = arith.constant 16 : i32
      %shift_left3A_700 = vector.broadcast %shift_left3A_699 : i32 to vector<16xi32>
      %shift_left3A_701 = arith.shli %get3A_696, %shift_left3A_700 : vector<16xi32>
      %bitcast_convert_type3A_702 = tpu.bitcast %shift_left3A_701 : vector<16xi32> -> vector<16xf32>
      %add3A_703 = arith.addf %add3A_580, %bitcast_convert_type3A_698 : vector<16xf32>
      %add3A_704 = arith.addf %add3A_581, %bitcast_convert_type3A_702 : vector<16xf32>
      %get3A_705 = arith.constant 2 : i32
      %get3A_706 = arith.index_cast %get3A_705 : i32 to index
      %get3A_707 = arith.constant 32 : index
      %get3A_708 = tpu.vector_load %arg7[%get3A_706, %get3A_707] {strides = array<i32>} : memref<20x128xi32, #tpu.memory_space<vmem>>, vector<1x16xi32>,
      %get3A_709 = vector.shape_cast %get3A_708 : vector<1x16xi32> to vector<16xi32>
      %and3A_710 = arith.andi %get3A_709, %broadcast_in_dim3A_11 : vector<16xi32>
      %bitcast_convert_type3A_711 = tpu.bitcast %and3A_710 : vector<16xi32> -> vector<16xf32>
      %shift_left3A_712 = arith.constant 16 : i32
      %shift_left3A_713 = vector.broadcast %shift_left3A_712 : i32 to vector<16xi32>
      %shift_left3A_714 = arith.shli %get3A_709, %shift_left3A_713 : vector<16xi32>
      %bitcast_convert_type3A_715 = tpu.bitcast %shift_left3A_714 : vector<16xi32> -> vector<16xf32>
      %add3A_716 = arith.addf %add3A_593, %bitcast_convert_type3A_711 : vector<16xf32>
      %add3A_717 = arith.addf %add3A_594, %bitcast_convert_type3A_715 : vector<16xf32>
      %get3A_718 = arith.constant 2 : i32
      %get3A_719 = arith.index_cast %get3A_718 : i32 to index
      %get3A_720 = arith.constant 48 : index
      %get3A_721 = tpu.vector_load %arg7[%get3A_719, %get3A_720] {strides = array<i32>} : memref<20x128xi32, #tpu.memory_space<vmem>>, vector<1x16xi32>,
      %get3A_722 = vector.shape_cast %get3A_721 : vector<1x16xi32> to vector<16xi32>
      %and3A_723 = arith.andi %get3A_722, %broadcast_in_dim3A_11 : vector<16xi32>
      %bitcast_convert_type3A_724 = tpu.bitcast %and3A_723 : vector<16xi32> -> vector<16xf32>
      %shift_left3A_725 = arith.constant 16 : i32
      %shift_left3A_726 = vector.broadcast %shift_left3A_725 : i32 to vector<16xi32>
      %shift_left3A_727 = arith.shli %get3A_722, %shift_left3A_726 : vector<16xi32>
      %bitcast_convert_type3A_728 = tpu.bitcast %shift_left3A_727 : vector<16xi32> -> vector<16xf32>
      %add3A_729 = arith.addf %add3A_606, %bitcast_convert_type3A_724 : vector<16xf32>
      %add3A_730 = arith.addf %add3A_607, %bitcast_convert_type3A_728 : vector<16xf32>
      %get3A_731 = arith.constant 2 : i32
      %get3A_732 = arith.index_cast %get3A_731 : i32 to index
      %get3A_733 = arith.constant 64 : index
      %get3A_734 = tpu.vector_load %arg7[%get3A_732, %get3A_733] {strides = array<i32>} : memref<20x128xi32, #tpu.memory_space<vmem>>, vector<1x16xi32>,
      %get3A_735 = vector.shape_cast %get3A_734 : vector<1x16xi32> to vector<16xi32>
      %and3A_736 = arith.andi %get3A_735, %broadcast_in_dim3A_11 : vector<16xi32>
      %bitcast_convert_type3A_737 = tpu.bitcast %and3A_736 : vector<16xi32> -> vector<16xf32>
      %shift_left3A_738 = arith.constant 16 : i32
      %shift_left3A_739 = vector.broadcast %shift_left3A_738 : i32 to vector<16xi32>
      %shift_left3A_740 = arith.shli %get3A_735, %shift_left3A_739 : vector<16xi32>
      %bitcast_convert_type3A_741 = tpu.bitcast %shift_left3A_740 : vector<16xi32> -> vector<16xf32>
      %add3A_742 = arith.addf %add3A_619, %bitcast_convert_type3A_737 : vector<16xf32>
      %add3A_743 = arith.addf %add3A_620, %bitcast_convert_type3A_741 : vector<16xf32>
      %get3A_744 = arith.constant 2 : i32
      %get3A_745 = arith.index_cast %get3A_744 : i32 to index
      %get3A_746 = arith.constant 80 : index
      %get3A_747 = tpu.vector_load %arg7[%get3A_745, %get3A_746] {strides = array<i32>} : memref<20x128xi32, #tpu.memory_space<vmem>>, vector<1x16xi32>,
      %get3A_748 = vector.shape_cast %get3A_747 : vector<1x16xi32> to vector<16xi32>
      %and3A_749 = arith.andi %get3A_748, %broadcast_in_dim3A_11 : vector<16xi32>
      %bitcast_convert_type3A_750 = tpu.bitcast %and3A_749 : vector<16xi32> -> vector<16xf32>
      %shift_left3A_751 = arith.constant 16 : i32
      %shift_left3A_752 = vector.broadcast %shift_left3A_751 : i32 to vector<16xi32>
      %shift_left3A_753 = arith.shli %get3A_748, %shift_left3A_752 : vector<16xi32>
      %bitcast_convert_type3A_754 = tpu.bitcast %shift_left3A_753 : vector<16xi32> -> vector<16xf32>
      %add3A_755 = arith.addf %add3A_632, %bitcast_convert_type3A_750 : vector<16xf32>
      %add3A_756 = arith.addf %add3A_633, %bitcast_convert_type3A_754 : vector<16xf32>
      %get3A_757 = arith.constant 2 : i32
      %get3A_758 = arith.index_cast %get3A_757 : i32 to index
      %get3A_759 = arith.constant 96 : index
      %get3A_760 = tpu.vector_load %arg7[%get3A_758, %get3A_759] {strides = array<i32>} : memref<20x128xi32, #tpu.memory_space<vmem>>, vector<1x16xi32>,
      %get3A_761 = vector.shape_cast %get3A_760 : vector<1x16xi32> to vector<16xi32>
      %and3A_762 = arith.andi %get3A_761, %broadcast_in_dim3A_11 : vector<16xi32>
      %bitcast_convert_type3A_763 = tpu.bitcast %and3A_762 : vector<16xi32> -> vector<16xf32>
      %shift_left3A_764 = arith.constant 16 : i32
      %shift_left3A_765 = vector.broadcast %shift_left3A_764 : i32 to vector<16xi32>
      %shift_left3A_766 = arith.shli %get3A_761, %shift_left3A_765 : vector<16xi32>
      %bitcast_convert_type3A_767 = tpu.bitcast %shift_left3A_766 : vector<16xi32> -> vector<16xf32>
      %add3A_768 = arith.addf %add3A_645, %bitcast_convert_type3A_763 : vector<16xf32>
      %add3A_769 = arith.addf %add3A_646, %bitcast_convert_type3A_767 : vector<16xf32>
      %get3A_770 = arith.constant 2 : i32
      %get3A_771 = arith.index_cast %get3A_770 : i32 to index
      %get3A_772 = arith.constant 112 : index
      %get3A_773 = tpu.vector_load %arg7[%get3A_771, %get3A_772] {strides = array<i32>} : memref<20x128xi32, #tpu.memory_space<vmem>>, vector<1x16xi32>,
      %get3A_774 = vector.shape_cast %get3A_773 : vector<1x16xi32> to vector<16xi32>
      %and3A_775 = arith.andi %get3A_774, %broadcast_in_dim3A_11 : vector<16xi32>
      %bitcast_convert_type3A_776 = tpu.bitcast %and3A_775 : vector<16xi32> -> vector<16xf32>
      %shift_left3A_777 = arith.constant 16 : i32
      %shift_left3A_778 = vector.broadcast %shift_left3A_777 : i32 to vector<16xi32>
      %shift_left3A_779 = arith.shli %get3A_774, %shift_left3A_778 : vector<16xi32>
      %bitcast_convert_type3A_780 = tpu.bitcast %shift_left3A_779 : vector<16xi32> -> vector<16xf32>
      %add3A_781 = arith.addf %add3A_658, %bitcast_convert_type3A_776 : vector<16xf32>
      %add3A_782 = arith.addf %add3A_659, %bitcast_convert_type3A_780 : vector<16xf32>
      %add3A_783 = arith.constant 2 : i32
      %add3A_784 = arith.addi %mul3A_426, %add3A_783 : i32
      %add3A_785 = arith.constant 20 : i32
      %add3A_786 = arith.addi %add3A_784, %add3A_785 : i32
      %lt3A_787 = arith.constant 200 : i32
      %lt3A_788 = arith.cmpi slt, %add3A_786, %lt3A_787 : i32
      %convert_element_type3A_789 = arith.extui %lt3A_788 : i1 to i32
      %cond3A_790 = arith.constant 0 : i32
      %cond3A_791 = arith.cmpi ne, %convert_element_type3A_789, %cond3A_790 : i32
      scf.if %cond3A_791 {
        %add3A_2883 = arith.constant 2 : i32
        %add3A_2884 = arith.addi %mul3A_426, %add3A_2883 : i32
        %add3A_2885 = arith.constant 20 : i32
        %add3A_2886 = arith.addi %add3A_2884, %add3A_2885 : i32
        %dma_start3A_2887 = arith.constant 2 : i32
        %dma_start3A_2888 = arith.constant 0 : i32
        %dma_start3A_2889 = tpu.memref_slice %arg7[%dma_start3A_2887, %dma_start3A_2888] : memref<20x128xi32, #tpu.memory_space<vmem>> -> memref<1x128xi32, #tpu.memory_space<vmem>>
        %dma_start3A_2890 = tpu.memref_squeeze %dma_start3A_2889 : memref<1x128xi32, #tpu.memory_space<vmem>> -> memref<128xi32, #tpu.memory_space<vmem>>
        %dma_start3A_2891 = arith.constant 0 : i32
        %dma_start3A_2892 = tpu.memref_slice %arg6[%add3A_2886, %dma_start3A_2891] : memref<200x128xi32, #tpu.memory_space<vmem>> -> memref<1x128xi32, #tpu.memory_space<vmem>>
        %dma_start3A_2893 = tpu.memref_squeeze %dma_start3A_2892 : memref<1x128xi32, #tpu.memory_space<vmem>> -> memref<128xi32, #tpu.memory_space<vmem>>
        %dma_start3A_2894 = arith.constant 0 : i32
        %dma_start3A_2895 = tpu.memref_slice %arg10[%dma_start3A_2894] : memref<1000000xi32, #tpu.memory_space<vmem_shared>> -> memref<1000000xi32, #tpu.memory_space<vmem_shared>>
        tpu.enqueue_indirect_dma source(%dma_start3A_2895 : memref<1000000xi32, #tpu.memory_space<vmem_shared>>) target(%dma_start3A_2890 : memref<128xi32, #tpu.memory_space<vmem>>) offsets(%dma_start3A_2893 : memref<128xi32, #tpu.memory_space<vmem>>) semaphore(%arg13 : memref<!tpu.dma_semaphore, #tpu.memory_space<semaphore_mem>>)
      } else {
      }
      %dma_wait3A_792 = arith.constant 0 : i32
      %dma_wait3A_793 = arith.constant 3 : i32
      %dma_wait3A_794 = arith.constant 0 : i32
      %dma_wait3A_795 = tpu.memref_slice %arg7[%dma_wait3A_793, %dma_wait3A_794] : memref<20x128xi32, #tpu.memory_space<vmem>> -> memref<1x128xi32, #tpu.memory_space<vmem>>
      %dma_wait3A_796 = tpu.memref_squeeze %dma_wait3A_795 : memref<1x128xi32, #tpu.memory_space<vmem>> -> memref<128xi32, #tpu.memory_space<vmem>>
      %dma_wait3A_797 = arith.constant 0 : i32
      %dma_wait3A_798 = tpu.memref_slice %arg6[%dma_wait3A_792, %dma_wait3A_797] : memref<200x128xi32, #tpu.memory_space<vmem>> -> memref<1x128xi32, #tpu.memory_space<vmem>>
      %dma_wait3A_799 = tpu.memref_squeeze %dma_wait3A_798 : memref<1x128xi32, #tpu.memory_space<vmem>> -> memref<128xi32, #tpu.memory_space<vmem>>
      %dma_wait3A_800 = arith.constant 0 : i32
      %dma_wait3A_801 = tpu.memref_slice %arg10[%dma_wait3A_800] : memref<1000000xi32, #tpu.memory_space<vmem_shared>> -> memref<1000000xi32, #tpu.memory_space<vmem_shared>>
      tpu.wait_indirect_dma semaphore(%arg14 : memref<!tpu.dma_semaphore, #tpu.memory_space<semaphore_mem>>) src(%dma_wait3A_801 : memref<1000000xi32, #tpu.memory_space<vmem_shared>>) dst(%dma_wait3A_796 : memref<128xi32, #tpu.memory_space<vmem>>)
      %get3A_802 = arith.constant 3 : i32
      %get3A_803 = arith.index_cast %get3A_802 : i32 to index
      %get3A_804 = arith.constant 0 : index
      %get3A_805 = tpu.vector_load %arg7[%get3A_803, %get3A_804] {strides = array<i32>} : memref<20x128xi32, #tpu.memory_space<vmem>>, vector<1x16xi32>,
      %get3A_806 = vector.shape_cast %get3A_805 : vector<1x16xi32> to vector<16xi32>
      %and3A_807 = arith.andi %get3A_806, %broadcast_in_dim3A_11 : vector<16xi32>
      %bitcast_convert_type3A_808 = tpu.bitcast %and3A_807 : vector<16xi32> -> vector<16xf32>
      %shift_left3A_809 = arith.constant 16 : i32
      %shift_left3A_810 = vector.broadcast %shift_left3A_809 : i32 to vector<16xi32>
      %shift_left3A_811 = arith.shli %get3A_806, %shift_left3A_810 : vector<16xi32>
      %bitcast_convert_type3A_812 = tpu.bitcast %shift_left3A_811 : vector<16xi32> -> vector<16xf32>
      %add3A_813 = arith.addf %add3A_690, %bitcast_convert_type3A_808 : vector<16xf32>
      %add3A_814 = arith.addf %add3A_691, %bitcast_convert_type3A_812 : vector<16xf32>
      %get3A_815 = arith.constant 3 : i32
      %get3A_816 = arith.index_cast %get3A_815 : i32 to index
      %get3A_817 = arith.constant 16 : index
      %get3A_818 = tpu.vector_load %arg7[%get3A_816, %get3A_817] {strides = array<i32>} : memref<20x128xi32, #tpu.memory_space<vmem>>, vector<1x16xi32>,
      %get3A_819 = vector.shape_cast %get3A_818 : vector<1x16xi32> to vector<16xi32>
      %and3A_820 = arith.andi %get3A_819, %broadcast_in_dim3A_11 : vector<16xi32>
      %bitcast_convert_type3A_821 = tpu.bitcast %and3A_820 : vector<16xi32> -> vector<16xf32>
      %shift_left3A_822 = arith.constant 16 : i32
      %shift_left3A_823 = vector.broadcast %shift_left3A_822 : i32 to vector<16xi32>
      %shift_left3A_824 = arith.shli %get3A_819, %shift_left3A_823 : vector<16xi32>
      %bitcast_convert_type3A_825 = tpu.bitcast %shift_left3A_824 : vector<16xi32> -> vector<16xf32>
      %add3A_826 = arith.addf %add3A_703, %bitcast_convert_type3A_821 : vector<16xf32>
      %add3A_827 = arith.addf %add3A_704, %bitcast_convert_type3A_825 : vector<16xf32>
      %get3A_828 = arith.constant 3 : i32
      %get3A_829 = arith.index_cast %get3A_828 : i32 to index
      %get3A_830 = arith.constant 32 : index
      %get3A_831 = tpu.vector_load %arg7[%get3A_829, %get3A_830] {strides = array<i32>} : memref<20x128xi32, #tpu.memory_space<vmem>>, vector<1x16xi32>,
      %get3A_832 = vector.shape_cast %get3A_831 : vector<1x16xi32> to vector<16xi32>
      %and3A_833 = arith.andi %get3A_832, %broadcast_in_dim3A_11 : vector<16xi32>
      %bitcast_convert_type3A_834 = tpu.bitcast %and3A_833 : vector<16xi32> -> vector<16xf32>
      %shift_left3A_835 = arith.constant 16 : i32
      %shift_left3A_836 = vector.broadcast %shift_left3A_835 : i32 to vector<16xi32>
      %shift_left3A_837 = arith.shli %get3A_832, %shift_left3A_836 : vector<16xi32>
      %bitcast_convert_type3A_838 = tpu.bitcast %shift_left3A_837 : vector<16xi32> -> vector<16xf32>
      %add3A_839 = arith.addf %add3A_716, %bitcast_convert_type3A_834 : vector<16xf32>
      %add3A_840 = arith.addf %add3A_717, %bitcast_convert_type3A_838 : vector<16xf32>
      %get3A_841 = arith.constant 3 : i32
      %get3A_842 = arith.index_cast %get3A_841 : i32 to index
      %get3A_843 = arith.constant 48 : index
      %get3A_844 = tpu.vector_load %arg7[%get3A_842, %get3A_843] {strides = array<i32>} : memref<20x128xi32, #tpu.memory_space<vmem>>, vector<1x16xi32>,
      %get3A_845 = vector.shape_cast %get3A_844 : vector<1x16xi32> to vector<16xi32>
      %and3A_846 = arith.andi %get3A_845, %broadcast_in_dim3A_11 : vector<16xi32>
      %bitcast_convert_type3A_847 = tpu.bitcast %and3A_846 : vector<16xi32> -> vector<16xf32>
      %shift_left3A_848 = arith.constant 16 : i32
      %shift_left3A_849 = vector.broadcast %shift_left3A_848 : i32 to vector<16xi32>
      %shift_left3A_850 = arith.shli %get3A_845, %shift_left3A_849 : vector<16xi32>
      %bitcast_convert_type3A_851 = tpu.bitcast %shift_left3A_850 : vector<16xi32> -> vector<16xf32>
      %add3A_852 = arith.addf %add3A_729, %bitcast_convert_type3A_847 : vector<16xf32>
      %add3A_853 = arith.addf %add3A_730, %bitcast_convert_type3A_851 : vector<16xf32>
      %get3A_854 = arith.constant 3 : i32
      %get3A_855 = arith.index_cast %get3A_854 : i32 to index
      %get3A_856 = arith.constant 64 : index
      %get3A_857 = tpu.vector_load %arg7[%get3A_855, %get3A_856] {strides = array<i32>} : memref<20x128xi32, #tpu.memory_space<vmem>>, vector<1x16xi32>,
      %get3A_858 = vector.shape_cast %get3A_857 : vector<1x16xi32> to vector<16xi32>
      %and3A_859 = arith.andi %get3A_858, %broadcast_in_dim3A_11 : vector<16xi32>
      %bitcast_convert_type3A_860 = tpu.bitcast %and3A_859 : vector<16xi32> -> vector<16xf32>
      %shift_left3A_861 = arith.constant 16 : i32
      %shift_left3A_862 = vector.broadcast %shift_left3A_861 : i32 to vector<16xi32>
      %shift_left3A_863 = arith.shli %get3A_858, %shift_left3A_862 : vector<16xi32>
      %bitcast_convert_type3A_864 = tpu.bitcast %shift_left3A_863 : vector<16xi32> -> vector<16xf32>
      %add3A_865 = arith.addf %add3A_742, %bitcast_convert_type3A_860 : vector<16xf32>
      %add3A_866 = arith.addf %add3A_743, %bitcast_convert_type3A_864 : vector<16xf32>
      %get3A_867 = arith.constant 3 : i32
      %get3A_868 = arith.index_cast %get3A_867 : i32 to index
      %get3A_869 = arith.constant 80 : index
      %get3A_870 = tpu.vector_load %arg7[%get3A_868, %get3A_869] {strides = array<i32>} : memref<20x128xi32, #tpu.memory_space<vmem>>, vector<1x16xi32>,
      %get3A_871 = vector.shape_cast %get3A_870 : vector<1x16xi32> to vector<16xi32>
      %and3A_872 = arith.andi %get3A_871, %broadcast_in_dim3A_11 : vector<16xi32>
      %bitcast_convert_type3A_873 = tpu.bitcast %and3A_872 : vector<16xi32> -> vector<16xf32>
      %shift_left3A_874 = arith.constant 16 : i32
      %shift_left3A_875 = vector.broadcast %shift_left3A_874 : i32 to vector<16xi32>
      %shift_left3A_876 = arith.shli %get3A_871, %shift_left3A_875 : vector<16xi32>
      %bitcast_convert_type3A_877 = tpu.bitcast %shift_left3A_876 : vector<16xi32> -> vector<16xf32>
      %add3A_878 = arith.addf %add3A_755, %bitcast_convert_type3A_873 : vector<16xf32>
      %add3A_879 = arith.addf %add3A_756, %bitcast_convert_type3A_877 : vector<16xf32>
      %get3A_880 = arith.constant 3 : i32
      %get3A_881 = arith.index_cast %get3A_880 : i32 to index
      %get3A_882 = arith.constant 96 : index
      %get3A_883 = tpu.vector_load %arg7[%get3A_881, %get3A_882] {strides = array<i32>} : memref<20x128xi32, #tpu.memory_space<vmem>>, vector<1x16xi32>,
      %get3A_884 = vector.shape_cast %get3A_883 : vector<1x16xi32> to vector<16xi32>
      %and3A_885 = arith.andi %get3A_884, %broadcast_in_dim3A_11 : vector<16xi32>
      %bitcast_convert_type3A_886 = tpu.bitcast %and3A_885 : vector<16xi32> -> vector<16xf32>
      %shift_left3A_887 = arith.constant 16 : i32
      %shift_left3A_888 = vector.broadcast %shift_left3A_887 : i32 to vector<16xi32>
      %shift_left3A_889 = arith.shli %get3A_884, %shift_left3A_888 : vector<16xi32>
      %bitcast_convert_type3A_890 = tpu.bitcast %shift_left3A_889 : vector<16xi32> -> vector<16xf32>
      %add3A_891 = arith.addf %add3A_768, %bitcast_convert_type3A_886 : vector<16xf32>
      %add3A_892 = arith.addf %add3A_769, %bitcast_convert_type3A_890 : vector<16xf32>
      %get3A_893 = arith.constant 3 : i32
      %get3A_894 = arith.index_cast %get3A_893 : i32 to index
      %get3A_895 = arith.constant 112 : index
      %get3A_896 = tpu.vector_load %arg7[%get3A_894, %get3A_895] {strides = array<i32>} : memref<20x128xi32, #tpu.memory_space<vmem>>, vector<1x16xi32>,
      %get3A_897 = vector.shape_cast %get3A_896 : vector<1x16xi32> to vector<16xi32>
      %and3A_898 = arith.andi %get3A_897, %broadcast_in_dim3A_11 : vector<16xi32>
      %bitcast_convert_type3A_899 = tpu.bitcast %and3A_898 : vector<16xi32> -> vector<16xf32>
      %shift_left3A_900 = arith.constant 16 : i32
      %shift_left3A_901 = vector.broadcast %shift_left3A_900 : i32 to vector<16xi32>
      %shift_left3A_902 = arith.shli %get3A_897, %shift_left3A_901 : vector<16xi32>
      %bitcast_convert_type3A_903 = tpu.bitcast %shift_left3A_902 : vector<16xi32> -> vector<16xf32>
      %add3A_904 = arith.addf %add3A_781, %bitcast_convert_type3A_899 : vector<16xf32>
      %add3A_905 = arith.addf %add3A_782, %bitcast_convert_type3A_903 : vector<16xf32>
      %add3A_906 = arith.constant 3 : i32
      %add3A_907 = arith.addi %mul3A_426, %add3A_906 : i32
      %add3A_908 = arith.constant 20 : i32
      %add3A_909 = arith.addi %add3A_907, %add3A_908 : i32
      %lt3A_910 = arith.constant 200 : i32
      %lt3A_911 = arith.cmpi slt, %add3A_909, %lt3A_910 : i32
      %convert_element_type3A_912 = arith.extui %lt3A_911 : i1 to i32
      %cond3A_913 = arith.constant 0 : i32
      %cond3A_914 = arith.cmpi ne, %convert_element_type3A_912, %cond3A_913 : i32
      scf.if %cond3A_914 {
        %add3A_2883 = arith.constant 3 : i32
        %add3A_2884 = arith.addi %mul3A_426, %add3A_2883 : i32
        %add3A_2885 = arith.constant 20 : i32
        %add3A_2886 = arith.addi %add3A_2884, %add3A_2885 : i32
        %dma_start3A_2887 = arith.constant 3 : i32
        %dma_start3A_2888 = arith.constant 0 : i32
        %dma_start3A_2889 = tpu.memref_slice %arg7[%dma_start3A_2887, %dma_start3A_2888] : memref<20x128xi32, #tpu.memory_space<vmem>> -> memref<1x128xi32, #tpu.memory_space<vmem>>
        %dma_start3A_2890 = tpu.memref_squeeze %dma_start3A_2889 : memref<1x128xi32, #tpu.memory_space<vmem>> -> memref<128xi32, #tpu.memory_space<vmem>>
        %dma_start3A_2891 = arith.constant 0 : i32
        %dma_start3A_2892 = tpu.memref_slice %arg6[%add3A_2886, %dma_start3A_2891] : memref<200x128xi32, #tpu.memory_space<vmem>> -> memref<1x128xi32, #tpu.memory_space<vmem>>
        %dma_start3A_2893 = tpu.memref_squeeze %dma_start3A_2892 : memref<1x128xi32, #tpu.memory_space<vmem>> -> memref<128xi32, #tpu.memory_space<vmem>>
        %dma_start3A_2894 = arith.constant 0 : i32
        %dma_start3A_2895 = tpu.memref_slice %arg10[%dma_start3A_2894] : memref<1000000xi32, #tpu.memory_space<vmem_shared>> -> memref<1000000xi32, #tpu.memory_space<vmem_shared>>
        tpu.enqueue_indirect_dma source(%dma_start3A_2895 : memref<1000000xi32, #tpu.memory_space<vmem_shared>>) target(%dma_start3A_2890 : memref<128xi32, #tpu.memory_space<vmem>>) offsets(%dma_start3A_2893 : memref<128xi32, #tpu.memory_space<vmem>>) semaphore(%arg14 : memref<!tpu.dma_semaphore, #tpu.memory_space<semaphore_mem>>)
      } else {
      }
      %dma_wait3A_915 = arith.constant 0 : i32
      %dma_wait3A_916 = arith.constant 4 : i32
      %dma_wait3A_917 = arith.constant 0 : i32
      %dma_wait3A_918 = tpu.memref_slice %arg7[%dma_wait3A_916, %dma_wait3A_917] : memref<20x128xi32, #tpu.memory_space<vmem>> -> memref<1x128xi32, #tpu.memory_space<vmem>>
      %dma_wait3A_919 = tpu.memref_squeeze %dma_wait3A_918 : memref<1x128xi32, #tpu.memory_space<vmem>> -> memref<128xi32, #tpu.memory_space<vmem>>
      %dma_wait3A_920 = arith.constant 0 : i32
      %dma_wait3A_921 = tpu.memref_slice %arg6[%dma_wait3A_915, %dma_wait3A_920] : memref<200x128xi32, #tpu.memory_space<vmem>> -> memref<1x128xi32, #tpu.memory_space<vmem>>
      %dma_wait3A_922 = tpu.memref_squeeze %dma_wait3A_921 : memref<1x128xi32, #tpu.memory_space<vmem>> -> memref<128xi32, #tpu.memory_space<vmem>>
      %dma_wait3A_923 = arith.constant 0 : i32
      %dma_wait3A_924 = tpu.memref_slice %arg10[%dma_wait3A_923] : memref<1000000xi32, #tpu.memory_space<vmem_shared>> -> memref<1000000xi32, #tpu.memory_space<vmem_shared>>
      tpu.wait_indirect_dma semaphore(%arg15 : memref<!tpu.dma_semaphore, #tpu.memory_space<semaphore_mem>>) src(%dma_wait3A_924 : memref<1000000xi32, #tpu.memory_space<vmem_shared>>) dst(%dma_wait3A_919 : memref<128xi32, #tpu.memory_space<vmem>>)
      %get3A_925 = arith.constant 4 : i32
      %get3A_926 = arith.index_cast %get3A_925 : i32 to index
      %get3A_927 = arith.constant 0 : index
      %get3A_928 = tpu.vector_load %arg7[%get3A_926, %get3A_927] {strides = array<i32>} : memref<20x128xi32, #tpu.memory_space<vmem>>, vector<1x16xi32>,
      %get3A_929 = vector.shape_cast %get3A_928 : vector<1x16xi32> to vector<16xi32>
      %and3A_930 = arith.andi %get3A_929, %broadcast_in_dim3A_11 : vector<16xi32>
      %bitcast_convert_type3A_931 = tpu.bitcast %and3A_930 : vector<16xi32> -> vector<16xf32>
      %shift_left3A_932 = arith.constant 16 : i32
      %shift_left3A_933 = vector.broadcast %shift_left3A_932 : i32 to vector<16xi32>
      %shift_left3A_934 = arith.shli %get3A_929, %shift_left3A_933 : vector<16xi32>
      %bitcast_convert_type3A_935 = tpu.bitcast %shift_left3A_934 : vector<16xi32> -> vector<16xf32>
      %add3A_936 = arith.addf %add3A_813, %bitcast_convert_type3A_931 : vector<16xf32>
      %add3A_937 = arith.addf %add3A_814, %bitcast_convert_type3A_935 : vector<16xf32>
      %get3A_938 = arith.constant 4 : i32
      %get3A_939 = arith.index_cast %get3A_938 : i32 to index
      %get3A_940 = arith.constant 16 : index
      %get3A_941 = tpu.vector_load %arg7[%get3A_939, %get3A_940] {strides = array<i32>} : memref<20x128xi32, #tpu.memory_space<vmem>>, vector<1x16xi32>,
      %get3A_942 = vector.shape_cast %get3A_941 : vector<1x16xi32> to vector<16xi32>
      %and3A_943 = arith.andi %get3A_942, %broadcast_in_dim3A_11 : vector<16xi32>
      %bitcast_convert_type3A_944 = tpu.bitcast %and3A_943 : vector<16xi32> -> vector<16xf32>
      %shift_left3A_945 = arith.constant 16 : i32
      %shift_left3A_946 = vector.broadcast %shift_left3A_945 : i32 to vector<16xi32>
      %shift_left3A_947 = arith.shli %get3A_942, %shift_left3A_946 : vector<16xi32>
      %bitcast_convert_type3A_948 = tpu.bitcast %shift_left3A_947 : vector<16xi32> -> vector<16xf32>
      %add3A_949 = arith.addf %add3A_826, %bitcast_convert_type3A_944 : vector<16xf32>
      %add3A_950 = arith.addf %add3A_827, %bitcast_convert_type3A_948 : vector<16xf32>
      %get3A_951 = arith.constant 4 : i32
      %get3A_952 = arith.index_cast %get3A_951 : i32 to index
      %get3A_953 = arith.constant 32 : index
      %get3A_954 = tpu.vector_load %arg7[%get3A_952, %get3A_953] {strides = array<i32>} : memref<20x128xi32, #tpu.memory_space<vmem>>, vector<1x16xi32>,
      %get3A_955 = vector.shape_cast %get3A_954 : vector<1x16xi32> to vector<16xi32>
      %and3A_956 = arith.andi %get3A_955, %broadcast_in_dim3A_11 : vector<16xi32>
      %bitcast_convert_type3A_957 = tpu.bitcast %and3A_956 : vector<16xi32> -> vector<16xf32>
      %shift_left3A_958 = arith.constant 16 : i32
      %shift_left3A_959 = vector.broadcast %shift_left3A_958 : i32 to vector<16xi32>
      %shift_left3A_960 = arith.shli %get3A_955, %shift_left3A_959 : vector<16xi32>
      %bitcast_convert_type3A_961 = tpu.bitcast %shift_left3A_960 : vector<16xi32> -> vector<16xf32>
      %add3A_962 = arith.addf %add3A_839, %bitcast_convert_type3A_957 : vector<16xf32>
      %add3A_963 = arith.addf %add3A_840, %bitcast_convert_type3A_961 : vector<16xf32>
      %get3A_964 = arith.constant 4 : i32
      %get3A_965 = arith.index_cast %get3A_964 : i32 to index
      %get3A_966 = arith.constant 48 : index
      %get3A_967 = tpu.vector_load %arg7[%get3A_965, %get3A_966] {strides = array<i32>} : memref<20x128xi32, #tpu.memory_space<vmem>>, vector<1x16xi32>,
      %get3A_968 = vector.shape_cast %get3A_967 : vector<1x16xi32> to vector<16xi32>
      %and3A_969 = arith.andi %get3A_968, %broadcast_in_dim3A_11 : vector<16xi32>
      %bitcast_convert_type3A_970 = tpu.bitcast %and3A_969 : vector<16xi32> -> vector<16xf32>
      %shift_left3A_971 = arith.constant 16 : i32
      %shift_left3A_972 = vector.broadcast %shift_left3A_971 : i32 to vector<16xi32>
      %shift_left3A_973 = arith.shli %get3A_968, %shift_left3A_972 : vector<16xi32>
      %bitcast_convert_type3A_974 = tpu.bitcast %shift_left3A_973 : vector<16xi32> -> vector<16xf32>
      %add3A_975 = arith.addf %add3A_852, %bitcast_convert_type3A_970 : vector<16xf32>
      %add3A_976 = arith.addf %add3A_853, %bitcast_convert_type3A_974 : vector<16xf32>
      %get3A_977 = arith.constant 4 : i32
      %get3A_978 = arith.index_cast %get3A_977 : i32 to index
      %get3A_979 = arith.constant 64 : index
      %get3A_980 = tpu.vector_load %arg7[%get3A_978, %get3A_979] {strides = array<i32>} : memref<20x128xi32, #tpu.memory_space<vmem>>, vector<1x16xi32>,
      %get3A_981 = vector.shape_cast %get3A_980 : vector<1x16xi32> to vector<16xi32>
      %and3A_982 = arith.andi %get3A_981, %broadcast_in_dim3A_11 : vector<16xi32>
      %bitcast_convert_type3A_983 = tpu.bitcast %and3A_982 : vector<16xi32> -> vector<16xf32>
      %shift_left3A_984 = arith.constant 16 : i32
      %shift_left3A_985 = vector.broadcast %shift_left3A_984 : i32 to vector<16xi32>
      %shift_left3A_986 = arith.shli %get3A_981, %shift_left3A_985 : vector<16xi32>
      %bitcast_convert_type3A_987 = tpu.bitcast %shift_left3A_986 : vector<16xi32> -> vector<16xf32>
      %add3A_988 = arith.addf %add3A_865, %bitcast_convert_type3A_983 : vector<16xf32>
      %add3A_989 = arith.addf %add3A_866, %bitcast_convert_type3A_987 : vector<16xf32>
      %get3A_990 = arith.constant 4 : i32
      %get3A_991 = arith.index_cast %get3A_990 : i32 to index
      %get3A_992 = arith.constant 80 : index
      %get3A_993 = tpu.vector_load %arg7[%get3A_991, %get3A_992] {strides = array<i32>} : memref<20x128xi32, #tpu.memory_space<vmem>>, vector<1x16xi32>,
      %get3A_994 = vector.shape_cast %get3A_993 : vector<1x16xi32> to vector<16xi32>
      %and3A_995 = arith.andi %get3A_994, %broadcast_in_dim3A_11 : vector<16xi32>
      %bitcast_convert_type3A_996 = tpu.bitcast %and3A_995 : vector<16xi32> -> vector<16xf32>
      %shift_left3A_997 = arith.constant 16 : i32
      %shift_left3A_998 = vector.broadcast %shift_left3A_997 : i32 to vector<16xi32>
      %shift_left3A_999 = arith.shli %get3A_994, %shift_left3A_998 : vector<16xi32>
      %bitcast_convert_type3A_1000 = tpu.bitcast %shift_left3A_999 : vector<16xi32> -> vector<16xf32>
      %add3A_1001 = arith.addf %add3A_878, %bitcast_convert_type3A_996 : vector<16xf32>
      %add3A_1002 = arith.addf %add3A_879, %bitcast_convert_type3A_1000 : vector<16xf32>
      %get3A_1003 = arith.constant 4 : i32
      %get3A_1004 = arith.index_cast %get3A_1003 : i32 to index
      %get3A_1005 = arith.constant 96 : index
      %get3A_1006 = tpu.vector_load %arg7[%get3A_1004, %get3A_1005] {strides = array<i32>} : memref<20x128xi32, #tpu.memory_space<vmem>>, vector<1x16xi32>,
      %get3A_1007 = vector.shape_cast %get3A_1006 : vector<1x16xi32> to vector<16xi32>
      %and3A_1008 = arith.andi %get3A_1007, %broadcast_in_dim3A_11 : vector<16xi32>
      %bitcast_convert_type3A_1009 = tpu.bitcast %and3A_1008 : vector<16xi32> -> vector<16xf32>
      %shift_left3A_1010 = arith.constant 16 : i32
      %shift_left3A_1011 = vector.broadcast %shift_left3A_1010 : i32 to vector<16xi32>
      %shift_left3A_1012 = arith.shli %get3A_1007, %shift_left3A_1011 : vector<16xi32>
      %bitcast_convert_type3A_1013 = tpu.bitcast %shift_left3A_1012 : vector<16xi32> -> vector<16xf32>
      %add3A_1014 = arith.addf %add3A_891, %bitcast_convert_type3A_1009 : vector<16xf32>
      %add3A_1015 = arith.addf %add3A_892, %bitcast_convert_type3A_1013 : vector<16xf32>
      %get3A_1016 = arith.constant 4 : i32
      %get3A_1017 = arith.index_cast %get3A_1016 : i32 to index
      %get3A_1018 = arith.constant 112 : index
      %get3A_1019 = tpu.vector_load %arg7[%get3A_1017, %get3A_1018] {strides = array<i32>} : memref<20x128xi32, #tpu.memory_space<vmem>>, vector<1x16xi32>,
      %get3A_1020 = vector.shape_cast %get3A_1019 : vector<1x16xi32> to vector<16xi32>
      %and3A_1021 = arith.andi %get3A_1020, %broadcast_in_dim3A_11 : vector<16xi32>
      %bitcast_convert_type3A_1022 = tpu.bitcast %and3A_1021 : vector<16xi32> -> vector<16xf32>
      %shift_left3A_1023 = arith.constant 16 : i32
      %shift_left3A_1024 = vector.broadcast %shift_left3A_1023 : i32 to vector<16xi32>
      %shift_left3A_1025 = arith.shli %get3A_1020, %shift_left3A_1024 : vector<16xi32>
      %bitcast_convert_type3A_1026 = tpu.bitcast %shift_left3A_1025 : vector<16xi32> -> vector<16xf32>
      %add3A_1027 = arith.addf %add3A_904, %bitcast_convert_type3A_1022 : vector<16xf32>
      %add3A_1028 = arith.addf %add3A_905, %bitcast_convert_type3A_1026 : vector<16xf32>
      %add3A_1029 = arith.constant 4 : i32
      %add3A_1030 = arith.addi %mul3A_426, %add3A_1029 : i32
      %add3A_1031 = arith.constant 20 : i32
      %add3A_1032 = arith.addi %add3A_1030, %add3A_1031 : i32
      %lt3A_1033 = arith.constant 200 : i32
      %lt3A_1034 = arith.cmpi slt, %add3A_1032, %lt3A_1033 : i32
      %convert_element_type3A_1035 = arith.extui %lt3A_1034 : i1 to i32
      %cond3A_1036 = arith.constant 0 : i32
      %cond3A_1037 = arith.cmpi ne, %convert_element_type3A_1035, %cond3A_1036 : i32
      scf.if %cond3A_1037 {
        %add3A_2883 = arith.constant 4 : i32
        %add3A_2884 = arith.addi %mul3A_426, %add3A_2883 : i32
        %add3A_2885 = arith.constant 20 : i32
        %add3A_2886 = arith.addi %add3A_2884, %add3A_2885 : i32
        %dma_start3A_2887 = arith.constant 4 : i32
        %dma_start3A_2888 = arith.constant 0 : i32
        %dma_start3A_2889 = tpu.memref_slice %arg7[%dma_start3A_2887, %dma_start3A_2888] : memref<20x128xi32, #tpu.memory_space<vmem>> -> memref<1x128xi32, #tpu.memory_space<vmem>>
        %dma_start3A_2890 = tpu.memref_squeeze %dma_start3A_2889 : memref<1x128xi32, #tpu.memory_space<vmem>> -> memref<128xi32, #tpu.memory_space<vmem>>
        %dma_start3A_2891 = arith.constant 0 : i32
        %dma_start3A_2892 = tpu.memref_slice %arg6[%add3A_2886, %dma_start3A_2891] : memref<200x128xi32, #tpu.memory_space<vmem>> -> memref<1x128xi32, #tpu.memory_space<vmem>>
        %dma_start3A_2893 = tpu.memref_squeeze %dma_start3A_2892 : memref<1x128xi32, #tpu.memory_space<vmem>> -> memref<128xi32, #tpu.memory_space<vmem>>
        %dma_start3A_2894 = arith.constant 0 : i32
        %dma_start3A_2895 = tpu.memref_slice %arg10[%dma_start3A_2894] : memref<1000000xi32, #tpu.memory_space<vmem_shared>> -> memref<1000000xi32, #tpu.memory_space<vmem_shared>>
        tpu.enqueue_indirect_dma source(%dma_start3A_2895 : memref<1000000xi32, #tpu.memory_space<vmem_shared>>) target(%dma_start3A_2890 : memref<128xi32, #tpu.memory_space<vmem>>) offsets(%dma_start3A_2893 : memref<128xi32, #tpu.memory_space<vmem>>) semaphore(%arg15 : memref<!tpu.dma_semaphore, #tpu.memory_space<semaphore_mem>>)
      } else {
      }
      %dma_wait3A_1038 = arith.constant 0 : i32
      %dma_wait3A_1039 = arith.constant 5 : i32
      %dma_wait3A_1040 = arith.constant 0 : i32
      %dma_wait3A_1041 = tpu.memref_slice %arg7[%dma_wait3A_1039, %dma_wait3A_1040] : memref<20x128xi32, #tpu.memory_space<vmem>> -> memref<1x128xi32, #tpu.memory_space<vmem>>
      %dma_wait3A_1042 = tpu.memref_squeeze %dma_wait3A_1041 : memref<1x128xi32, #tpu.memory_space<vmem>> -> memref<128xi32, #tpu.memory_space<vmem>>
      %dma_wait3A_1043 = arith.constant 0 : i32
      %dma_wait3A_1044 = tpu.memref_slice %arg6[%dma_wait3A_1038, %dma_wait3A_1043] : memref<200x128xi32, #tpu.memory_space<vmem>> -> memref<1x128xi32, #tpu.memory_space<vmem>>
      %dma_wait3A_1045 = tpu.memref_squeeze %dma_wait3A_1044 : memref<1x128xi32, #tpu.memory_space<vmem>> -> memref<128xi32, #tpu.memory_space<vmem>>
      %dma_wait3A_1046 = arith.constant 0 : i32
      %dma_wait3A_1047 = tpu.memref_slice %arg10[%dma_wait3A_1046] : memref<1000000xi32, #tpu.memory_space<vmem_shared>> -> memref<1000000xi32, #tpu.memory_space<vmem_shared>>
      tpu.wait_indirect_dma semaphore(%arg16 : memref<!tpu.dma_semaphore, #tpu.memory_space<semaphore_mem>>) src(%dma_wait3A_1047 : memref<1000000xi32, #tpu.memory_space<vmem_shared>>) dst(%dma_wait3A_1042 : memref<128xi32, #tpu.memory_space<vmem>>)
      %get3A_1048 = arith.constant 5 : i32
      %get3A_1049 = arith.index_cast %get3A_1048 : i32 to index
      %get3A_1050 = arith.constant 0 : index
      %get3A_1051 = tpu.vector_load %arg7[%get3A_1049, %get3A_1050] {strides = array<i32>} : memref<20x128xi32, #tpu.memory_space<vmem>>, vector<1x16xi32>,
      %get3A_1052 = vector.shape_cast %get3A_1051 : vector<1x16xi32> to vector<16xi32>
      %and3A_1053 = arith.andi %get3A_1052, %broadcast_in_dim3A_11 : vector<16xi32>
      %bitcast_convert_type3A_1054 = tpu.bitcast %and3A_1053 : vector<16xi32> -> vector<16xf32>
      %shift_left3A_1055 = arith.constant 16 : i32
      %shift_left3A_1056 = vector.broadcast %shift_left3A_1055 : i32 to vector<16xi32>
      %shift_left3A_1057 = arith.shli %get3A_1052, %shift_left3A_1056 : vector<16xi32>
      %bitcast_convert_type3A_1058 = tpu.bitcast %shift_left3A_1057 : vector<16xi32> -> vector<16xf32>
      %add3A_1059 = arith.addf %add3A_936, %bitcast_convert_type3A_1054 : vector<16xf32>
      %add3A_1060 = arith.addf %add3A_937, %bitcast_convert_type3A_1058 : vector<16xf32>
      %get3A_1061 = arith.constant 5 : i32
      %get3A_1062 = arith.index_cast %get3A_1061 : i32 to index
      %get3A_1063 = arith.constant 16 : index
      %get3A_1064 = tpu.vector_load %arg7[%get3A_1062, %get3A_1063] {strides = array<i32>} : memref<20x128xi32, #tpu.memory_space<vmem>>, vector<1x16xi32>,
      %get3A_1065 = vector.shape_cast %get3A_1064 : vector<1x16xi32> to vector<16xi32>
      %and3A_1066 = arith.andi %get3A_1065, %broadcast_in_dim3A_11 : vector<16xi32>
      %bitcast_convert_type3A_1067 = tpu.bitcast %and3A_1066 : vector<16xi32> -> vector<16xf32>
      %shift_left3A_1068 = arith.constant 16 : i32
      %shift_left3A_1069 = vector.broadcast %shift_left3A_1068 : i32 to vector<16xi32>
      %shift_left3A_1070 = arith.shli %get3A_1065, %shift_left3A_1069 : vector<16xi32>
      %bitcast_convert_type3A_1071 = tpu.bitcast %shift_left3A_1070 : vector<16xi32> -> vector<16xf32>
      %add3A_1072 = arith.addf %add3A_949, %bitcast_convert_type3A_1067 : vector<16xf32>
      %add3A_1073 = arith.addf %add3A_950, %bitcast_convert_type3A_1071 : vector<16xf32>
      %get3A_1074 = arith.constant 5 : i32
      %get3A_1075 = arith.index_cast %get3A_1074 : i32 to index
      %get3A_1076 = arith.constant 32 : index
      %get3A_1077 = tpu.vector_load %arg7[%get3A_1075, %get3A_1076] {strides = array<i32>} : memref<20x128xi32, #tpu.memory_space<vmem>>, vector<1x16xi32>,
      %get3A_1078 = vector.shape_cast %get3A_1077 : vector<1x16xi32> to vector<16xi32>
      %and3A_1079 = arith.andi %get3A_1078, %broadcast_in_dim3A_11 : vector<16xi32>
      %bitcast_convert_type3A_1080 = tpu.bitcast %and3A_1079 : vector<16xi32> -> vector<16xf32>
      %shift_left3A_1081 = arith.constant 16 : i32
      %shift_left3A_1082 = vector.broadcast %shift_left3A_1081 : i32 to vector<16xi32>
      %shift_left3A_1083 = arith.shli %get3A_1078, %shift_left3A_1082 : vector<16xi32>
      %bitcast_convert_type3A_1084 = tpu.bitcast %shift_left3A_1083 : vector<16xi32> -> vector<16xf32>
      %add3A_1085 = arith.addf %add3A_962, %bitcast_convert_type3A_1080 : vector<16xf32>
      %add3A_1086 = arith.addf %add3A_963, %bitcast_convert_type3A_1084 : vector<16xf32>
      %get3A_1087 = arith.constant 5 : i32
      %get3A_1088 = arith.index_cast %get3A_1087 : i32 to index
      %get3A_1089 = arith.constant 48 : index
      %get3A_1090 = tpu.vector_load %arg7[%get3A_1088, %get3A_1089] {strides = array<i32>} : memref<20x128xi32, #tpu.memory_space<vmem>>, vector<1x16xi32>,
      %get3A_1091 = vector.shape_cast %get3A_1090 : vector<1x16xi32> to vector<16xi32>
      %and3A_1092 = arith.andi %get3A_1091, %broadcast_in_dim3A_11 : vector<16xi32>
      %bitcast_convert_type3A_1093 = tpu.bitcast %and3A_1092 : vector<16xi32> -> vector<16xf32>
      %shift_left3A_1094 = arith.constant 16 : i32
      %shift_left3A_1095 = vector.broadcast %shift_left3A_1094 : i32 to vector<16xi32>
      %shift_left3A_1096 = arith.shli %get3A_1091, %shift_left3A_1095 : vector<16xi32>
      %bitcast_convert_type3A_1097 = tpu.bitcast %shift_left3A_1096 : vector<16xi32> -> vector<16xf32>
      %add3A_1098 = arith.addf %add3A_975, %bitcast_convert_type3A_1093 : vector<16xf32>
      %add3A_1099 = arith.addf %add3A_976, %bitcast_convert_type3A_1097 : vector<16xf32>
      %get3A_1100 = arith.constant 5 : i32
      %get3A_1101 = arith.index_cast %get3A_1100 : i32 to index
      %get3A_1102 = arith.constant 64 : index
      %get3A_1103 = tpu.vector_load %arg7[%get3A_1101, %get3A_1102] {strides = array<i32>} : memref<20x128xi32, #tpu.memory_space<vmem>>, vector<1x16xi32>,
      %get3A_1104 = vector.shape_cast %get3A_1103 : vector<1x16xi32> to vector<16xi32>
      %and3A_1105 = arith.andi %get3A_1104, %broadcast_in_dim3A_11 : vector<16xi32>
      %bitcast_convert_type3A_1106 = tpu.bitcast %and3A_1105 : vector<16xi32> -> vector<16xf32>
      %shift_left3A_1107 = arith.constant 16 : i32
      %shift_left3A_1108 = vector.broadcast %shift_left3A_1107 : i32 to vector<16xi32>
      %shift_left3A_1109 = arith.shli %get3A_1104, %shift_left3A_1108 : vector<16xi32>
      %bitcast_convert_type3A_1110 = tpu.bitcast %shift_left3A_1109 : vector<16xi32> -> vector<16xf32>
      %add3A_1111 = arith.addf %add3A_988, %bitcast_convert_type3A_1106 : vector<16xf32>
      %add3A_1112 = arith.addf %add3A_989, %bitcast_convert_type3A_1110 : vector<16xf32>
      %get3A_1113 = arith.constant 5 : i32
      %get3A_1114 = arith.index_cast %get3A_1113 : i32 to index
      %get3A_1115 = arith.constant 80 : index
      %get3A_1116 = tpu.vector_load %arg7[%get3A_1114, %get3A_1115] {strides = array<i32>} : memref<20x128xi32, #tpu.memory_space<vmem>>, vector<1x16xi32>,
      %get3A_1117 = vector.shape_cast %get3A_1116 : vector<1x16xi32> to vector<16xi32>
      %and3A_1118 = arith.andi %get3A_1117, %broadcast_in_dim3A_11 : vector<16xi32>
      %bitcast_convert_type3A_1119 = tpu.bitcast %and3A_1118 : vector<16xi32> -> vector<16xf32>
      %shift_left3A_1120 = arith.constant 16 : i32
      %shift_left3A_1121 = vector.broadcast %shift_left3A_1120 : i32 to vector<16xi32>
      %shift_left3A_1122 = arith.shli %get3A_1117, %shift_left3A_1121 : vector<16xi32>
      %bitcast_convert_type3A_1123 = tpu.bitcast %shift_left3A_1122 : vector<16xi32> -> vector<16xf32>
      %add3A_1124 = arith.addf %add3A_1001, %bitcast_convert_type3A_1119 : vector<16xf32>
      %add3A_1125 = arith.addf %add3A_1002, %bitcast_convert_type3A_1123 : vector<16xf32>
      %get3A_1126 = arith.constant 5 : i32
      %get3A_1127 = arith.index_cast %get3A_1126 : i32 to index
      %get3A_1128 = arith.constant 96 : index
      %get3A_1129 = tpu.vector_load %arg7[%get3A_1127, %get3A_1128] {strides = array<i32>} : memref<20x128xi32, #tpu.memory_space<vmem>>, vector<1x16xi32>,
      %get3A_1130 = vector.shape_cast %get3A_1129 : vector<1x16xi32> to vector<16xi32>
      %and3A_1131 = arith.andi %get3A_1130, %broadcast_in_dim3A_11 : vector<16xi32>
      %bitcast_convert_type3A_1132 = tpu.bitcast %and3A_1131 : vector<16xi32> -> vector<16xf32>
      %shift_left3A_1133 = arith.constant 16 : i32
      %shift_left3A_1134 = vector.broadcast %shift_left3A_1133 : i32 to vector<16xi32>
      %shift_left3A_1135 = arith.shli %get3A_1130, %shift_left3A_1134 : vector<16xi32>
      %bitcast_convert_type3A_1136 = tpu.bitcast %shift_left3A_1135 : vector<16xi32> -> vector<16xf32>
      %add3A_1137 = arith.addf %add3A_1014, %bitcast_convert_type3A_1132 : vector<16xf32>
      %add3A_1138 = arith.addf %add3A_1015, %bitcast_convert_type3A_1136 : vector<16xf32>
      %get3A_1139 = arith.constant 5 : i32
      %get3A_1140 = arith.index_cast %get3A_1139 : i32 to index
      %get3A_1141 = arith.constant 112 : index
      %get3A_1142 = tpu.vector_load %arg7[%get3A_1140, %get3A_1141] {strides = array<i32>} : memref<20x128xi32, #tpu.memory_space<vmem>>, vector<1x16xi32>,
      %get3A_1143 = vector.shape_cast %get3A_1142 : vector<1x16xi32> to vector<16xi32>
      %and3A_1144 = arith.andi %get3A_1143, %broadcast_in_dim3A_11 : vector<16xi32>
      %bitcast_convert_type3A_1145 = tpu.bitcast %and3A_1144 : vector<16xi32> -> vector<16xf32>
      %shift_left3A_1146 = arith.constant 16 : i32
      %shift_left3A_1147 = vector.broadcast %shift_left3A_1146 : i32 to vector<16xi32>
      %shift_left3A_1148 = arith.shli %get3A_1143, %shift_left3A_1147 : vector<16xi32>
      %bitcast_convert_type3A_1149 = tpu.bitcast %shift_left3A_1148 : vector<16xi32> -> vector<16xf32>
      %add3A_1150 = arith.addf %add3A_1027, %bitcast_convert_type3A_1145 : vector<16xf32>
      %add3A_1151 = arith.addf %add3A_1028, %bitcast_convert_type3A_1149 : vector<16xf32>
      %add3A_1152 = arith.constant 5 : i32
      %add3A_1153 = arith.addi %mul3A_426, %add3A_1152 : i32
      %add3A_1154 = arith.constant 20 : i32
      %add3A_1155 = arith.addi %add3A_1153, %add3A_1154 : i32
      %lt3A_1156 = arith.constant 200 : i32
      %lt3A_1157 = arith.cmpi slt, %add3A_1155, %lt3A_1156 : i32
      %convert_element_type3A_1158 = arith.extui %lt3A_1157 : i1 to i32
      %cond3A_1159 = arith.constant 0 : i32
      %cond3A_1160 = arith.cmpi ne, %convert_element_type3A_1158, %cond3A_1159 : i32
      scf.if %cond3A_1160 {
        %add3A_2883 = arith.constant 5 : i32
        %add3A_2884 = arith.addi %mul3A_426, %add3A_2883 : i32
        %add3A_2885 = arith.constant 20 : i32
        %add3A_2886 = arith.addi %add3A_2884, %add3A_2885 : i32
        %dma_start3A_2887 = arith.constant 5 : i32
        %dma_start3A_2888 = arith.constant 0 : i32
        %dma_start3A_2889 = tpu.memref_slice %arg7[%dma_start3A_2887, %dma_start3A_2888] : memref<20x128xi32, #tpu.memory_space<vmem>> -> memref<1x128xi32, #tpu.memory_space<vmem>>
        %dma_start3A_2890 = tpu.memref_squeeze %dma_start3A_2889 : memref<1x128xi32, #tpu.memory_space<vmem>> -> memref<128xi32, #tpu.memory_space<vmem>>
        %dma_start3A_2891 = arith.constant 0 : i32
        %dma_start3A_2892 = tpu.memref_slice %arg6[%add3A_2886, %dma_start3A_2891] : memref<200x128xi32, #tpu.memory_space<vmem>> -> memref<1x128xi32, #tpu.memory_space<vmem>>
        %dma_start3A_2893 = tpu.memref_squeeze %dma_start3A_2892 : memref<1x128xi32, #tpu.memory_space<vmem>> -> memref<128xi32, #tpu.memory_space<vmem>>
        %dma_start3A_2894 = arith.constant 0 : i32
        %dma_start3A_2895 = tpu.memref_slice %arg10[%dma_start3A_2894] : memref<1000000xi32, #tpu.memory_space<vmem_shared>> -> memref<1000000xi32, #tpu.memory_space<vmem_shared>>
        tpu.enqueue_indirect_dma source(%dma_start3A_2895 : memref<1000000xi32, #tpu.memory_space<vmem_shared>>) target(%dma_start3A_2890 : memref<128xi32, #tpu.memory_space<vmem>>) offsets(%dma_start3A_2893 : memref<128xi32, #tpu.memory_space<vmem>>) semaphore(%arg16 : memref<!tpu.dma_semaphore, #tpu.memory_space<semaphore_mem>>)
      } else {
      }
      %dma_wait3A_1161 = arith.constant 0 : i32
      %dma_wait3A_1162 = arith.constant 6 : i32
      %dma_wait3A_1163 = arith.constant 0 : i32
      %dma_wait3A_1164 = tpu.memref_slice %arg7[%dma_wait3A_1162, %dma_wait3A_1163] : memref<20x128xi32, #tpu.memory_space<vmem>> -> memref<1x128xi32, #tpu.memory_space<vmem>>
      %dma_wait3A_1165 = tpu.memref_squeeze %dma_wait3A_1164 : memref<1x128xi32, #tpu.memory_space<vmem>> -> memref<128xi32, #tpu.memory_space<vmem>>
      %dma_wait3A_1166 = arith.constant 0 : i32
      %dma_wait3A_1167 = tpu.memref_slice %arg6[%dma_wait3A_1161, %dma_wait3A_1166] : memref<200x128xi32, #tpu.memory_space<vmem>> -> memref<1x128xi32, #tpu.memory_space<vmem>>
      %dma_wait3A_1168 = tpu.memref_squeeze %dma_wait3A_1167 : memref<1x128xi32, #tpu.memory_space<vmem>> -> memref<128xi32, #tpu.memory_space<vmem>>
      %dma_wait3A_1169 = arith.constant 0 : i32
      %dma_wait3A_1170 = tpu.memref_slice %arg10[%dma_wait3A_1169] : memref<1000000xi32, #tpu.memory_space<vmem_shared>> -> memref<1000000xi32, #tpu.memory_space<vmem_shared>>
      tpu.wait_indirect_dma semaphore(%arg17 : memref<!tpu.dma_semaphore, #tpu.memory_space<semaphore_mem>>) src(%dma_wait3A_1170 : memref<1000000xi32, #tpu.memory_space<vmem_shared>>) dst(%dma_wait3A_1165 : memref<128xi32, #tpu.memory_space<vmem>>)
      %get3A_1171 = arith.constant 6 : i32
      %get3A_1172 = arith.index_cast %get3A_1171 : i32 to index
      %get3A_1173 = arith.constant 0 : index
      %get3A_1174 = tpu.vector_load %arg7[%get3A_1172, %get3A_1173] {strides = array<i32>} : memref<20x128xi32, #tpu.memory_space<vmem>>, vector<1x16xi32>,
      %get3A_1175 = vector.shape_cast %get3A_1174 : vector<1x16xi32> to vector<16xi32>
      %and3A_1176 = arith.andi %get3A_1175, %broadcast_in_dim3A_11 : vector<16xi32>
      %bitcast_convert_type3A_1177 = tpu.bitcast %and3A_1176 : vector<16xi32> -> vector<16xf32>
      %shift_left3A_1178 = arith.constant 16 : i32
      %shift_left3A_1179 = vector.broadcast %shift_left3A_1178 : i32 to vector<16xi32>
      %shift_left3A_1180 = arith.shli %get3A_1175, %shift_left3A_1179 : vector<16xi32>
      %bitcast_convert_type3A_1181 = tpu.bitcast %shift_left3A_1180 : vector<16xi32> -> vector<16xf32>
      %add3A_1182 = arith.addf %add3A_1059, %bitcast_convert_type3A_1177 : vector<16xf32>
      %add3A_1183 = arith.addf %add3A_1060, %bitcast_convert_type3A_1181 : vector<16xf32>
      %get3A_1184 = arith.constant 6 : i32
      %get3A_1185 = arith.index_cast %get3A_1184 : i32 to index
      %get3A_1186 = arith.constant 16 : index
      %get3A_1187 = tpu.vector_load %arg7[%get3A_1185, %get3A_1186] {strides = array<i32>} : memref<20x128xi32, #tpu.memory_space<vmem>>, vector<1x16xi32>,
      %get3A_1188 = vector.shape_cast %get3A_1187 : vector<1x16xi32> to vector<16xi32>
      %and3A_1189 = arith.andi %get3A_1188, %broadcast_in_dim3A_11 : vector<16xi32>
      %bitcast_convert_type3A_1190 = tpu.bitcast %and3A_1189 : vector<16xi32> -> vector<16xf32>
      %shift_left3A_1191 = arith.constant 16 : i32
      %shift_left3A_1192 = vector.broadcast %shift_left3A_1191 : i32 to vector<16xi32>
      %shift_left3A_1193 = arith.shli %get3A_1188, %shift_left3A_1192 : vector<16xi32>
      %bitcast_convert_type3A_1194 = tpu.bitcast %shift_left3A_1193 : vector<16xi32> -> vector<16xf32>
      %add3A_1195 = arith.addf %add3A_1072, %bitcast_convert_type3A_1190 : vector<16xf32>
      %add3A_1196 = arith.addf %add3A_1073, %bitcast_convert_type3A_1194 : vector<16xf32>
      %get3A_1197 = arith.constant 6 : i32
      %get3A_1198 = arith.index_cast %get3A_1197 : i32 to index
      %get3A_1199 = arith.constant 32 : index
      %get3A_1200 = tpu.vector_load %arg7[%get3A_1198, %get3A_1199] {strides = array<i32>} : memref<20x128xi32, #tpu.memory_space<vmem>>, vector<1x16xi32>,
      %get3A_1201 = vector.shape_cast %get3A_1200 : vector<1x16xi32> to vector<16xi32>
      %and3A_1202 = arith.andi %get3A_1201, %broadcast_in_dim3A_11 : vector<16xi32>
      %bitcast_convert_type3A_1203 = tpu.bitcast %and3A_1202 : vector<16xi32> -> vector<16xf32>
      %shift_left3A_1204 = arith.constant 16 : i32
      %shift_left3A_1205 = vector.broadcast %shift_left3A_1204 : i32 to vector<16xi32>
      %shift_left3A_1206 = arith.shli %get3A_1201, %shift_left3A_1205 : vector<16xi32>
      %bitcast_convert_type3A_1207 = tpu.bitcast %shift_left3A_1206 : vector<16xi32> -> vector<16xf32>
      %add3A_1208 = arith.addf %add3A_1085, %bitcast_convert_type3A_1203 : vector<16xf32>
      %add3A_1209 = arith.addf %add3A_1086, %bitcast_convert_type3A_1207 : vector<16xf32>
      %get3A_1210 = arith.constant 6 : i32
      %get3A_1211 = arith.index_cast %get3A_1210 : i32 to index
      %get3A_1212 = arith.constant 48 : index
      %get3A_1213 = tpu.vector_load %arg7[%get3A_1211, %get3A_1212] {strides = array<i32>} : memref<20x128xi32, #tpu.memory_space<vmem>>, vector<1x16xi32>,
      %get3A_1214 = vector.shape_cast %get3A_1213 : vector<1x16xi32> to vector<16xi32>
      %and3A_1215 = arith.andi %get3A_1214, %broadcast_in_dim3A_11 : vector<16xi32>
      %bitcast_convert_type3A_1216 = tpu.bitcast %and3A_1215 : vector<16xi32> -> vector<16xf32>
      %shift_left3A_1217 = arith.constant 16 : i32
      %shift_left3A_1218 = vector.broadcast %shift_left3A_1217 : i32 to vector<16xi32>
      %shift_left3A_1219 = arith.shli %get3A_1214, %shift_left3A_1218 : vector<16xi32>
      %bitcast_convert_type3A_1220 = tpu.bitcast %shift_left3A_1219 : vector<16xi32> -> vector<16xf32>
      %add3A_1221 = arith.addf %add3A_1098, %bitcast_convert_type3A_1216 : vector<16xf32>
      %add3A_1222 = arith.addf %add3A_1099, %bitcast_convert_type3A_1220 : vector<16xf32>
      %get3A_1223 = arith.constant 6 : i32
      %get3A_1224 = arith.index_cast %get3A_1223 : i32 to index
      %get3A_1225 = arith.constant 64 : index
      %get3A_1226 = tpu.vector_load %arg7[%get3A_1224, %get3A_1225] {strides = array<i32>} : memref<20x128xi32, #tpu.memory_space<vmem>>, vector<1x16xi32>,
      %get3A_1227 = vector.shape_cast %get3A_1226 : vector<1x16xi32> to vector<16xi32>
      %and3A_1228 = arith.andi %get3A_1227, %broadcast_in_dim3A_11 : vector<16xi32>
      %bitcast_convert_type3A_1229 = tpu.bitcast %and3A_1228 : vector<16xi32> -> vector<16xf32>
      %shift_left3A_1230 = arith.constant 16 : i32
      %shift_left3A_1231 = vector.broadcast %shift_left3A_1230 : i32 to vector<16xi32>
      %shift_left3A_1232 = arith.shli %get3A_1227, %shift_left3A_1231 : vector<16xi32>
      %bitcast_convert_type3A_1233 = tpu.bitcast %shift_left3A_1232 : vector<16xi32> -> vector<16xf32>
      %add3A_1234 = arith.addf %add3A_1111, %bitcast_convert_type3A_1229 : vector<16xf32>
      %add3A_1235 = arith.addf %add3A_1112, %bitcast_convert_type3A_1233 : vector<16xf32>
      %get3A_1236 = arith.constant 6 : i32
      %get3A_1237 = arith.index_cast %get3A_1236 : i32 to index
      %get3A_1238 = arith.constant 80 : index
      %get3A_1239 = tpu.vector_load %arg7[%get3A_1237, %get3A_1238] {strides = array<i32>} : memref<20x128xi32, #tpu.memory_space<vmem>>, vector<1x16xi32>,
      %get3A_1240 = vector.shape_cast %get3A_1239 : vector<1x16xi32> to vector<16xi32>
      %and3A_1241 = arith.andi %get3A_1240, %broadcast_in_dim3A_11 : vector<16xi32>
      %bitcast_convert_type3A_1242 = tpu.bitcast %and3A_1241 : vector<16xi32> -> vector<16xf32>
      %shift_left3A_1243 = arith.constant 16 : i32
      %shift_left3A_1244 = vector.broadcast %shift_left3A_1243 : i32 to vector<16xi32>
      %shift_left3A_1245 = arith.shli %get3A_1240, %shift_left3A_1244 : vector<16xi32>
      %bitcast_convert_type3A_1246 = tpu.bitcast %shift_left3A_1245 : vector<16xi32> -> vector<16xf32>
      %add3A_1247 = arith.addf %add3A_1124, %bitcast_convert_type3A_1242 : vector<16xf32>
      %add3A_1248 = arith.addf %add3A_1125, %bitcast_convert_type3A_1246 : vector<16xf32>
      %get3A_1249 = arith.constant 6 : i32
      %get3A_1250 = arith.index_cast %get3A_1249 : i32 to index
      %get3A_1251 = arith.constant 96 : index
      %get3A_1252 = tpu.vector_load %arg7[%get3A_1250, %get3A_1251] {strides = array<i32>} : memref<20x128xi32, #tpu.memory_space<vmem>>, vector<1x16xi32>,
      %get3A_1253 = vector.shape_cast %get3A_1252 : vector<1x16xi32> to vector<16xi32>
      %and3A_1254 = arith.andi %get3A_1253, %broadcast_in_dim3A_11 : vector<16xi32>
      %bitcast_convert_type3A_1255 = tpu.bitcast %and3A_1254 : vector<16xi32> -> vector<16xf32>
      %shift_left3A_1256 = arith.constant 16 : i32
      %shift_left3A_1257 = vector.broadcast %shift_left3A_1256 : i32 to vector<16xi32>
      %shift_left3A_1258 = arith.shli %get3A_1253, %shift_left3A_1257 : vector<16xi32>
      %bitcast_convert_type3A_1259 = tpu.bitcast %shift_left3A_1258 : vector<16xi32> -> vector<16xf32>
      %add3A_1260 = arith.addf %add3A_1137, %bitcast_convert_type3A_1255 : vector<16xf32>
      %add3A_1261 = arith.addf %add3A_1138, %bitcast_convert_type3A_1259 : vector<16xf32>
      %get3A_1262 = arith.constant 6 : i32
      %get3A_1263 = arith.index_cast %get3A_1262 : i32 to index
      %get3A_1264 = arith.constant 112 : index
      %get3A_1265 = tpu.vector_load %arg7[%get3A_1263, %get3A_1264] {strides = array<i32>} : memref<20x128xi32, #tpu.memory_space<vmem>>, vector<1x16xi32>,
      %get3A_1266 = vector.shape_cast %get3A_1265 : vector<1x16xi32> to vector<16xi32>
      %and3A_1267 = arith.andi %get3A_1266, %broadcast_in_dim3A_11 : vector<16xi32>
      %bitcast_convert_type3A_1268 = tpu.bitcast %and3A_1267 : vector<16xi32> -> vector<16xf32>
      %shift_left3A_1269 = arith.constant 16 : i32
      %shift_left3A_1270 = vector.broadcast %shift_left3A_1269 : i32 to vector<16xi32>
      %shift_left3A_1271 = arith.shli %get3A_1266, %shift_left3A_1270 : vector<16xi32>
      %bitcast_convert_type3A_1272 = tpu.bitcast %shift_left3A_1271 : vector<16xi32> -> vector<16xf32>
      %add3A_1273 = arith.addf %add3A_1150, %bitcast_convert_type3A_1268 : vector<16xf32>
      %add3A_1274 = arith.addf %add3A_1151, %bitcast_convert_type3A_1272 : vector<16xf32>
      %add3A_1275 = arith.constant 6 : i32
      %add3A_1276 = arith.addi %mul3A_426, %add3A_1275 : i32
      %add3A_1277 = arith.constant 20 : i32
      %add3A_1278 = arith.addi %add3A_1276, %add3A_1277 : i32
      %lt3A_1279 = arith.constant 200 : i32
      %lt3A_1280 = arith.cmpi slt, %add3A_1278, %lt3A_1279 : i32
      %convert_element_type3A_1281 = arith.extui %lt3A_1280 : i1 to i32
      %cond3A_1282 = arith.constant 0 : i32
      %cond3A_1283 = arith.cmpi ne, %convert_element_type3A_1281, %cond3A_1282 : i32
      scf.if %cond3A_1283 {
        %add3A_2883 = arith.constant 6 : i32
        %add3A_2884 = arith.addi %mul3A_426, %add3A_2883 : i32
        %add3A_2885 = arith.constant 20 : i32
        %add3A_2886 = arith.addi %add3A_2884, %add3A_2885 : i32
        %dma_start3A_2887 = arith.constant 6 : i32
        %dma_start3A_2888 = arith.constant 0 : i32
        %dma_start3A_2889 = tpu.memref_slice %arg7[%dma_start3A_2887, %dma_start3A_2888] : memref<20x128xi32, #tpu.memory_space<vmem>> -> memref<1x128xi32, #tpu.memory_space<vmem>>
        %dma_start3A_2890 = tpu.memref_squeeze %dma_start3A_2889 : memref<1x128xi32, #tpu.memory_space<vmem>> -> memref<128xi32, #tpu.memory_space<vmem>>
        %dma_start3A_2891 = arith.constant 0 : i32
        %dma_start3A_2892 = tpu.memref_slice %arg6[%add3A_2886, %dma_start3A_2891] : memref<200x128xi32, #tpu.memory_space<vmem>> -> memref<1x128xi32, #tpu.memory_space<vmem>>
        %dma_start3A_2893 = tpu.memref_squeeze %dma_start3A_2892 : memref<1x128xi32, #tpu.memory_space<vmem>> -> memref<128xi32, #tpu.memory_space<vmem>>
        %dma_start3A_2894 = arith.constant 0 : i32
        %dma_start3A_2895 = tpu.memref_slice %arg10[%dma_start3A_2894] : memref<1000000xi32, #tpu.memory_space<vmem_shared>> -> memref<1000000xi32, #tpu.memory_space<vmem_shared>>
        tpu.enqueue_indirect_dma source(%dma_start3A_2895 : memref<1000000xi32, #tpu.memory_space<vmem_shared>>) target(%dma_start3A_2890 : memref<128xi32, #tpu.memory_space<vmem>>) offsets(%dma_start3A_2893 : memref<128xi32, #tpu.memory_space<vmem>>) semaphore(%arg17 : memref<!tpu.dma_semaphore, #tpu.memory_space<semaphore_mem>>)
      } else {
      }
      %dma_wait3A_1284 = arith.constant 0 : i32
      %dma_wait3A_1285 = arith.constant 7 : i32
      %dma_wait3A_1286 = arith.constant 0 : i32
      %dma_wait3A_1287 = tpu.memref_slice %arg7[%dma_wait3A_1285, %dma_wait3A_1286] : memref<20x128xi32, #tpu.memory_space<vmem>> -> memref<1x128xi32, #tpu.memory_space<vmem>>
      %dma_wait3A_1288 = tpu.memref_squeeze %dma_wait3A_1287 : memref<1x128xi32, #tpu.memory_space<vmem>> -> memref<128xi32, #tpu.memory_space<vmem>>
      %dma_wait3A_1289 = arith.constant 0 : i32
      %dma_wait3A_1290 = tpu.memref_slice %arg6[%dma_wait3A_1284, %dma_wait3A_1289] : memref<200x128xi32, #tpu.memory_space<vmem>> -> memref<1x128xi32, #tpu.memory_space<vmem>>
      %dma_wait3A_1291 = tpu.memref_squeeze %dma_wait3A_1290 : memref<1x128xi32, #tpu.memory_space<vmem>> -> memref<128xi32, #tpu.memory_space<vmem>>
      %dma_wait3A_1292 = arith.constant 0 : i32
      %dma_wait3A_1293 = tpu.memref_slice %arg10[%dma_wait3A_1292] : memref<1000000xi32, #tpu.memory_space<vmem_shared>> -> memref<1000000xi32, #tpu.memory_space<vmem_shared>>
      tpu.wait_indirect_dma semaphore(%arg18 : memref<!tpu.dma_semaphore, #tpu.memory_space<semaphore_mem>>) src(%dma_wait3A_1293 : memref<1000000xi32, #tpu.memory_space<vmem_shared>>) dst(%dma_wait3A_1288 : memref<128xi32, #tpu.memory_space<vmem>>)
      %get3A_1294 = arith.constant 7 : i32
      %get3A_1295 = arith.index_cast %get3A_1294 : i32 to index
      %get3A_1296 = arith.constant 0 : index
      %get3A_1297 = tpu.vector_load %arg7[%get3A_1295, %get3A_1296] {strides = array<i32>} : memref<20x128xi32, #tpu.memory_space<vmem>>, vector<1x16xi32>,
      %get3A_1298 = vector.shape_cast %get3A_1297 : vector<1x16xi32> to vector<16xi32>
      %and3A_1299 = arith.andi %get3A_1298, %broadcast_in_dim3A_11 : vector<16xi32>
      %bitcast_convert_type3A_1300 = tpu.bitcast %and3A_1299 : vector<16xi32> -> vector<16xf32>
      %shift_left3A_1301 = arith.constant 16 : i32
      %shift_left3A_1302 = vector.broadcast %shift_left3A_1301 : i32 to vector<16xi32>
      %shift_left3A_1303 = arith.shli %get3A_1298, %shift_left3A_1302 : vector<16xi32>
      %bitcast_convert_type3A_1304 = tpu.bitcast %shift_left3A_1303 : vector<16xi32> -> vector<16xf32>
      %add3A_1305 = arith.addf %add3A_1182, %bitcast_convert_type3A_1300 : vector<16xf32>
      %add3A_1306 = arith.addf %add3A_1183, %bitcast_convert_type3A_1304 : vector<16xf32>
      %get3A_1307 = arith.constant 7 : i32
      %get3A_1308 = arith.index_cast %get3A_1307 : i32 to index
      %get3A_1309 = arith.constant 16 : index
      %get3A_1310 = tpu.vector_load %arg7[%get3A_1308, %get3A_1309] {strides = array<i32>} : memref<20x128xi32, #tpu.memory_space<vmem>>, vector<1x16xi32>,
      %get3A_1311 = vector.shape_cast %get3A_1310 : vector<1x16xi32> to vector<16xi32>
      %and3A_1312 = arith.andi %get3A_1311, %broadcast_in_dim3A_11 : vector<16xi32>
      %bitcast_convert_type3A_1313 = tpu.bitcast %and3A_1312 : vector<16xi32> -> vector<16xf32>
      %shift_left3A_1314 = arith.constant 16 : i32
      %shift_left3A_1315 = vector.broadcast %shift_left3A_1314 : i32 to vector<16xi32>
      %shift_left3A_1316 = arith.shli %get3A_1311, %shift_left3A_1315 : vector<16xi32>
      %bitcast_convert_type3A_1317 = tpu.bitcast %shift_left3A_1316 : vector<16xi32> -> vector<16xf32>
      %add3A_1318 = arith.addf %add3A_1195, %bitcast_convert_type3A_1313 : vector<16xf32>
      %add3A_1319 = arith.addf %add3A_1196, %bitcast_convert_type3A_1317 : vector<16xf32>
      %get3A_1320 = arith.constant 7 : i32
      %get3A_1321 = arith.index_cast %get3A_1320 : i32 to index
      %get3A_1322 = arith.constant 32 : index
      %get3A_1323 = tpu.vector_load %arg7[%get3A_1321, %get3A_1322] {strides = array<i32>} : memref<20x128xi32, #tpu.memory_space<vmem>>, vector<1x16xi32>,
      %get3A_1324 = vector.shape_cast %get3A_1323 : vector<1x16xi32> to vector<16xi32>
      %and3A_1325 = arith.andi %get3A_1324, %broadcast_in_dim3A_11 : vector<16xi32>
      %bitcast_convert_type3A_1326 = tpu.bitcast %and3A_1325 : vector<16xi32> -> vector<16xf32>
      %shift_left3A_1327 = arith.constant 16 : i32
      %shift_left3A_1328 = vector.broadcast %shift_left3A_1327 : i32 to vector<16xi32>
      %shift_left3A_1329 = arith.shli %get3A_1324, %shift_left3A_1328 : vector<16xi32>
      %bitcast_convert_type3A_1330 = tpu.bitcast %shift_left3A_1329 : vector<16xi32> -> vector<16xf32>
      %add3A_1331 = arith.addf %add3A_1208, %bitcast_convert_type3A_1326 : vector<16xf32>
      %add3A_1332 = arith.addf %add3A_1209, %bitcast_convert_type3A_1330 : vector<16xf32>
      %get3A_1333 = arith.constant 7 : i32
      %get3A_1334 = arith.index_cast %get3A_1333 : i32 to index
      %get3A_1335 = arith.constant 48 : index
      %get3A_1336 = tpu.vector_load %arg7[%get3A_1334, %get3A_1335] {strides = array<i32>} : memref<20x128xi32, #tpu.memory_space<vmem>>, vector<1x16xi32>,
      %get3A_1337 = vector.shape_cast %get3A_1336 : vector<1x16xi32> to vector<16xi32>
      %and3A_1338 = arith.andi %get3A_1337, %broadcast_in_dim3A_11 : vector<16xi32>
      %bitcast_convert_type3A_1339 = tpu.bitcast %and3A_1338 : vector<16xi32> -> vector<16xf32>
      %shift_left3A_1340 = arith.constant 16 : i32
      %shift_left3A_1341 = vector.broadcast %shift_left3A_1340 : i32 to vector<16xi32>
      %shift_left3A_1342 = arith.shli %get3A_1337, %shift_left3A_1341 : vector<16xi32>
      %bitcast_convert_type3A_1343 = tpu.bitcast %shift_left3A_1342 : vector<16xi32> -> vector<16xf32>
      %add3A_1344 = arith.addf %add3A_1221, %bitcast_convert_type3A_1339 : vector<16xf32>
      %add3A_1345 = arith.addf %add3A_1222, %bitcast_convert_type3A_1343 : vector<16xf32>
      %get3A_1346 = arith.constant 7 : i32
      %get3A_1347 = arith.index_cast %get3A_1346 : i32 to index
      %get3A_1348 = arith.constant 64 : index
      %get3A_1349 = tpu.vector_load %arg7[%get3A_1347, %get3A_1348] {strides = array<i32>} : memref<20x128xi32, #tpu.memory_space<vmem>>, vector<1x16xi32>,
      %get3A_1350 = vector.shape_cast %get3A_1349 : vector<1x16xi32> to vector<16xi32>
      %and3A_1351 = arith.andi %get3A_1350, %broadcast_in_dim3A_11 : vector<16xi32>
      %bitcast_convert_type3A_1352 = tpu.bitcast %and3A_1351 : vector<16xi32> -> vector<16xf32>
      %shift_left3A_1353 = arith.constant 16 : i32
      %shift_left3A_1354 = vector.broadcast %shift_left3A_1353 : i32 to vector<16xi32>
      %shift_left3A_1355 = arith.shli %get3A_1350, %shift_left3A_1354 : vector<16xi32>
      %bitcast_convert_type3A_1356 = tpu.bitcast %shift_left3A_1355 : vector<16xi32> -> vector<16xf32>
      %add3A_1357 = arith.addf %add3A_1234, %bitcast_convert_type3A_1352 : vector<16xf32>
      %add3A_1358 = arith.addf %add3A_1235, %bitcast_convert_type3A_1356 : vector<16xf32>
      %get3A_1359 = arith.constant 7 : i32
      %get3A_1360 = arith.index_cast %get3A_1359 : i32 to index
      %get3A_1361 = arith.constant 80 : index
      %get3A_1362 = tpu.vector_load %arg7[%get3A_1360, %get3A_1361] {strides = array<i32>} : memref<20x128xi32, #tpu.memory_space<vmem>>, vector<1x16xi32>,
      %get3A_1363 = vector.shape_cast %get3A_1362 : vector<1x16xi32> to vector<16xi32>
      %and3A_1364 = arith.andi %get3A_1363, %broadcast_in_dim3A_11 : vector<16xi32>
      %bitcast_convert_type3A_1365 = tpu.bitcast %and3A_1364 : vector<16xi32> -> vector<16xf32>
      %shift_left3A_1366 = arith.constant 16 : i32
      %shift_left3A_1367 = vector.broadcast %shift_left3A_1366 : i32 to vector<16xi32>
      %shift_left3A_1368 = arith.shli %get3A_1363, %shift_left3A_1367 : vector<16xi32>
      %bitcast_convert_type3A_1369 = tpu.bitcast %shift_left3A_1368 : vector<16xi32> -> vector<16xf32>
      %add3A_1370 = arith.addf %add3A_1247, %bitcast_convert_type3A_1365 : vector<16xf32>
      %add3A_1371 = arith.addf %add3A_1248, %bitcast_convert_type3A_1369 : vector<16xf32>
      %get3A_1372 = arith.constant 7 : i32
      %get3A_1373 = arith.index_cast %get3A_1372 : i32 to index
      %get3A_1374 = arith.constant 96 : index
      %get3A_1375 = tpu.vector_load %arg7[%get3A_1373, %get3A_1374] {strides = array<i32>} : memref<20x128xi32, #tpu.memory_space<vmem>>, vector<1x16xi32>,
      %get3A_1376 = vector.shape_cast %get3A_1375 : vector<1x16xi32> to vector<16xi32>
      %and3A_1377 = arith.andi %get3A_1376, %broadcast_in_dim3A_11 : vector<16xi32>
      %bitcast_convert_type3A_1378 = tpu.bitcast %and3A_1377 : vector<16xi32> -> vector<16xf32>
      %shift_left3A_1379 = arith.constant 16 : i32
      %shift_left3A_1380 = vector.broadcast %shift_left3A_1379 : i32 to vector<16xi32>
      %shift_left3A_1381 = arith.shli %get3A_1376, %shift_left3A_1380 : vector<16xi32>
      %bitcast_convert_type3A_1382 = tpu.bitcast %shift_left3A_1381 : vector<16xi32> -> vector<16xf32>
      %add3A_1383 = arith.addf %add3A_1260, %bitcast_convert_type3A_1378 : vector<16xf32>
      %add3A_1384 = arith.addf %add3A_1261, %bitcast_convert_type3A_1382 : vector<16xf32>
      %get3A_1385 = arith.constant 7 : i32
      %get3A_1386 = arith.index_cast %get3A_1385 : i32 to index
      %get3A_1387 = arith.constant 112 : index
      %get3A_1388 = tpu.vector_load %arg7[%get3A_1386, %get3A_1387] {strides = array<i32>} : memref<20x128xi32, #tpu.memory_space<vmem>>, vector<1x16xi32>,
      %get3A_1389 = vector.shape_cast %get3A_1388 : vector<1x16xi32> to vector<16xi32>
      %and3A_1390 = arith.andi %get3A_1389, %broadcast_in_dim3A_11 : vector<16xi32>
      %bitcast_convert_type3A_1391 = tpu.bitcast %and3A_1390 : vector<16xi32> -> vector<16xf32>
      %shift_left3A_1392 = arith.constant 16 : i32
      %shift_left3A_1393 = vector.broadcast %shift_left3A_1392 : i32 to vector<16xi32>
      %shift_left3A_1394 = arith.shli %get3A_1389, %shift_left3A_1393 : vector<16xi32>
      %bitcast_convert_type3A_1395 = tpu.bitcast %shift_left3A_1394 : vector<16xi32> -> vector<16xf32>
      %add3A_1396 = arith.addf %add3A_1273, %bitcast_convert_type3A_1391 : vector<16xf32>
      %add3A_1397 = arith.addf %add3A_1274, %bitcast_convert_type3A_1395 : vector<16xf32>
      %add3A_1398 = arith.constant 7 : i32
      %add3A_1399 = arith.addi %mul3A_426, %add3A_1398 : i32
      %add3A_1400 = arith.constant 20 : i32
      %add3A_1401 = arith.addi %add3A_1399, %add3A_1400 : i32
      %lt3A_1402 = arith.constant 200 : i32
      %lt3A_1403 = arith.cmpi slt, %add3A_1401, %lt3A_1402 : i32
      %convert_element_type3A_1404 = arith.extui %lt3A_1403 : i1 to i32
      %cond3A_1405 = arith.constant 0 : i32
      %cond3A_1406 = arith.cmpi ne, %convert_element_type3A_1404, %cond3A_1405 : i32
      scf.if %cond3A_1406 {
        %add3A_2883 = arith.constant 7 : i32
        %add3A_2884 = arith.addi %mul3A_426, %add3A_2883 : i32
        %add3A_2885 = arith.constant 20 : i32
        %add3A_2886 = arith.addi %add3A_2884, %add3A_2885 : i32
        %dma_start3A_2887 = arith.constant 7 : i32
        %dma_start3A_2888 = arith.constant 0 : i32
        %dma_start3A_2889 = tpu.memref_slice %arg7[%dma_start3A_2887, %dma_start3A_2888] : memref<20x128xi32, #tpu.memory_space<vmem>> -> memref<1x128xi32, #tpu.memory_space<vmem>>
        %dma_start3A_2890 = tpu.memref_squeeze %dma_start3A_2889 : memref<1x128xi32, #tpu.memory_space<vmem>> -> memref<128xi32, #tpu.memory_space<vmem>>
        %dma_start3A_2891 = arith.constant 0 : i32
        %dma_start3A_2892 = tpu.memref_slice %arg6[%add3A_2886, %dma_start3A_2891] : memref<200x128xi32, #tpu.memory_space<vmem>> -> memref<1x128xi32, #tpu.memory_space<vmem>>
        %dma_start3A_2893 = tpu.memref_squeeze %dma_start3A_2892 : memref<1x128xi32, #tpu.memory_space<vmem>> -> memref<128xi32, #tpu.memory_space<vmem>>
        %dma_start3A_2894 = arith.constant 0 : i32
        %dma_start3A_2895 = tpu.memref_slice %arg10[%dma_start3A_2894] : memref<1000000xi32, #tpu.memory_space<vmem_shared>> -> memref<1000000xi32, #tpu.memory_space<vmem_shared>>
        tpu.enqueue_indirect_dma source(%dma_start3A_2895 : memref<1000000xi32, #tpu.memory_space<vmem_shared>>) target(%dma_start3A_2890 : memref<128xi32, #tpu.memory_space<vmem>>) offsets(%dma_start3A_2893 : memref<128xi32, #tpu.memory_space<vmem>>) semaphore(%arg18 : memref<!tpu.dma_semaphore, #tpu.memory_space<semaphore_mem>>)
      } else {
      }
      %dma_wait3A_1407 = arith.constant 0 : i32
      %dma_wait3A_1408 = arith.constant 8 : i32
      %dma_wait3A_1409 = arith.constant 0 : i32
      %dma_wait3A_1410 = tpu.memref_slice %arg7[%dma_wait3A_1408, %dma_wait3A_1409] : memref<20x128xi32, #tpu.memory_space<vmem>> -> memref<1x128xi32, #tpu.memory_space<vmem>>
      %dma_wait3A_1411 = tpu.memref_squeeze %dma_wait3A_1410 : memref<1x128xi32, #tpu.memory_space<vmem>> -> memref<128xi32, #tpu.memory_space<vmem>>
      %dma_wait3A_1412 = arith.constant 0 : i32
      %dma_wait3A_1413 = tpu.memref_slice %arg6[%dma_wait3A_1407, %dma_wait3A_1412] : memref<200x128xi32, #tpu.memory_space<vmem>> -> memref<1x128xi32, #tpu.memory_space<vmem>>
      %dma_wait3A_1414 = tpu.memref_squeeze %dma_wait3A_1413 : memref<1x128xi32, #tpu.memory_space<vmem>> -> memref<128xi32, #tpu.memory_space<vmem>>
      %dma_wait3A_1415 = arith.constant 0 : i32
      %dma_wait3A_1416 = tpu.memref_slice %arg10[%dma_wait3A_1415] : memref<1000000xi32, #tpu.memory_space<vmem_shared>> -> memref<1000000xi32, #tpu.memory_space<vmem_shared>>
      tpu.wait_indirect_dma semaphore(%arg19 : memref<!tpu.dma_semaphore, #tpu.memory_space<semaphore_mem>>) src(%dma_wait3A_1416 : memref<1000000xi32, #tpu.memory_space<vmem_shared>>) dst(%dma_wait3A_1411 : memref<128xi32, #tpu.memory_space<vmem>>)
      %get3A_1417 = arith.constant 8 : i32
      %get3A_1418 = arith.index_cast %get3A_1417 : i32 to index
      %get3A_1419 = arith.constant 0 : index
      %get3A_1420 = tpu.vector_load %arg7[%get3A_1418, %get3A_1419] {strides = array<i32>} : memref<20x128xi32, #tpu.memory_space<vmem>>, vector<1x16xi32>,
      %get3A_1421 = vector.shape_cast %get3A_1420 : vector<1x16xi32> to vector<16xi32>
      %and3A_1422 = arith.andi %get3A_1421, %broadcast_in_dim3A_11 : vector<16xi32>
      %bitcast_convert_type3A_1423 = tpu.bitcast %and3A_1422 : vector<16xi32> -> vector<16xf32>
      %shift_left3A_1424 = arith.constant 16 : i32
      %shift_left3A_1425 = vector.broadcast %shift_left3A_1424 : i32 to vector<16xi32>
      %shift_left3A_1426 = arith.shli %get3A_1421, %shift_left3A_1425 : vector<16xi32>
      %bitcast_convert_type3A_1427 = tpu.bitcast %shift_left3A_1426 : vector<16xi32> -> vector<16xf32>
      %add3A_1428 = arith.addf %add3A_1305, %bitcast_convert_type3A_1423 : vector<16xf32>
      %add3A_1429 = arith.addf %add3A_1306, %bitcast_convert_type3A_1427 : vector<16xf32>
      %get3A_1430 = arith.constant 8 : i32
      %get3A_1431 = arith.index_cast %get3A_1430 : i32 to index
      %get3A_1432 = arith.constant 16 : index
      %get3A_1433 = tpu.vector_load %arg7[%get3A_1431, %get3A_1432] {strides = array<i32>} : memref<20x128xi32, #tpu.memory_space<vmem>>, vector<1x16xi32>,
      %get3A_1434 = vector.shape_cast %get3A_1433 : vector<1x16xi32> to vector<16xi32>
      %and3A_1435 = arith.andi %get3A_1434, %broadcast_in_dim3A_11 : vector<16xi32>
      %bitcast_convert_type3A_1436 = tpu.bitcast %and3A_1435 : vector<16xi32> -> vector<16xf32>
      %shift_left3A_1437 = arith.constant 16 : i32
      %shift_left3A_1438 = vector.broadcast %shift_left3A_1437 : i32 to vector<16xi32>
      %shift_left3A_1439 = arith.shli %get3A_1434, %shift_left3A_1438 : vector<16xi32>
      %bitcast_convert_type3A_1440 = tpu.bitcast %shift_left3A_1439 : vector<16xi32> -> vector<16xf32>
      %add3A_1441 = arith.addf %add3A_1318, %bitcast_convert_type3A_1436 : vector<16xf32>
      %add3A_1442 = arith.addf %add3A_1319, %bitcast_convert_type3A_1440 : vector<16xf32>
      %get3A_1443 = arith.constant 8 : i32
      %get3A_1444 = arith.index_cast %get3A_1443 : i32 to index
      %get3A_1445 = arith.constant 32 : index
      %get3A_1446 = tpu.vector_load %arg7[%get3A_1444, %get3A_1445] {strides = array<i32>} : memref<20x128xi32, #tpu.memory_space<vmem>>, vector<1x16xi32>,
      %get3A_1447 = vector.shape_cast %get3A_1446 : vector<1x16xi32> to vector<16xi32>
      %and3A_1448 = arith.andi %get3A_1447, %broadcast_in_dim3A_11 : vector<16xi32>
      %bitcast_convert_type3A_1449 = tpu.bitcast %and3A_1448 : vector<16xi32> -> vector<16xf32>
      %shift_left3A_1450 = arith.constant 16 : i32
      %shift_left3A_1451 = vector.broadcast %shift_left3A_1450 : i32 to vector<16xi32>
      %shift_left3A_1452 = arith.shli %get3A_1447, %shift_left3A_1451 : vector<16xi32>
      %bitcast_convert_type3A_1453 = tpu.bitcast %shift_left3A_1452 : vector<16xi32> -> vector<16xf32>
      %add3A_1454 = arith.addf %add3A_1331, %bitcast_convert_type3A_1449 : vector<16xf32>
      %add3A_1455 = arith.addf %add3A_1332, %bitcast_convert_type3A_1453 : vector<16xf32>
      %get3A_1456 = arith.constant 8 : i32
      %get3A_1457 = arith.index_cast %get3A_1456 : i32 to index
      %get3A_1458 = arith.constant 48 : index
      %get3A_1459 = tpu.vector_load %arg7[%get3A_1457, %get3A_1458] {strides = array<i32>} : memref<20x128xi32, #tpu.memory_space<vmem>>, vector<1x16xi32>,
      %get3A_1460 = vector.shape_cast %get3A_1459 : vector<1x16xi32> to vector<16xi32>
      %and3A_1461 = arith.andi %get3A_1460, %broadcast_in_dim3A_11 : vector<16xi32>
      %bitcast_convert_type3A_1462 = tpu.bitcast %and3A_1461 : vector<16xi32> -> vector<16xf32>
      %shift_left3A_1463 = arith.constant 16 : i32
      %shift_left3A_1464 = vector.broadcast %shift_left3A_1463 : i32 to vector<16xi32>
      %shift_left3A_1465 = arith.shli %get3A_1460, %shift_left3A_1464 : vector<16xi32>
      %bitcast_convert_type3A_1466 = tpu.bitcast %shift_left3A_1465 : vector<16xi32> -> vector<16xf32>
      %add3A_1467 = arith.addf %add3A_1344, %bitcast_convert_type3A_1462 : vector<16xf32>
      %add3A_1468 = arith.addf %add3A_1345, %bitcast_convert_type3A_1466 : vector<16xf32>
      %get3A_1469 = arith.constant 8 : i32
      %get3A_1470 = arith.index_cast %get3A_1469 : i32 to index
      %get3A_1471 = arith.constant 64 : index
      %get3A_1472 = tpu.vector_load %arg7[%get3A_1470, %get3A_1471] {strides = array<i32>} : memref<20x128xi32, #tpu.memory_space<vmem>>, vector<1x16xi32>,
      %get3A_1473 = vector.shape_cast %get3A_1472 : vector<1x16xi32> to vector<16xi32>
      %and3A_1474 = arith.andi %get3A_1473, %broadcast_in_dim3A_11 : vector<16xi32>
      %bitcast_convert_type3A_1475 = tpu.bitcast %and3A_1474 : vector<16xi32> -> vector<16xf32>
      %shift_left3A_1476 = arith.constant 16 : i32
      %shift_left3A_1477 = vector.broadcast %shift_left3A_1476 : i32 to vector<16xi32>
      %shift_left3A_1478 = arith.shli %get3A_1473, %shift_left3A_1477 : vector<16xi32>
      %bitcast_convert_type3A_1479 = tpu.bitcast %shift_left3A_1478 : vector<16xi32> -> vector<16xf32>
      %add3A_1480 = arith.addf %add3A_1357, %bitcast_convert_type3A_1475 : vector<16xf32>
      %add3A_1481 = arith.addf %add3A_1358, %bitcast_convert_type3A_1479 : vector<16xf32>
      %get3A_1482 = arith.constant 8 : i32
      %get3A_1483 = arith.index_cast %get3A_1482 : i32 to index
      %get3A_1484 = arith.constant 80 : index
      %get3A_1485 = tpu.vector_load %arg7[%get3A_1483, %get3A_1484] {strides = array<i32>} : memref<20x128xi32, #tpu.memory_space<vmem>>, vector<1x16xi32>,
      %get3A_1486 = vector.shape_cast %get3A_1485 : vector<1x16xi32> to vector<16xi32>
      %and3A_1487 = arith.andi %get3A_1486, %broadcast_in_dim3A_11 : vector<16xi32>
      %bitcast_convert_type3A_1488 = tpu.bitcast %and3A_1487 : vector<16xi32> -> vector<16xf32>
      %shift_left3A_1489 = arith.constant 16 : i32
      %shift_left3A_1490 = vector.broadcast %shift_left3A_1489 : i32 to vector<16xi32>
      %shift_left3A_1491 = arith.shli %get3A_1486, %shift_left3A_1490 : vector<16xi32>
      %bitcast_convert_type3A_1492 = tpu.bitcast %shift_left3A_1491 : vector<16xi32> -> vector<16xf32>
      %add3A_1493 = arith.addf %add3A_1370, %bitcast_convert_type3A_1488 : vector<16xf32>
      %add3A_1494 = arith.addf %add3A_1371, %bitcast_convert_type3A_1492 : vector<16xf32>
      %get3A_1495 = arith.constant 8 : i32
      %get3A_1496 = arith.index_cast %get3A_1495 : i32 to index
      %get3A_1497 = arith.constant 96 : index
      %get3A_1498 = tpu.vector_load %arg7[%get3A_1496, %get3A_1497] {strides = array<i32>} : memref<20x128xi32, #tpu.memory_space<vmem>>, vector<1x16xi32>,
      %get3A_1499 = vector.shape_cast %get3A_1498 : vector<1x16xi32> to vector<16xi32>
      %and3A_1500 = arith.andi %get3A_1499, %broadcast_in_dim3A_11 : vector<16xi32>
      %bitcast_convert_type3A_1501 = tpu.bitcast %and3A_1500 : vector<16xi32> -> vector<16xf32>
      %shift_left3A_1502 = arith.constant 16 : i32
      %shift_left3A_1503 = vector.broadcast %shift_left3A_1502 : i32 to vector<16xi32>
      %shift_left3A_1504 = arith.shli %get3A_1499, %shift_left3A_1503 : vector<16xi32>
      %bitcast_convert_type3A_1505 = tpu.bitcast %shift_left3A_1504 : vector<16xi32> -> vector<16xf32>
      %add3A_1506 = arith.addf %add3A_1383, %bitcast_convert_type3A_1501 : vector<16xf32>
      %add3A_1507 = arith.addf %add3A_1384, %bitcast_convert_type3A_1505 : vector<16xf32>
      %get3A_1508 = arith.constant 8 : i32
      %get3A_1509 = arith.index_cast %get3A_1508 : i32 to index
      %get3A_1510 = arith.constant 112 : index
      %get3A_1511 = tpu.vector_load %arg7[%get3A_1509, %get3A_1510] {strides = array<i32>} : memref<20x128xi32, #tpu.memory_space<vmem>>, vector<1x16xi32>,
      %get3A_1512 = vector.shape_cast %get3A_1511 : vector<1x16xi32> to vector<16xi32>
      %and3A_1513 = arith.andi %get3A_1512, %broadcast_in_dim3A_11 : vector<16xi32>
      %bitcast_convert_type3A_1514 = tpu.bitcast %and3A_1513 : vector<16xi32> -> vector<16xf32>
      %shift_left3A_1515 = arith.constant 16 : i32
      %shift_left3A_1516 = vector.broadcast %shift_left3A_1515 : i32 to vector<16xi32>
      %shift_left3A_1517 = arith.shli %get3A_1512, %shift_left3A_1516 : vector<16xi32>
      %bitcast_convert_type3A_1518 = tpu.bitcast %shift_left3A_1517 : vector<16xi32> -> vector<16xf32>
      %add3A_1519 = arith.addf %add3A_1396, %bitcast_convert_type3A_1514 : vector<16xf32>
      %add3A_1520 = arith.addf %add3A_1397, %bitcast_convert_type3A_1518 : vector<16xf32>
      %add3A_1521 = arith.constant 8 : i32
      %add3A_1522 = arith.addi %mul3A_426, %add3A_1521 : i32
      %add3A_1523 = arith.constant 20 : i32
      %add3A_1524 = arith.addi %add3A_1522, %add3A_1523 : i32
      %lt3A_1525 = arith.constant 200 : i32
      %lt3A_1526 = arith.cmpi slt, %add3A_1524, %lt3A_1525 : i32
      %convert_element_type3A_1527 = arith.extui %lt3A_1526 : i1 to i32
      %cond3A_1528 = arith.constant 0 : i32
      %cond3A_1529 = arith.cmpi ne, %convert_element_type3A_1527, %cond3A_1528 : i32
      scf.if %cond3A_1529 {
        %add3A_2883 = arith.constant 8 : i32
        %add3A_2884 = arith.addi %mul3A_426, %add3A_2883 : i32
        %add3A_2885 = arith.constant 20 : i32
        %add3A_2886 = arith.addi %add3A_2884, %add3A_2885 : i32
        %dma_start3A_2887 = arith.constant 8 : i32
        %dma_start3A_2888 = arith.constant 0 : i32
        %dma_start3A_2889 = tpu.memref_slice %arg7[%dma_start3A_2887, %dma_start3A_2888] : memref<20x128xi32, #tpu.memory_space<vmem>> -> memref<1x128xi32, #tpu.memory_space<vmem>>
        %dma_start3A_2890 = tpu.memref_squeeze %dma_start3A_2889 : memref<1x128xi32, #tpu.memory_space<vmem>> -> memref<128xi32, #tpu.memory_space<vmem>>
        %dma_start3A_2891 = arith.constant 0 : i32
        %dma_start3A_2892 = tpu.memref_slice %arg6[%add3A_2886, %dma_start3A_2891] : memref<200x128xi32, #tpu.memory_space<vmem>> -> memref<1x128xi32, #tpu.memory_space<vmem>>
        %dma_start3A_2893 = tpu.memref_squeeze %dma_start3A_2892 : memref<1x128xi32, #tpu.memory_space<vmem>> -> memref<128xi32, #tpu.memory_space<vmem>>
        %dma_start3A_2894 = arith.constant 0 : i32
        %dma_start3A_2895 = tpu.memref_slice %arg10[%dma_start3A_2894] : memref<1000000xi32, #tpu.memory_space<vmem_shared>> -> memref<1000000xi32, #tpu.memory_space<vmem_shared>>
        tpu.enqueue_indirect_dma source(%dma_start3A_2895 : memref<1000000xi32, #tpu.memory_space<vmem_shared>>) target(%dma_start3A_2890 : memref<128xi32, #tpu.memory_space<vmem>>) offsets(%dma_start3A_2893 : memref<128xi32, #tpu.memory_space<vmem>>) semaphore(%arg19 : memref<!tpu.dma_semaphore, #tpu.memory_space<semaphore_mem>>)
      } else {
      }
      %dma_wait3A_1530 = arith.constant 0 : i32
      %dma_wait3A_1531 = arith.constant 9 : i32
      %dma_wait3A_1532 = arith.constant 0 : i32
      %dma_wait3A_1533 = tpu.memref_slice %arg7[%dma_wait3A_1531, %dma_wait3A_1532] : memref<20x128xi32, #tpu.memory_space<vmem>> -> memref<1x128xi32, #tpu.memory_space<vmem>>
      %dma_wait3A_1534 = tpu.memref_squeeze %dma_wait3A_1533 : memref<1x128xi32, #tpu.memory_space<vmem>> -> memref<128xi32, #tpu.memory_space<vmem>>
      %dma_wait3A_1535 = arith.constant 0 : i32
      %dma_wait3A_1536 = tpu.memref_slice %arg6[%dma_wait3A_1530, %dma_wait3A_1535] : memref<200x128xi32, #tpu.memory_space<vmem>> -> memref<1x128xi32, #tpu.memory_space<vmem>>
      %dma_wait3A_1537 = tpu.memref_squeeze %dma_wait3A_1536 : memref<1x128xi32, #tpu.memory_space<vmem>> -> memref<128xi32, #tpu.memory_space<vmem>>
      %dma_wait3A_1538 = arith.constant 0 : i32
      %dma_wait3A_1539 = tpu.memref_slice %arg10[%dma_wait3A_1538] : memref<1000000xi32, #tpu.memory_space<vmem_shared>> -> memref<1000000xi32, #tpu.memory_space<vmem_shared>>
      tpu.wait_indirect_dma semaphore(%arg20 : memref<!tpu.dma_semaphore, #tpu.memory_space<semaphore_mem>>) src(%dma_wait3A_1539 : memref<1000000xi32, #tpu.memory_space<vmem_shared>>) dst(%dma_wait3A_1534 : memref<128xi32, #tpu.memory_space<vmem>>)
      %get3A_1540 = arith.constant 9 : i32
      %get3A_1541 = arith.index_cast %get3A_1540 : i32 to index
      %get3A_1542 = arith.constant 0 : index
      %get3A_1543 = tpu.vector_load %arg7[%get3A_1541, %get3A_1542] {strides = array<i32>} : memref<20x128xi32, #tpu.memory_space<vmem>>, vector<1x16xi32>,
      %get3A_1544 = vector.shape_cast %get3A_1543 : vector<1x16xi32> to vector<16xi32>
      %and3A_1545 = arith.andi %get3A_1544, %broadcast_in_dim3A_11 : vector<16xi32>
      %bitcast_convert_type3A_1546 = tpu.bitcast %and3A_1545 : vector<16xi32> -> vector<16xf32>
      %shift_left3A_1547 = arith.constant 16 : i32
      %shift_left3A_1548 = vector.broadcast %shift_left3A_1547 : i32 to vector<16xi32>
      %shift_left3A_1549 = arith.shli %get3A_1544, %shift_left3A_1548 : vector<16xi32>
      %bitcast_convert_type3A_1550 = tpu.bitcast %shift_left3A_1549 : vector<16xi32> -> vector<16xf32>
      %add3A_1551 = arith.addf %add3A_1428, %bitcast_convert_type3A_1546 : vector<16xf32>
      %add3A_1552 = arith.addf %add3A_1429, %bitcast_convert_type3A_1550 : vector<16xf32>
      %get3A_1553 = arith.constant 9 : i32
      %get3A_1554 = arith.index_cast %get3A_1553 : i32 to index
      %get3A_1555 = arith.constant 16 : index
      %get3A_1556 = tpu.vector_load %arg7[%get3A_1554, %get3A_1555] {strides = array<i32>} : memref<20x128xi32, #tpu.memory_space<vmem>>, vector<1x16xi32>,
      %get3A_1557 = vector.shape_cast %get3A_1556 : vector<1x16xi32> to vector<16xi32>
      %and3A_1558 = arith.andi %get3A_1557, %broadcast_in_dim3A_11 : vector<16xi32>
      %bitcast_convert_type3A_1559 = tpu.bitcast %and3A_1558 : vector<16xi32> -> vector<16xf32>
      %shift_left3A_1560 = arith.constant 16 : i32
      %shift_left3A_1561 = vector.broadcast %shift_left3A_1560 : i32 to vector<16xi32>
      %shift_left3A_1562 = arith.shli %get3A_1557, %shift_left3A_1561 : vector<16xi32>
      %bitcast_convert_type3A_1563 = tpu.bitcast %shift_left3A_1562 : vector<16xi32> -> vector<16xf32>
      %add3A_1564 = arith.addf %add3A_1441, %bitcast_convert_type3A_1559 : vector<16xf32>
      %add3A_1565 = arith.addf %add3A_1442, %bitcast_convert_type3A_1563 : vector<16xf32>
      %get3A_1566 = arith.constant 9 : i32
      %get3A_1567 = arith.index_cast %get3A_1566 : i32 to index
      %get3A_1568 = arith.constant 32 : index
      %get3A_1569 = tpu.vector_load %arg7[%get3A_1567, %get3A_1568] {strides = array<i32>} : memref<20x128xi32, #tpu.memory_space<vmem>>, vector<1x16xi32>,
      %get3A_1570 = vector.shape_cast %get3A_1569 : vector<1x16xi32> to vector<16xi32>
      %and3A_1571 = arith.andi %get3A_1570, %broadcast_in_dim3A_11 : vector<16xi32>
      %bitcast_convert_type3A_1572 = tpu.bitcast %and3A_1571 : vector<16xi32> -> vector<16xf32>
      %shift_left3A_1573 = arith.constant 16 : i32
      %shift_left3A_1574 = vector.broadcast %shift_left3A_1573 : i32 to vector<16xi32>
      %shift_left3A_1575 = arith.shli %get3A_1570, %shift_left3A_1574 : vector<16xi32>
      %bitcast_convert_type3A_1576 = tpu.bitcast %shift_left3A_1575 : vector<16xi32> -> vector<16xf32>
      %add3A_1577 = arith.addf %add3A_1454, %bitcast_convert_type3A_1572 : vector<16xf32>
      %add3A_1578 = arith.addf %add3A_1455, %bitcast_convert_type3A_1576 : vector<16xf32>
      %get3A_1579 = arith.constant 9 : i32
      %get3A_1580 = arith.index_cast %get3A_1579 : i32 to index
      %get3A_1581 = arith.constant 48 : index
      %get3A_1582 = tpu.vector_load %arg7[%get3A_1580, %get3A_1581] {strides = array<i32>} : memref<20x128xi32, #tpu.memory_space<vmem>>, vector<1x16xi32>,
      %get3A_1583 = vector.shape_cast %get3A_1582 : vector<1x16xi32> to vector<16xi32>
      %and3A_1584 = arith.andi %get3A_1583, %broadcast_in_dim3A_11 : vector<16xi32>
      %bitcast_convert_type3A_1585 = tpu.bitcast %and3A_1584 : vector<16xi32> -> vector<16xf32>
      %shift_left3A_1586 = arith.constant 16 : i32
      %shift_left3A_1587 = vector.broadcast %shift_left3A_1586 : i32 to vector<16xi32>
      %shift_left3A_1588 = arith.shli %get3A_1583, %shift_left3A_1587 : vector<16xi32>
      %bitcast_convert_type3A_1589 = tpu.bitcast %shift_left3A_1588 : vector<16xi32> -> vector<16xf32>
      %add3A_1590 = arith.addf %add3A_1467, %bitcast_convert_type3A_1585 : vector<16xf32>
      %add3A_1591 = arith.addf %add3A_1468, %bitcast_convert_type3A_1589 : vector<16xf32>
      %get3A_1592 = arith.constant 9 : i32
      %get3A_1593 = arith.index_cast %get3A_1592 : i32 to index
      %get3A_1594 = arith.constant 64 : index
      %get3A_1595 = tpu.vector_load %arg7[%get3A_1593, %get3A_1594] {strides = array<i32>} : memref<20x128xi32, #tpu.memory_space<vmem>>, vector<1x16xi32>,
      %get3A_1596 = vector.shape_cast %get3A_1595 : vector<1x16xi32> to vector<16xi32>
      %and3A_1597 = arith.andi %get3A_1596, %broadcast_in_dim3A_11 : vector<16xi32>
      %bitcast_convert_type3A_1598 = tpu.bitcast %and3A_1597 : vector<16xi32> -> vector<16xf32>
      %shift_left3A_1599 = arith.constant 16 : i32
      %shift_left3A_1600 = vector.broadcast %shift_left3A_1599 : i32 to vector<16xi32>
      %shift_left3A_1601 = arith.shli %get3A_1596, %shift_left3A_1600 : vector<16xi32>
      %bitcast_convert_type3A_1602 = tpu.bitcast %shift_left3A_1601 : vector<16xi32> -> vector<16xf32>
      %add3A_1603 = arith.addf %add3A_1480, %bitcast_convert_type3A_1598 : vector<16xf32>
      %add3A_1604 = arith.addf %add3A_1481, %bitcast_convert_type3A_1602 : vector<16xf32>
      %get3A_1605 = arith.constant 9 : i32
      %get3A_1606 = arith.index_cast %get3A_1605 : i32 to index
      %get3A_1607 = arith.constant 80 : index
      %get3A_1608 = tpu.vector_load %arg7[%get3A_1606, %get3A_1607] {strides = array<i32>} : memref<20x128xi32, #tpu.memory_space<vmem>>, vector<1x16xi32>,
      %get3A_1609 = vector.shape_cast %get3A_1608 : vector<1x16xi32> to vector<16xi32>
      %and3A_1610 = arith.andi %get3A_1609, %broadcast_in_dim3A_11 : vector<16xi32>
      %bitcast_convert_type3A_1611 = tpu.bitcast %and3A_1610 : vector<16xi32> -> vector<16xf32>
      %shift_left3A_1612 = arith.constant 16 : i32
      %shift_left3A_1613 = vector.broadcast %shift_left3A_1612 : i32 to vector<16xi32>
      %shift_left3A_1614 = arith.shli %get3A_1609, %shift_left3A_1613 : vector<16xi32>
      %bitcast_convert_type3A_1615 = tpu.bitcast %shift_left3A_1614 : vector<16xi32> -> vector<16xf32>
      %add3A_1616 = arith.addf %add3A_1493, %bitcast_convert_type3A_1611 : vector<16xf32>
      %add3A_1617 = arith.addf %add3A_1494, %bitcast_convert_type3A_1615 : vector<16xf32>
      %get3A_1618 = arith.constant 9 : i32
      %get3A_1619 = arith.index_cast %get3A_1618 : i32 to index
      %get3A_1620 = arith.constant 96 : index
      %get3A_1621 = tpu.vector_load %arg7[%get3A_1619, %get3A_1620] {strides = array<i32>} : memref<20x128xi32, #tpu.memory_space<vmem>>, vector<1x16xi32>,
      %get3A_1622 = vector.shape_cast %get3A_1621 : vector<1x16xi32> to vector<16xi32>
      %and3A_1623 = arith.andi %get3A_1622, %broadcast_in_dim3A_11 : vector<16xi32>
      %bitcast_convert_type3A_1624 = tpu.bitcast %and3A_1623 : vector<16xi32> -> vector<16xf32>
      %shift_left3A_1625 = arith.constant 16 : i32
      %shift_left3A_1626 = vector.broadcast %shift_left3A_1625 : i32 to vector<16xi32>
      %shift_left3A_1627 = arith.shli %get3A_1622, %shift_left3A_1626 : vector<16xi32>
      %bitcast_convert_type3A_1628 = tpu.bitcast %shift_left3A_1627 : vector<16xi32> -> vector<16xf32>
      %add3A_1629 = arith.addf %add3A_1506, %bitcast_convert_type3A_1624 : vector<16xf32>
      %add3A_1630 = arith.addf %add3A_1507, %bitcast_convert_type3A_1628 : vector<16xf32>
      %get3A_1631 = arith.constant 9 : i32
      %get3A_1632 = arith.index_cast %get3A_1631 : i32 to index
      %get3A_1633 = arith.constant 112 : index
      %get3A_1634 = tpu.vector_load %arg7[%get3A_1632, %get3A_1633] {strides = array<i32>} : memref<20x128xi32, #tpu.memory_space<vmem>>, vector<1x16xi32>,
      %get3A_1635 = vector.shape_cast %get3A_1634 : vector<1x16xi32> to vector<16xi32>
      %and3A_1636 = arith.andi %get3A_1635, %broadcast_in_dim3A_11 : vector<16xi32>
      %bitcast_convert_type3A_1637 = tpu.bitcast %and3A_1636 : vector<16xi32> -> vector<16xf32>
      %shift_left3A_1638 = arith.constant 16 : i32
      %shift_left3A_1639 = vector.broadcast %shift_left3A_1638 : i32 to vector<16xi32>
      %shift_left3A_1640 = arith.shli %get3A_1635, %shift_left3A_1639 : vector<16xi32>
      %bitcast_convert_type3A_1641 = tpu.bitcast %shift_left3A_1640 : vector<16xi32> -> vector<16xf32>
      %add3A_1642 = arith.addf %add3A_1519, %bitcast_convert_type3A_1637 : vector<16xf32>
      %add3A_1643 = arith.addf %add3A_1520, %bitcast_convert_type3A_1641 : vector<16xf32>
      %add3A_1644 = arith.constant 9 : i32
      %add3A_1645 = arith.addi %mul3A_426, %add3A_1644 : i32
      %add3A_1646 = arith.constant 20 : i32
      %add3A_1647 = arith.addi %add3A_1645, %add3A_1646 : i32
      %lt3A_1648 = arith.constant 200 : i32
      %lt3A_1649 = arith.cmpi slt, %add3A_1647, %lt3A_1648 : i32
      %convert_element_type3A_1650 = arith.extui %lt3A_1649 : i1 to i32
      %cond3A_1651 = arith.constant 0 : i32
      %cond3A_1652 = arith.cmpi ne, %convert_element_type3A_1650, %cond3A_1651 : i32
      scf.if %cond3A_1652 {
        %add3A_2883 = arith.constant 9 : i32
        %add3A_2884 = arith.addi %mul3A_426, %add3A_2883 : i32
        %add3A_2885 = arith.constant 20 : i32
        %add3A_2886 = arith.addi %add3A_2884, %add3A_2885 : i32
        %dma_start3A_2887 = arith.constant 9 : i32
        %dma_start3A_2888 = arith.constant 0 : i32
        %dma_start3A_2889 = tpu.memref_slice %arg7[%dma_start3A_2887, %dma_start3A_2888] : memref<20x128xi32, #tpu.memory_space<vmem>> -> memref<1x128xi32, #tpu.memory_space<vmem>>
        %dma_start3A_2890 = tpu.memref_squeeze %dma_start3A_2889 : memref<1x128xi32, #tpu.memory_space<vmem>> -> memref<128xi32, #tpu.memory_space<vmem>>
        %dma_start3A_2891 = arith.constant 0 : i32
        %dma_start3A_2892 = tpu.memref_slice %arg6[%add3A_2886, %dma_start3A_2891] : memref<200x128xi32, #tpu.memory_space<vmem>> -> memref<1x128xi32, #tpu.memory_space<vmem>>
        %dma_start3A_2893 = tpu.memref_squeeze %dma_start3A_2892 : memref<1x128xi32, #tpu.memory_space<vmem>> -> memref<128xi32, #tpu.memory_space<vmem>>
        %dma_start3A_2894 = arith.constant 0 : i32
        %dma_start3A_2895 = tpu.memref_slice %arg10[%dma_start3A_2894] : memref<1000000xi32, #tpu.memory_space<vmem_shared>> -> memref<1000000xi32, #tpu.memory_space<vmem_shared>>
        tpu.enqueue_indirect_dma source(%dma_start3A_2895 : memref<1000000xi32, #tpu.memory_space<vmem_shared>>) target(%dma_start3A_2890 : memref<128xi32, #tpu.memory_space<vmem>>) offsets(%dma_start3A_2893 : memref<128xi32, #tpu.memory_space<vmem>>) semaphore(%arg20 : memref<!tpu.dma_semaphore, #tpu.memory_space<semaphore_mem>>)
      } else {
      }
      %dma_wait3A_1653 = arith.constant 0 : i32
      %dma_wait3A_1654 = arith.constant 10 : i32
      %dma_wait3A_1655 = arith.constant 0 : i32
      %dma_wait3A_1656 = tpu.memref_slice %arg7[%dma_wait3A_1654, %dma_wait3A_1655] : memref<20x128xi32, #tpu.memory_space<vmem>> -> memref<1x128xi32, #tpu.memory_space<vmem>>
      %dma_wait3A_1657 = tpu.memref_squeeze %dma_wait3A_1656 : memref<1x128xi32, #tpu.memory_space<vmem>> -> memref<128xi32, #tpu.memory_space<vmem>>
      %dma_wait3A_1658 = arith.constant 0 : i32
      %dma_wait3A_1659 = tpu.memref_slice %arg6[%dma_wait3A_1653, %dma_wait3A_1658] : memref<200x128xi32, #tpu.memory_space<vmem>> -> memref<1x128xi32, #tpu.memory_space<vmem>>
      %dma_wait3A_1660 = tpu.memref_squeeze %dma_wait3A_1659 : memref<1x128xi32, #tpu.memory_space<vmem>> -> memref<128xi32, #tpu.memory_space<vmem>>
      %dma_wait3A_1661 = arith.constant 0 : i32
      %dma_wait3A_1662 = tpu.memref_slice %arg10[%dma_wait3A_1661] : memref<1000000xi32, #tpu.memory_space<vmem_shared>> -> memref<1000000xi32, #tpu.memory_space<vmem_shared>>
      tpu.wait_indirect_dma semaphore(%arg21 : memref<!tpu.dma_semaphore, #tpu.memory_space<semaphore_mem>>) src(%dma_wait3A_1662 : memref<1000000xi32, #tpu.memory_space<vmem_shared>>) dst(%dma_wait3A_1657 : memref<128xi32, #tpu.memory_space<vmem>>)
      %get3A_1663 = arith.constant 10 : i32
      %get3A_1664 = arith.index_cast %get3A_1663 : i32 to index
      %get3A_1665 = arith.constant 0 : index
      %get3A_1666 = tpu.vector_load %arg7[%get3A_1664, %get3A_1665] {strides = array<i32>} : memref<20x128xi32, #tpu.memory_space<vmem>>, vector<1x16xi32>,
      %get3A_1667 = vector.shape_cast %get3A_1666 : vector<1x16xi32> to vector<16xi32>
      %and3A_1668 = arith.andi %get3A_1667, %broadcast_in_dim3A_11 : vector<16xi32>
      %bitcast_convert_type3A_1669 = tpu.bitcast %and3A_1668 : vector<16xi32> -> vector<16xf32>
      %shift_left3A_1670 = arith.constant 16 : i32
      %shift_left3A_1671 = vector.broadcast %shift_left3A_1670 : i32 to vector<16xi32>
      %shift_left3A_1672 = arith.shli %get3A_1667, %shift_left3A_1671 : vector<16xi32>
      %bitcast_convert_type3A_1673 = tpu.bitcast %shift_left3A_1672 : vector<16xi32> -> vector<16xf32>
      %add3A_1674 = arith.addf %add3A_1551, %bitcast_convert_type3A_1669 : vector<16xf32>
      %add3A_1675 = arith.addf %add3A_1552, %bitcast_convert_type3A_1673 : vector<16xf32>
      %get3A_1676 = arith.constant 10 : i32
      %get3A_1677 = arith.index_cast %get3A_1676 : i32 to index
      %get3A_1678 = arith.constant 16 : index
      %get3A_1679 = tpu.vector_load %arg7[%get3A_1677, %get3A_1678] {strides = array<i32>} : memref<20x128xi32, #tpu.memory_space<vmem>>, vector<1x16xi32>,
      %get3A_1680 = vector.shape_cast %get3A_1679 : vector<1x16xi32> to vector<16xi32>
      %and3A_1681 = arith.andi %get3A_1680, %broadcast_in_dim3A_11 : vector<16xi32>
      %bitcast_convert_type3A_1682 = tpu.bitcast %and3A_1681 : vector<16xi32> -> vector<16xf32>
      %shift_left3A_1683 = arith.constant 16 : i32
      %shift_left3A_1684 = vector.broadcast %shift_left3A_1683 : i32 to vector<16xi32>
      %shift_left3A_1685 = arith.shli %get3A_1680, %shift_left3A_1684 : vector<16xi32>
      %bitcast_convert_type3A_1686 = tpu.bitcast %shift_left3A_1685 : vector<16xi32> -> vector<16xf32>
      %add3A_1687 = arith.addf %add3A_1564, %bitcast_convert_type3A_1682 : vector<16xf32>
      %add3A_1688 = arith.addf %add3A_1565, %bitcast_convert_type3A_1686 : vector<16xf32>
      %get3A_1689 = arith.constant 10 : i32
      %get3A_1690 = arith.index_cast %get3A_1689 : i32 to index
      %get3A_1691 = arith.constant 32 : index
      %get3A_1692 = tpu.vector_load %arg7[%get3A_1690, %get3A_1691] {strides = array<i32>} : memref<20x128xi32, #tpu.memory_space<vmem>>, vector<1x16xi32>,
      %get3A_1693 = vector.shape_cast %get3A_1692 : vector<1x16xi32> to vector<16xi32>
      %and3A_1694 = arith.andi %get3A_1693, %broadcast_in_dim3A_11 : vector<16xi32>
      %bitcast_convert_type3A_1695 = tpu.bitcast %and3A_1694 : vector<16xi32> -> vector<16xf32>
      %shift_left3A_1696 = arith.constant 16 : i32
      %shift_left3A_1697 = vector.broadcast %shift_left3A_1696 : i32 to vector<16xi32>
      %shift_left3A_1698 = arith.shli %get3A_1693, %shift_left3A_1697 : vector<16xi32>
      %bitcast_convert_type3A_1699 = tpu.bitcast %shift_left3A_1698 : vector<16xi32> -> vector<16xf32>
      %add3A_1700 = arith.addf %add3A_1577, %bitcast_convert_type3A_1695 : vector<16xf32>
      %add3A_1701 = arith.addf %add3A_1578, %bitcast_convert_type3A_1699 : vector<16xf32>
      %get3A_1702 = arith.constant 10 : i32
      %get3A_1703 = arith.index_cast %get3A_1702 : i32 to index
      %get3A_1704 = arith.constant 48 : index
      %get3A_1705 = tpu.vector_load %arg7[%get3A_1703, %get3A_1704] {strides = array<i32>} : memref<20x128xi32, #tpu.memory_space<vmem>>, vector<1x16xi32>,
      %get3A_1706 = vector.shape_cast %get3A_1705 : vector<1x16xi32> to vector<16xi32>
      %and3A_1707 = arith.andi %get3A_1706, %broadcast_in_dim3A_11 : vector<16xi32>
      %bitcast_convert_type3A_1708 = tpu.bitcast %and3A_1707 : vector<16xi32> -> vector<16xf32>
      %shift_left3A_1709 = arith.constant 16 : i32
      %shift_left3A_1710 = vector.broadcast %shift_left3A_1709 : i32 to vector<16xi32>
      %shift_left3A_1711 = arith.shli %get3A_1706, %shift_left3A_1710 : vector<16xi32>
      %bitcast_convert_type3A_1712 = tpu.bitcast %shift_left3A_1711 : vector<16xi32> -> vector<16xf32>
      %add3A_1713 = arith.addf %add3A_1590, %bitcast_convert_type3A_1708 : vector<16xf32>
      %add3A_1714 = arith.addf %add3A_1591, %bitcast_convert_type3A_1712 : vector<16xf32>
      %get3A_1715 = arith.constant 10 : i32
      %get3A_1716 = arith.index_cast %get3A_1715 : i32 to index
      %get3A_1717 = arith.constant 64 : index
      %get3A_1718 = tpu.vector_load %arg7[%get3A_1716, %get3A_1717] {strides = array<i32>} : memref<20x128xi32, #tpu.memory_space<vmem>>, vector<1x16xi32>,
      %get3A_1719 = vector.shape_cast %get3A_1718 : vector<1x16xi32> to vector<16xi32>
      %and3A_1720 = arith.andi %get3A_1719, %broadcast_in_dim3A_11 : vector<16xi32>
      %bitcast_convert_type3A_1721 = tpu.bitcast %and3A_1720 : vector<16xi32> -> vector<16xf32>
      %shift_left3A_1722 = arith.constant 16 : i32
      %shift_left3A_1723 = vector.broadcast %shift_left3A_1722 : i32 to vector<16xi32>
      %shift_left3A_1724 = arith.shli %get3A_1719, %shift_left3A_1723 : vector<16xi32>
      %bitcast_convert_type3A_1725 = tpu.bitcast %shift_left3A_1724 : vector<16xi32> -> vector<16xf32>
      %add3A_1726 = arith.addf %add3A_1603, %bitcast_convert_type3A_1721 : vector<16xf32>
      %add3A_1727 = arith.addf %add3A_1604, %bitcast_convert_type3A_1725 : vector<16xf32>
      %get3A_1728 = arith.constant 10 : i32
      %get3A_1729 = arith.index_cast %get3A_1728 : i32 to index
      %get3A_1730 = arith.constant 80 : index
      %get3A_1731 = tpu.vector_load %arg7[%get3A_1729, %get3A_1730] {strides = array<i32>} : memref<20x128xi32, #tpu.memory_space<vmem>>, vector<1x16xi32>,
      %get3A_1732 = vector.shape_cast %get3A_1731 : vector<1x16xi32> to vector<16xi32>
      %and3A_1733 = arith.andi %get3A_1732, %broadcast_in_dim3A_11 : vector<16xi32>
      %bitcast_convert_type3A_1734 = tpu.bitcast %and3A_1733 : vector<16xi32> -> vector<16xf32>
      %shift_left3A_1735 = arith.constant 16 : i32
      %shift_left3A_1736 = vector.broadcast %shift_left3A_1735 : i32 to vector<16xi32>
      %shift_left3A_1737 = arith.shli %get3A_1732, %shift_left3A_1736 : vector<16xi32>
      %bitcast_convert_type3A_1738 = tpu.bitcast %shift_left3A_1737 : vector<16xi32> -> vector<16xf32>
      %add3A_1739 = arith.addf %add3A_1616, %bitcast_convert_type3A_1734 : vector<16xf32>
      %add3A_1740 = arith.addf %add3A_1617, %bitcast_convert_type3A_1738 : vector<16xf32>
      %get3A_1741 = arith.constant 10 : i32
      %get3A_1742 = arith.index_cast %get3A_1741 : i32 to index
      %get3A_1743 = arith.constant 96 : index
      %get3A_1744 = tpu.vector_load %arg7[%get3A_1742, %get3A_1743] {strides = array<i32>} : memref<20x128xi32, #tpu.memory_space<vmem>>, vector<1x16xi32>,
      %get3A_1745 = vector.shape_cast %get3A_1744 : vector<1x16xi32> to vector<16xi32>
      %and3A_1746 = arith.andi %get3A_1745, %broadcast_in_dim3A_11 : vector<16xi32>
      %bitcast_convert_type3A_1747 = tpu.bitcast %and3A_1746 : vector<16xi32> -> vector<16xf32>
      %shift_left3A_1748 = arith.constant 16 : i32
      %shift_left3A_1749 = vector.broadcast %shift_left3A_1748 : i32 to vector<16xi32>
      %shift_left3A_1750 = arith.shli %get3A_1745, %shift_left3A_1749 : vector<16xi32>
      %bitcast_convert_type3A_1751 = tpu.bitcast %shift_left3A_1750 : vector<16xi32> -> vector<16xf32>
      %add3A_1752 = arith.addf %add3A_1629, %bitcast_convert_type3A_1747 : vector<16xf32>
      %add3A_1753 = arith.addf %add3A_1630, %bitcast_convert_type3A_1751 : vector<16xf32>
      %get3A_1754 = arith.constant 10 : i32
      %get3A_1755 = arith.index_cast %get3A_1754 : i32 to index
      %get3A_1756 = arith.constant 112 : index
      %get3A_1757 = tpu.vector_load %arg7[%get3A_1755, %get3A_1756] {strides = array<i32>} : memref<20x128xi32, #tpu.memory_space<vmem>>, vector<1x16xi32>,
      %get3A_1758 = vector.shape_cast %get3A_1757 : vector<1x16xi32> to vector<16xi32>
      %and3A_1759 = arith.andi %get3A_1758, %broadcast_in_dim3A_11 : vector<16xi32>
      %bitcast_convert_type3A_1760 = tpu.bitcast %and3A_1759 : vector<16xi32> -> vector<16xf32>
      %shift_left3A_1761 = arith.constant 16 : i32
      %shift_left3A_1762 = vector.broadcast %shift_left3A_1761 : i32 to vector<16xi32>
      %shift_left3A_1763 = arith.shli %get3A_1758, %shift_left3A_1762 : vector<16xi32>
      %bitcast_convert_type3A_1764 = tpu.bitcast %shift_left3A_1763 : vector<16xi32> -> vector<16xf32>
      %add3A_1765 = arith.addf %add3A_1642, %bitcast_convert_type3A_1760 : vector<16xf32>
      %add3A_1766 = arith.addf %add3A_1643, %bitcast_convert_type3A_1764 : vector<16xf32>
      %add3A_1767 = arith.constant 10 : i32
      %add3A_1768 = arith.addi %mul3A_426, %add3A_1767 : i32
      %add3A_1769 = arith.constant 20 : i32
      %add3A_1770 = arith.addi %add3A_1768, %add3A_1769 : i32
      %lt3A_1771 = arith.constant 200 : i32
      %lt3A_1772 = arith.cmpi slt, %add3A_1770, %lt3A_1771 : i32
      %convert_element_type3A_1773 = arith.extui %lt3A_1772 : i1 to i32
      %cond3A_1774 = arith.constant 0 : i32
      %cond3A_1775 = arith.cmpi ne, %convert_element_type3A_1773, %cond3A_1774 : i32
      scf.if %cond3A_1775 {
        %add3A_2883 = arith.constant 10 : i32
        %add3A_2884 = arith.addi %mul3A_426, %add3A_2883 : i32
        %add3A_2885 = arith.constant 20 : i32
        %add3A_2886 = arith.addi %add3A_2884, %add3A_2885 : i32
        %dma_start3A_2887 = arith.constant 10 : i32
        %dma_start3A_2888 = arith.constant 0 : i32
        %dma_start3A_2889 = tpu.memref_slice %arg7[%dma_start3A_2887, %dma_start3A_2888] : memref<20x128xi32, #tpu.memory_space<vmem>> -> memref<1x128xi32, #tpu.memory_space<vmem>>
        %dma_start3A_2890 = tpu.memref_squeeze %dma_start3A_2889 : memref<1x128xi32, #tpu.memory_space<vmem>> -> memref<128xi32, #tpu.memory_space<vmem>>
        %dma_start3A_2891 = arith.constant 0 : i32
        %dma_start3A_2892 = tpu.memref_slice %arg6[%add3A_2886, %dma_start3A_2891] : memref<200x128xi32, #tpu.memory_space<vmem>> -> memref<1x128xi32, #tpu.memory_space<vmem>>
        %dma_start3A_2893 = tpu.memref_squeeze %dma_start3A_2892 : memref<1x128xi32, #tpu.memory_space<vmem>> -> memref<128xi32, #tpu.memory_space<vmem>>
        %dma_start3A_2894 = arith.constant 0 : i32
        %dma_start3A_2895 = tpu.memref_slice %arg10[%dma_start3A_2894] : memref<1000000xi32, #tpu.memory_space<vmem_shared>> -> memref<1000000xi32, #tpu.memory_space<vmem_shared>>
        tpu.enqueue_indirect_dma source(%dma_start3A_2895 : memref<1000000xi32, #tpu.memory_space<vmem_shared>>) target(%dma_start3A_2890 : memref<128xi32, #tpu.memory_space<vmem>>) offsets(%dma_start3A_2893 : memref<128xi32, #tpu.memory_space<vmem>>) semaphore(%arg21 : memref<!tpu.dma_semaphore, #tpu.memory_space<semaphore_mem>>)
      } else {
      }
      %dma_wait3A_1776 = arith.constant 0 : i32
      %dma_wait3A_1777 = arith.constant 11 : i32
      %dma_wait3A_1778 = arith.constant 0 : i32
      %dma_wait3A_1779 = tpu.memref_slice %arg7[%dma_wait3A_1777, %dma_wait3A_1778] : memref<20x128xi32, #tpu.memory_space<vmem>> -> memref<1x128xi32, #tpu.memory_space<vmem>>
      %dma_wait3A_1780 = tpu.memref_squeeze %dma_wait3A_1779 : memref<1x128xi32, #tpu.memory_space<vmem>> -> memref<128xi32, #tpu.memory_space<vmem>>
      %dma_wait3A_1781 = arith.constant 0 : i32
      %dma_wait3A_1782 = tpu.memref_slice %arg6[%dma_wait3A_1776, %dma_wait3A_1781] : memref<200x128xi32, #tpu.memory_space<vmem>> -> memref<1x128xi32, #tpu.memory_space<vmem>>
      %dma_wait3A_1783 = tpu.memref_squeeze %dma_wait3A_1782 : memref<1x128xi32, #tpu.memory_space<vmem>> -> memref<128xi32, #tpu.memory_space<vmem>>
      %dma_wait3A_1784 = arith.constant 0 : i32
      %dma_wait3A_1785 = tpu.memref_slice %arg10[%dma_wait3A_1784] : memref<1000000xi32, #tpu.memory_space<vmem_shared>> -> memref<1000000xi32, #tpu.memory_space<vmem_shared>>
      tpu.wait_indirect_dma semaphore(%arg22 : memref<!tpu.dma_semaphore, #tpu.memory_space<semaphore_mem>>) src(%dma_wait3A_1785 : memref<1000000xi32, #tpu.memory_space<vmem_shared>>) dst(%dma_wait3A_1780 : memref<128xi32, #tpu.memory_space<vmem>>)
      %get3A_1786 = arith.constant 11 : i32
      %get3A_1787 = arith.index_cast %get3A_1786 : i32 to index
      %get3A_1788 = arith.constant 0 : index
      %get3A_1789 = tpu.vector_load %arg7[%get3A_1787, %get3A_1788] {strides = array<i32>} : memref<20x128xi32, #tpu.memory_space<vmem>>, vector<1x16xi32>,
      %get3A_1790 = vector.shape_cast %get3A_1789 : vector<1x16xi32> to vector<16xi32>
      %and3A_1791 = arith.andi %get3A_1790, %broadcast_in_dim3A_11 : vector<16xi32>
      %bitcast_convert_type3A_1792 = tpu.bitcast %and3A_1791 : vector<16xi32> -> vector<16xf32>
      %shift_left3A_1793 = arith.constant 16 : i32
      %shift_left3A_1794 = vector.broadcast %shift_left3A_1793 : i32 to vector<16xi32>
      %shift_left3A_1795 = arith.shli %get3A_1790, %shift_left3A_1794 : vector<16xi32>
      %bitcast_convert_type3A_1796 = tpu.bitcast %shift_left3A_1795 : vector<16xi32> -> vector<16xf32>
      %add3A_1797 = arith.addf %add3A_1674, %bitcast_convert_type3A_1792 : vector<16xf32>
      %add3A_1798 = arith.addf %add3A_1675, %bitcast_convert_type3A_1796 : vector<16xf32>
      %get3A_1799 = arith.constant 11 : i32
      %get3A_1800 = arith.index_cast %get3A_1799 : i32 to index
      %get3A_1801 = arith.constant 16 : index
      %get3A_1802 = tpu.vector_load %arg7[%get3A_1800, %get3A_1801] {strides = array<i32>} : memref<20x128xi32, #tpu.memory_space<vmem>>, vector<1x16xi32>,
      %get3A_1803 = vector.shape_cast %get3A_1802 : vector<1x16xi32> to vector<16xi32>
      %and3A_1804 = arith.andi %get3A_1803, %broadcast_in_dim3A_11 : vector<16xi32>
      %bitcast_convert_type3A_1805 = tpu.bitcast %and3A_1804 : vector<16xi32> -> vector<16xf32>
      %shift_left3A_1806 = arith.constant 16 : i32
      %shift_left3A_1807 = vector.broadcast %shift_left3A_1806 : i32 to vector<16xi32>
      %shift_left3A_1808 = arith.shli %get3A_1803, %shift_left3A_1807 : vector<16xi32>
      %bitcast_convert_type3A_1809 = tpu.bitcast %shift_left3A_1808 : vector<16xi32> -> vector<16xf32>
      %add3A_1810 = arith.addf %add3A_1687, %bitcast_convert_type3A_1805 : vector<16xf32>
      %add3A_1811 = arith.addf %add3A_1688, %bitcast_convert_type3A_1809 : vector<16xf32>
      %get3A_1812 = arith.constant 11 : i32
      %get3A_1813 = arith.index_cast %get3A_1812 : i32 to index
      %get3A_1814 = arith.constant 32 : index
      %get3A_1815 = tpu.vector_load %arg7[%get3A_1813, %get3A_1814] {strides = array<i32>} : memref<20x128xi32, #tpu.memory_space<vmem>>, vector<1x16xi32>,
      %get3A_1816 = vector.shape_cast %get3A_1815 : vector<1x16xi32> to vector<16xi32>
      %and3A_1817 = arith.andi %get3A_1816, %broadcast_in_dim3A_11 : vector<16xi32>
      %bitcast_convert_type3A_1818 = tpu.bitcast %and3A_1817 : vector<16xi32> -> vector<16xf32>
      %shift_left3A_1819 = arith.constant 16 : i32
      %shift_left3A_1820 = vector.broadcast %shift_left3A_1819 : i32 to vector<16xi32>
      %shift_left3A_1821 = arith.shli %get3A_1816, %shift_left3A_1820 : vector<16xi32>
      %bitcast_convert_type3A_1822 = tpu.bitcast %shift_left3A_1821 : vector<16xi32> -> vector<16xf32>
      %add3A_1823 = arith.addf %add3A_1700, %bitcast_convert_type3A_1818 : vector<16xf32>
      %add3A_1824 = arith.addf %add3A_1701, %bitcast_convert_type3A_1822 : vector<16xf32>
      %get3A_1825 = arith.constant 11 : i32
      %get3A_1826 = arith.index_cast %get3A_1825 : i32 to index
      %get3A_1827 = arith.constant 48 : index
      %get3A_1828 = tpu.vector_load %arg7[%get3A_1826, %get3A_1827] {strides = array<i32>} : memref<20x128xi32, #tpu.memory_space<vmem>>, vector<1x16xi32>,
      %get3A_1829 = vector.shape_cast %get3A_1828 : vector<1x16xi32> to vector<16xi32>
      %and3A_1830 = arith.andi %get3A_1829, %broadcast_in_dim3A_11 : vector<16xi32>
      %bitcast_convert_type3A_1831 = tpu.bitcast %and3A_1830 : vector<16xi32> -> vector<16xf32>
      %shift_left3A_1832 = arith.constant 16 : i32
      %shift_left3A_1833 = vector.broadcast %shift_left3A_1832 : i32 to vector<16xi32>
      %shift_left3A_1834 = arith.shli %get3A_1829, %shift_left3A_1833 : vector<16xi32>
      %bitcast_convert_type3A_1835 = tpu.bitcast %shift_left3A_1834 : vector<16xi32> -> vector<16xf32>
      %add3A_1836 = arith.addf %add3A_1713, %bitcast_convert_type3A_1831 : vector<16xf32>
      %add3A_1837 = arith.addf %add3A_1714, %bitcast_convert_type3A_1835 : vector<16xf32>
      %get3A_1838 = arith.constant 11 : i32
      %get3A_1839 = arith.index_cast %get3A_1838 : i32 to index
      %get3A_1840 = arith.constant 64 : index
      %get3A_1841 = tpu.vector_load %arg7[%get3A_1839, %get3A_1840] {strides = array<i32>} : memref<20x128xi32, #tpu.memory_space<vmem>>, vector<1x16xi32>,
      %get3A_1842 = vector.shape_cast %get3A_1841 : vector<1x16xi32> to vector<16xi32>
      %and3A_1843 = arith.andi %get3A_1842, %broadcast_in_dim3A_11 : vector<16xi32>
      %bitcast_convert_type3A_1844 = tpu.bitcast %and3A_1843 : vector<16xi32> -> vector<16xf32>
      %shift_left3A_1845 = arith.constant 16 : i32
      %shift_left3A_1846 = vector.broadcast %shift_left3A_1845 : i32 to vector<16xi32>
      %shift_left3A_1847 = arith.shli %get3A_1842, %shift_left3A_1846 : vector<16xi32>
      %bitcast_convert_type3A_1848 = tpu.bitcast %shift_left3A_1847 : vector<16xi32> -> vector<16xf32>
      %add3A_1849 = arith.addf %add3A_1726, %bitcast_convert_type3A_1844 : vector<16xf32>
      %add3A_1850 = arith.addf %add3A_1727, %bitcast_convert_type3A_1848 : vector<16xf32>
      %get3A_1851 = arith.constant 11 : i32
      %get3A_1852 = arith.index_cast %get3A_1851 : i32 to index
      %get3A_1853 = arith.constant 80 : index
      %get3A_1854 = tpu.vector_load %arg7[%get3A_1852, %get3A_1853] {strides = array<i32>} : memref<20x128xi32, #tpu.memory_space<vmem>>, vector<1x16xi32>,
      %get3A_1855 = vector.shape_cast %get3A_1854 : vector<1x16xi32> to vector<16xi32>
      %and3A_1856 = arith.andi %get3A_1855, %broadcast_in_dim3A_11 : vector<16xi32>
      %bitcast_convert_type3A_1857 = tpu.bitcast %and3A_1856 : vector<16xi32> -> vector<16xf32>
      %shift_left3A_1858 = arith.constant 16 : i32
      %shift_left3A_1859 = vector.broadcast %shift_left3A_1858 : i32 to vector<16xi32>
      %shift_left3A_1860 = arith.shli %get3A_1855, %shift_left3A_1859 : vector<16xi32>
      %bitcast_convert_type3A_1861 = tpu.bitcast %shift_left3A_1860 : vector<16xi32> -> vector<16xf32>
      %add3A_1862 = arith.addf %add3A_1739, %bitcast_convert_type3A_1857 : vector<16xf32>
      %add3A_1863 = arith.addf %add3A_1740, %bitcast_convert_type3A_1861 : vector<16xf32>
      %get3A_1864 = arith.constant 11 : i32
      %get3A_1865 = arith.index_cast %get3A_1864 : i32 to index
      %get3A_1866 = arith.constant 96 : index
      %get3A_1867 = tpu.vector_load %arg7[%get3A_1865, %get3A_1866] {strides = array<i32>} : memref<20x128xi32, #tpu.memory_space<vmem>>, vector<1x16xi32>,
      %get3A_1868 = vector.shape_cast %get3A_1867 : vector<1x16xi32> to vector<16xi32>
      %and3A_1869 = arith.andi %get3A_1868, %broadcast_in_dim3A_11 : vector<16xi32>
      %bitcast_convert_type3A_1870 = tpu.bitcast %and3A_1869 : vector<16xi32> -> vector<16xf32>
      %shift_left3A_1871 = arith.constant 16 : i32
      %shift_left3A_1872 = vector.broadcast %shift_left3A_1871 : i32 to vector<16xi32>
      %shift_left3A_1873 = arith.shli %get3A_1868, %shift_left3A_1872 : vector<16xi32>
      %bitcast_convert_type3A_1874 = tpu.bitcast %shift_left3A_1873 : vector<16xi32> -> vector<16xf32>
      %add3A_1875 = arith.addf %add3A_1752, %bitcast_convert_type3A_1870 : vector<16xf32>
      %add3A_1876 = arith.addf %add3A_1753, %bitcast_convert_type3A_1874 : vector<16xf32>
      %get3A_1877 = arith.constant 11 : i32
      %get3A_1878 = arith.index_cast %get3A_1877 : i32 to index
      %get3A_1879 = arith.constant 112 : index
      %get3A_1880 = tpu.vector_load %arg7[%get3A_1878, %get3A_1879] {strides = array<i32>} : memref<20x128xi32, #tpu.memory_space<vmem>>, vector<1x16xi32>,
      %get3A_1881 = vector.shape_cast %get3A_1880 : vector<1x16xi32> to vector<16xi32>
      %and3A_1882 = arith.andi %get3A_1881, %broadcast_in_dim3A_11 : vector<16xi32>
      %bitcast_convert_type3A_1883 = tpu.bitcast %and3A_1882 : vector<16xi32> -> vector<16xf32>
      %shift_left3A_1884 = arith.constant 16 : i32
      %shift_left3A_1885 = vector.broadcast %shift_left3A_1884 : i32 to vector<16xi32>
      %shift_left3A_1886 = arith.shli %get3A_1881, %shift_left3A_1885 : vector<16xi32>
      %bitcast_convert_type3A_1887 = tpu.bitcast %shift_left3A_1886 : vector<16xi32> -> vector<16xf32>
      %add3A_1888 = arith.addf %add3A_1765, %bitcast_convert_type3A_1883 : vector<16xf32>
      %add3A_1889 = arith.addf %add3A_1766, %bitcast_convert_type3A_1887 : vector<16xf32>
      %add3A_1890 = arith.constant 11 : i32
      %add3A_1891 = arith.addi %mul3A_426, %add3A_1890 : i32
      %add3A_1892 = arith.constant 20 : i32
      %add3A_1893 = arith.addi %add3A_1891, %add3A_1892 : i32
      %lt3A_1894 = arith.constant 200 : i32
      %lt3A_1895 = arith.cmpi slt, %add3A_1893, %lt3A_1894 : i32
      %convert_element_type3A_1896 = arith.extui %lt3A_1895 : i1 to i32
      %cond3A_1897 = arith.constant 0 : i32
      %cond3A_1898 = arith.cmpi ne, %convert_element_type3A_1896, %cond3A_1897 : i32
      scf.if %cond3A_1898 {
        %add3A_2883 = arith.constant 11 : i32
        %add3A_2884 = arith.addi %mul3A_426, %add3A_2883 : i32
        %add3A_2885 = arith.constant 20 : i32
        %add3A_2886 = arith.addi %add3A_2884, %add3A_2885 : i32
        %dma_start3A_2887 = arith.constant 11 : i32
        %dma_start3A_2888 = arith.constant 0 : i32
        %dma_start3A_2889 = tpu.memref_slice %arg7[%dma_start3A_2887, %dma_start3A_2888] : memref<20x128xi32, #tpu.memory_space<vmem>> -> memref<1x128xi32, #tpu.memory_space<vmem>>
        %dma_start3A_2890 = tpu.memref_squeeze %dma_start3A_2889 : memref<1x128xi32, #tpu.memory_space<vmem>> -> memref<128xi32, #tpu.memory_space<vmem>>
        %dma_start3A_2891 = arith.constant 0 : i32
        %dma_start3A_2892 = tpu.memref_slice %arg6[%add3A_2886, %dma_start3A_2891] : memref<200x128xi32, #tpu.memory_space<vmem>> -> memref<1x128xi32, #tpu.memory_space<vmem>>
        %dma_start3A_2893 = tpu.memref_squeeze %dma_start3A_2892 : memref<1x128xi32, #tpu.memory_space<vmem>> -> memref<128xi32, #tpu.memory_space<vmem>>
        %dma_start3A_2894 = arith.constant 0 : i32
        %dma_start3A_2895 = tpu.memref_slice %arg10[%dma_start3A_2894] : memref<1000000xi32, #tpu.memory_space<vmem_shared>> -> memref<1000000xi32, #tpu.memory_space<vmem_shared>>
        tpu.enqueue_indirect_dma source(%dma_start3A_2895 : memref<1000000xi32, #tpu.memory_space<vmem_shared>>) target(%dma_start3A_2890 : memref<128xi32, #tpu.memory_space<vmem>>) offsets(%dma_start3A_2893 : memref<128xi32, #tpu.memory_space<vmem>>) semaphore(%arg22 : memref<!tpu.dma_semaphore, #tpu.memory_space<semaphore_mem>>)
      } else {
      }
      %dma_wait3A_1899 = arith.constant 0 : i32
      %dma_wait3A_1900 = arith.constant 12 : i32
      %dma_wait3A_1901 = arith.constant 0 : i32
      %dma_wait3A_1902 = tpu.memref_slice %arg7[%dma_wait3A_1900, %dma_wait3A_1901] : memref<20x128xi32, #tpu.memory_space<vmem>> -> memref<1x128xi32, #tpu.memory_space<vmem>>
      %dma_wait3A_1903 = tpu.memref_squeeze %dma_wait3A_1902 : memref<1x128xi32, #tpu.memory_space<vmem>> -> memref<128xi32, #tpu.memory_space<vmem>>
      %dma_wait3A_1904 = arith.constant 0 : i32
      %dma_wait3A_1905 = tpu.memref_slice %arg6[%dma_wait3A_1899, %dma_wait3A_1904] : memref<200x128xi32, #tpu.memory_space<vmem>> -> memref<1x128xi32, #tpu.memory_space<vmem>>
      %dma_wait3A_1906 = tpu.memref_squeeze %dma_wait3A_1905 : memref<1x128xi32, #tpu.memory_space<vmem>> -> memref<128xi32, #tpu.memory_space<vmem>>
      %dma_wait3A_1907 = arith.constant 0 : i32
      %dma_wait3A_1908 = tpu.memref_slice %arg10[%dma_wait3A_1907] : memref<1000000xi32, #tpu.memory_space<vmem_shared>> -> memref<1000000xi32, #tpu.memory_space<vmem_shared>>
      tpu.wait_indirect_dma semaphore(%arg23 : memref<!tpu.dma_semaphore, #tpu.memory_space<semaphore_mem>>) src(%dma_wait3A_1908 : memref<1000000xi32, #tpu.memory_space<vmem_shared>>) dst(%dma_wait3A_1903 : memref<128xi32, #tpu.memory_space<vmem>>)
      %get3A_1909 = arith.constant 12 : i32
      %get3A_1910 = arith.index_cast %get3A_1909 : i32 to index
      %get3A_1911 = arith.constant 0 : index
      %get3A_1912 = tpu.vector_load %arg7[%get3A_1910, %get3A_1911] {strides = array<i32>} : memref<20x128xi32, #tpu.memory_space<vmem>>, vector<1x16xi32>,
      %get3A_1913 = vector.shape_cast %get3A_1912 : vector<1x16xi32> to vector<16xi32>
      %and3A_1914 = arith.andi %get3A_1913, %broadcast_in_dim3A_11 : vector<16xi32>
      %bitcast_convert_type3A_1915 = tpu.bitcast %and3A_1914 : vector<16xi32> -> vector<16xf32>
      %shift_left3A_1916 = arith.constant 16 : i32
      %shift_left3A_1917 = vector.broadcast %shift_left3A_1916 : i32 to vector<16xi32>
      %shift_left3A_1918 = arith.shli %get3A_1913, %shift_left3A_1917 : vector<16xi32>
      %bitcast_convert_type3A_1919 = tpu.bitcast %shift_left3A_1918 : vector<16xi32> -> vector<16xf32>
      %add3A_1920 = arith.addf %add3A_1797, %bitcast_convert_type3A_1915 : vector<16xf32>
      %add3A_1921 = arith.addf %add3A_1798, %bitcast_convert_type3A_1919 : vector<16xf32>
      %get3A_1922 = arith.constant 12 : i32
      %get3A_1923 = arith.index_cast %get3A_1922 : i32 to index
      %get3A_1924 = arith.constant 16 : index
      %get3A_1925 = tpu.vector_load %arg7[%get3A_1923, %get3A_1924] {strides = array<i32>} : memref<20x128xi32, #tpu.memory_space<vmem>>, vector<1x16xi32>,
      %get3A_1926 = vector.shape_cast %get3A_1925 : vector<1x16xi32> to vector<16xi32>
      %and3A_1927 = arith.andi %get3A_1926, %broadcast_in_dim3A_11 : vector<16xi32>
      %bitcast_convert_type3A_1928 = tpu.bitcast %and3A_1927 : vector<16xi32> -> vector<16xf32>
      %shift_left3A_1929 = arith.constant 16 : i32
      %shift_left3A_1930 = vector.broadcast %shift_left3A_1929 : i32 to vector<16xi32>
      %shift_left3A_1931 = arith.shli %get3A_1926, %shift_left3A_1930 : vector<16xi32>
      %bitcast_convert_type3A_1932 = tpu.bitcast %shift_left3A_1931 : vector<16xi32> -> vector<16xf32>
      %add3A_1933 = arith.addf %add3A_1810, %bitcast_convert_type3A_1928 : vector<16xf32>
      %add3A_1934 = arith.addf %add3A_1811, %bitcast_convert_type3A_1932 : vector<16xf32>
      %get3A_1935 = arith.constant 12 : i32
      %get3A_1936 = arith.index_cast %get3A_1935 : i32 to index
      %get3A_1937 = arith.constant 32 : index
      %get3A_1938 = tpu.vector_load %arg7[%get3A_1936, %get3A_1937] {strides = array<i32>} : memref<20x128xi32, #tpu.memory_space<vmem>>, vector<1x16xi32>,
      %get3A_1939 = vector.shape_cast %get3A_1938 : vector<1x16xi32> to vector<16xi32>
      %and3A_1940 = arith.andi %get3A_1939, %broadcast_in_dim3A_11 : vector<16xi32>
      %bitcast_convert_type3A_1941 = tpu.bitcast %and3A_1940 : vector<16xi32> -> vector<16xf32>
      %shift_left3A_1942 = arith.constant 16 : i32
      %shift_left3A_1943 = vector.broadcast %shift_left3A_1942 : i32 to vector<16xi32>
      %shift_left3A_1944 = arith.shli %get3A_1939, %shift_left3A_1943 : vector<16xi32>
      %bitcast_convert_type3A_1945 = tpu.bitcast %shift_left3A_1944 : vector<16xi32> -> vector<16xf32>
      %add3A_1946 = arith.addf %add3A_1823, %bitcast_convert_type3A_1941 : vector<16xf32>
      %add3A_1947 = arith.addf %add3A_1824, %bitcast_convert_type3A_1945 : vector<16xf32>
      %get3A_1948 = arith.constant 12 : i32
      %get3A_1949 = arith.index_cast %get3A_1948 : i32 to index
      %get3A_1950 = arith.constant 48 : index
      %get3A_1951 = tpu.vector_load %arg7[%get3A_1949, %get3A_1950] {strides = array<i32>} : memref<20x128xi32, #tpu.memory_space<vmem>>, vector<1x16xi32>,
      %get3A_1952 = vector.shape_cast %get3A_1951 : vector<1x16xi32> to vector<16xi32>
      %and3A_1953 = arith.andi %get3A_1952, %broadcast_in_dim3A_11 : vector<16xi32>
      %bitcast_convert_type3A_1954 = tpu.bitcast %and3A_1953 : vector<16xi32> -> vector<16xf32>
      %shift_left3A_1955 = arith.constant 16 : i32
      %shift_left3A_1956 = vector.broadcast %shift_left3A_1955 : i32 to vector<16xi32>
      %shift_left3A_1957 = arith.shli %get3A_1952, %shift_left3A_1956 : vector<16xi32>
      %bitcast_convert_type3A_1958 = tpu.bitcast %shift_left3A_1957 : vector<16xi32> -> vector<16xf32>
      %add3A_1959 = arith.addf %add3A_1836, %bitcast_convert_type3A_1954 : vector<16xf32>
      %add3A_1960 = arith.addf %add3A_1837, %bitcast_convert_type3A_1958 : vector<16xf32>
      %get3A_1961 = arith.constant 12 : i32
      %get3A_1962 = arith.index_cast %get3A_1961 : i32 to index
      %get3A_1963 = arith.constant 64 : index
      %get3A_1964 = tpu.vector_load %arg7[%get3A_1962, %get3A_1963] {strides = array<i32>} : memref<20x128xi32, #tpu.memory_space<vmem>>, vector<1x16xi32>,
      %get3A_1965 = vector.shape_cast %get3A_1964 : vector<1x16xi32> to vector<16xi32>
      %and3A_1966 = arith.andi %get3A_1965, %broadcast_in_dim3A_11 : vector<16xi32>
      %bitcast_convert_type3A_1967 = tpu.bitcast %and3A_1966 : vector<16xi32> -> vector<16xf32>
      %shift_left3A_1968 = arith.constant 16 : i32
      %shift_left3A_1969 = vector.broadcast %shift_left3A_1968 : i32 to vector<16xi32>
      %shift_left3A_1970 = arith.shli %get3A_1965, %shift_left3A_1969 : vector<16xi32>
      %bitcast_convert_type3A_1971 = tpu.bitcast %shift_left3A_1970 : vector<16xi32> -> vector<16xf32>
      %add3A_1972 = arith.addf %add3A_1849, %bitcast_convert_type3A_1967 : vector<16xf32>
      %add3A_1973 = arith.addf %add3A_1850, %bitcast_convert_type3A_1971 : vector<16xf32>
      %get3A_1974 = arith.constant 12 : i32
      %get3A_1975 = arith.index_cast %get3A_1974 : i32 to index
      %get3A_1976 = arith.constant 80 : index
      %get3A_1977 = tpu.vector_load %arg7[%get3A_1975, %get3A_1976] {strides = array<i32>} : memref<20x128xi32, #tpu.memory_space<vmem>>, vector<1x16xi32>,
      %get3A_1978 = vector.shape_cast %get3A_1977 : vector<1x16xi32> to vector<16xi32>
      %and3A_1979 = arith.andi %get3A_1978, %broadcast_in_dim3A_11 : vector<16xi32>
      %bitcast_convert_type3A_1980 = tpu.bitcast %and3A_1979 : vector<16xi32> -> vector<16xf32>
      %shift_left3A_1981 = arith.constant 16 : i32
      %shift_left3A_1982 = vector.broadcast %shift_left3A_1981 : i32 to vector<16xi32>
      %shift_left3A_1983 = arith.shli %get3A_1978, %shift_left3A_1982 : vector<16xi32>
      %bitcast_convert_type3A_1984 = tpu.bitcast %shift_left3A_1983 : vector<16xi32> -> vector<16xf32>
      %add3A_1985 = arith.addf %add3A_1862, %bitcast_convert_type3A_1980 : vector<16xf32>
      %add3A_1986 = arith.addf %add3A_1863, %bitcast_convert_type3A_1984 : vector<16xf32>
      %get3A_1987 = arith.constant 12 : i32
      %get3A_1988 = arith.index_cast %get3A_1987 : i32 to index
      %get3A_1989 = arith.constant 96 : index
      %get3A_1990 = tpu.vector_load %arg7[%get3A_1988, %get3A_1989] {strides = array<i32>} : memref<20x128xi32, #tpu.memory_space<vmem>>, vector<1x16xi32>,
      %get3A_1991 = vector.shape_cast %get3A_1990 : vector<1x16xi32> to vector<16xi32>
      %and3A_1992 = arith.andi %get3A_1991, %broadcast_in_dim3A_11 : vector<16xi32>
      %bitcast_convert_type3A_1993 = tpu.bitcast %and3A_1992 : vector<16xi32> -> vector<16xf32>
      %shift_left3A_1994 = arith.constant 16 : i32
      %shift_left3A_1995 = vector.broadcast %shift_left3A_1994 : i32 to vector<16xi32>
      %shift_left3A_1996 = arith.shli %get3A_1991, %shift_left3A_1995 : vector<16xi32>
      %bitcast_convert_type3A_1997 = tpu.bitcast %shift_left3A_1996 : vector<16xi32> -> vector<16xf32>
      %add3A_1998 = arith.addf %add3A_1875, %bitcast_convert_type3A_1993 : vector<16xf32>
      %add3A_1999 = arith.addf %add3A_1876, %bitcast_convert_type3A_1997 : vector<16xf32>
      %get3A_2000 = arith.constant 12 : i32
      %get3A_2001 = arith.index_cast %get3A_2000 : i32 to index
      %get3A_2002 = arith.constant 112 : index
      %get3A_2003 = tpu.vector_load %arg7[%get3A_2001, %get3A_2002] {strides = array<i32>} : memref<20x128xi32, #tpu.memory_space<vmem>>, vector<1x16xi32>,
      %get3A_2004 = vector.shape_cast %get3A_2003 : vector<1x16xi32> to vector<16xi32>
      %and3A_2005 = arith.andi %get3A_2004, %broadcast_in_dim3A_11 : vector<16xi32>
      %bitcast_convert_type3A_2006 = tpu.bitcast %and3A_2005 : vector<16xi32> -> vector<16xf32>
      %shift_left3A_2007 = arith.constant 16 : i32
      %shift_left3A_2008 = vector.broadcast %shift_left3A_2007 : i32 to vector<16xi32>
      %shift_left3A_2009 = arith.shli %get3A_2004, %shift_left3A_2008 : vector<16xi32>
      %bitcast_convert_type3A_2010 = tpu.bitcast %shift_left3A_2009 : vector<16xi32> -> vector<16xf32>
      %add3A_2011 = arith.addf %add3A_1888, %bitcast_convert_type3A_2006 : vector<16xf32>
      %add3A_2012 = arith.addf %add3A_1889, %bitcast_convert_type3A_2010 : vector<16xf32>
      %add3A_2013 = arith.constant 12 : i32
      %add3A_2014 = arith.addi %mul3A_426, %add3A_2013 : i32
      %add3A_2015 = arith.constant 20 : i32
      %add3A_2016 = arith.addi %add3A_2014, %add3A_2015 : i32
      %lt3A_2017 = arith.constant 200 : i32
      %lt3A_2018 = arith.cmpi slt, %add3A_2016, %lt3A_2017 : i32
      %convert_element_type3A_2019 = arith.extui %lt3A_2018 : i1 to i32
      %cond3A_2020 = arith.constant 0 : i32
      %cond3A_2021 = arith.cmpi ne, %convert_element_type3A_2019, %cond3A_2020 : i32
      scf.if %cond3A_2021 {
        %add3A_2883 = arith.constant 12 : i32
        %add3A_2884 = arith.addi %mul3A_426, %add3A_2883 : i32
        %add3A_2885 = arith.constant 20 : i32
        %add3A_2886 = arith.addi %add3A_2884, %add3A_2885 : i32
        %dma_start3A_2887 = arith.constant 12 : i32
        %dma_start3A_2888 = arith.constant 0 : i32
        %dma_start3A_2889 = tpu.memref_slice %arg7[%dma_start3A_2887, %dma_start3A_2888] : memref<20x128xi32, #tpu.memory_space<vmem>> -> memref<1x128xi32, #tpu.memory_space<vmem>>
        %dma_start3A_2890 = tpu.memref_squeeze %dma_start3A_2889 : memref<1x128xi32, #tpu.memory_space<vmem>> -> memref<128xi32, #tpu.memory_space<vmem>>
        %dma_start3A_2891 = arith.constant 0 : i32
        %dma_start3A_2892 = tpu.memref_slice %arg6[%add3A_2886, %dma_start3A_2891] : memref<200x128xi32, #tpu.memory_space<vmem>> -> memref<1x128xi32, #tpu.memory_space<vmem>>
        %dma_start3A_2893 = tpu.memref_squeeze %dma_start3A_2892 : memref<1x128xi32, #tpu.memory_space<vmem>> -> memref<128xi32, #tpu.memory_space<vmem>>
        %dma_start3A_2894 = arith.constant 0 : i32
        %dma_start3A_2895 = tpu.memref_slice %arg10[%dma_start3A_2894] : memref<1000000xi32, #tpu.memory_space<vmem_shared>> -> memref<1000000xi32, #tpu.memory_space<vmem_shared>>
        tpu.enqueue_indirect_dma source(%dma_start3A_2895 : memref<1000000xi32, #tpu.memory_space<vmem_shared>>) target(%dma_start3A_2890 : memref<128xi32, #tpu.memory_space<vmem>>) offsets(%dma_start3A_2893 : memref<128xi32, #tpu.memory_space<vmem>>) semaphore(%arg23 : memref<!tpu.dma_semaphore, #tpu.memory_space<semaphore_mem>>)
      } else {
      }
      %dma_wait3A_2022 = arith.constant 0 : i32
      %dma_wait3A_2023 = arith.constant 13 : i32
      %dma_wait3A_2024 = arith.constant 0 : i32
      %dma_wait3A_2025 = tpu.memref_slice %arg7[%dma_wait3A_2023, %dma_wait3A_2024] : memref<20x128xi32, #tpu.memory_space<vmem>> -> memref<1x128xi32, #tpu.memory_space<vmem>>
      %dma_wait3A_2026 = tpu.memref_squeeze %dma_wait3A_2025 : memref<1x128xi32, #tpu.memory_space<vmem>> -> memref<128xi32, #tpu.memory_space<vmem>>
      %dma_wait3A_2027 = arith.constant 0 : i32
      %dma_wait3A_2028 = tpu.memref_slice %arg6[%dma_wait3A_2022, %dma_wait3A_2027] : memref<200x128xi32, #tpu.memory_space<vmem>> -> memref<1x128xi32, #tpu.memory_space<vmem>>
      %dma_wait3A_2029 = tpu.memref_squeeze %dma_wait3A_2028 : memref<1x128xi32, #tpu.memory_space<vmem>> -> memref<128xi32, #tpu.memory_space<vmem>>
      %dma_wait3A_2030 = arith.constant 0 : i32
      %dma_wait3A_2031 = tpu.memref_slice %arg10[%dma_wait3A_2030] : memref<1000000xi32, #tpu.memory_space<vmem_shared>> -> memref<1000000xi32, #tpu.memory_space<vmem_shared>>
      tpu.wait_indirect_dma semaphore(%arg24 : memref<!tpu.dma_semaphore, #tpu.memory_space<semaphore_mem>>) src(%dma_wait3A_2031 : memref<1000000xi32, #tpu.memory_space<vmem_shared>>) dst(%dma_wait3A_2026 : memref<128xi32, #tpu.memory_space<vmem>>)
      %get3A_2032 = arith.constant 13 : i32
      %get3A_2033 = arith.index_cast %get3A_2032 : i32 to index
      %get3A_2034 = arith.constant 0 : index
      %get3A_2035 = tpu.vector_load %arg7[%get3A_2033, %get3A_2034] {strides = array<i32>} : memref<20x128xi32, #tpu.memory_space<vmem>>, vector<1x16xi32>,
      %get3A_2036 = vector.shape_cast %get3A_2035 : vector<1x16xi32> to vector<16xi32>
      %and3A_2037 = arith.andi %get3A_2036, %broadcast_in_dim3A_11 : vector<16xi32>
      %bitcast_convert_type3A_2038 = tpu.bitcast %and3A_2037 : vector<16xi32> -> vector<16xf32>
      %shift_left3A_2039 = arith.constant 16 : i32
      %shift_left3A_2040 = vector.broadcast %shift_left3A_2039 : i32 to vector<16xi32>
      %shift_left3A_2041 = arith.shli %get3A_2036, %shift_left3A_2040 : vector<16xi32>
      %bitcast_convert_type3A_2042 = tpu.bitcast %shift_left3A_2041 : vector<16xi32> -> vector<16xf32>
      %add3A_2043 = arith.addf %add3A_1920, %bitcast_convert_type3A_2038 : vector<16xf32>
      %add3A_2044 = arith.addf %add3A_1921, %bitcast_convert_type3A_2042 : vector<16xf32>
      %get3A_2045 = arith.constant 13 : i32
      %get3A_2046 = arith.index_cast %get3A_2045 : i32 to index
      %get3A_2047 = arith.constant 16 : index
      %get3A_2048 = tpu.vector_load %arg7[%get3A_2046, %get3A_2047] {strides = array<i32>} : memref<20x128xi32, #tpu.memory_space<vmem>>, vector<1x16xi32>,
      %get3A_2049 = vector.shape_cast %get3A_2048 : vector<1x16xi32> to vector<16xi32>
      %and3A_2050 = arith.andi %get3A_2049, %broadcast_in_dim3A_11 : vector<16xi32>
      %bitcast_convert_type3A_2051 = tpu.bitcast %and3A_2050 : vector<16xi32> -> vector<16xf32>
      %shift_left3A_2052 = arith.constant 16 : i32
      %shift_left3A_2053 = vector.broadcast %shift_left3A_2052 : i32 to vector<16xi32>
      %shift_left3A_2054 = arith.shli %get3A_2049, %shift_left3A_2053 : vector<16xi32>
      %bitcast_convert_type3A_2055 = tpu.bitcast %shift_left3A_2054 : vector<16xi32> -> vector<16xf32>
      %add3A_2056 = arith.addf %add3A_1933, %bitcast_convert_type3A_2051 : vector<16xf32>
      %add3A_2057 = arith.addf %add3A_1934, %bitcast_convert_type3A_2055 : vector<16xf32>
      %get3A_2058 = arith.constant 13 : i32
      %get3A_2059 = arith.index_cast %get3A_2058 : i32 to index
      %get3A_2060 = arith.constant 32 : index
      %get3A_2061 = tpu.vector_load %arg7[%get3A_2059, %get3A_2060] {strides = array<i32>} : memref<20x128xi32, #tpu.memory_space<vmem>>, vector<1x16xi32>,
      %get3A_2062 = vector.shape_cast %get3A_2061 : vector<1x16xi32> to vector<16xi32>
      %and3A_2063 = arith.andi %get3A_2062, %broadcast_in_dim3A_11 : vector<16xi32>
      %bitcast_convert_type3A_2064 = tpu.bitcast %and3A_2063 : vector<16xi32> -> vector<16xf32>
      %shift_left3A_2065 = arith.constant 16 : i32
      %shift_left3A_2066 = vector.broadcast %shift_left3A_2065 : i32 to vector<16xi32>
      %shift_left3A_2067 = arith.shli %get3A_2062, %shift_left3A_2066 : vector<16xi32>
      %bitcast_convert_type3A_2068 = tpu.bitcast %shift_left3A_2067 : vector<16xi32> -> vector<16xf32>
      %add3A_2069 = arith.addf %add3A_1946, %bitcast_convert_type3A_2064 : vector<16xf32>
      %add3A_2070 = arith.addf %add3A_1947, %bitcast_convert_type3A_2068 : vector<16xf32>
      %get3A_2071 = arith.constant 13 : i32
      %get3A_2072 = arith.index_cast %get3A_2071 : i32 to index
      %get3A_2073 = arith.constant 48 : index
      %get3A_2074 = tpu.vector_load %arg7[%get3A_2072, %get3A_2073] {strides = array<i32>} : memref<20x128xi32, #tpu.memory_space<vmem>>, vector<1x16xi32>,
      %get3A_2075 = vector.shape_cast %get3A_2074 : vector<1x16xi32> to vector<16xi32>
      %and3A_2076 = arith.andi %get3A_2075, %broadcast_in_dim3A_11 : vector<16xi32>
      %bitcast_convert_type3A_2077 = tpu.bitcast %and3A_2076 : vector<16xi32> -> vector<16xf32>
      %shift_left3A_2078 = arith.constant 16 : i32
      %shift_left3A_2079 = vector.broadcast %shift_left3A_2078 : i32 to vector<16xi32>
      %shift_left3A_2080 = arith.shli %get3A_2075, %shift_left3A_2079 : vector<16xi32>
      %bitcast_convert_type3A_2081 = tpu.bitcast %shift_left3A_2080 : vector<16xi32> -> vector<16xf32>
      %add3A_2082 = arith.addf %add3A_1959, %bitcast_convert_type3A_2077 : vector<16xf32>
      %add3A_2083 = arith.addf %add3A_1960, %bitcast_convert_type3A_2081 : vector<16xf32>
      %get3A_2084 = arith.constant 13 : i32
      %get3A_2085 = arith.index_cast %get3A_2084 : i32 to index
      %get3A_2086 = arith.constant 64 : index
      %get3A_2087 = tpu.vector_load %arg7[%get3A_2085, %get3A_2086] {strides = array<i32>} : memref<20x128xi32, #tpu.memory_space<vmem>>, vector<1x16xi32>,
      %get3A_2088 = vector.shape_cast %get3A_2087 : vector<1x16xi32> to vector<16xi32>
      %and3A_2089 = arith.andi %get3A_2088, %broadcast_in_dim3A_11 : vector<16xi32>
      %bitcast_convert_type3A_2090 = tpu.bitcast %and3A_2089 : vector<16xi32> -> vector<16xf32>
      %shift_left3A_2091 = arith.constant 16 : i32
      %shift_left3A_2092 = vector.broadcast %shift_left3A_2091 : i32 to vector<16xi32>
      %shift_left3A_2093 = arith.shli %get3A_2088, %shift_left3A_2092 : vector<16xi32>
      %bitcast_convert_type3A_2094 = tpu.bitcast %shift_left3A_2093 : vector<16xi32> -> vector<16xf32>
      %add3A_2095 = arith.addf %add3A_1972, %bitcast_convert_type3A_2090 : vector<16xf32>
      %add3A_2096 = arith.addf %add3A_1973, %bitcast_convert_type3A_2094 : vector<16xf32>
      %get3A_2097 = arith.constant 13 : i32
      %get3A_2098 = arith.index_cast %get3A_2097 : i32 to index
      %get3A_2099 = arith.constant 80 : index
      %get3A_2100 = tpu.vector_load %arg7[%get3A_2098, %get3A_2099] {strides = array<i32>} : memref<20x128xi32, #tpu.memory_space<vmem>>, vector<1x16xi32>,
      %get3A_2101 = vector.shape_cast %get3A_2100 : vector<1x16xi32> to vector<16xi32>
      %and3A_2102 = arith.andi %get3A_2101, %broadcast_in_dim3A_11 : vector<16xi32>
      %bitcast_convert_type3A_2103 = tpu.bitcast %and3A_2102 : vector<16xi32> -> vector<16xf32>
      %shift_left3A_2104 = arith.constant 16 : i32
      %shift_left3A_2105 = vector.broadcast %shift_left3A_2104 : i32 to vector<16xi32>
      %shift_left3A_2106 = arith.shli %get3A_2101, %shift_left3A_2105 : vector<16xi32>
      %bitcast_convert_type3A_2107 = tpu.bitcast %shift_left3A_2106 : vector<16xi32> -> vector<16xf32>
      %add3A_2108 = arith.addf %add3A_1985, %bitcast_convert_type3A_2103 : vector<16xf32>
      %add3A_2109 = arith.addf %add3A_1986, %bitcast_convert_type3A_2107 : vector<16xf32>
      %get3A_2110 = arith.constant 13 : i32
      %get3A_2111 = arith.index_cast %get3A_2110 : i32 to index
      %get3A_2112 = arith.constant 96 : index
      %get3A_2113 = tpu.vector_load %arg7[%get3A_2111, %get3A_2112] {strides = array<i32>} : memref<20x128xi32, #tpu.memory_space<vmem>>, vector<1x16xi32>,
      %get3A_2114 = vector.shape_cast %get3A_2113 : vector<1x16xi32> to vector<16xi32>
      %and3A_2115 = arith.andi %get3A_2114, %broadcast_in_dim3A_11 : vector<16xi32>
      %bitcast_convert_type3A_2116 = tpu.bitcast %and3A_2115 : vector<16xi32> -> vector<16xf32>
      %shift_left3A_2117 = arith.constant 16 : i32
      %shift_left3A_2118 = vector.broadcast %shift_left3A_2117 : i32 to vector<16xi32>
      %shift_left3A_2119 = arith.shli %get3A_2114, %shift_left3A_2118 : vector<16xi32>
      %bitcast_convert_type3A_2120 = tpu.bitcast %shift_left3A_2119 : vector<16xi32> -> vector<16xf32>
      %add3A_2121 = arith.addf %add3A_1998, %bitcast_convert_type3A_2116 : vector<16xf32>
      %add3A_2122 = arith.addf %add3A_1999, %bitcast_convert_type3A_2120 : vector<16xf32>
      %get3A_2123 = arith.constant 13 : i32
      %get3A_2124 = arith.index_cast %get3A_2123 : i32 to index
      %get3A_2125 = arith.constant 112 : index
      %get3A_2126 = tpu.vector_load %arg7[%get3A_2124, %get3A_2125] {strides = array<i32>} : memref<20x128xi32, #tpu.memory_space<vmem>>, vector<1x16xi32>,
      %get3A_2127 = vector.shape_cast %get3A_2126 : vector<1x16xi32> to vector<16xi32>
      %and3A_2128 = arith.andi %get3A_2127, %broadcast_in_dim3A_11 : vector<16xi32>
      %bitcast_convert_type3A_2129 = tpu.bitcast %and3A_2128 : vector<16xi32> -> vector<16xf32>
      %shift_left3A_2130 = arith.constant 16 : i32
      %shift_left3A_2131 = vector.broadcast %shift_left3A_2130 : i32 to vector<16xi32>
      %shift_left3A_2132 = arith.shli %get3A_2127, %shift_left3A_2131 : vector<16xi32>
      %bitcast_convert_type3A_2133 = tpu.bitcast %shift_left3A_2132 : vector<16xi32> -> vector<16xf32>
      %add3A_2134 = arith.addf %add3A_2011, %bitcast_convert_type3A_2129 : vector<16xf32>
      %add3A_2135 = arith.addf %add3A_2012, %bitcast_convert_type3A_2133 : vector<16xf32>
      %add3A_2136 = arith.constant 13 : i32
      %add3A_2137 = arith.addi %mul3A_426, %add3A_2136 : i32
      %add3A_2138 = arith.constant 20 : i32
      %add3A_2139 = arith.addi %add3A_2137, %add3A_2138 : i32
      %lt3A_2140 = arith.constant 200 : i32
      %lt3A_2141 = arith.cmpi slt, %add3A_2139, %lt3A_2140 : i32
      %convert_element_type3A_2142 = arith.extui %lt3A_2141 : i1 to i32
      %cond3A_2143 = arith.constant 0 : i32
      %cond3A_2144 = arith.cmpi ne, %convert_element_type3A_2142, %cond3A_2143 : i32
      scf.if %cond3A_2144 {
        %add3A_2883 = arith.constant 13 : i32
        %add3A_2884 = arith.addi %mul3A_426, %add3A_2883 : i32
        %add3A_2885 = arith.constant 20 : i32
        %add3A_2886 = arith.addi %add3A_2884, %add3A_2885 : i32
        %dma_start3A_2887 = arith.constant 13 : i32
        %dma_start3A_2888 = arith.constant 0 : i32
        %dma_start3A_2889 = tpu.memref_slice %arg7[%dma_start3A_2887, %dma_start3A_2888] : memref<20x128xi32, #tpu.memory_space<vmem>> -> memref<1x128xi32, #tpu.memory_space<vmem>>
        %dma_start3A_2890 = tpu.memref_squeeze %dma_start3A_2889 : memref<1x128xi32, #tpu.memory_space<vmem>> -> memref<128xi32, #tpu.memory_space<vmem>>
        %dma_start3A_2891 = arith.constant 0 : i32
        %dma_start3A_2892 = tpu.memref_slice %arg6[%add3A_2886, %dma_start3A_2891] : memref<200x128xi32, #tpu.memory_space<vmem>> -> memref<1x128xi32, #tpu.memory_space<vmem>>
        %dma_start3A_2893 = tpu.memref_squeeze %dma_start3A_2892 : memref<1x128xi32, #tpu.memory_space<vmem>> -> memref<128xi32, #tpu.memory_space<vmem>>
        %dma_start3A_2894 = arith.constant 0 : i32
        %dma_start3A_2895 = tpu.memref_slice %arg10[%dma_start3A_2894] : memref<1000000xi32, #tpu.memory_space<vmem_shared>> -> memref<1000000xi32, #tpu.memory_space<vmem_shared>>
        tpu.enqueue_indirect_dma source(%dma_start3A_2895 : memref<1000000xi32, #tpu.memory_space<vmem_shared>>) target(%dma_start3A_2890 : memref<128xi32, #tpu.memory_space<vmem>>) offsets(%dma_start3A_2893 : memref<128xi32, #tpu.memory_space<vmem>>) semaphore(%arg24 : memref<!tpu.dma_semaphore, #tpu.memory_space<semaphore_mem>>)
      } else {
      }
      %dma_wait3A_2145 = arith.constant 0 : i32
      %dma_wait3A_2146 = arith.constant 14 : i32
      %dma_wait3A_2147 = arith.constant 0 : i32
      %dma_wait3A_2148 = tpu.memref_slice %arg7[%dma_wait3A_2146, %dma_wait3A_2147] : memref<20x128xi32, #tpu.memory_space<vmem>> -> memref<1x128xi32, #tpu.memory_space<vmem>>
      %dma_wait3A_2149 = tpu.memref_squeeze %dma_wait3A_2148 : memref<1x128xi32, #tpu.memory_space<vmem>> -> memref<128xi32, #tpu.memory_space<vmem>>
      %dma_wait3A_2150 = arith.constant 0 : i32
      %dma_wait3A_2151 = tpu.memref_slice %arg6[%dma_wait3A_2145, %dma_wait3A_2150] : memref<200x128xi32, #tpu.memory_space<vmem>> -> memref<1x128xi32, #tpu.memory_space<vmem>>
      %dma_wait3A_2152 = tpu.memref_squeeze %dma_wait3A_2151 : memref<1x128xi32, #tpu.memory_space<vmem>> -> memref<128xi32, #tpu.memory_space<vmem>>
      %dma_wait3A_2153 = arith.constant 0 : i32
      %dma_wait3A_2154 = tpu.memref_slice %arg10[%dma_wait3A_2153] : memref<1000000xi32, #tpu.memory_space<vmem_shared>> -> memref<1000000xi32, #tpu.memory_space<vmem_shared>>
      tpu.wait_indirect_dma semaphore(%arg25 : memref<!tpu.dma_semaphore, #tpu.memory_space<semaphore_mem>>) src(%dma_wait3A_2154 : memref<1000000xi32, #tpu.memory_space<vmem_shared>>) dst(%dma_wait3A_2149 : memref<128xi32, #tpu.memory_space<vmem>>)
      %get3A_2155 = arith.constant 14 : i32
      %get3A_2156 = arith.index_cast %get3A_2155 : i32 to index
      %get3A_2157 = arith.constant 0 : index
      %get3A_2158 = tpu.vector_load %arg7[%get3A_2156, %get3A_2157] {strides = array<i32>} : memref<20x128xi32, #tpu.memory_space<vmem>>, vector<1x16xi32>,
      %get3A_2159 = vector.shape_cast %get3A_2158 : vector<1x16xi32> to vector<16xi32>
      %and3A_2160 = arith.andi %get3A_2159, %broadcast_in_dim3A_11 : vector<16xi32>
      %bitcast_convert_type3A_2161 = tpu.bitcast %and3A_2160 : vector<16xi32> -> vector<16xf32>
      %shift_left3A_2162 = arith.constant 16 : i32
      %shift_left3A_2163 = vector.broadcast %shift_left3A_2162 : i32 to vector<16xi32>
      %shift_left3A_2164 = arith.shli %get3A_2159, %shift_left3A_2163 : vector<16xi32>
      %bitcast_convert_type3A_2165 = tpu.bitcast %shift_left3A_2164 : vector<16xi32> -> vector<16xf32>
      %add3A_2166 = arith.addf %add3A_2043, %bitcast_convert_type3A_2161 : vector<16xf32>
      %add3A_2167 = arith.addf %add3A_2044, %bitcast_convert_type3A_2165 : vector<16xf32>
      %get3A_2168 = arith.constant 14 : i32
      %get3A_2169 = arith.index_cast %get3A_2168 : i32 to index
      %get3A_2170 = arith.constant 16 : index
      %get3A_2171 = tpu.vector_load %arg7[%get3A_2169, %get3A_2170] {strides = array<i32>} : memref<20x128xi32, #tpu.memory_space<vmem>>, vector<1x16xi32>,
      %get3A_2172 = vector.shape_cast %get3A_2171 : vector<1x16xi32> to vector<16xi32>
      %and3A_2173 = arith.andi %get3A_2172, %broadcast_in_dim3A_11 : vector<16xi32>
      %bitcast_convert_type3A_2174 = tpu.bitcast %and3A_2173 : vector<16xi32> -> vector<16xf32>
      %shift_left3A_2175 = arith.constant 16 : i32
      %shift_left3A_2176 = vector.broadcast %shift_left3A_2175 : i32 to vector<16xi32>
      %shift_left3A_2177 = arith.shli %get3A_2172, %shift_left3A_2176 : vector<16xi32>
      %bitcast_convert_type3A_2178 = tpu.bitcast %shift_left3A_2177 : vector<16xi32> -> vector<16xf32>
      %add3A_2179 = arith.addf %add3A_2056, %bitcast_convert_type3A_2174 : vector<16xf32>
      %add3A_2180 = arith.addf %add3A_2057, %bitcast_convert_type3A_2178 : vector<16xf32>
      %get3A_2181 = arith.constant 14 : i32
      %get3A_2182 = arith.index_cast %get3A_2181 : i32 to index
      %get3A_2183 = arith.constant 32 : index
      %get3A_2184 = tpu.vector_load %arg7[%get3A_2182, %get3A_2183] {strides = array<i32>} : memref<20x128xi32, #tpu.memory_space<vmem>>, vector<1x16xi32>,
      %get3A_2185 = vector.shape_cast %get3A_2184 : vector<1x16xi32> to vector<16xi32>
      %and3A_2186 = arith.andi %get3A_2185, %broadcast_in_dim3A_11 : vector<16xi32>
      %bitcast_convert_type3A_2187 = tpu.bitcast %and3A_2186 : vector<16xi32> -> vector<16xf32>
      %shift_left3A_2188 = arith.constant 16 : i32
      %shift_left3A_2189 = vector.broadcast %shift_left3A_2188 : i32 to vector<16xi32>
      %shift_left3A_2190 = arith.shli %get3A_2185, %shift_left3A_2189 : vector<16xi32>
      %bitcast_convert_type3A_2191 = tpu.bitcast %shift_left3A_2190 : vector<16xi32> -> vector<16xf32>
      %add3A_2192 = arith.addf %add3A_2069, %bitcast_convert_type3A_2187 : vector<16xf32>
      %add3A_2193 = arith.addf %add3A_2070, %bitcast_convert_type3A_2191 : vector<16xf32>
      %get3A_2194 = arith.constant 14 : i32
      %get3A_2195 = arith.index_cast %get3A_2194 : i32 to index
      %get3A_2196 = arith.constant 48 : index
      %get3A_2197 = tpu.vector_load %arg7[%get3A_2195, %get3A_2196] {strides = array<i32>} : memref<20x128xi32, #tpu.memory_space<vmem>>, vector<1x16xi32>,
      %get3A_2198 = vector.shape_cast %get3A_2197 : vector<1x16xi32> to vector<16xi32>
      %and3A_2199 = arith.andi %get3A_2198, %broadcast_in_dim3A_11 : vector<16xi32>
      %bitcast_convert_type3A_2200 = tpu.bitcast %and3A_2199 : vector<16xi32> -> vector<16xf32>
      %shift_left3A_2201 = arith.constant 16 : i32
      %shift_left3A_2202 = vector.broadcast %shift_left3A_2201 : i32 to vector<16xi32>
      %shift_left3A_2203 = arith.shli %get3A_2198, %shift_left3A_2202 : vector<16xi32>
      %bitcast_convert_type3A_2204 = tpu.bitcast %shift_left3A_2203 : vector<16xi32> -> vector<16xf32>
      %add3A_2205 = arith.addf %add3A_2082, %bitcast_convert_type3A_2200 : vector<16xf32>
      %add3A_2206 = arith.addf %add3A_2083, %bitcast_convert_type3A_2204 : vector<16xf32>
      %get3A_2207 = arith.constant 14 : i32
      %get3A_2208 = arith.index_cast %get3A_2207 : i32 to index
      %get3A_2209 = arith.constant 64 : index
      %get3A_2210 = tpu.vector_load %arg7[%get3A_2208, %get3A_2209] {strides = array<i32>} : memref<20x128xi32, #tpu.memory_space<vmem>>, vector<1x16xi32>,
      %get3A_2211 = vector.shape_cast %get3A_2210 : vector<1x16xi32> to vector<16xi32>
      %and3A_2212 = arith.andi %get3A_2211, %broadcast_in_dim3A_11 : vector<16xi32>
      %bitcast_convert_type3A_2213 = tpu.bitcast %and3A_2212 : vector<16xi32> -> vector<16xf32>
      %shift_left3A_2214 = arith.constant 16 : i32
      %shift_left3A_2215 = vector.broadcast %shift_left3A_2214 : i32 to vector<16xi32>
      %shift_left3A_2216 = arith.shli %get3A_2211, %shift_left3A_2215 : vector<16xi32>
      %bitcast_convert_type3A_2217 = tpu.bitcast %shift_left3A_2216 : vector<16xi32> -> vector<16xf32>
      %add3A_2218 = arith.addf %add3A_2095, %bitcast_convert_type3A_2213 : vector<16xf32>
      %add3A_2219 = arith.addf %add3A_2096, %bitcast_convert_type3A_2217 : vector<16xf32>
      %get3A_2220 = arith.constant 14 : i32
      %get3A_2221 = arith.index_cast %get3A_2220 : i32 to index
      %get3A_2222 = arith.constant 80 : index
      %get3A_2223 = tpu.vector_load %arg7[%get3A_2221, %get3A_2222] {strides = array<i32>} : memref<20x128xi32, #tpu.memory_space<vmem>>, vector<1x16xi32>,
      %get3A_2224 = vector.shape_cast %get3A_2223 : vector<1x16xi32> to vector<16xi32>
      %and3A_2225 = arith.andi %get3A_2224, %broadcast_in_dim3A_11 : vector<16xi32>
      %bitcast_convert_type3A_2226 = tpu.bitcast %and3A_2225 : vector<16xi32> -> vector<16xf32>
      %shift_left3A_2227 = arith.constant 16 : i32
      %shift_left3A_2228 = vector.broadcast %shift_left3A_2227 : i32 to vector<16xi32>
      %shift_left3A_2229 = arith.shli %get3A_2224, %shift_left3A_2228 : vector<16xi32>
      %bitcast_convert_type3A_2230 = tpu.bitcast %shift_left3A_2229 : vector<16xi32> -> vector<16xf32>
      %add3A_2231 = arith.addf %add3A_2108, %bitcast_convert_type3A_2226 : vector<16xf32>
      %add3A_2232 = arith.addf %add3A_2109, %bitcast_convert_type3A_2230 : vector<16xf32>
      %get3A_2233 = arith.constant 14 : i32
      %get3A_2234 = arith.index_cast %get3A_2233 : i32 to index
      %get3A_2235 = arith.constant 96 : index
      %get3A_2236 = tpu.vector_load %arg7[%get3A_2234, %get3A_2235] {strides = array<i32>} : memref<20x128xi32, #tpu.memory_space<vmem>>, vector<1x16xi32>,
      %get3A_2237 = vector.shape_cast %get3A_2236 : vector<1x16xi32> to vector<16xi32>
      %and3A_2238 = arith.andi %get3A_2237, %broadcast_in_dim3A_11 : vector<16xi32>
      %bitcast_convert_type3A_2239 = tpu.bitcast %and3A_2238 : vector<16xi32> -> vector<16xf32>
      %shift_left3A_2240 = arith.constant 16 : i32
      %shift_left3A_2241 = vector.broadcast %shift_left3A_2240 : i32 to vector<16xi32>
      %shift_left3A_2242 = arith.shli %get3A_2237, %shift_left3A_2241 : vector<16xi32>
      %bitcast_convert_type3A_2243 = tpu.bitcast %shift_left3A_2242 : vector<16xi32> -> vector<16xf32>
      %add3A_2244 = arith.addf %add3A_2121, %bitcast_convert_type3A_2239 : vector<16xf32>
      %add3A_2245 = arith.addf %add3A_2122, %bitcast_convert_type3A_2243 : vector<16xf32>
      %get3A_2246 = arith.constant 14 : i32
      %get3A_2247 = arith.index_cast %get3A_2246 : i32 to index
      %get3A_2248 = arith.constant 112 : index
      %get3A_2249 = tpu.vector_load %arg7[%get3A_2247, %get3A_2248] {strides = array<i32>} : memref<20x128xi32, #tpu.memory_space<vmem>>, vector<1x16xi32>,
      %get3A_2250 = vector.shape_cast %get3A_2249 : vector<1x16xi32> to vector<16xi32>
      %and3A_2251 = arith.andi %get3A_2250, %broadcast_in_dim3A_11 : vector<16xi32>
      %bitcast_convert_type3A_2252 = tpu.bitcast %and3A_2251 : vector<16xi32> -> vector<16xf32>
      %shift_left3A_2253 = arith.constant 16 : i32
      %shift_left3A_2254 = vector.broadcast %shift_left3A_2253 : i32 to vector<16xi32>
      %shift_left3A_2255 = arith.shli %get3A_2250, %shift_left3A_2254 : vector<16xi32>
      %bitcast_convert_type3A_2256 = tpu.bitcast %shift_left3A_2255 : vector<16xi32> -> vector<16xf32>
      %add3A_2257 = arith.addf %add3A_2134, %bitcast_convert_type3A_2252 : vector<16xf32>
      %add3A_2258 = arith.addf %add3A_2135, %bitcast_convert_type3A_2256 : vector<16xf32>
      %add3A_2259 = arith.constant 14 : i32
      %add3A_2260 = arith.addi %mul3A_426, %add3A_2259 : i32
      %add3A_2261 = arith.constant 20 : i32
      %add3A_2262 = arith.addi %add3A_2260, %add3A_2261 : i32
      %lt3A_2263 = arith.constant 200 : i32
      %lt3A_2264 = arith.cmpi slt, %add3A_2262, %lt3A_2263 : i32
      %convert_element_type3A_2265 = arith.extui %lt3A_2264 : i1 to i32
      %cond3A_2266 = arith.constant 0 : i32
      %cond3A_2267 = arith.cmpi ne, %convert_element_type3A_2265, %cond3A_2266 : i32
      scf.if %cond3A_2267 {
        %add3A_2883 = arith.constant 14 : i32
        %add3A_2884 = arith.addi %mul3A_426, %add3A_2883 : i32
        %add3A_2885 = arith.constant 20 : i32
        %add3A_2886 = arith.addi %add3A_2884, %add3A_2885 : i32
        %dma_start3A_2887 = arith.constant 14 : i32
        %dma_start3A_2888 = arith.constant 0 : i32
        %dma_start3A_2889 = tpu.memref_slice %arg7[%dma_start3A_2887, %dma_start3A_2888] : memref<20x128xi32, #tpu.memory_space<vmem>> -> memref<1x128xi32, #tpu.memory_space<vmem>>
        %dma_start3A_2890 = tpu.memref_squeeze %dma_start3A_2889 : memref<1x128xi32, #tpu.memory_space<vmem>> -> memref<128xi32, #tpu.memory_space<vmem>>
        %dma_start3A_2891 = arith.constant 0 : i32
        %dma_start3A_2892 = tpu.memref_slice %arg6[%add3A_2886, %dma_start3A_2891] : memref<200x128xi32, #tpu.memory_space<vmem>> -> memref<1x128xi32, #tpu.memory_space<vmem>>
        %dma_start3A_2893 = tpu.memref_squeeze %dma_start3A_2892 : memref<1x128xi32, #tpu.memory_space<vmem>> -> memref<128xi32, #tpu.memory_space<vmem>>
        %dma_start3A_2894 = arith.constant 0 : i32
        %dma_start3A_2895 = tpu.memref_slice %arg10[%dma_start3A_2894] : memref<1000000xi32, #tpu.memory_space<vmem_shared>> -> memref<1000000xi32, #tpu.memory_space<vmem_shared>>
        tpu.enqueue_indirect_dma source(%dma_start3A_2895 : memref<1000000xi32, #tpu.memory_space<vmem_shared>>) target(%dma_start3A_2890 : memref<128xi32, #tpu.memory_space<vmem>>) offsets(%dma_start3A_2893 : memref<128xi32, #tpu.memory_space<vmem>>) semaphore(%arg25 : memref<!tpu.dma_semaphore, #tpu.memory_space<semaphore_mem>>)
      } else {
      }
      %dma_wait3A_2268 = arith.constant 0 : i32
      %dma_wait3A_2269 = arith.constant 15 : i32
      %dma_wait3A_2270 = arith.constant 0 : i32
      %dma_wait3A_2271 = tpu.memref_slice %arg7[%dma_wait3A_2269, %dma_wait3A_2270] : memref<20x128xi32, #tpu.memory_space<vmem>> -> memref<1x128xi32, #tpu.memory_space<vmem>>
      %dma_wait3A_2272 = tpu.memref_squeeze %dma_wait3A_2271 : memref<1x128xi32, #tpu.memory_space<vmem>> -> memref<128xi32, #tpu.memory_space<vmem>>
      %dma_wait3A_2273 = arith.constant 0 : i32
      %dma_wait3A_2274 = tpu.memref_slice %arg6[%dma_wait3A_2268, %dma_wait3A_2273] : memref<200x128xi32, #tpu.memory_space<vmem>> -> memref<1x128xi32, #tpu.memory_space<vmem>>
      %dma_wait3A_2275 = tpu.memref_squeeze %dma_wait3A_2274 : memref<1x128xi32, #tpu.memory_space<vmem>> -> memref<128xi32, #tpu.memory_space<vmem>>
      %dma_wait3A_2276 = arith.constant 0 : i32
      %dma_wait3A_2277 = tpu.memref_slice %arg10[%dma_wait3A_2276] : memref<1000000xi32, #tpu.memory_space<vmem_shared>> -> memref<1000000xi32, #tpu.memory_space<vmem_shared>>
      tpu.wait_indirect_dma semaphore(%arg26 : memref<!tpu.dma_semaphore, #tpu.memory_space<semaphore_mem>>) src(%dma_wait3A_2277 : memref<1000000xi32, #tpu.memory_space<vmem_shared>>) dst(%dma_wait3A_2272 : memref<128xi32, #tpu.memory_space<vmem>>)
      %get3A_2278 = arith.constant 15 : i32
      %get3A_2279 = arith.index_cast %get3A_2278 : i32 to index
      %get3A_2280 = arith.constant 0 : index
      %get3A_2281 = tpu.vector_load %arg7[%get3A_2279, %get3A_2280] {strides = array<i32>} : memref<20x128xi32, #tpu.memory_space<vmem>>, vector<1x16xi32>,
      %get3A_2282 = vector.shape_cast %get3A_2281 : vector<1x16xi32> to vector<16xi32>
      %and3A_2283 = arith.andi %get3A_2282, %broadcast_in_dim3A_11 : vector<16xi32>
      %bitcast_convert_type3A_2284 = tpu.bitcast %and3A_2283 : vector<16xi32> -> vector<16xf32>
      %shift_left3A_2285 = arith.constant 16 : i32
      %shift_left3A_2286 = vector.broadcast %shift_left3A_2285 : i32 to vector<16xi32>
      %shift_left3A_2287 = arith.shli %get3A_2282, %shift_left3A_2286 : vector<16xi32>
      %bitcast_convert_type3A_2288 = tpu.bitcast %shift_left3A_2287 : vector<16xi32> -> vector<16xf32>
      %add3A_2289 = arith.addf %add3A_2166, %bitcast_convert_type3A_2284 : vector<16xf32>
      %add3A_2290 = arith.addf %add3A_2167, %bitcast_convert_type3A_2288 : vector<16xf32>
      %get3A_2291 = arith.constant 15 : i32
      %get3A_2292 = arith.index_cast %get3A_2291 : i32 to index
      %get3A_2293 = arith.constant 16 : index
      %get3A_2294 = tpu.vector_load %arg7[%get3A_2292, %get3A_2293] {strides = array<i32>} : memref<20x128xi32, #tpu.memory_space<vmem>>, vector<1x16xi32>,
      %get3A_2295 = vector.shape_cast %get3A_2294 : vector<1x16xi32> to vector<16xi32>
      %and3A_2296 = arith.andi %get3A_2295, %broadcast_in_dim3A_11 : vector<16xi32>
      %bitcast_convert_type3A_2297 = tpu.bitcast %and3A_2296 : vector<16xi32> -> vector<16xf32>
      %shift_left3A_2298 = arith.constant 16 : i32
      %shift_left3A_2299 = vector.broadcast %shift_left3A_2298 : i32 to vector<16xi32>
      %shift_left3A_2300 = arith.shli %get3A_2295, %shift_left3A_2299 : vector<16xi32>
      %bitcast_convert_type3A_2301 = tpu.bitcast %shift_left3A_2300 : vector<16xi32> -> vector<16xf32>
      %add3A_2302 = arith.addf %add3A_2179, %bitcast_convert_type3A_2297 : vector<16xf32>
      %add3A_2303 = arith.addf %add3A_2180, %bitcast_convert_type3A_2301 : vector<16xf32>
      %get3A_2304 = arith.constant 15 : i32
      %get3A_2305 = arith.index_cast %get3A_2304 : i32 to index
      %get3A_2306 = arith.constant 32 : index
      %get3A_2307 = tpu.vector_load %arg7[%get3A_2305, %get3A_2306] {strides = array<i32>} : memref<20x128xi32, #tpu.memory_space<vmem>>, vector<1x16xi32>,
      %get3A_2308 = vector.shape_cast %get3A_2307 : vector<1x16xi32> to vector<16xi32>
      %and3A_2309 = arith.andi %get3A_2308, %broadcast_in_dim3A_11 : vector<16xi32>
      %bitcast_convert_type3A_2310 = tpu.bitcast %and3A_2309 : vector<16xi32> -> vector<16xf32>
      %shift_left3A_2311 = arith.constant 16 : i32
      %shift_left3A_2312 = vector.broadcast %shift_left3A_2311 : i32 to vector<16xi32>
      %shift_left3A_2313 = arith.shli %get3A_2308, %shift_left3A_2312 : vector<16xi32>
      %bitcast_convert_type3A_2314 = tpu.bitcast %shift_left3A_2313 : vector<16xi32> -> vector<16xf32>
      %add3A_2315 = arith.addf %add3A_2192, %bitcast_convert_type3A_2310 : vector<16xf32>
      %add3A_2316 = arith.addf %add3A_2193, %bitcast_convert_type3A_2314 : vector<16xf32>
      %get3A_2317 = arith.constant 15 : i32
      %get3A_2318 = arith.index_cast %get3A_2317 : i32 to index
      %get3A_2319 = arith.constant 48 : index
      %get3A_2320 = tpu.vector_load %arg7[%get3A_2318, %get3A_2319] {strides = array<i32>} : memref<20x128xi32, #tpu.memory_space<vmem>>, vector<1x16xi32>,
      %get3A_2321 = vector.shape_cast %get3A_2320 : vector<1x16xi32> to vector<16xi32>
      %and3A_2322 = arith.andi %get3A_2321, %broadcast_in_dim3A_11 : vector<16xi32>
      %bitcast_convert_type3A_2323 = tpu.bitcast %and3A_2322 : vector<16xi32> -> vector<16xf32>
      %shift_left3A_2324 = arith.constant 16 : i32
      %shift_left3A_2325 = vector.broadcast %shift_left3A_2324 : i32 to vector<16xi32>
      %shift_left3A_2326 = arith.shli %get3A_2321, %shift_left3A_2325 : vector<16xi32>
      %bitcast_convert_type3A_2327 = tpu.bitcast %shift_left3A_2326 : vector<16xi32> -> vector<16xf32>
      %add3A_2328 = arith.addf %add3A_2205, %bitcast_convert_type3A_2323 : vector<16xf32>
      %add3A_2329 = arith.addf %add3A_2206, %bitcast_convert_type3A_2327 : vector<16xf32>
      %get3A_2330 = arith.constant 15 : i32
      %get3A_2331 = arith.index_cast %get3A_2330 : i32 to index
      %get3A_2332 = arith.constant 64 : index
      %get3A_2333 = tpu.vector_load %arg7[%get3A_2331, %get3A_2332] {strides = array<i32>} : memref<20x128xi32, #tpu.memory_space<vmem>>, vector<1x16xi32>,
      %get3A_2334 = vector.shape_cast %get3A_2333 : vector<1x16xi32> to vector<16xi32>
      %and3A_2335 = arith.andi %get3A_2334, %broadcast_in_dim3A_11 : vector<16xi32>
      %bitcast_convert_type3A_2336 = tpu.bitcast %and3A_2335 : vector<16xi32> -> vector<16xf32>
      %shift_left3A_2337 = arith.constant 16 : i32
      %shift_left3A_2338 = vector.broadcast %shift_left3A_2337 : i32 to vector<16xi32>
      %shift_left3A_2339 = arith.shli %get3A_2334, %shift_left3A_2338 : vector<16xi32>
      %bitcast_convert_type3A_2340 = tpu.bitcast %shift_left3A_2339 : vector<16xi32> -> vector<16xf32>
      %add3A_2341 = arith.addf %add3A_2218, %bitcast_convert_type3A_2336 : vector<16xf32>
      %add3A_2342 = arith.addf %add3A_2219, %bitcast_convert_type3A_2340 : vector<16xf32>
      %get3A_2343 = arith.constant 15 : i32
      %get3A_2344 = arith.index_cast %get3A_2343 : i32 to index
      %get3A_2345 = arith.constant 80 : index
      %get3A_2346 = tpu.vector_load %arg7[%get3A_2344, %get3A_2345] {strides = array<i32>} : memref<20x128xi32, #tpu.memory_space<vmem>>, vector<1x16xi32>,
      %get3A_2347 = vector.shape_cast %get3A_2346 : vector<1x16xi32> to vector<16xi32>
      %and3A_2348 = arith.andi %get3A_2347, %broadcast_in_dim3A_11 : vector<16xi32>
      %bitcast_convert_type3A_2349 = tpu.bitcast %and3A_2348 : vector<16xi32> -> vector<16xf32>
      %shift_left3A_2350 = arith.constant 16 : i32
      %shift_left3A_2351 = vector.broadcast %shift_left3A_2350 : i32 to vector<16xi32>
      %shift_left3A_2352 = arith.shli %get3A_2347, %shift_left3A_2351 : vector<16xi32>
      %bitcast_convert_type3A_2353 = tpu.bitcast %shift_left3A_2352 : vector<16xi32> -> vector<16xf32>
      %add3A_2354 = arith.addf %add3A_2231, %bitcast_convert_type3A_2349 : vector<16xf32>
      %add3A_2355 = arith.addf %add3A_2232, %bitcast_convert_type3A_2353 : vector<16xf32>
      %get3A_2356 = arith.constant 15 : i32
      %get3A_2357 = arith.index_cast %get3A_2356 : i32 to index
      %get3A_2358 = arith.constant 96 : index
      %get3A_2359 = tpu.vector_load %arg7[%get3A_2357, %get3A_2358] {strides = array<i32>} : memref<20x128xi32, #tpu.memory_space<vmem>>, vector<1x16xi32>,
      %get3A_2360 = vector.shape_cast %get3A_2359 : vector<1x16xi32> to vector<16xi32>
      %and3A_2361 = arith.andi %get3A_2360, %broadcast_in_dim3A_11 : vector<16xi32>
      %bitcast_convert_type3A_2362 = tpu.bitcast %and3A_2361 : vector<16xi32> -> vector<16xf32>
      %shift_left3A_2363 = arith.constant 16 : i32
      %shift_left3A_2364 = vector.broadcast %shift_left3A_2363 : i32 to vector<16xi32>
      %shift_left3A_2365 = arith.shli %get3A_2360, %shift_left3A_2364 : vector<16xi32>
      %bitcast_convert_type3A_2366 = tpu.bitcast %shift_left3A_2365 : vector<16xi32> -> vector<16xf32>
      %add3A_2367 = arith.addf %add3A_2244, %bitcast_convert_type3A_2362 : vector<16xf32>
      %add3A_2368 = arith.addf %add3A_2245, %bitcast_convert_type3A_2366 : vector<16xf32>
      %get3A_2369 = arith.constant 15 : i32
      %get3A_2370 = arith.index_cast %get3A_2369 : i32 to index
      %get3A_2371 = arith.constant 112 : index
      %get3A_2372 = tpu.vector_load %arg7[%get3A_2370, %get3A_2371] {strides = array<i32>} : memref<20x128xi32, #tpu.memory_space<vmem>>, vector<1x16xi32>,
      %get3A_2373 = vector.shape_cast %get3A_2372 : vector<1x16xi32> to vector<16xi32>
      %and3A_2374 = arith.andi %get3A_2373, %broadcast_in_dim3A_11 : vector<16xi32>
      %bitcast_convert_type3A_2375 = tpu.bitcast %and3A_2374 : vector<16xi32> -> vector<16xf32>
      %shift_left3A_2376 = arith.constant 16 : i32
      %shift_left3A_2377 = vector.broadcast %shift_left3A_2376 : i32 to vector<16xi32>
      %shift_left3A_2378 = arith.shli %get3A_2373, %shift_left3A_2377 : vector<16xi32>
      %bitcast_convert_type3A_2379 = tpu.bitcast %shift_left3A_2378 : vector<16xi32> -> vector<16xf32>
      %add3A_2380 = arith.addf %add3A_2257, %bitcast_convert_type3A_2375 : vector<16xf32>
      %add3A_2381 = arith.addf %add3A_2258, %bitcast_convert_type3A_2379 : vector<16xf32>
      %add3A_2382 = arith.constant 15 : i32
      %add3A_2383 = arith.addi %mul3A_426, %add3A_2382 : i32
      %add3A_2384 = arith.constant 20 : i32
      %add3A_2385 = arith.addi %add3A_2383, %add3A_2384 : i32
      %lt3A_2386 = arith.constant 200 : i32
      %lt3A_2387 = arith.cmpi slt, %add3A_2385, %lt3A_2386 : i32
      %convert_element_type3A_2388 = arith.extui %lt3A_2387 : i1 to i32
      %cond3A_2389 = arith.constant 0 : i32
      %cond3A_2390 = arith.cmpi ne, %convert_element_type3A_2388, %cond3A_2389 : i32
      scf.if %cond3A_2390 {
        %add3A_2883 = arith.constant 15 : i32
        %add3A_2884 = arith.addi %mul3A_426, %add3A_2883 : i32
        %add3A_2885 = arith.constant 20 : i32
        %add3A_2886 = arith.addi %add3A_2884, %add3A_2885 : i32
        %dma_start3A_2887 = arith.constant 15 : i32
        %dma_start3A_2888 = arith.constant 0 : i32
        %dma_start3A_2889 = tpu.memref_slice %arg7[%dma_start3A_2887, %dma_start3A_2888] : memref<20x128xi32, #tpu.memory_space<vmem>> -> memref<1x128xi32, #tpu.memory_space<vmem>>
        %dma_start3A_2890 = tpu.memref_squeeze %dma_start3A_2889 : memref<1x128xi32, #tpu.memory_space<vmem>> -> memref<128xi32, #tpu.memory_space<vmem>>
        %dma_start3A_2891 = arith.constant 0 : i32
        %dma_start3A_2892 = tpu.memref_slice %arg6[%add3A_2886, %dma_start3A_2891] : memref<200x128xi32, #tpu.memory_space<vmem>> -> memref<1x128xi32, #tpu.memory_space<vmem>>
        %dma_start3A_2893 = tpu.memref_squeeze %dma_start3A_2892 : memref<1x128xi32, #tpu.memory_space<vmem>> -> memref<128xi32, #tpu.memory_space<vmem>>
        %dma_start3A_2894 = arith.constant 0 : i32
        %dma_start3A_2895 = tpu.memref_slice %arg10[%dma_start3A_2894] : memref<1000000xi32, #tpu.memory_space<vmem_shared>> -> memref<1000000xi32, #tpu.memory_space<vmem_shared>>
        tpu.enqueue_indirect_dma source(%dma_start3A_2895 : memref<1000000xi32, #tpu.memory_space<vmem_shared>>) target(%dma_start3A_2890 : memref<128xi32, #tpu.memory_space<vmem>>) offsets(%dma_start3A_2893 : memref<128xi32, #tpu.memory_space<vmem>>) semaphore(%arg26 : memref<!tpu.dma_semaphore, #tpu.memory_space<semaphore_mem>>)
      } else {
      }
      %dma_wait3A_2391 = arith.constant 0 : i32
      %dma_wait3A_2392 = arith.constant 16 : i32
      %dma_wait3A_2393 = arith.constant 0 : i32
      %dma_wait3A_2394 = tpu.memref_slice %arg7[%dma_wait3A_2392, %dma_wait3A_2393] : memref<20x128xi32, #tpu.memory_space<vmem>> -> memref<1x128xi32, #tpu.memory_space<vmem>>
      %dma_wait3A_2395 = tpu.memref_squeeze %dma_wait3A_2394 : memref<1x128xi32, #tpu.memory_space<vmem>> -> memref<128xi32, #tpu.memory_space<vmem>>
      %dma_wait3A_2396 = arith.constant 0 : i32
      %dma_wait3A_2397 = tpu.memref_slice %arg6[%dma_wait3A_2391, %dma_wait3A_2396] : memref<200x128xi32, #tpu.memory_space<vmem>> -> memref<1x128xi32, #tpu.memory_space<vmem>>
      %dma_wait3A_2398 = tpu.memref_squeeze %dma_wait3A_2397 : memref<1x128xi32, #tpu.memory_space<vmem>> -> memref<128xi32, #tpu.memory_space<vmem>>
      %dma_wait3A_2399 = arith.constant 0 : i32
      %dma_wait3A_2400 = tpu.memref_slice %arg10[%dma_wait3A_2399] : memref<1000000xi32, #tpu.memory_space<vmem_shared>> -> memref<1000000xi32, #tpu.memory_space<vmem_shared>>
      tpu.wait_indirect_dma semaphore(%arg27 : memref<!tpu.dma_semaphore, #tpu.memory_space<semaphore_mem>>) src(%dma_wait3A_2400 : memref<1000000xi32, #tpu.memory_space<vmem_shared>>) dst(%dma_wait3A_2395 : memref<128xi32, #tpu.memory_space<vmem>>)
      %get3A_2401 = arith.constant 16 : i32
      %get3A_2402 = arith.index_cast %get3A_2401 : i32 to index
      %get3A_2403 = arith.constant 0 : index
      %get3A_2404 = tpu.vector_load %arg7[%get3A_2402, %get3A_2403] {strides = array<i32>} : memref<20x128xi32, #tpu.memory_space<vmem>>, vector<1x16xi32>,
      %get3A_2405 = vector.shape_cast %get3A_2404 : vector<1x16xi32> to vector<16xi32>
      %and3A_2406 = arith.andi %get3A_2405, %broadcast_in_dim3A_11 : vector<16xi32>
      %bitcast_convert_type3A_2407 = tpu.bitcast %and3A_2406 : vector<16xi32> -> vector<16xf32>
      %shift_left3A_2408 = arith.constant 16 : i32
      %shift_left3A_2409 = vector.broadcast %shift_left3A_2408 : i32 to vector<16xi32>
      %shift_left3A_2410 = arith.shli %get3A_2405, %shift_left3A_2409 : vector<16xi32>
      %bitcast_convert_type3A_2411 = tpu.bitcast %shift_left3A_2410 : vector<16xi32> -> vector<16xf32>
      %add3A_2412 = arith.addf %add3A_2289, %bitcast_convert_type3A_2407 : vector<16xf32>
      %add3A_2413 = arith.addf %add3A_2290, %bitcast_convert_type3A_2411 : vector<16xf32>
      %get3A_2414 = arith.constant 16 : i32
      %get3A_2415 = arith.index_cast %get3A_2414 : i32 to index
      %get3A_2416 = arith.constant 16 : index
      %get3A_2417 = tpu.vector_load %arg7[%get3A_2415, %get3A_2416] {strides = array<i32>} : memref<20x128xi32, #tpu.memory_space<vmem>>, vector<1x16xi32>,
      %get3A_2418 = vector.shape_cast %get3A_2417 : vector<1x16xi32> to vector<16xi32>
      %and3A_2419 = arith.andi %get3A_2418, %broadcast_in_dim3A_11 : vector<16xi32>
      %bitcast_convert_type3A_2420 = tpu.bitcast %and3A_2419 : vector<16xi32> -> vector<16xf32>
      %shift_left3A_2421 = arith.constant 16 : i32
      %shift_left3A_2422 = vector.broadcast %shift_left3A_2421 : i32 to vector<16xi32>
      %shift_left3A_2423 = arith.shli %get3A_2418, %shift_left3A_2422 : vector<16xi32>
      %bitcast_convert_type3A_2424 = tpu.bitcast %shift_left3A_2423 : vector<16xi32> -> vector<16xf32>
      %add3A_2425 = arith.addf %add3A_2302, %bitcast_convert_type3A_2420 : vector<16xf32>
      %add3A_2426 = arith.addf %add3A_2303, %bitcast_convert_type3A_2424 : vector<16xf32>
      %get3A_2427 = arith.constant 16 : i32
      %get3A_2428 = arith.index_cast %get3A_2427 : i32 to index
      %get3A_2429 = arith.constant 32 : index
      %get3A_2430 = tpu.vector_load %arg7[%get3A_2428, %get3A_2429] {strides = array<i32>} : memref<20x128xi32, #tpu.memory_space<vmem>>, vector<1x16xi32>,
      %get3A_2431 = vector.shape_cast %get3A_2430 : vector<1x16xi32> to vector<16xi32>
      %and3A_2432 = arith.andi %get3A_2431, %broadcast_in_dim3A_11 : vector<16xi32>
      %bitcast_convert_type3A_2433 = tpu.bitcast %and3A_2432 : vector<16xi32> -> vector<16xf32>
      %shift_left3A_2434 = arith.constant 16 : i32
      %shift_left3A_2435 = vector.broadcast %shift_left3A_2434 : i32 to vector<16xi32>
      %shift_left3A_2436 = arith.shli %get3A_2431, %shift_left3A_2435 : vector<16xi32>
      %bitcast_convert_type3A_2437 = tpu.bitcast %shift_left3A_2436 : vector<16xi32> -> vector<16xf32>
      %add3A_2438 = arith.addf %add3A_2315, %bitcast_convert_type3A_2433 : vector<16xf32>
      %add3A_2439 = arith.addf %add3A_2316, %bitcast_convert_type3A_2437 : vector<16xf32>
      %get3A_2440 = arith.constant 16 : i32
      %get3A_2441 = arith.index_cast %get3A_2440 : i32 to index
      %get3A_2442 = arith.constant 48 : index
      %get3A_2443 = tpu.vector_load %arg7[%get3A_2441, %get3A_2442] {strides = array<i32>} : memref<20x128xi32, #tpu.memory_space<vmem>>, vector<1x16xi32>,
      %get3A_2444 = vector.shape_cast %get3A_2443 : vector<1x16xi32> to vector<16xi32>
      %and3A_2445 = arith.andi %get3A_2444, %broadcast_in_dim3A_11 : vector<16xi32>
      %bitcast_convert_type3A_2446 = tpu.bitcast %and3A_2445 : vector<16xi32> -> vector<16xf32>
      %shift_left3A_2447 = arith.constant 16 : i32
      %shift_left3A_2448 = vector.broadcast %shift_left3A_2447 : i32 to vector<16xi32>
      %shift_left3A_2449 = arith.shli %get3A_2444, %shift_left3A_2448 : vector<16xi32>
      %bitcast_convert_type3A_2450 = tpu.bitcast %shift_left3A_2449 : vector<16xi32> -> vector<16xf32>
      %add3A_2451 = arith.addf %add3A_2328, %bitcast_convert_type3A_2446 : vector<16xf32>
      %add3A_2452 = arith.addf %add3A_2329, %bitcast_convert_type3A_2450 : vector<16xf32>
      %get3A_2453 = arith.constant 16 : i32
      %get3A_2454 = arith.index_cast %get3A_2453 : i32 to index
      %get3A_2455 = arith.constant 64 : index
      %get3A_2456 = tpu.vector_load %arg7[%get3A_2454, %get3A_2455] {strides = array<i32>} : memref<20x128xi32, #tpu.memory_space<vmem>>, vector<1x16xi32>,
      %get3A_2457 = vector.shape_cast %get3A_2456 : vector<1x16xi32> to vector<16xi32>
      %and3A_2458 = arith.andi %get3A_2457, %broadcast_in_dim3A_11 : vector<16xi32>
      %bitcast_convert_type3A_2459 = tpu.bitcast %and3A_2458 : vector<16xi32> -> vector<16xf32>
      %shift_left3A_2460 = arith.constant 16 : i32
      %shift_left3A_2461 = vector.broadcast %shift_left3A_2460 : i32 to vector<16xi32>
      %shift_left3A_2462 = arith.shli %get3A_2457, %shift_left3A_2461 : vector<16xi32>
      %bitcast_convert_type3A_2463 = tpu.bitcast %shift_left3A_2462 : vector<16xi32> -> vector<16xf32>
      %add3A_2464 = arith.addf %add3A_2341, %bitcast_convert_type3A_2459 : vector<16xf32>
      %add3A_2465 = arith.addf %add3A_2342, %bitcast_convert_type3A_2463 : vector<16xf32>
      %get3A_2466 = arith.constant 16 : i32
      %get3A_2467 = arith.index_cast %get3A_2466 : i32 to index
      %get3A_2468 = arith.constant 80 : index
      %get3A_2469 = tpu.vector_load %arg7[%get3A_2467, %get3A_2468] {strides = array<i32>} : memref<20x128xi32, #tpu.memory_space<vmem>>, vector<1x16xi32>,
      %get3A_2470 = vector.shape_cast %get3A_2469 : vector<1x16xi32> to vector<16xi32>
      %and3A_2471 = arith.andi %get3A_2470, %broadcast_in_dim3A_11 : vector<16xi32>
      %bitcast_convert_type3A_2472 = tpu.bitcast %and3A_2471 : vector<16xi32> -> vector<16xf32>
      %shift_left3A_2473 = arith.constant 16 : i32
      %shift_left3A_2474 = vector.broadcast %shift_left3A_2473 : i32 to vector<16xi32>
      %shift_left3A_2475 = arith.shli %get3A_2470, %shift_left3A_2474 : vector<16xi32>
      %bitcast_convert_type3A_2476 = tpu.bitcast %shift_left3A_2475 : vector<16xi32> -> vector<16xf32>
      %add3A_2477 = arith.addf %add3A_2354, %bitcast_convert_type3A_2472 : vector<16xf32>
      %add3A_2478 = arith.addf %add3A_2355, %bitcast_convert_type3A_2476 : vector<16xf32>
      %get3A_2479 = arith.constant 16 : i32
      %get3A_2480 = arith.index_cast %get3A_2479 : i32 to index
      %get3A_2481 = arith.constant 96 : index
      %get3A_2482 = tpu.vector_load %arg7[%get3A_2480, %get3A_2481] {strides = array<i32>} : memref<20x128xi32, #tpu.memory_space<vmem>>, vector<1x16xi32>,
      %get3A_2483 = vector.shape_cast %get3A_2482 : vector<1x16xi32> to vector<16xi32>
      %and3A_2484 = arith.andi %get3A_2483, %broadcast_in_dim3A_11 : vector<16xi32>
      %bitcast_convert_type3A_2485 = tpu.bitcast %and3A_2484 : vector<16xi32> -> vector<16xf32>
      %shift_left3A_2486 = arith.constant 16 : i32
      %shift_left3A_2487 = vector.broadcast %shift_left3A_2486 : i32 to vector<16xi32>
      %shift_left3A_2488 = arith.shli %get3A_2483, %shift_left3A_2487 : vector<16xi32>
      %bitcast_convert_type3A_2489 = tpu.bitcast %shift_left3A_2488 : vector<16xi32> -> vector<16xf32>
      %add3A_2490 = arith.addf %add3A_2367, %bitcast_convert_type3A_2485 : vector<16xf32>
      %add3A_2491 = arith.addf %add3A_2368, %bitcast_convert_type3A_2489 : vector<16xf32>
      %get3A_2492 = arith.constant 16 : i32
      %get3A_2493 = arith.index_cast %get3A_2492 : i32 to index
      %get3A_2494 = arith.constant 112 : index
      %get3A_2495 = tpu.vector_load %arg7[%get3A_2493, %get3A_2494] {strides = array<i32>} : memref<20x128xi32, #tpu.memory_space<vmem>>, vector<1x16xi32>,
      %get3A_2496 = vector.shape_cast %get3A_2495 : vector<1x16xi32> to vector<16xi32>
      %and3A_2497 = arith.andi %get3A_2496, %broadcast_in_dim3A_11 : vector<16xi32>
      %bitcast_convert_type3A_2498 = tpu.bitcast %and3A_2497 : vector<16xi32> -> vector<16xf32>
      %shift_left3A_2499 = arith.constant 16 : i32
      %shift_left3A_2500 = vector.broadcast %shift_left3A_2499 : i32 to vector<16xi32>
      %shift_left3A_2501 = arith.shli %get3A_2496, %shift_left3A_2500 : vector<16xi32>
      %bitcast_convert_type3A_2502 = tpu.bitcast %shift_left3A_2501 : vector<16xi32> -> vector<16xf32>
      %add3A_2503 = arith.addf %add3A_2380, %bitcast_convert_type3A_2498 : vector<16xf32>
      %add3A_2504 = arith.addf %add3A_2381, %bitcast_convert_type3A_2502 : vector<16xf32>
      %add3A_2505 = arith.constant 16 : i32
      %add3A_2506 = arith.addi %mul3A_426, %add3A_2505 : i32
      %add3A_2507 = arith.constant 20 : i32
      %add3A_2508 = arith.addi %add3A_2506, %add3A_2507 : i32
      %lt3A_2509 = arith.constant 200 : i32
      %lt3A_2510 = arith.cmpi slt, %add3A_2508, %lt3A_2509 : i32
      %convert_element_type3A_2511 = arith.extui %lt3A_2510 : i1 to i32
      %cond3A_2512 = arith.constant 0 : i32
      %cond3A_2513 = arith.cmpi ne, %convert_element_type3A_2511, %cond3A_2512 : i32
      scf.if %cond3A_2513 {
        %add3A_2883 = arith.constant 16 : i32
        %add3A_2884 = arith.addi %mul3A_426, %add3A_2883 : i32
        %add3A_2885 = arith.constant 20 : i32
        %add3A_2886 = arith.addi %add3A_2884, %add3A_2885 : i32
        %dma_start3A_2887 = arith.constant 16 : i32
        %dma_start3A_2888 = arith.constant 0 : i32
        %dma_start3A_2889 = tpu.memref_slice %arg7[%dma_start3A_2887, %dma_start3A_2888] : memref<20x128xi32, #tpu.memory_space<vmem>> -> memref<1x128xi32, #tpu.memory_space<vmem>>
        %dma_start3A_2890 = tpu.memref_squeeze %dma_start3A_2889 : memref<1x128xi32, #tpu.memory_space<vmem>> -> memref<128xi32, #tpu.memory_space<vmem>>
        %dma_start3A_2891 = arith.constant 0 : i32
        %dma_start3A_2892 = tpu.memref_slice %arg6[%add3A_2886, %dma_start3A_2891] : memref<200x128xi32, #tpu.memory_space<vmem>> -> memref<1x128xi32, #tpu.memory_space<vmem>>
        %dma_start3A_2893 = tpu.memref_squeeze %dma_start3A_2892 : memref<1x128xi32, #tpu.memory_space<vmem>> -> memref<128xi32, #tpu.memory_space<vmem>>
        %dma_start3A_2894 = arith.constant 0 : i32
        %dma_start3A_2895 = tpu.memref_slice %arg10[%dma_start3A_2894] : memref<1000000xi32, #tpu.memory_space<vmem_shared>> -> memref<1000000xi32, #tpu.memory_space<vmem_shared>>
        tpu.enqueue_indirect_dma source(%dma_start3A_2895 : memref<1000000xi32, #tpu.memory_space<vmem_shared>>) target(%dma_start3A_2890 : memref<128xi32, #tpu.memory_space<vmem>>) offsets(%dma_start3A_2893 : memref<128xi32, #tpu.memory_space<vmem>>) semaphore(%arg27 : memref<!tpu.dma_semaphore, #tpu.memory_space<semaphore_mem>>)
      } else {
      }
      %dma_wait3A_2514 = arith.constant 0 : i32
      %dma_wait3A_2515 = arith.constant 17 : i32
      %dma_wait3A_2516 = arith.constant 0 : i32
      %dma_wait3A_2517 = tpu.memref_slice %arg7[%dma_wait3A_2515, %dma_wait3A_2516] : memref<20x128xi32, #tpu.memory_space<vmem>> -> memref<1x128xi32, #tpu.memory_space<vmem>>
      %dma_wait3A_2518 = tpu.memref_squeeze %dma_wait3A_2517 : memref<1x128xi32, #tpu.memory_space<vmem>> -> memref<128xi32, #tpu.memory_space<vmem>>
      %dma_wait3A_2519 = arith.constant 0 : i32
      %dma_wait3A_2520 = tpu.memref_slice %arg6[%dma_wait3A_2514, %dma_wait3A_2519] : memref<200x128xi32, #tpu.memory_space<vmem>> -> memref<1x128xi32, #tpu.memory_space<vmem>>
      %dma_wait3A_2521 = tpu.memref_squeeze %dma_wait3A_2520 : memref<1x128xi32, #tpu.memory_space<vmem>> -> memref<128xi32, #tpu.memory_space<vmem>>
      %dma_wait3A_2522 = arith.constant 0 : i32
      %dma_wait3A_2523 = tpu.memref_slice %arg10[%dma_wait3A_2522] : memref<1000000xi32, #tpu.memory_space<vmem_shared>> -> memref<1000000xi32, #tpu.memory_space<vmem_shared>>
      tpu.wait_indirect_dma semaphore(%arg28 : memref<!tpu.dma_semaphore, #tpu.memory_space<semaphore_mem>>) src(%dma_wait3A_2523 : memref<1000000xi32, #tpu.memory_space<vmem_shared>>) dst(%dma_wait3A_2518 : memref<128xi32, #tpu.memory_space<vmem>>)
      %get3A_2524 = arith.constant 17 : i32
      %get3A_2525 = arith.index_cast %get3A_2524 : i32 to index
      %get3A_2526 = arith.constant 0 : index
      %get3A_2527 = tpu.vector_load %arg7[%get3A_2525, %get3A_2526] {strides = array<i32>} : memref<20x128xi32, #tpu.memory_space<vmem>>, vector<1x16xi32>,
      %get3A_2528 = vector.shape_cast %get3A_2527 : vector<1x16xi32> to vector<16xi32>
      %and3A_2529 = arith.andi %get3A_2528, %broadcast_in_dim3A_11 : vector<16xi32>
      %bitcast_convert_type3A_2530 = tpu.bitcast %and3A_2529 : vector<16xi32> -> vector<16xf32>
      %shift_left3A_2531 = arith.constant 16 : i32
      %shift_left3A_2532 = vector.broadcast %shift_left3A_2531 : i32 to vector<16xi32>
      %shift_left3A_2533 = arith.shli %get3A_2528, %shift_left3A_2532 : vector<16xi32>
      %bitcast_convert_type3A_2534 = tpu.bitcast %shift_left3A_2533 : vector<16xi32> -> vector<16xf32>
      %add3A_2535 = arith.addf %add3A_2412, %bitcast_convert_type3A_2530 : vector<16xf32>
      %add3A_2536 = arith.addf %add3A_2413, %bitcast_convert_type3A_2534 : vector<16xf32>
      %get3A_2537 = arith.constant 17 : i32
      %get3A_2538 = arith.index_cast %get3A_2537 : i32 to index
      %get3A_2539 = arith.constant 16 : index
      %get3A_2540 = tpu.vector_load %arg7[%get3A_2538, %get3A_2539] {strides = array<i32>} : memref<20x128xi32, #tpu.memory_space<vmem>>, vector<1x16xi32>,
      %get3A_2541 = vector.shape_cast %get3A_2540 : vector<1x16xi32> to vector<16xi32>
      %and3A_2542 = arith.andi %get3A_2541, %broadcast_in_dim3A_11 : vector<16xi32>
      %bitcast_convert_type3A_2543 = tpu.bitcast %and3A_2542 : vector<16xi32> -> vector<16xf32>
      %shift_left3A_2544 = arith.constant 16 : i32
      %shift_left3A_2545 = vector.broadcast %shift_left3A_2544 : i32 to vector<16xi32>
      %shift_left3A_2546 = arith.shli %get3A_2541, %shift_left3A_2545 : vector<16xi32>
      %bitcast_convert_type3A_2547 = tpu.bitcast %shift_left3A_2546 : vector<16xi32> -> vector<16xf32>
      %add3A_2548 = arith.addf %add3A_2425, %bitcast_convert_type3A_2543 : vector<16xf32>
      %add3A_2549 = arith.addf %add3A_2426, %bitcast_convert_type3A_2547 : vector<16xf32>
      %get3A_2550 = arith.constant 17 : i32
      %get3A_2551 = arith.index_cast %get3A_2550 : i32 to index
      %get3A_2552 = arith.constant 32 : index
      %get3A_2553 = tpu.vector_load %arg7[%get3A_2551, %get3A_2552] {strides = array<i32>} : memref<20x128xi32, #tpu.memory_space<vmem>>, vector<1x16xi32>,
      %get3A_2554 = vector.shape_cast %get3A_2553 : vector<1x16xi32> to vector<16xi32>
      %and3A_2555 = arith.andi %get3A_2554, %broadcast_in_dim3A_11 : vector<16xi32>
      %bitcast_convert_type3A_2556 = tpu.bitcast %and3A_2555 : vector<16xi32> -> vector<16xf32>
      %shift_left3A_2557 = arith.constant 16 : i32
      %shift_left3A_2558 = vector.broadcast %shift_left3A_2557 : i32 to vector<16xi32>
      %shift_left3A_2559 = arith.shli %get3A_2554, %shift_left3A_2558 : vector<16xi32>
      %bitcast_convert_type3A_2560 = tpu.bitcast %shift_left3A_2559 : vector<16xi32> -> vector<16xf32>
      %add3A_2561 = arith.addf %add3A_2438, %bitcast_convert_type3A_2556 : vector<16xf32>
      %add3A_2562 = arith.addf %add3A_2439, %bitcast_convert_type3A_2560 : vector<16xf32>
      %get3A_2563 = arith.constant 17 : i32
      %get3A_2564 = arith.index_cast %get3A_2563 : i32 to index
      %get3A_2565 = arith.constant 48 : index
      %get3A_2566 = tpu.vector_load %arg7[%get3A_2564, %get3A_2565] {strides = array<i32>} : memref<20x128xi32, #tpu.memory_space<vmem>>, vector<1x16xi32>,
      %get3A_2567 = vector.shape_cast %get3A_2566 : vector<1x16xi32> to vector<16xi32>
      %and3A_2568 = arith.andi %get3A_2567, %broadcast_in_dim3A_11 : vector<16xi32>
      %bitcast_convert_type3A_2569 = tpu.bitcast %and3A_2568 : vector<16xi32> -> vector<16xf32>
      %shift_left3A_2570 = arith.constant 16 : i32
      %shift_left3A_2571 = vector.broadcast %shift_left3A_2570 : i32 to vector<16xi32>
      %shift_left3A_2572 = arith.shli %get3A_2567, %shift_left3A_2571 : vector<16xi32>
      %bitcast_convert_type3A_2573 = tpu.bitcast %shift_left3A_2572 : vector<16xi32> -> vector<16xf32>
      %add3A_2574 = arith.addf %add3A_2451, %bitcast_convert_type3A_2569 : vector<16xf32>
      %add3A_2575 = arith.addf %add3A_2452, %bitcast_convert_type3A_2573 : vector<16xf32>
      %get3A_2576 = arith.constant 17 : i32
      %get3A_2577 = arith.index_cast %get3A_2576 : i32 to index
      %get3A_2578 = arith.constant 64 : index
      %get3A_2579 = tpu.vector_load %arg7[%get3A_2577, %get3A_2578] {strides = array<i32>} : memref<20x128xi32, #tpu.memory_space<vmem>>, vector<1x16xi32>,
      %get3A_2580 = vector.shape_cast %get3A_2579 : vector<1x16xi32> to vector<16xi32>
      %and3A_2581 = arith.andi %get3A_2580, %broadcast_in_dim3A_11 : vector<16xi32>
      %bitcast_convert_type3A_2582 = tpu.bitcast %and3A_2581 : vector<16xi32> -> vector<16xf32>
      %shift_left3A_2583 = arith.constant 16 : i32
      %shift_left3A_2584 = vector.broadcast %shift_left3A_2583 : i32 to vector<16xi32>
      %shift_left3A_2585 = arith.shli %get3A_2580, %shift_left3A_2584 : vector<16xi32>
      %bitcast_convert_type3A_2586 = tpu.bitcast %shift_left3A_2585 : vector<16xi32> -> vector<16xf32>
      %add3A_2587 = arith.addf %add3A_2464, %bitcast_convert_type3A_2582 : vector<16xf32>
      %add3A_2588 = arith.addf %add3A_2465, %bitcast_convert_type3A_2586 : vector<16xf32>
      %get3A_2589 = arith.constant 17 : i32
      %get3A_2590 = arith.index_cast %get3A_2589 : i32 to index
      %get3A_2591 = arith.constant 80 : index
      %get3A_2592 = tpu.vector_load %arg7[%get3A_2590, %get3A_2591] {strides = array<i32>} : memref<20x128xi32, #tpu.memory_space<vmem>>, vector<1x16xi32>,
      %get3A_2593 = vector.shape_cast %get3A_2592 : vector<1x16xi32> to vector<16xi32>
      %and3A_2594 = arith.andi %get3A_2593, %broadcast_in_dim3A_11 : vector<16xi32>
      %bitcast_convert_type3A_2595 = tpu.bitcast %and3A_2594 : vector<16xi32> -> vector<16xf32>
      %shift_left3A_2596 = arith.constant 16 : i32
      %shift_left3A_2597 = vector.broadcast %shift_left3A_2596 : i32 to vector<16xi32>
      %shift_left3A_2598 = arith.shli %get3A_2593, %shift_left3A_2597 : vector<16xi32>
      %bitcast_convert_type3A_2599 = tpu.bitcast %shift_left3A_2598 : vector<16xi32> -> vector<16xf32>
      %add3A_2600 = arith.addf %add3A_2477, %bitcast_convert_type3A_2595 : vector<16xf32>
      %add3A_2601 = arith.addf %add3A_2478, %bitcast_convert_type3A_2599 : vector<16xf32>
      %get3A_2602 = arith.constant 17 : i32
      %get3A_2603 = arith.index_cast %get3A_2602 : i32 to index
      %get3A_2604 = arith.constant 96 : index
      %get3A_2605 = tpu.vector_load %arg7[%get3A_2603, %get3A_2604] {strides = array<i32>} : memref<20x128xi32, #tpu.memory_space<vmem>>, vector<1x16xi32>,
      %get3A_2606 = vector.shape_cast %get3A_2605 : vector<1x16xi32> to vector<16xi32>
      %and3A_2607 = arith.andi %get3A_2606, %broadcast_in_dim3A_11 : vector<16xi32>
      %bitcast_convert_type3A_2608 = tpu.bitcast %and3A_2607 : vector<16xi32> -> vector<16xf32>
      %shift_left3A_2609 = arith.constant 16 : i32
      %shift_left3A_2610 = vector.broadcast %shift_left3A_2609 : i32 to vector<16xi32>
      %shift_left3A_2611 = arith.shli %get3A_2606, %shift_left3A_2610 : vector<16xi32>
      %bitcast_convert_type3A_2612 = tpu.bitcast %shift_left3A_2611 : vector<16xi32> -> vector<16xf32>
      %add3A_2613 = arith.addf %add3A_2490, %bitcast_convert_type3A_2608 : vector<16xf32>
      %add3A_2614 = arith.addf %add3A_2491, %bitcast_convert_type3A_2612 : vector<16xf32>
      %get3A_2615 = arith.constant 17 : i32
      %get3A_2616 = arith.index_cast %get3A_2615 : i32 to index
      %get3A_2617 = arith.constant 112 : index
      %get3A_2618 = tpu.vector_load %arg7[%get3A_2616, %get3A_2617] {strides = array<i32>} : memref<20x128xi32, #tpu.memory_space<vmem>>, vector<1x16xi32>,
      %get3A_2619 = vector.shape_cast %get3A_2618 : vector<1x16xi32> to vector<16xi32>
      %and3A_2620 = arith.andi %get3A_2619, %broadcast_in_dim3A_11 : vector<16xi32>
      %bitcast_convert_type3A_2621 = tpu.bitcast %and3A_2620 : vector<16xi32> -> vector<16xf32>
      %shift_left3A_2622 = arith.constant 16 : i32
      %shift_left3A_2623 = vector.broadcast %shift_left3A_2622 : i32 to vector<16xi32>
      %shift_left3A_2624 = arith.shli %get3A_2619, %shift_left3A_2623 : vector<16xi32>
      %bitcast_convert_type3A_2625 = tpu.bitcast %shift_left3A_2624 : vector<16xi32> -> vector<16xf32>
      %add3A_2626 = arith.addf %add3A_2503, %bitcast_convert_type3A_2621 : vector<16xf32>
      %add3A_2627 = arith.addf %add3A_2504, %bitcast_convert_type3A_2625 : vector<16xf32>
      %add3A_2628 = arith.constant 17 : i32
      %add3A_2629 = arith.addi %mul3A_426, %add3A_2628 : i32
      %add3A_2630 = arith.constant 20 : i32
      %add3A_2631 = arith.addi %add3A_2629, %add3A_2630 : i32
      %lt3A_2632 = arith.constant 200 : i32
      %lt3A_2633 = arith.cmpi slt, %add3A_2631, %lt3A_2632 : i32
      %convert_element_type3A_2634 = arith.extui %lt3A_2633 : i1 to i32
      %cond3A_2635 = arith.constant 0 : i32
      %cond3A_2636 = arith.cmpi ne, %convert_element_type3A_2634, %cond3A_2635 : i32
      scf.if %cond3A_2636 {
        %add3A_2883 = arith.constant 17 : i32
        %add3A_2884 = arith.addi %mul3A_426, %add3A_2883 : i32
        %add3A_2885 = arith.constant 20 : i32
        %add3A_2886 = arith.addi %add3A_2884, %add3A_2885 : i32
        %dma_start3A_2887 = arith.constant 17 : i32
        %dma_start3A_2888 = arith.constant 0 : i32
        %dma_start3A_2889 = tpu.memref_slice %arg7[%dma_start3A_2887, %dma_start3A_2888] : memref<20x128xi32, #tpu.memory_space<vmem>> -> memref<1x128xi32, #tpu.memory_space<vmem>>
        %dma_start3A_2890 = tpu.memref_squeeze %dma_start3A_2889 : memref<1x128xi32, #tpu.memory_space<vmem>> -> memref<128xi32, #tpu.memory_space<vmem>>
        %dma_start3A_2891 = arith.constant 0 : i32
        %dma_start3A_2892 = tpu.memref_slice %arg6[%add3A_2886, %dma_start3A_2891] : memref<200x128xi32, #tpu.memory_space<vmem>> -> memref<1x128xi32, #tpu.memory_space<vmem>>
        %dma_start3A_2893 = tpu.memref_squeeze %dma_start3A_2892 : memref<1x128xi32, #tpu.memory_space<vmem>> -> memref<128xi32, #tpu.memory_space<vmem>>
        %dma_start3A_2894 = arith.constant 0 : i32
        %dma_start3A_2895 = tpu.memref_slice %arg10[%dma_start3A_2894] : memref<1000000xi32, #tpu.memory_space<vmem_shared>> -> memref<1000000xi32, #tpu.memory_space<vmem_shared>>
        tpu.enqueue_indirect_dma source(%dma_start3A_2895 : memref<1000000xi32, #tpu.memory_space<vmem_shared>>) target(%dma_start3A_2890 : memref<128xi32, #tpu.memory_space<vmem>>) offsets(%dma_start3A_2893 : memref<128xi32, #tpu.memory_space<vmem>>) semaphore(%arg28 : memref<!tpu.dma_semaphore, #tpu.memory_space<semaphore_mem>>)
      } else {
      }
      %dma_wait3A_2637 = arith.constant 0 : i32
      %dma_wait3A_2638 = arith.constant 18 : i32
      %dma_wait3A_2639 = arith.constant 0 : i32
      %dma_wait3A_2640 = tpu.memref_slice %arg7[%dma_wait3A_2638, %dma_wait3A_2639] : memref<20x128xi32, #tpu.memory_space<vmem>> -> memref<1x128xi32, #tpu.memory_space<vmem>>
      %dma_wait3A_2641 = tpu.memref_squeeze %dma_wait3A_2640 : memref<1x128xi32, #tpu.memory_space<vmem>> -> memref<128xi32, #tpu.memory_space<vmem>>
      %dma_wait3A_2642 = arith.constant 0 : i32
      %dma_wait3A_2643 = tpu.memref_slice %arg6[%dma_wait3A_2637, %dma_wait3A_2642] : memref<200x128xi32, #tpu.memory_space<vmem>> -> memref<1x128xi32, #tpu.memory_space<vmem>>
      %dma_wait3A_2644 = tpu.memref_squeeze %dma_wait3A_2643 : memref<1x128xi32, #tpu.memory_space<vmem>> -> memref<128xi32, #tpu.memory_space<vmem>>
      %dma_wait3A_2645 = arith.constant 0 : i32
      %dma_wait3A_2646 = tpu.memref_slice %arg10[%dma_wait3A_2645] : memref<1000000xi32, #tpu.memory_space<vmem_shared>> -> memref<1000000xi32, #tpu.memory_space<vmem_shared>>
      tpu.wait_indirect_dma semaphore(%arg29 : memref<!tpu.dma_semaphore, #tpu.memory_space<semaphore_mem>>) src(%dma_wait3A_2646 : memref<1000000xi32, #tpu.memory_space<vmem_shared>>) dst(%dma_wait3A_2641 : memref<128xi32, #tpu.memory_space<vmem>>)
      %get3A_2647 = arith.constant 18 : i32
      %get3A_2648 = arith.index_cast %get3A_2647 : i32 to index
      %get3A_2649 = arith.constant 0 : index
      %get3A_2650 = tpu.vector_load %arg7[%get3A_2648, %get3A_2649] {strides = array<i32>} : memref<20x128xi32, #tpu.memory_space<vmem>>, vector<1x16xi32>,
      %get3A_2651 = vector.shape_cast %get3A_2650 : vector<1x16xi32> to vector<16xi32>
      %and3A_2652 = arith.andi %get3A_2651, %broadcast_in_dim3A_11 : vector<16xi32>
      %bitcast_convert_type3A_2653 = tpu.bitcast %and3A_2652 : vector<16xi32> -> vector<16xf32>
      %shift_left3A_2654 = arith.constant 16 : i32
      %shift_left3A_2655 = vector.broadcast %shift_left3A_2654 : i32 to vector<16xi32>
      %shift_left3A_2656 = arith.shli %get3A_2651, %shift_left3A_2655 : vector<16xi32>
      %bitcast_convert_type3A_2657 = tpu.bitcast %shift_left3A_2656 : vector<16xi32> -> vector<16xf32>
      %add3A_2658 = arith.addf %add3A_2535, %bitcast_convert_type3A_2653 : vector<16xf32>
      %add3A_2659 = arith.addf %add3A_2536, %bitcast_convert_type3A_2657 : vector<16xf32>
      %get3A_2660 = arith.constant 18 : i32
      %get3A_2661 = arith.index_cast %get3A_2660 : i32 to index
      %get3A_2662 = arith.constant 16 : index
      %get3A_2663 = tpu.vector_load %arg7[%get3A_2661, %get3A_2662] {strides = array<i32>} : memref<20x128xi32, #tpu.memory_space<vmem>>, vector<1x16xi32>,
      %get3A_2664 = vector.shape_cast %get3A_2663 : vector<1x16xi32> to vector<16xi32>
      %and3A_2665 = arith.andi %get3A_2664, %broadcast_in_dim3A_11 : vector<16xi32>
      %bitcast_convert_type3A_2666 = tpu.bitcast %and3A_2665 : vector<16xi32> -> vector<16xf32>
      %shift_left3A_2667 = arith.constant 16 : i32
      %shift_left3A_2668 = vector.broadcast %shift_left3A_2667 : i32 to vector<16xi32>
      %shift_left3A_2669 = arith.shli %get3A_2664, %shift_left3A_2668 : vector<16xi32>
      %bitcast_convert_type3A_2670 = tpu.bitcast %shift_left3A_2669 : vector<16xi32> -> vector<16xf32>
      %add3A_2671 = arith.addf %add3A_2548, %bitcast_convert_type3A_2666 : vector<16xf32>
      %add3A_2672 = arith.addf %add3A_2549, %bitcast_convert_type3A_2670 : vector<16xf32>
      %get3A_2673 = arith.constant 18 : i32
      %get3A_2674 = arith.index_cast %get3A_2673 : i32 to index
      %get3A_2675 = arith.constant 32 : index
      %get3A_2676 = tpu.vector_load %arg7[%get3A_2674, %get3A_2675] {strides = array<i32>} : memref<20x128xi32, #tpu.memory_space<vmem>>, vector<1x16xi32>,
      %get3A_2677 = vector.shape_cast %get3A_2676 : vector<1x16xi32> to vector<16xi32>
      %and3A_2678 = arith.andi %get3A_2677, %broadcast_in_dim3A_11 : vector<16xi32>
      %bitcast_convert_type3A_2679 = tpu.bitcast %and3A_2678 : vector<16xi32> -> vector<16xf32>
      %shift_left3A_2680 = arith.constant 16 : i32
      %shift_left3A_2681 = vector.broadcast %shift_left3A_2680 : i32 to vector<16xi32>
      %shift_left3A_2682 = arith.shli %get3A_2677, %shift_left3A_2681 : vector<16xi32>
      %bitcast_convert_type3A_2683 = tpu.bitcast %shift_left3A_2682 : vector<16xi32> -> vector<16xf32>
      %add3A_2684 = arith.addf %add3A_2561, %bitcast_convert_type3A_2679 : vector<16xf32>
      %add3A_2685 = arith.addf %add3A_2562, %bitcast_convert_type3A_2683 : vector<16xf32>
      %get3A_2686 = arith.constant 18 : i32
      %get3A_2687 = arith.index_cast %get3A_2686 : i32 to index
      %get3A_2688 = arith.constant 48 : index
      %get3A_2689 = tpu.vector_load %arg7[%get3A_2687, %get3A_2688] {strides = array<i32>} : memref<20x128xi32, #tpu.memory_space<vmem>>, vector<1x16xi32>,
      %get3A_2690 = vector.shape_cast %get3A_2689 : vector<1x16xi32> to vector<16xi32>
      %and3A_2691 = arith.andi %get3A_2690, %broadcast_in_dim3A_11 : vector<16xi32>
      %bitcast_convert_type3A_2692 = tpu.bitcast %and3A_2691 : vector<16xi32> -> vector<16xf32>
      %shift_left3A_2693 = arith.constant 16 : i32
      %shift_left3A_2694 = vector.broadcast %shift_left3A_2693 : i32 to vector<16xi32>
      %shift_left3A_2695 = arith.shli %get3A_2690, %shift_left3A_2694 : vector<16xi32>
      %bitcast_convert_type3A_2696 = tpu.bitcast %shift_left3A_2695 : vector<16xi32> -> vector<16xf32>
      %add3A_2697 = arith.addf %add3A_2574, %bitcast_convert_type3A_2692 : vector<16xf32>
      %add3A_2698 = arith.addf %add3A_2575, %bitcast_convert_type3A_2696 : vector<16xf32>
      %get3A_2699 = arith.constant 18 : i32
      %get3A_2700 = arith.index_cast %get3A_2699 : i32 to index
      %get3A_2701 = arith.constant 64 : index
      %get3A_2702 = tpu.vector_load %arg7[%get3A_2700, %get3A_2701] {strides = array<i32>} : memref<20x128xi32, #tpu.memory_space<vmem>>, vector<1x16xi32>,
      %get3A_2703 = vector.shape_cast %get3A_2702 : vector<1x16xi32> to vector<16xi32>
      %and3A_2704 = arith.andi %get3A_2703, %broadcast_in_dim3A_11 : vector<16xi32>
      %bitcast_convert_type3A_2705 = tpu.bitcast %and3A_2704 : vector<16xi32> -> vector<16xf32>
      %shift_left3A_2706 = arith.constant 16 : i32
      %shift_left3A_2707 = vector.broadcast %shift_left3A_2706 : i32 to vector<16xi32>
      %shift_left3A_2708 = arith.shli %get3A_2703, %shift_left3A_2707 : vector<16xi32>
      %bitcast_convert_type3A_2709 = tpu.bitcast %shift_left3A_2708 : vector<16xi32> -> vector<16xf32>
      %add3A_2710 = arith.addf %add3A_2587, %bitcast_convert_type3A_2705 : vector<16xf32>
      %add3A_2711 = arith.addf %add3A_2588, %bitcast_convert_type3A_2709 : vector<16xf32>
      %get3A_2712 = arith.constant 18 : i32
      %get3A_2713 = arith.index_cast %get3A_2712 : i32 to index
      %get3A_2714 = arith.constant 80 : index
      %get3A_2715 = tpu.vector_load %arg7[%get3A_2713, %get3A_2714] {strides = array<i32>} : memref<20x128xi32, #tpu.memory_space<vmem>>, vector<1x16xi32>,
      %get3A_2716 = vector.shape_cast %get3A_2715 : vector<1x16xi32> to vector<16xi32>
      %and3A_2717 = arith.andi %get3A_2716, %broadcast_in_dim3A_11 : vector<16xi32>
      %bitcast_convert_type3A_2718 = tpu.bitcast %and3A_2717 : vector<16xi32> -> vector<16xf32>
      %shift_left3A_2719 = arith.constant 16 : i32
      %shift_left3A_2720 = vector.broadcast %shift_left3A_2719 : i32 to vector<16xi32>
      %shift_left3A_2721 = arith.shli %get3A_2716, %shift_left3A_2720 : vector<16xi32>
      %bitcast_convert_type3A_2722 = tpu.bitcast %shift_left3A_2721 : vector<16xi32> -> vector<16xf32>
      %add3A_2723 = arith.addf %add3A_2600, %bitcast_convert_type3A_2718 : vector<16xf32>
      %add3A_2724 = arith.addf %add3A_2601, %bitcast_convert_type3A_2722 : vector<16xf32>
      %get3A_2725 = arith.constant 18 : i32
      %get3A_2726 = arith.index_cast %get3A_2725 : i32 to index
      %get3A_2727 = arith.constant 96 : index
      %get3A_2728 = tpu.vector_load %arg7[%get3A_2726, %get3A_2727] {strides = array<i32>} : memref<20x128xi32, #tpu.memory_space<vmem>>, vector<1x16xi32>,
      %get3A_2729 = vector.shape_cast %get3A_2728 : vector<1x16xi32> to vector<16xi32>
      %and3A_2730 = arith.andi %get3A_2729, %broadcast_in_dim3A_11 : vector<16xi32>
      %bitcast_convert_type3A_2731 = tpu.bitcast %and3A_2730 : vector<16xi32> -> vector<16xf32>
      %shift_left3A_2732 = arith.constant 16 : i32
      %shift_left3A_2733 = vector.broadcast %shift_left3A_2732 : i32 to vector<16xi32>
      %shift_left3A_2734 = arith.shli %get3A_2729, %shift_left3A_2733 : vector<16xi32>
      %bitcast_convert_type3A_2735 = tpu.bitcast %shift_left3A_2734 : vector<16xi32> -> vector<16xf32>
      %add3A_2736 = arith.addf %add3A_2613, %bitcast_convert_type3A_2731 : vector<16xf32>
      %add3A_2737 = arith.addf %add3A_2614, %bitcast_convert_type3A_2735 : vector<16xf32>
      %get3A_2738 = arith.constant 18 : i32
      %get3A_2739 = arith.index_cast %get3A_2738 : i32 to index
      %get3A_2740 = arith.constant 112 : index
      %get3A_2741 = tpu.vector_load %arg7[%get3A_2739, %get3A_2740] {strides = array<i32>} : memref<20x128xi32, #tpu.memory_space<vmem>>, vector<1x16xi32>,
      %get3A_2742 = vector.shape_cast %get3A_2741 : vector<1x16xi32> to vector<16xi32>
      %and3A_2743 = arith.andi %get3A_2742, %broadcast_in_dim3A_11 : vector<16xi32>
      %bitcast_convert_type3A_2744 = tpu.bitcast %and3A_2743 : vector<16xi32> -> vector<16xf32>
      %shift_left3A_2745 = arith.constant 16 : i32
      %shift_left3A_2746 = vector.broadcast %shift_left3A_2745 : i32 to vector<16xi32>
      %shift_left3A_2747 = arith.shli %get3A_2742, %shift_left3A_2746 : vector<16xi32>
      %bitcast_convert_type3A_2748 = tpu.bitcast %shift_left3A_2747 : vector<16xi32> -> vector<16xf32>
      %add3A_2749 = arith.addf %add3A_2626, %bitcast_convert_type3A_2744 : vector<16xf32>
      %add3A_2750 = arith.addf %add3A_2627, %bitcast_convert_type3A_2748 : vector<16xf32>
      %add3A_2751 = arith.constant 18 : i32
      %add3A_2752 = arith.addi %mul3A_426, %add3A_2751 : i32
      %add3A_2753 = arith.constant 20 : i32
      %add3A_2754 = arith.addi %add3A_2752, %add3A_2753 : i32
      %lt3A_2755 = arith.constant 200 : i32
      %lt3A_2756 = arith.cmpi slt, %add3A_2754, %lt3A_2755 : i32
      %convert_element_type3A_2757 = arith.extui %lt3A_2756 : i1 to i32
      %cond3A_2758 = arith.constant 0 : i32
      %cond3A_2759 = arith.cmpi ne, %convert_element_type3A_2757, %cond3A_2758 : i32
      scf.if %cond3A_2759 {
        %add3A_2883 = arith.constant 18 : i32
        %add3A_2884 = arith.addi %mul3A_426, %add3A_2883 : i32
        %add3A_2885 = arith.constant 20 : i32
        %add3A_2886 = arith.addi %add3A_2884, %add3A_2885 : i32
        %dma_start3A_2887 = arith.constant 18 : i32
        %dma_start3A_2888 = arith.constant 0 : i32
        %dma_start3A_2889 = tpu.memref_slice %arg7[%dma_start3A_2887, %dma_start3A_2888] : memref<20x128xi32, #tpu.memory_space<vmem>> -> memref<1x128xi32, #tpu.memory_space<vmem>>
        %dma_start3A_2890 = tpu.memref_squeeze %dma_start3A_2889 : memref<1x128xi32, #tpu.memory_space<vmem>> -> memref<128xi32, #tpu.memory_space<vmem>>
        %dma_start3A_2891 = arith.constant 0 : i32
        %dma_start3A_2892 = tpu.memref_slice %arg6[%add3A_2886, %dma_start3A_2891] : memref<200x128xi32, #tpu.memory_space<vmem>> -> memref<1x128xi32, #tpu.memory_space<vmem>>
        %dma_start3A_2893 = tpu.memref_squeeze %dma_start3A_2892 : memref<1x128xi32, #tpu.memory_space<vmem>> -> memref<128xi32, #tpu.memory_space<vmem>>
        %dma_start3A_2894 = arith.constant 0 : i32
        %dma_start3A_2895 = tpu.memref_slice %arg10[%dma_start3A_2894] : memref<1000000xi32, #tpu.memory_space<vmem_shared>> -> memref<1000000xi32, #tpu.memory_space<vmem_shared>>
        tpu.enqueue_indirect_dma source(%dma_start3A_2895 : memref<1000000xi32, #tpu.memory_space<vmem_shared>>) target(%dma_start3A_2890 : memref<128xi32, #tpu.memory_space<vmem>>) offsets(%dma_start3A_2893 : memref<128xi32, #tpu.memory_space<vmem>>) semaphore(%arg29 : memref<!tpu.dma_semaphore, #tpu.memory_space<semaphore_mem>>)
      } else {
      }
      %dma_wait3A_2760 = arith.constant 0 : i32
      %dma_wait3A_2761 = arith.constant 19 : i32
      %dma_wait3A_2762 = arith.constant 0 : i32
      %dma_wait3A_2763 = tpu.memref_slice %arg7[%dma_wait3A_2761, %dma_wait3A_2762] : memref<20x128xi32, #tpu.memory_space<vmem>> -> memref<1x128xi32, #tpu.memory_space<vmem>>
      %dma_wait3A_2764 = tpu.memref_squeeze %dma_wait3A_2763 : memref<1x128xi32, #tpu.memory_space<vmem>> -> memref<128xi32, #tpu.memory_space<vmem>>
      %dma_wait3A_2765 = arith.constant 0 : i32
      %dma_wait3A_2766 = tpu.memref_slice %arg6[%dma_wait3A_2760, %dma_wait3A_2765] : memref<200x128xi32, #tpu.memory_space<vmem>> -> memref<1x128xi32, #tpu.memory_space<vmem>>
      %dma_wait3A_2767 = tpu.memref_squeeze %dma_wait3A_2766 : memref<1x128xi32, #tpu.memory_space<vmem>> -> memref<128xi32, #tpu.memory_space<vmem>>
      %dma_wait3A_2768 = arith.constant 0 : i32
      %dma_wait3A_2769 = tpu.memref_slice %arg10[%dma_wait3A_2768] : memref<1000000xi32, #tpu.memory_space<vmem_shared>> -> memref<1000000xi32, #tpu.memory_space<vmem_shared>>
      tpu.wait_indirect_dma semaphore(%arg30 : memref<!tpu.dma_semaphore, #tpu.memory_space<semaphore_mem>>) src(%dma_wait3A_2769 : memref<1000000xi32, #tpu.memory_space<vmem_shared>>) dst(%dma_wait3A_2764 : memref<128xi32, #tpu.memory_space<vmem>>)
      %get3A_2770 = arith.constant 19 : i32
      %get3A_2771 = arith.index_cast %get3A_2770 : i32 to index
      %get3A_2772 = arith.constant 0 : index
      %get3A_2773 = tpu.vector_load %arg7[%get3A_2771, %get3A_2772] {strides = array<i32>} : memref<20x128xi32, #tpu.memory_space<vmem>>, vector<1x16xi32>,
      %get3A_2774 = vector.shape_cast %get3A_2773 : vector<1x16xi32> to vector<16xi32>
      %and3A_2775 = arith.andi %get3A_2774, %broadcast_in_dim3A_11 : vector<16xi32>
      %bitcast_convert_type3A_2776 = tpu.bitcast %and3A_2775 : vector<16xi32> -> vector<16xf32>
      %shift_left3A_2777 = arith.constant 16 : i32
      %shift_left3A_2778 = vector.broadcast %shift_left3A_2777 : i32 to vector<16xi32>
      %shift_left3A_2779 = arith.shli %get3A_2774, %shift_left3A_2778 : vector<16xi32>
      %bitcast_convert_type3A_2780 = tpu.bitcast %shift_left3A_2779 : vector<16xi32> -> vector<16xf32>
      %add3A_2781 = arith.addf %add3A_2658, %bitcast_convert_type3A_2776 : vector<16xf32>
      %add3A_2782 = arith.addf %add3A_2659, %bitcast_convert_type3A_2780 : vector<16xf32>
      %get3A_2783 = arith.constant 19 : i32
      %get3A_2784 = arith.index_cast %get3A_2783 : i32 to index
      %get3A_2785 = arith.constant 16 : index
      %get3A_2786 = tpu.vector_load %arg7[%get3A_2784, %get3A_2785] {strides = array<i32>} : memref<20x128xi32, #tpu.memory_space<vmem>>, vector<1x16xi32>,
      %get3A_2787 = vector.shape_cast %get3A_2786 : vector<1x16xi32> to vector<16xi32>
      %and3A_2788 = arith.andi %get3A_2787, %broadcast_in_dim3A_11 : vector<16xi32>
      %bitcast_convert_type3A_2789 = tpu.bitcast %and3A_2788 : vector<16xi32> -> vector<16xf32>
      %shift_left3A_2790 = arith.constant 16 : i32
      %shift_left3A_2791 = vector.broadcast %shift_left3A_2790 : i32 to vector<16xi32>
      %shift_left3A_2792 = arith.shli %get3A_2787, %shift_left3A_2791 : vector<16xi32>
      %bitcast_convert_type3A_2793 = tpu.bitcast %shift_left3A_2792 : vector<16xi32> -> vector<16xf32>
      %add3A_2794 = arith.addf %add3A_2671, %bitcast_convert_type3A_2789 : vector<16xf32>
      %add3A_2795 = arith.addf %add3A_2672, %bitcast_convert_type3A_2793 : vector<16xf32>
      %get3A_2796 = arith.constant 19 : i32
      %get3A_2797 = arith.index_cast %get3A_2796 : i32 to index
      %get3A_2798 = arith.constant 32 : index
      %get3A_2799 = tpu.vector_load %arg7[%get3A_2797, %get3A_2798] {strides = array<i32>} : memref<20x128xi32, #tpu.memory_space<vmem>>, vector<1x16xi32>,
      %get3A_2800 = vector.shape_cast %get3A_2799 : vector<1x16xi32> to vector<16xi32>
      %and3A_2801 = arith.andi %get3A_2800, %broadcast_in_dim3A_11 : vector<16xi32>
      %bitcast_convert_type3A_2802 = tpu.bitcast %and3A_2801 : vector<16xi32> -> vector<16xf32>
      %shift_left3A_2803 = arith.constant 16 : i32
      %shift_left3A_2804 = vector.broadcast %shift_left3A_2803 : i32 to vector<16xi32>
      %shift_left3A_2805 = arith.shli %get3A_2800, %shift_left3A_2804 : vector<16xi32>
      %bitcast_convert_type3A_2806 = tpu.bitcast %shift_left3A_2805 : vector<16xi32> -> vector<16xf32>
      %add3A_2807 = arith.addf %add3A_2684, %bitcast_convert_type3A_2802 : vector<16xf32>
      %add3A_2808 = arith.addf %add3A_2685, %bitcast_convert_type3A_2806 : vector<16xf32>
      %get3A_2809 = arith.constant 19 : i32
      %get3A_2810 = arith.index_cast %get3A_2809 : i32 to index
      %get3A_2811 = arith.constant 48 : index
      %get3A_2812 = tpu.vector_load %arg7[%get3A_2810, %get3A_2811] {strides = array<i32>} : memref<20x128xi32, #tpu.memory_space<vmem>>, vector<1x16xi32>,
      %get3A_2813 = vector.shape_cast %get3A_2812 : vector<1x16xi32> to vector<16xi32>
      %and3A_2814 = arith.andi %get3A_2813, %broadcast_in_dim3A_11 : vector<16xi32>
      %bitcast_convert_type3A_2815 = tpu.bitcast %and3A_2814 : vector<16xi32> -> vector<16xf32>
      %shift_left3A_2816 = arith.constant 16 : i32
      %shift_left3A_2817 = vector.broadcast %shift_left3A_2816 : i32 to vector<16xi32>
      %shift_left3A_2818 = arith.shli %get3A_2813, %shift_left3A_2817 : vector<16xi32>
      %bitcast_convert_type3A_2819 = tpu.bitcast %shift_left3A_2818 : vector<16xi32> -> vector<16xf32>
      %add3A_2820 = arith.addf %add3A_2697, %bitcast_convert_type3A_2815 : vector<16xf32>
      %add3A_2821 = arith.addf %add3A_2698, %bitcast_convert_type3A_2819 : vector<16xf32>
      %get3A_2822 = arith.constant 19 : i32
      %get3A_2823 = arith.index_cast %get3A_2822 : i32 to index
      %get3A_2824 = arith.constant 64 : index
      %get3A_2825 = tpu.vector_load %arg7[%get3A_2823, %get3A_2824] {strides = array<i32>} : memref<20x128xi32, #tpu.memory_space<vmem>>, vector<1x16xi32>,
      %get3A_2826 = vector.shape_cast %get3A_2825 : vector<1x16xi32> to vector<16xi32>
      %and3A_2827 = arith.andi %get3A_2826, %broadcast_in_dim3A_11 : vector<16xi32>
      %bitcast_convert_type3A_2828 = tpu.bitcast %and3A_2827 : vector<16xi32> -> vector<16xf32>
      %shift_left3A_2829 = arith.constant 16 : i32
      %shift_left3A_2830 = vector.broadcast %shift_left3A_2829 : i32 to vector<16xi32>
      %shift_left3A_2831 = arith.shli %get3A_2826, %shift_left3A_2830 : vector<16xi32>
      %bitcast_convert_type3A_2832 = tpu.bitcast %shift_left3A_2831 : vector<16xi32> -> vector<16xf32>
      %add3A_2833 = arith.addf %add3A_2710, %bitcast_convert_type3A_2828 : vector<16xf32>
      %add3A_2834 = arith.addf %add3A_2711, %bitcast_convert_type3A_2832 : vector<16xf32>
      %get3A_2835 = arith.constant 19 : i32
      %get3A_2836 = arith.index_cast %get3A_2835 : i32 to index
      %get3A_2837 = arith.constant 80 : index
      %get3A_2838 = tpu.vector_load %arg7[%get3A_2836, %get3A_2837] {strides = array<i32>} : memref<20x128xi32, #tpu.memory_space<vmem>>, vector<1x16xi32>,
      %get3A_2839 = vector.shape_cast %get3A_2838 : vector<1x16xi32> to vector<16xi32>
      %and3A_2840 = arith.andi %get3A_2839, %broadcast_in_dim3A_11 : vector<16xi32>
      %bitcast_convert_type3A_2841 = tpu.bitcast %and3A_2840 : vector<16xi32> -> vector<16xf32>
      %shift_left3A_2842 = arith.constant 16 : i32
      %shift_left3A_2843 = vector.broadcast %shift_left3A_2842 : i32 to vector<16xi32>
      %shift_left3A_2844 = arith.shli %get3A_2839, %shift_left3A_2843 : vector<16xi32>
      %bitcast_convert_type3A_2845 = tpu.bitcast %shift_left3A_2844 : vector<16xi32> -> vector<16xf32>
      %add3A_2846 = arith.addf %add3A_2723, %bitcast_convert_type3A_2841 : vector<16xf32>
      %add3A_2847 = arith.addf %add3A_2724, %bitcast_convert_type3A_2845 : vector<16xf32>
      %get3A_2848 = arith.constant 19 : i32
      %get3A_2849 = arith.index_cast %get3A_2848 : i32 to index
      %get3A_2850 = arith.constant 96 : index
      %get3A_2851 = tpu.vector_load %arg7[%get3A_2849, %get3A_2850] {strides = array<i32>} : memref<20x128xi32, #tpu.memory_space<vmem>>, vector<1x16xi32>,
      %get3A_2852 = vector.shape_cast %get3A_2851 : vector<1x16xi32> to vector<16xi32>
      %and3A_2853 = arith.andi %get3A_2852, %broadcast_in_dim3A_11 : vector<16xi32>
      %bitcast_convert_type3A_2854 = tpu.bitcast %and3A_2853 : vector<16xi32> -> vector<16xf32>
      %shift_left3A_2855 = arith.constant 16 : i32
      %shift_left3A_2856 = vector.broadcast %shift_left3A_2855 : i32 to vector<16xi32>
      %shift_left3A_2857 = arith.shli %get3A_2852, %shift_left3A_2856 : vector<16xi32>
      %bitcast_convert_type3A_2858 = tpu.bitcast %shift_left3A_2857 : vector<16xi32> -> vector<16xf32>
      %add3A_2859 = arith.addf %add3A_2736, %bitcast_convert_type3A_2854 : vector<16xf32>
      %add3A_2860 = arith.addf %add3A_2737, %bitcast_convert_type3A_2858 : vector<16xf32>
      %get3A_2861 = arith.constant 19 : i32
      %get3A_2862 = arith.index_cast %get3A_2861 : i32 to index
      %get3A_2863 = arith.constant 112 : index
      %get3A_2864 = tpu.vector_load %arg7[%get3A_2862, %get3A_2863] {strides = array<i32>} : memref<20x128xi32, #tpu.memory_space<vmem>>, vector<1x16xi32>,
      %get3A_2865 = vector.shape_cast %get3A_2864 : vector<1x16xi32> to vector<16xi32>
      %and3A_2866 = arith.andi %get3A_2865, %broadcast_in_dim3A_11 : vector<16xi32>
      %bitcast_convert_type3A_2867 = tpu.bitcast %and3A_2866 : vector<16xi32> -> vector<16xf32>
      %shift_left3A_2868 = arith.constant 16 : i32
      %shift_left3A_2869 = vector.broadcast %shift_left3A_2868 : i32 to vector<16xi32>
      %shift_left3A_2870 = arith.shli %get3A_2865, %shift_left3A_2869 : vector<16xi32>
      %bitcast_convert_type3A_2871 = tpu.bitcast %shift_left3A_2870 : vector<16xi32> -> vector<16xf32>
      %add3A_2872 = arith.addf %add3A_2749, %bitcast_convert_type3A_2867 : vector<16xf32>
      %add3A_2873 = arith.addf %add3A_2750, %bitcast_convert_type3A_2871 : vector<16xf32>
      %add3A_2874 = arith.constant 19 : i32
      %add3A_2875 = arith.addi %mul3A_426, %add3A_2874 : i32
      %add3A_2876 = arith.constant 20 : i32
      %add3A_2877 = arith.addi %add3A_2875, %add3A_2876 : i32
      %lt3A_2878 = arith.constant 200 : i32
      %lt3A_2879 = arith.cmpi slt, %add3A_2877, %lt3A_2878 : i32
      %convert_element_type3A_2880 = arith.extui %lt3A_2879 : i1 to i32
      %cond3A_2881 = arith.constant 0 : i32
      %cond3A_2882 = arith.cmpi ne, %convert_element_type3A_2880, %cond3A_2881 : i32
      scf.if %cond3A_2882 {
        %add3A_2883 = arith.constant 19 : i32
        %add3A_2884 = arith.addi %mul3A_426, %add3A_2883 : i32
        %add3A_2885 = arith.constant 20 : i32
        %add3A_2886 = arith.addi %add3A_2884, %add3A_2885 : i32
        %dma_start3A_2887 = arith.constant 19 : i32
        %dma_start3A_2888 = arith.constant 0 : i32
        %dma_start3A_2889 = tpu.memref_slice %arg7[%dma_start3A_2887, %dma_start3A_2888] : memref<20x128xi32, #tpu.memory_space<vmem>> -> memref<1x128xi32, #tpu.memory_space<vmem>>
        %dma_start3A_2890 = tpu.memref_squeeze %dma_start3A_2889 : memref<1x128xi32, #tpu.memory_space<vmem>> -> memref<128xi32, #tpu.memory_space<vmem>>
        %dma_start3A_2891 = arith.constant 0 : i32
        %dma_start3A_2892 = tpu.memref_slice %arg6[%add3A_2886, %dma_start3A_2891] : memref<200x128xi32, #tpu.memory_space<vmem>> -> memref<1x128xi32, #tpu.memory_space<vmem>>
        %dma_start3A_2893 = tpu.memref_squeeze %dma_start3A_2892 : memref<1x128xi32, #tpu.memory_space<vmem>> -> memref<128xi32, #tpu.memory_space<vmem>>
        %dma_start3A_2894 = arith.constant 0 : i32
        %dma_start3A_2895 = tpu.memref_slice %arg10[%dma_start3A_2894] : memref<1000000xi32, #tpu.memory_space<vmem_shared>> -> memref<1000000xi32, #tpu.memory_space<vmem_shared>>
        tpu.enqueue_indirect_dma source(%dma_start3A_2895 : memref<1000000xi32, #tpu.memory_space<vmem_shared>>) target(%dma_start3A_2890 : memref<128xi32, #tpu.memory_space<vmem>>) offsets(%dma_start3A_2893 : memref<128xi32, #tpu.memory_space<vmem>>) semaphore(%arg30 : memref<!tpu.dma_semaphore, #tpu.memory_space<semaphore_mem>>)
      } else {
      }
      scf.yield %add3A_2781, %add3A_2794, %add3A_2807, %add3A_2820, %add3A_2833, %add3A_2846, %add3A_2859, %add3A_2872, %add3A_2782, %add3A_2795, %add3A_2808, %add3A_2821, %add3A_2834, %add3A_2847, %add3A_2860, %add3A_2873 : vector<16xf32>, vector<16xf32>, vector<16xf32>, vector<16xf32>, vector<16xf32>, vector<16xf32>, vector<16xf32>, vector<16xf32>, vector<16xf32>, vector<16xf32>, vector<16xf32>, vector<16xf32>, vector<16xf32>, vector<16xf32>, vector<16xf32>, vector<16xf32>
    }
    %scan3A_217 = arith.constant 10 : i32
    %get3A = arith.constant 0 : i32
    %get3A_218 = arith.index_cast %get3A : i32 to index
    %get3A_219 = arith.constant 0 : index
    %get3A_220 = tpu.vector_load %arg8[%get3A_218, %get3A_219] {strides = array<i32>} : memref<2x16xf32, #tpu.memory_space<vmem>>, vector<1x16xf32>,
    %get3A_221 = vector.shape_cast %get3A_220 : vector<1x16xf32> to vector<16xf32>
    %add3A_222 = arith.addf %scan3A_216#0, %get3A_221 : vector<16xf32>
    %swap3A = arith.constant 0 : i32
    %swap3A_223 = arith.index_cast %swap3A : i32 to index
    %swap3A_224 = arith.constant 0 : index
    %swap3A_225 = tpu.vector_load %arg9[%swap3A_223, %swap3A_224] {strides = array<i32>} : memref<2x128xf32, #tpu.memory_space<vmem>>, vector<1x16xf32>,
    %swap3A_226 = vector.shape_cast %swap3A_225 : vector<1x16xf32> to vector<16xf32>
    %swap3A_227 = vector.shape_cast %add3A_222 : vector<16xf32> to vector<1x16xf32>
    tpu.vector_store %arg9[%swap3A_223, %swap3A_224], %swap3A_227 {strides = array<i32>} : memref<2x128xf32, #tpu.memory_space<vmem>>, vector<1x16xf32>,
    %get3A_228 = arith.constant 1 : i32
    %get3A_229 = arith.index_cast %get3A_228 : i32 to index
    %get3A_230 = arith.constant 0 : index
    %get3A_231 = tpu.vector_load %arg8[%get3A_229, %get3A_230] {strides = array<i32>} : memref<2x16xf32, #tpu.memory_space<vmem>>, vector<1x16xf32>,
    %get3A_232 = vector.shape_cast %get3A_231 : vector<1x16xf32> to vector<16xf32>
    %add3A_233 = arith.addf %scan3A_216#8, %get3A_232 : vector<16xf32>
    %swap3A_234 = arith.constant 1 : i32
    %swap3A_235 = arith.index_cast %swap3A_234 : i32 to index
    %swap3A_236 = arith.constant 0 : index
    %swap3A_237 = tpu.vector_load %arg9[%swap3A_235, %swap3A_236] {strides = array<i32>} : memref<2x128xf32, #tpu.memory_space<vmem>>, vector<1x16xf32>,
    %swap3A_238 = vector.shape_cast %swap3A_237 : vector<1x16xf32> to vector<16xf32>
    %swap3A_239 = vector.shape_cast %add3A_233 : vector<16xf32> to vector<1x16xf32>
    tpu.vector_store %arg9[%swap3A_235, %swap3A_236], %swap3A_239 {strides = array<i32>} : memref<2x128xf32, #tpu.memory_space<vmem>>, vector<1x16xf32>,
    %get3A_240 = arith.constant 0 : i32
    %get3A_241 = arith.index_cast %get3A_240 : i32 to index
    %get3A_242 = arith.constant 0 : index
    %get3A_243 = tpu.vector_load %arg8[%get3A_241, %get3A_242] {strides = array<i32>} : memref<2x16xf32, #tpu.memory_space<vmem>>, vector<1x16xf32>,
    %get3A_244 = vector.shape_cast %get3A_243 : vector<1x16xf32> to vector<16xf32>
    %add3A_245 = arith.addf %scan3A_216#1, %get3A_244 : vector<16xf32>
    %swap3A_246 = arith.constant 0 : i32
    %swap3A_247 = arith.index_cast %swap3A_246 : i32 to index
    %swap3A_248 = arith.constant 16 : index
    %swap3A_249 = tpu.vector_load %arg9[%swap3A_247, %swap3A_248] {strides = array<i32>} : memref<2x128xf32, #tpu.memory_space<vmem>>, vector<1x16xf32>,
    %swap3A_250 = vector.shape_cast %swap3A_249 : vector<1x16xf32> to vector<16xf32>
    %swap3A_251 = vector.shape_cast %add3A_245 : vector<16xf32> to vector<1x16xf32>
    tpu.vector_store %arg9[%swap3A_247, %swap3A_248], %swap3A_251 {strides = array<i32>} : memref<2x128xf32, #tpu.memory_space<vmem>>, vector<1x16xf32>,
    %get3A_252 = arith.constant 1 : i32
    %get3A_253 = arith.index_cast %get3A_252 : i32 to index
    %get3A_254 = arith.constant 0 : index
    %get3A_255 = tpu.vector_load %arg8[%get3A_253, %get3A_254] {strides = array<i32>} : memref<2x16xf32, #tpu.memory_space<vmem>>, vector<1x16xf32>,
    %get3A_256 = vector.shape_cast %get3A_255 : vector<1x16xf32> to vector<16xf32>
    %add3A_257 = arith.addf %scan3A_216#9, %get3A_256 : vector<16xf32>
    %swap3A_258 = arith.constant 1 : i32
    %swap3A_259 = arith.index_cast %swap3A_258 : i32 to index
    %swap3A_260 = arith.constant 16 : index
    %swap3A_261 = tpu.vector_load %arg9[%swap3A_259, %swap3A_260] {strides = array<i32>} : memref<2x128xf32, #tpu.memory_space<vmem>>, vector<1x16xf32>,
    %swap3A_262 = vector.shape_cast %swap3A_261 : vector<1x16xf32> to vector<16xf32>
    %swap3A_263 = vector.shape_cast %add3A_257 : vector<16xf32> to vector<1x16xf32>
    tpu.vector_store %arg9[%swap3A_259, %swap3A_260], %swap3A_263 {strides = array<i32>} : memref<2x128xf32, #tpu.memory_space<vmem>>, vector<1x16xf32>,
    %get3A_264 = arith.constant 0 : i32
    %get3A_265 = arith.index_cast %get3A_264 : i32 to index
    %get3A_266 = arith.constant 0 : index
    %get3A_267 = tpu.vector_load %arg8[%get3A_265, %get3A_266] {strides = array<i32>} : memref<2x16xf32, #tpu.memory_space<vmem>>, vector<1x16xf32>,
    %get3A_268 = vector.shape_cast %get3A_267 : vector<1x16xf32> to vector<16xf32>
    %add3A_269 = arith.addf %scan3A_216#2, %get3A_268 : vector<16xf32>
    %swap3A_270 = arith.constant 0 : i32
    %swap3A_271 = arith.index_cast %swap3A_270 : i32 to index
    %swap3A_272 = arith.constant 32 : index
    %swap3A_273 = tpu.vector_load %arg9[%swap3A_271, %swap3A_272] {strides = array<i32>} : memref<2x128xf32, #tpu.memory_space<vmem>>, vector<1x16xf32>,
    %swap3A_274 = vector.shape_cast %swap3A_273 : vector<1x16xf32> to vector<16xf32>
    %swap3A_275 = vector.shape_cast %add3A_269 : vector<16xf32> to vector<1x16xf32>
    tpu.vector_store %arg9[%swap3A_271, %swap3A_272], %swap3A_275 {strides = array<i32>} : memref<2x128xf32, #tpu.memory_space<vmem>>, vector<1x16xf32>,
    %get3A_276 = arith.constant 1 : i32
    %get3A_277 = arith.index_cast %get3A_276 : i32 to index
    %get3A_278 = arith.constant 0 : index
    %get3A_279 = tpu.vector_load %arg8[%get3A_277, %get3A_278] {strides = array<i32>} : memref<2x16xf32, #tpu.memory_space<vmem>>, vector<1x16xf32>,
    %get3A_280 = vector.shape_cast %get3A_279 : vector<1x16xf32> to vector<16xf32>
    %add3A_281 = arith.addf %scan3A_216#10, %get3A_280 : vector<16xf32>
    %swap3A_282 = arith.constant 1 : i32
    %swap3A_283 = arith.index_cast %swap3A_282 : i32 to index
    %swap3A_284 = arith.constant 32 : index
    %swap3A_285 = tpu.vector_load %arg9[%swap3A_283, %swap3A_284] {strides = array<i32>} : memref<2x128xf32, #tpu.memory_space<vmem>>, vector<1x16xf32>,
    %swap3A_286 = vector.shape_cast %swap3A_285 : vector<1x16xf32> to vector<16xf32>
    %swap3A_287 = vector.shape_cast %add3A_281 : vector<16xf32> to vector<1x16xf32>
    tpu.vector_store %arg9[%swap3A_283, %swap3A_284], %swap3A_287 {strides = array<i32>} : memref<2x128xf32, #tpu.memory_space<vmem>>, vector<1x16xf32>,
    %get3A_288 = arith.constant 0 : i32
    %get3A_289 = arith.index_cast %get3A_288 : i32 to index
    %get3A_290 = arith.constant 0 : index
    %get3A_291 = tpu.vector_load %arg8[%get3A_289, %get3A_290] {strides = array<i32>} : memref<2x16xf32, #tpu.memory_space<vmem>>, vector<1x16xf32>,
    %get3A_292 = vector.shape_cast %get3A_291 : vector<1x16xf32> to vector<16xf32>
    %add3A_293 = arith.addf %scan3A_216#3, %get3A_292 : vector<16xf32>
    %swap3A_294 = arith.constant 0 : i32
    %swap3A_295 = arith.index_cast %swap3A_294 : i32 to index
    %swap3A_296 = arith.constant 48 : index
    %swap3A_297 = tpu.vector_load %arg9[%swap3A_295, %swap3A_296] {strides = array<i32>} : memref<2x128xf32, #tpu.memory_space<vmem>>, vector<1x16xf32>,
    %swap3A_298 = vector.shape_cast %swap3A_297 : vector<1x16xf32> to vector<16xf32>
    %swap3A_299 = vector.shape_cast %add3A_293 : vector<16xf32> to vector<1x16xf32>
    tpu.vector_store %arg9[%swap3A_295, %swap3A_296], %swap3A_299 {strides = array<i32>} : memref<2x128xf32, #tpu.memory_space<vmem>>, vector<1x16xf32>,
    %get3A_300 = arith.constant 1 : i32
    %get3A_301 = arith.index_cast %get3A_300 : i32 to index
    %get3A_302 = arith.constant 0 : index
    %get3A_303 = tpu.vector_load %arg8[%get3A_301, %get3A_302] {strides = array<i32>} : memref<2x16xf32, #tpu.memory_space<vmem>>, vector<1x16xf32>,
    %get3A_304 = vector.shape_cast %get3A_303 : vector<1x16xf32> to vector<16xf32>
    %add3A_305 = arith.addf %scan3A_216#11, %get3A_304 : vector<16xf32>
    %swap3A_306 = arith.constant 1 : i32
    %swap3A_307 = arith.index_cast %swap3A_306 : i32 to index
    %swap3A_308 = arith.constant 48 : index
    %swap3A_309 = tpu.vector_load %arg9[%swap3A_307, %swap3A_308] {strides = array<i32>} : memref<2x128xf32, #tpu.memory_space<vmem>>, vector<1x16xf32>,
    %swap3A_310 = vector.shape_cast %swap3A_309 : vector<1x16xf32> to vector<16xf32>
    %swap3A_311 = vector.shape_cast %add3A_305 : vector<16xf32> to vector<1x16xf32>
    tpu.vector_store %arg9[%swap3A_307, %swap3A_308], %swap3A_311 {strides = array<i32>} : memref<2x128xf32, #tpu.memory_space<vmem>>, vector<1x16xf32>,
    %get3A_312 = arith.constant 0 : i32
    %get3A_313 = arith.index_cast %get3A_312 : i32 to index
    %get3A_314 = arith.constant 0 : index
    %get3A_315 = tpu.vector_load %arg8[%get3A_313, %get3A_314] {strides = array<i32>} : memref<2x16xf32, #tpu.memory_space<vmem>>, vector<1x16xf32>,
    %get3A_316 = vector.shape_cast %get3A_315 : vector<1x16xf32> to vector<16xf32>
    %add3A_317 = arith.addf %scan3A_216#4, %get3A_316 : vector<16xf32>
    %swap3A_318 = arith.constant 0 : i32
    %swap3A_319 = arith.index_cast %swap3A_318 : i32 to index
    %swap3A_320 = arith.constant 64 : index
    %swap3A_321 = tpu.vector_load %arg9[%swap3A_319, %swap3A_320] {strides = array<i32>} : memref<2x128xf32, #tpu.memory_space<vmem>>, vector<1x16xf32>,
    %swap3A_322 = vector.shape_cast %swap3A_321 : vector<1x16xf32> to vector<16xf32>
    %swap3A_323 = vector.shape_cast %add3A_317 : vector<16xf32> to vector<1x16xf32>
    tpu.vector_store %arg9[%swap3A_319, %swap3A_320], %swap3A_323 {strides = array<i32>} : memref<2x128xf32, #tpu.memory_space<vmem>>, vector<1x16xf32>,
    %get3A_324 = arith.constant 1 : i32
    %get3A_325 = arith.index_cast %get3A_324 : i32 to index
    %get3A_326 = arith.constant 0 : index
    %get3A_327 = tpu.vector_load %arg8[%get3A_325, %get3A_326] {strides = array<i32>} : memref<2x16xf32, #tpu.memory_space<vmem>>, vector<1x16xf32>,
    %get3A_328 = vector.shape_cast %get3A_327 : vector<1x16xf32> to vector<16xf32>
    %add3A_329 = arith.addf %scan3A_216#12, %get3A_328 : vector<16xf32>
    %swap3A_330 = arith.constant 1 : i32
    %swap3A_331 = arith.index_cast %swap3A_330 : i32 to index
    %swap3A_332 = arith.constant 64 : index
    %swap3A_333 = tpu.vector_load %arg9[%swap3A_331, %swap3A_332] {strides = array<i32>} : memref<2x128xf32, #tpu.memory_space<vmem>>, vector<1x16xf32>,
    %swap3A_334 = vector.shape_cast %swap3A_333 : vector<1x16xf32> to vector<16xf32>
    %swap3A_335 = vector.shape_cast %add3A_329 : vector<16xf32> to vector<1x16xf32>
    tpu.vector_store %arg9[%swap3A_331, %swap3A_332], %swap3A_335 {strides = array<i32>} : memref<2x128xf32, #tpu.memory_space<vmem>>, vector<1x16xf32>,
    %get3A_336 = arith.constant 0 : i32
    %get3A_337 = arith.index_cast %get3A_336 : i32 to index
    %get3A_338 = arith.constant 0 : index
    %get3A_339 = tpu.vector_load %arg8[%get3A_337, %get3A_338] {strides = array<i32>} : memref<2x16xf32, #tpu.memory_space<vmem>>, vector<1x16xf32>,
    %get3A_340 = vector.shape_cast %get3A_339 : vector<1x16xf32> to vector<16xf32>
    %add3A_341 = arith.addf %scan3A_216#5, %get3A_340 : vector<16xf32>
    %swap3A_342 = arith.constant 0 : i32
    %swap3A_343 = arith.index_cast %swap3A_342 : i32 to index
    %swap3A_344 = arith.constant 80 : index
    %swap3A_345 = tpu.vector_load %arg9[%swap3A_343, %swap3A_344] {strides = array<i32>} : memref<2x128xf32, #tpu.memory_space<vmem>>, vector<1x16xf32>,
    %swap3A_346 = vector.shape_cast %swap3A_345 : vector<1x16xf32> to vector<16xf32>
    %swap3A_347 = vector.shape_cast %add3A_341 : vector<16xf32> to vector<1x16xf32>
    tpu.vector_store %arg9[%swap3A_343, %swap3A_344], %swap3A_347 {strides = array<i32>} : memref<2x128xf32, #tpu.memory_space<vmem>>, vector<1x16xf32>,
    %get3A_348 = arith.constant 1 : i32
    %get3A_349 = arith.index_cast %get3A_348 : i32 to index
    %get3A_350 = arith.constant 0 : index
    %get3A_351 = tpu.vector_load %arg8[%get3A_349, %get3A_350] {strides = array<i32>} : memref<2x16xf32, #tpu.memory_space<vmem>>, vector<1x16xf32>,
    %get3A_352 = vector.shape_cast %get3A_351 : vector<1x16xf32> to vector<16xf32>
    %add3A_353 = arith.addf %scan3A_216#13, %get3A_352 : vector<16xf32>
    %swap3A_354 = arith.constant 1 : i32
    %swap3A_355 = arith.index_cast %swap3A_354 : i32 to index
    %swap3A_356 = arith.constant 80 : index
    %swap3A_357 = tpu.vector_load %arg9[%swap3A_355, %swap3A_356] {strides = array<i32>} : memref<2x128xf32, #tpu.memory_space<vmem>>, vector<1x16xf32>,
    %swap3A_358 = vector.shape_cast %swap3A_357 : vector<1x16xf32> to vector<16xf32>
    %swap3A_359 = vector.shape_cast %add3A_353 : vector<16xf32> to vector<1x16xf32>
    tpu.vector_store %arg9[%swap3A_355, %swap3A_356], %swap3A_359 {strides = array<i32>} : memref<2x128xf32, #tpu.memory_space<vmem>>, vector<1x16xf32>,
    %get3A_360 = arith.constant 0 : i32
    %get3A_361 = arith.index_cast %get3A_360 : i32 to index
    %get3A_362 = arith.constant 0 : index
    %get3A_363 = tpu.vector_load %arg8[%get3A_361, %get3A_362] {strides = array<i32>} : memref<2x16xf32, #tpu.memory_space<vmem>>, vector<1x16xf32>,
    %get3A_364 = vector.shape_cast %get3A_363 : vector<1x16xf32> to vector<16xf32>
    %add3A_365 = arith.addf %scan3A_216#6, %get3A_364 : vector<16xf32>
    %swap3A_366 = arith.constant 0 : i32
    %swap3A_367 = arith.index_cast %swap3A_366 : i32 to index
    %swap3A_368 = arith.constant 96 : index
    %swap3A_369 = tpu.vector_load %arg9[%swap3A_367, %swap3A_368] {strides = array<i32>} : memref<2x128xf32, #tpu.memory_space<vmem>>, vector<1x16xf32>,
    %swap3A_370 = vector.shape_cast %swap3A_369 : vector<1x16xf32> to vector<16xf32>
    %swap3A_371 = vector.shape_cast %add3A_365 : vector<16xf32> to vector<1x16xf32>
    tpu.vector_store %arg9[%swap3A_367, %swap3A_368], %swap3A_371 {strides = array<i32>} : memref<2x128xf32, #tpu.memory_space<vmem>>, vector<1x16xf32>,
    %get3A_372 = arith.constant 1 : i32
    %get3A_373 = arith.index_cast %get3A_372 : i32 to index
    %get3A_374 = arith.constant 0 : index
    %get3A_375 = tpu.vector_load %arg8[%get3A_373, %get3A_374] {strides = array<i32>} : memref<2x16xf32, #tpu.memory_space<vmem>>, vector<1x16xf32>,
    %get3A_376 = vector.shape_cast %get3A_375 : vector<1x16xf32> to vector<16xf32>
    %add3A_377 = arith.addf %scan3A_216#14, %get3A_376 : vector<16xf32>
    %swap3A_378 = arith.constant 1 : i32
    %swap3A_379 = arith.index_cast %swap3A_378 : i32 to index
    %swap3A_380 = arith.constant 96 : index
    %swap3A_381 = tpu.vector_load %arg9[%swap3A_379, %swap3A_380] {strides = array<i32>} : memref<2x128xf32, #tpu.memory_space<vmem>>, vector<1x16xf32>,
    %swap3A_382 = vector.shape_cast %swap3A_381 : vector<1x16xf32> to vector<16xf32>
    %swap3A_383 = vector.shape_cast %add3A_377 : vector<16xf32> to vector<1x16xf32>
    tpu.vector_store %arg9[%swap3A_379, %swap3A_380], %swap3A_383 {strides = array<i32>} : memref<2x128xf32, #tpu.memory_space<vmem>>, vector<1x16xf32>,
    %get3A_384 = arith.constant 0 : i32
    %get3A_385 = arith.index_cast %get3A_384 : i32 to index
    %get3A_386 = arith.constant 0 : index
    %get3A_387 = tpu.vector_load %arg8[%get3A_385, %get3A_386] {strides = array<i32>} : memref<2x16xf32, #tpu.memory_space<vmem>>, vector<1x16xf32>,
    %get3A_388 = vector.shape_cast %get3A_387 : vector<1x16xf32> to vector<16xf32>
    %add3A_389 = arith.addf %scan3A_216#7, %get3A_388 : vector<16xf32>
    %swap3A_390 = arith.constant 0 : i32
    %swap3A_391 = arith.index_cast %swap3A_390 : i32 to index
    %swap3A_392 = arith.constant 112 : index
    %swap3A_393 = tpu.vector_load %arg9[%swap3A_391, %swap3A_392] {strides = array<i32>} : memref<2x128xf32, #tpu.memory_space<vmem>>, vector<1x16xf32>,
    %swap3A_394 = vector.shape_cast %swap3A_393 : vector<1x16xf32> to vector<16xf32>
    %swap3A_395 = vector.shape_cast %add3A_389 : vector<16xf32> to vector<1x16xf32>
    tpu.vector_store %arg9[%swap3A_391, %swap3A_392], %swap3A_395 {strides = array<i32>} : memref<2x128xf32, #tpu.memory_space<vmem>>, vector<1x16xf32>,
    %get3A_396 = arith.constant 1 : i32
    %get3A_397 = arith.index_cast %get3A_396 : i32 to index
    %get3A_398 = arith.constant 0 : index
    %get3A_399 = tpu.vector_load %arg8[%get3A_397, %get3A_398] {strides = array<i32>} : memref<2x16xf32, #tpu.memory_space<vmem>>, vector<1x16xf32>,
    %get3A_400 = vector.shape_cast %get3A_399 : vector<1x16xf32> to vector<16xf32>
    %add3A_401 = arith.addf %scan3A_216#15, %get3A_400 : vector<16xf32>
    %swap3A_402 = arith.constant 1 : i32
    %swap3A_403 = arith.index_cast %swap3A_402 : i32 to index
    %swap3A_404 = arith.constant 112 : index
    %swap3A_405 = tpu.vector_load %arg9[%swap3A_403, %swap3A_404] {strides = array<i32>} : memref<2x128xf32, #tpu.memory_space<vmem>>, vector<1x16xf32>,
    %swap3A_406 = vector.shape_cast %swap3A_405 : vector<1x16xf32> to vector<16xf32>
    %swap3A_407 = vector.shape_cast %add3A_401 : vector<16xf32> to vector<1x16xf32>
    tpu.vector_store %arg9[%swap3A_403, %swap3A_404], %swap3A_407 {strides = array<i32>} : memref<2x128xf32, #tpu.memory_space<vmem>>, vector<1x16xf32>,
    "tpu.region"() ({
      %run_scoped3A = tpu.sem_alloc : memref<!tpu.dma_semaphore, #tpu.memory_space<semaphore_mem>>
      %dma_start3A_408 = arith.constant 0 : i32
      %dma_start3A_409 = tpu.memref_slice %arg5[%dma_start3A_408, %mul3A_2] : memref<2x4096xf32, #tpu.memory_space<hbm>> -> memref<2x128xf32, #tpu.memory_space<hbm>>
      %dma_start3A_410 = arith.constant 0 : i32
      %dma_start3A_411 = tpu.memref_slice %arg5[%dma_start3A_410, %mul3A_2] : memref<2x4096xf32, #tpu.memory_space<hbm>> -> memref<2x128xf32, #tpu.memory_space<hbm>>
      tpu.enqueue_dma source(%arg9 : memref<2x128xf32, #tpu.memory_space<vmem>>) target(%dma_start3A_411 : memref<2x128xf32, #tpu.memory_space<hbm>>) target_semaphore(%run_scoped3A : memref<!tpu.dma_semaphore, #tpu.memory_space<semaphore_mem>>)
      %dma_wait3A = arith.constant 0 : i32
      %dma_wait3A_412 = tpu.memref_slice %arg5[%dma_wait3A, %mul3A_2] : memref<2x4096xf32, #tpu.memory_space<hbm>> -> memref<2x128xf32, #tpu.memory_space<hbm>>
      %dma_wait3A_413 = arith.constant 0 : i32
      %dma_wait3A_414 = tpu.memref_slice %arg5[%dma_wait3A_413, %mul3A_2] : memref<2x4096xf32, #tpu.memory_space<hbm>> -> memref<2x128xf32, #tpu.memory_space<hbm>>
      tpu.wait_dma2 semaphore(%run_scoped3A : memref<!tpu.dma_semaphore, #tpu.memory_space<semaphore_mem>>) src(%arg9 : memref<2x128xf32, #tpu.memory_space<vmem>>) dst(%dma_wait3A_414 : memref<2x128xf32, #tpu.memory_space<hbm>>)
      tpu.yield
    }) : () -> ()
    return
  }
}

module attributes {stable_mosaic.version = 14 : i64} {
  func.func @_proj_body(%arg0: i32, %arg1: memref<64x32768xf32, #tpu.memory_space<vmem>>, %arg2: memref<2x64xf32, #tpu.memory_space<vmem>>, %arg3: memref<32768xi32, #tpu.memory_space<vmem>>) attributes {dimension_semantics = [#tpu.dimension_semantics<arbitrary>], iteration_bounds = array<i64: 31>, scalar_prefetch = 0 : i64, scratch_operands = 0 : i64, tpu.core_type = #tpu.core_type<tc>, window_params = [{transform_indices = @transform_0, window_bounds = array<i64: 64, 32768>}, {pipeline_mode = #tpu.pipeline_mode<synchronous>, transform_indices = @transform_1, window_bounds = array<i64: 2, 64>}, {transform_indices = @transform_2, window_bounds = array<i64: 32768>}]} {
    %get3A = arith.constant 0 : index
    %get3A_0 = arith.constant 0 : index
    %get3A_1 = vector.load %arg1[%get3A, %get3A_0] : memref<64x32768xf32, #tpu.memory_space<vmem>>, vector<64x32768xf32>
    %get3A_2 = arith.constant 0 : index
    %get3A_3 = arith.constant 0 : index
    %get3A_4 = vector.load %arg2[%get3A_2, %get3A_3] : memref<2x64xf32, #tpu.memory_space<vmem>>, vector<2x64xf32>
    %dot_general3A = arith.constant dense<0.000000e+00> : vector<2x32768xf32>
    %dot_general3A_5 = tpu.matmul %get3A_4, %get3A_1, %dot_general3A {dimension_numbers = #tpu.dot_dimension_numbers<[1], [0], [0], [1], [0, 0, 1, 1], [], []>, transpose_lhs_hint = false} : vector<2x64xf32>, vector<64x32768xf32>, vector<2x32768xf32> -> vector<2x32768xf32>
    %slice3A = vector.extract_strided_slice %dot_general3A_5 {offsets = [0, 0], sizes = [1, 32768], strides = [1, 1]} : vector<2x32768xf32> to vector<1x32768xf32>
    %squeeze3A = vector.shape_cast %slice3A : vector<1x32768xf32> to vector<32768xf32>
    %bitcast_convert_type3A = tpu.bitcast %squeeze3A : vector<32768xf32> -> vector<32768xi32>
    %slice3A_6 = vector.extract_strided_slice %dot_general3A_5 {offsets = [1, 0], sizes = [1, 32768], strides = [1, 1]} : vector<2x32768xf32> to vector<1x32768xf32>
    %squeeze3A_7 = vector.shape_cast %slice3A_6 : vector<1x32768xf32> to vector<32768xf32>
    %bitcast_convert_type3A_8 = tpu.bitcast %squeeze3A_7 : vector<32768xf32> -> vector<32768xi32>
    %add3A = arith.constant 32767 : i32
    %add3A_9 = vector.broadcast %add3A : i32 to vector<32768xi32>
    %add3A_10 = arith.addi %bitcast_convert_type3A, %add3A_9 : vector<32768xi32>
    %shift_right_logical3A = arith.constant 16 : i32
    %shift_right_logical3A_11 = vector.broadcast %shift_right_logical3A : i32 to vector<32768xi32>
    %shift_right_logical3A_12 = arith.shrui %bitcast_convert_type3A, %shift_right_logical3A_11 : vector<32768xi32>
    %and3A = arith.constant 1 : i32
    %and3A_13 = vector.broadcast %and3A : i32 to vector<32768xi32>
    %and3A_14 = arith.andi %shift_right_logical3A_12, %and3A_13 : vector<32768xi32>
    %add3A_15 = arith.addi %add3A_10, %and3A_14 : vector<32768xi32>
    %and3A_16 = arith.constant -65536 : i32
    %and3A_17 = vector.broadcast %and3A_16 : i32 to vector<32768xi32>
    %and3A_18 = arith.andi %add3A_15, %and3A_17 : vector<32768xi32>
    %add3A_19 = arith.constant 32767 : i32
    %add3A_20 = vector.broadcast %add3A_19 : i32 to vector<32768xi32>
    %add3A_21 = arith.addi %bitcast_convert_type3A_8, %add3A_20 : vector<32768xi32>
    %shift_right_logical3A_22 = arith.constant 16 : i32
    %shift_right_logical3A_23 = vector.broadcast %shift_right_logical3A_22 : i32 to vector<32768xi32>
    %shift_right_logical3A_24 = arith.shrui %bitcast_convert_type3A_8, %shift_right_logical3A_23 : vector<32768xi32>
    %and3A_25 = arith.constant 1 : i32
    %and3A_26 = vector.broadcast %and3A_25 : i32 to vector<32768xi32>
    %and3A_27 = arith.andi %shift_right_logical3A_24, %and3A_26 : vector<32768xi32>
    %add3A_28 = arith.addi %add3A_21, %and3A_27 : vector<32768xi32>
    %and3A_29 = arith.constant -65536 : i32
    %and3A_30 = vector.broadcast %and3A_29 : i32 to vector<32768xi32>
    %and3A_31 = arith.andi %add3A_28, %and3A_30 : vector<32768xi32>
    %shift_right_logical3A_32 = arith.constant 16 : i32
    %shift_right_logical3A_33 = vector.broadcast %shift_right_logical3A_32 : i32 to vector<32768xi32>
    %shift_right_logical3A_34 = arith.shrui %and3A_31, %shift_right_logical3A_33 : vector<32768xi32>
    %or3A = arith.ori %and3A_18, %shift_right_logical3A_34 : vector<32768xi32>
    %bitcast_convert_type3A_35 = tpu.bitcast %or3A : vector<32768xi32> -> vector<32768xi32>
    %swap3A = arith.constant 0 : index
    %swap3A_36 = vector.load %arg3[%swap3A] : memref<32768xi32, #tpu.memory_space<vmem>>, vector<32768xi32>
    tpu.vector_store %arg3[%swap3A], %bitcast_convert_type3A_35 {strides = array<i32>} : memref<32768xi32, #tpu.memory_space<vmem>>, vector<32768xi32>,
    return
  }
  func.func @transform_0(%arg0: i32) -> (i32, i32) {
    %c0_i32 = arith.constant 0 : i32
    %c0_i32_0 = arith.constant 0 : i32
    return %c0_i32, %arg0 : i32, i32
  }
  func.func @transform_1(%arg0: i32) -> (i32, i32) {
    %c0_i32 = arith.constant 0 : i32
    %c0_i32_0 = arith.constant 0 : i32
    %c0_i32_1 = arith.constant 0 : i32
    return %c0_i32, %c0_i32_0 : i32, i32
  }
  func.func @transform_2(%arg0: i32) -> i32 {
    %c0_i32 = arith.constant 0 : i32
    return %arg0 : i32
  }
}

</mosaic_0001>

<sc_bundles>
// kernel: _fast_text.4.cloned.1.call-start
scs
__scs_entry_jumppad:
0x0: {  	(pc) =	sbr.rel $0x88, $3  }
0x1: {  	(tag) =	ssettag $0x0;
	lr =	simm.s32 $0x1  }
0x2: {  	[smem:$0x3F9D] =	sst lr;
	_ =	strace $0xD0000000  }
0x3: {  	_ = 	snop  }
0x4: {  	_ = 	snop  }
0x5: {  	_ = 	snop  }
0x6: {  	_ = 	snop  }
0x7: {  	_ = 	snop  }
__scs_overlays_trampoline_lowered:
0x8: {  	[smem:$0x3FAC] =	sst s0  }
0x9: {  	[smem:$0x3FAD] =	sst s1  }
0xa: {  	[smem:$0x3FAE] =	sst s2  }
0xb: {  	[smem:$0x3FAF] =	sst s3  }
0xc: {  	[smem:$0x3FB0] =	sst s4  }
0xd: {  	[smem:$0x3FB1] =	sst s5  }
0xe: {  	[smem:$0x3FB2] =	sst s6  }
0xf: {  	[smem:$0x3FB3] =	sst s7  }
0x10: {  	[smem:$0x3FB4] =	sst s8  }
0x11: {  	[smem:$0x3FB5] =	sst s9;
	s0 =	simm.s32 @!p0 $0x0  }
0x12: {  	s1 =	sld [smem:$0x3F9B];
	s0 =	simm.s32 @p0 $0x1  }
0x13: {  	[smem:$0x3FB6] =	sst s0;
	s0 =	simm.s32 @!p1 $0x0  }
0x14: {  	s2 =	sld [smem:$0x3F9A];
	s0 =	simm.s32 @p1 $0x1  }
0x15: {  	[smem:$0x3FB7] =	sst s0;
	s0 =	simm.s32 @!p2 $0x0  }
0x16: {  	s3 =	sld [smem:$0x3FDB];
	s0 =	simm.s32 @p2 $0x1  }
0x17: {  	s4 =	simm.s32 $0x1BF5;
	[smem:$0x3FB9] =	sst s0  }
0x18: {  	s0 =	sld [smem:$0x3F9C];
	_ =	swait.ge [sflag:s4], $0x0  }
0x19: {  	s7 =	sld [smem:$0x3F9D]  }
0x1a: {  	s8 =	sadd.s32 $0xFFFFE003, lr  }
0x1b: {  	s9 =	sadd.s32 $0xFFFFFEF7, lr;
	s5 =	simm.s32 $0xFFFFFFFF;
	p2 =	slt.u32 s8, $0xFFFFF086  }
0x1c: {  	p1 =	slt.u32 s9, $0xF7A;
	s5 =	simm.s32 @!p2 $0x0  }
0x1d: {  	s5 =	simm.s32 @p1 $0x1;
	p0 =	seq.s32 s7, s2  }
0x1e: {  	s7 =	smul.u32 @!p0 $0xF7A, s2;
	p2 =	seq.s32 @!p0 s5, $0x0  }
0x1f: {  	s9 =	smul.u32 $0xF7A, s1;
	s8 =	simm.s32 @!p0 $0x1BF5;
	p2 =	por !p2, p0  }
0x20: {  	[sflag:s8] =	ssyncset.s32 @!p0 $0xFFFFF086;
	s6 =	sadd.s32 @!p0 s3, s7;
	s7 =	simm.s32 @!p0 $0x108  }
0x21: {  	s3 =	sadd.s32 s3, s9;
	s6 =	sadd.s32 @!p0 $0x88, s6;
	s7 =	simm.s32 @p2 $0x1082  }
0x22: {  	[simem:s7], [sflag:s8] =	dma.local @!p0 [hbm:s6], $0xF7A  }
0x23: {  	s9 =	sor.u32 $0xD0000000, s2;
	s6 =	simm.s32 $0x108;
	_ =	swait.ge @!p0 [sflag:s8], $0x0  }
0x24: {  	s3 =	sadd.s32 $0x88, s3;
	s6 =	simm.s32 @!p1 $0x1082;
	[sflag:s4] =	ssyncset.s32 $0xFFFFF086  }
0x25: {  	[simem:s6], [sflag:s4] =	dma.local [hbm:s3], $0xF7A  }
0x26: {  	[smem:$0x3F9D] =	sst s1;
	(tag) =	ssettag s2;
	_ =	strace s9  }
0x27: {  	s1 =	sld [smem:$0x3FAD]  }
0x28: {  	s2 =	sld [smem:$0x3FAE]  }
0x29: {  	s4 =	sld [smem:$0x3FB0]  }
0x2a: {  	p0 =	seq.s32 s5, $0x0;
	s5 =	sld [smem:$0x3FB1]  }
0x2b: {  	s6 =	sld [smem:$0x3FB2]  }
0x2c: {  	s7 =	sld [smem:$0x3FB3]  }
0x2d: {  	s3 =	simm.s32 $0x108;
	s8 =	sld [smem:$0x3FB4]  }
0x2e: {  	s3 =	simm.s32 @!p0 $0x1082;
	s9 =	sld [smem:$0x3FB5]  }
0x2f: {  	lr =	sadd.s32 s0, s3;
	s0 =	sld [smem:$0x3FAC]  }
0x30: {  	s3 =	sld [smem:$0x3FAF]  }
0x31: {  	[smem:$0x3FB8] =	sst s10  }
0x32: {  	s10 =	sld [smem:$0x3FB6];
	_ =	sdelay $0x3  }
0x33: {  	p0 =	seq.s32 s10, $0x1;
	s10 =	sld [smem:$0x3FB8];
	_ =	sdelay $0x3  }
0x34: {  	[smem:$0x3FB8] =	sst s10  }
0x35: {  	s10 =	sld [smem:$0x3FB7];
	_ =	sdelay $0x3  }
0x36: {  	p1 =	seq.s32 s10, $0x1;
	s10 =	sld [smem:$0x3FB8];
	_ =	sdelay $0x3  }
0x37: {  	[smem:$0x3FB8] =	sst s10  }
0x38: {  	s10 =	sld [smem:$0x3FB9]  }
0x39: {  	_ = 	snop;
	(pc) =	sbr.ind lr, $3  }
0x3a: {  	_ = 	snop  }
0x3b: {  	_ = 	snop  }
0x3c: {  	p2 =	seq.s32 s10, $0x1;
	s10 =	sld [smem:$0x3FB8]  }
0x3d: {  	_ =	shalt  }
0x3e: {  	_ =	shalt  }
0x3f: {  	_ =	shalt  }
0x40: {  	_ =	shalt  }
0x41: {  	_ =	shalt  }
0x42: {  	_ =	shalt  }
0x43: {  	_ =	shalt  }
0x44: {  	_ =	shalt  }
0x45: {  	_ =	shalt  }
0x46: {  	_ =	shalt  }
0x47: {  	_ =	shalt  }
0x48: {  	_ =	shalt  }
0x49: {  	_ =	shalt  }
0x4a: {  	_ =	shalt  }
0x4b: {  	_ =	shalt  }
0x4c: {  	_ =	shalt  }
0x4d: {  	_ =	shalt  }
0x4e: {  	_ =	shalt  }
0x4f: {  	_ =	shalt  }
0x50: {  	_ =	shalt  }
0x51: {  	_ =	shalt  }
0x52: {  	_ =	shalt  }
0x53: {  	_ =	shalt  }
0x54: {  	_ =	shalt  }
0x55: {  	_ =	shalt  }
0x56: {  	_ =	shalt  }
0x57: {  	_ =	shalt  }
0x58: {  	_ =	shalt  }
0x59: {  	_ =	shalt  }
0x5a: {  	_ =	shalt  }
0x5b: {  	_ =	shalt  }
0x5c: {  	_ =	shalt  }
0x5d: {  	_ =	shalt  }
0x5e: {  	_ =	shalt  }
0x5f: {  	_ =	shalt  }
0x60: {  	_ =	shalt  }
0x61: {  	_ =	shalt  }
0x62: {  	_ =	shalt  }
0x63: {  	_ =	shalt  }
0x64: {  	_ =	shalt  }
0x65: {  	_ =	shalt  }
0x66: {  	_ =	shalt  }
0x67: {  	_ =	shalt  }
0x68: {  	_ =	shalt  }
0x69: {  	_ =	shalt  }
0x6a: {  	_ =	shalt  }
0x6b: {  	_ =	shalt  }
0x6c: {  	_ =	shalt  }
0x6d: {  	_ =	shalt  }
0x6e: {  	_ =	shalt  }
0x6f: {  	_ =	shalt  }
0x70: {  	_ =	shalt  }
0x71: {  	_ =	shalt  }
0x72: {  	_ =	shalt  }
0x73: {  	_ =	shalt  }
0x74: {  	_ =	shalt  }
0x75: {  	_ =	shalt  }
0x76: {  	_ =	shalt  }
0x77: {  	_ =	shalt  }
0x78: {  	_ =	shalt  }
0x79: {  	_ =	shalt  }
0x7a: {  	_ =	shalt  }
0x7b: {  	_ =	shalt  }
0x7c: {  	_ =	shalt  }
0x7d: {  	_ =	shalt  }
0x7e: {  	_ =	shalt  }
0x7f: {  	_ =	shalt  }
0x80: {  	_ =	shalt  }
0x81: {  	_ =	shalt  }
0x82: {  	_ =	shalt  }
0x83: {  	_ =	shalt  }
0x84: {  	_ =	shalt  }
0x85: {  	_ =	shalt  }
0x86: {  	_ =	shalt  }
0x87: {  	_ =	shalt  }
.Lfunc_end0:
.L_simem_size_0:
called_computation_lowered:
.L_overlay_start_0:
0x88: {  	s2 =	sld [smem:$0x3FD9]  }
0x89: {  	s3 =	sld [smem:$0x3FFE];
	_ =	sdelay $0x1  }
0x8a: {  	s1 =	srdreg.scid  }
0x8b: {  	s0 =	sand.u32 $0x1, s1  }
0x8c: {  	s17 =	sshll.u32 s0, $0xA;
	s2 =	sadd.s32 s3, s2  }
0x8d: {  	s2 =	sadd.s32 s2, s17  }
0x8e: {  	[smem:$0x3FC4] =	sst s2  }
0x8f: {  	_ = 	snop  }
0x90: {  	s2 =	sld [smem:$0x3FD0];
	(tm) =	ssettm $0x1  }
0x91: {  	s18 =	sld [smem:$0x3FFB];
	_ =	sdelay $0x3  }
0x92: {  	_ =	strace s18  }
0x93: {  	s3 =	sld [smem:$0x3FFC];
	_ =	sdelay $0x3  }
0x94: {  	_ =	strace s3  }
0x95: {  	s3 =	sld [smem:$0x3FFD];
	_ =	sdelay $0x3  }
0x96: {  	_ =	strace s3  }
0x97: {  	_ =	strace $0x8FFFFFFF  }
0x98: {  	s19 =	sld [smem:$0x3FDB];
	_ =	sdelay $0x1  }
0x99: {  	s4 =	simm.s32 $_scs_section_size  }
0x9a: {  	s5 =	simm.s32 $_size__tile_overlayer_lowered;
	s6 =	simm.s32 $_tile_overlayer_lowered  }
0x9b: {  	s22 =	simm.s32 $0x1BFF;
	s21 =	sshll.u32 s6, $0x1;
	s3 =	sadd.s32 s4, s19  }
0x9c: {  	s7 =	simm.s32 $0x0;
	s20 =	sshll.u32 s5, $0x1;
	s5 =	sadd.s32 s21, s3  }
0x9d: {  	[timem:s7], [sflag:s22] =	dma.local [hbm:s5], s20  }
0x9e: {  	_ =	swait.ge [sflag:s22], s20  }
0x9f: {  	s4 =	ssub.s32 $0x0, s20;
	[sflag:s22] =	ssyncset.done $0x0  }
0xa0: {  	[sflag:s22] =	ssyncadd.s32 s4;
	_ =	sdelay $0x1  }
0xa1: {  	s23 =	simm.s32 $0x1B8B  }
0xa2: {  	_ =	swait.ge [sflag:s23], $0x1  }
0xa3: {  	[sflag:s23] =	ssyncset.done $0x0  }
0xa4: {  	s25 =	simm.s32 $0x1B8E;
	s24 =	sld [smem:$0x3FFE];
	[sflag:s23] =	ssyncadd.s32 $0xFFFFFFFF  }
0xa5: {  	s26 =	simm.s32 $execute0_lowered;
	[smem:$0x3FD2] =	sst s25  }
0xa6: {  	s5 =	sshll.u32 s26, $0x1;
	_ =	strace $0x80000046;
	[dreg:$0x1] =	wrdreg $0xFFFFFFFF  }
0xa7: {  	s28 =	simm.s32 $_size_execute0_lowered;
	s3 =	sadd.s32 s3, s5;
	[dreg:$0x0] =	wrdreg $0x0  }
0xa8: {  	s5 =	sshll.u32 s28, $0x1;
	[dreg:$0x2] =	wrdreg s3  }
0xa9: {  	[dreg:$0x3] =	wrdreg s5  }
0xaa: {  	[dreg:$0x4] =	wrdreg $0xC0  }
0xab: {  	_ =	task [dreg:s7], $0x5FFFF  }
0xac: {  	[dreg:$0x1] =	wrdreg $0xFFFFFFFF  }
0xad: {  	[dreg:$0x0] =	wrdreg $0x60  }
0xae: {  	[dreg:$0x2] =	wrdreg s24  }
0xaf: {  	[dreg:$0x3] =	wrdreg s2  }
0xb0: {  	[dreg:$0x4] =	wrdreg $0x6F200  }
0xb1: {  	[dreg:$0x5] =	wrdreg $0x9  }
0xb2: {  	_ =	task.clear_ibuf [dreg:s7], $0x6FFFF;
	_ =	strace $0x90000046  }
0xb3: {  	s29 =	simm.s32 $0x9;
	_ =	strace $0x80000048  }
0xb4: {  	_ =	swait.ge [sflag:s29], $0x1  }
0xb5: {  	[sflag:s29] =	ssyncadd.s32 $0xFFFFFFFF  }
0xb6: {  	_ =	strace $0x90000048  }
0xb7: {  	_ =	sfence  }
0xb8: {  	s30 =	sld [smem:$0x0];
	_ =	sdelay $0x2  }
0xb9: {  	s31 =	sshll.u32 s1, $0xD;
	s1 =	sshrl.u32 s1, $0x2  }
0xba: {  	s3 =	sand.u32 $0x4000, s31;
	s1 =	sadd.s32 s1, s30  }
0xbb: {  	s0 =	sor.u32 s3, s0;
	s1 =	sshll.u32 s1, $0x11  }
0xbc: {  	s0 =	sor.u32 s1, s0  }
0xbd: {  	s0 =	sadd.s32 $0x8F2B, s0  }
0xbe: {  	[sflag:s0] =	ssyncadd.remote.s32 $0x1  }
0xbf: {  	_ =	sfence.sel $0xFFFF  }
0xc0: {  	[dreg:$0x0] =	wrdreg $0xFFFFFFFF;
	(pc) =	sbr.abs _section_cstart, $3  }
0xc1: {  	[dreg:$0x1] =	wrdreg $0xFFFFFFFF  }
0xc2: {  	_ =	task.clear_ibuf [dreg:s7], $0x2FFFF;
	_ =	strace $0x9FFFFFFF  }
0xc3: {  	(tm) =	ssettm $0x7FFFFFFF  }
tec
execute0_lowered:
.L_overlay_start_1:
0x0: {  	(tag) =	ssettag $0x1  }
0x1: {  	s0 =	rddreg [dreg:$0x0]  }
0x2: {  	s3 =	rddreg [dreg:$0x2];
	s8 =	stileid.u32;
	s4 =	simm.s32 $0x0  }
0x3: {  	s2 =	srdreg.scid;
	s13 =	simm.s32 $0x80;
	s11 =	simm.s32 $0x1000  }
0x4: {  	s15 =	simm.s32 $0x15;
	s18 =	simm.s32 $0x6D80;
	s19 =	simm.s32 $0x1  }
0x5: {  	s20 =	simm.s32 $0x2;
	s21 =	simm.s32 $0x3;
	s22 =	simm.s32 $0x4  }
0x6: {  	s28 =	simm.s32 $0x9;
	s29 =	simm.s32 $0xA;
	s30 =	simm.s32 $0xB  }
0x7: {  	s31 =	simm.s32 $0xC;
	s16 =	simm.s32 $0x10;
	s17 =	simm.s32 $0x11  }
0x8: {  	s14 =	simm.s32 $0x12;
	s1 =	smul.u32 $0xF420, s8;
	[smem:$0x7FF] =	sst s4  }
0x9: {  	s2 =	sand.u32 $0x1, s2;
	s6 =	sshll.u32 s8, $0x5;
	p0 =	seq.s32 s8, $0xF  }
0xa: {  	_ =	strace $0x80000047;
	s7 =	sshll.u32 s2, $0x4;
	s2 =	ssub.s32 $0x2, s2  }
0xb: {  	s5 =	sshrl.u32 s1, $0x3;
	s6 =	sor.u32 s7, s6;
	s23 =	sshrl.u32 s2, $0x1  }
0xc: {  	s1 =	sadd.s32 s1, s3;
	s7 =	simm.s32 $0x0;
	s5 =	sadd.s32 s5, s0  }
0xd: {  	s6 =	sadd.s32 s6, s0;
	s2 =	ssub.s32 s2, s23;
	s0 =	sadd.s32 $0x361BC, s0  }
0xe: {  	s23 =	simm.s32 $0x5;
	s5 =	sadd.s32 $0x19800, s5;
	[dreg:$0x5] =	wrdreg s0  }
0xf: {  	s24 =	sadd.s32 $0x800, s6;
	s25 =	sadd.s32 $0x38200, s6;
	[dreg:$0x4] =	wrdreg s5  }
0x10: {  	s26 =	smax.u32 s2, $0x1;
	s2 =	simm.s32 $0xF;
	[dreg:$0x6] =	wrdreg s24  }
0x11: {  	s6 =	simm.s32 $0x14;
	s5 =	sadd.s32 $0xE4DE0, s3;
	[dreg:$0x7] =	wrdreg s25  }
.Ltmp0:
0x12: {  	[dreg:$0x8] =	wrdreg s26;
	s0 =	sshrl.u32 @p0 s5, $0x3;
	(pc) =	sbr.rel .LBB2_1-.Ltmp0, $4  }
0x13: {  	s24 =	simm.s32 $0x6;
	[dreg:$0x9] =	wrdreg s0;
	s0 =	sshll.u32 @!p0 s8, $0x6  }
0x14: {  	s25 =	simm.s32 $0x7;
	s26 =	simm.s32 $0x8;
	s0 =	sor.u32 @!p0 $0x1C15, s0  }
0x15: {  	s5 =	simm.s32 $0x13;
	[dreg:$0xa] =	wrdreg s0;
	s0 =	sshrl.u32 @!p0 s1, $0x3  }
0x16: {  	s1 =	simm.s32 $0xE;
	[dreg:$0xb] =	wrdreg s0;
	s0 =	simm.s32 $0xD  }
.LBB2_4:
0x17: {  	v16 =	vld [tilespmem:$0x6E00]  }
0x18: {  	v17 =	vld [tilespmem:$0x6E10]  }
0x19: {  	v18 =	vld [tilespmem:$0x6E00]  }
0x1a: {  	v19 =	vld [tilespmem:$0x6E10]  }
0x1b: {  	v20 =	vld [tilespmem:$0x6E00]  }
0x1c: {  	v53 =	vld [tilespmem:$0x6E10];
	v15 =	vadd.f32 v16, v15  }
0x1d: {  	v54 =	vld [tilespmem:$0x6E00];
	v13 =	vadd.f32 v17, v13  }
0x1e: {  	v55 =	vld [tilespmem:$0x6E10];
	v14 =	vadd.f32 v18, v14;
	[tilespmem:$0x6E20] =	vst v15  }
0x1f: {  	v56 =	vld [tilespmem:$0x6E00];
	v11 =	vadd.f32 v19, v11;
	[tilespmem:$0x6EA0] =	vst v13  }
0x20: {  	v57 =	vld [tilespmem:$0x6E10];
	v12 =	vadd.f32 v20, v12;
	[tilespmem:$0x6E30] =	vst v14  }
0x21: {  	v58 =	vld [tilespmem:$0x6E00];
	v9 =	vadd.f32 v53, v9;
	[tilespmem:$0x6EB0] =	vst v11  }
0x22: {  	v59 =	vld [tilespmem:$0x6E10];
	v10 =	vadd.f32 v54, v10;
	[tilespmem:$0x6E40] =	vst v12  }
0x23: {  	v60 =	vld [tilespmem:$0x6E00];
	v7 =	vadd.f32 v55, v7;
	[tilespmem:$0x6EC0] =	vst v9  }
0x24: {  	v61 =	vld [tilespmem:$0x6E10];
	v8 =	vadd.f32 v56, v8;
	[tilespmem:$0x6E50] =	vst v10  }
0x25: {  	v62 =	vld [tilespmem:$0x6E00];
	v5 =	vadd.f32 v57, v5;
	[tilespmem:$0x6ED0] =	vst v7  }
0x26: {  	v63 =	vld [tilespmem:$0x6E10];
	v6 =	vadd.f32 v58, v6;
	[tilespmem:$0x6E60] =	vst v8  }
0x27: {  	v3 =	vadd.f32 v59, v3;
	[tilespmem:$0x6EE0] =	vst v5  }
0x28: {  	v4 =	vadd.f32 v60, v4;
	[tilespmem:$0x6E70] =	vst v6  }
0x29: {  	v1 =	vadd.f32 v61, v1;
	[tilespmem:$0x6EF0] =	vst v3  }
0x2a: {  	v2 =	vadd.f32 v62, v2;
	[tilespmem:$0x6E80] =	vst v4  }
0x2b: {  	v0 =	vadd.f32 v63, v0;
	[tilespmem:$0x6F00] =	vst v1  }
0x2c: {  	[tilespmem:$0x6E90] =	vst v2  }
0x2d: {  	s8 =	rddreg [dreg:$0x7];
	s11 =	simm.s32 $0x1000;
	s9 =	simm.s32 $0x6E20;
	[tilespmem:$0x6F10] =	vst v0  }
0x2e: {  	[hbm4b:s8+s13] =	stream.strided.scatter [tilespmem:s9], [sflag:$0x15], $0x100, s11, s13, $0x38;
	[tilespmem:$0x16348] =	vst v63  }
0x2f: {  	_ =	swait.ge [sflag:s15], $0x100  }
0x30: {  	s7 =	sadd.s32 $0x1, s7;
	s12 =	rddreg [dreg:$0x8]  }
0x31: {  	p1 =	sne.s32 s7, s12  }
.Ltmp1:
0x32: {  	_ = 	snop;
	(pc) =	sbr.rel @!p1 .LBB2_5-.Ltmp1, $3  }
0x33: {  	_ =	sdelay $0x1  }
0x34: {  	[sflag:s15] =	ssyncset.done $0x0  }
0x35: {  	[sflag:s15] =	ssyncadd.s32 $0xFFFFFF00  }
.LBB2_1:
0x36: {  	s9 =	rddreg [dreg:$0x5]  }
0x37: {  	s8 =	simm.s32 @p0 $0x1FD5;
	s10 =	rddreg [dreg:$0x9]  }
0x38: {  	[spmem:s10], [sflag:s8] =	dma.local @p0 [hbm:s9], $0x1E8C  }
0x39: {  	s8 =	simm.s32 @p0 $0x15  }
0x3a: {  	_ =	swait.ge @p0 [sflag:s8], $0x1E8C  }
0x3b: {  	s9 =	rddreg [dreg:$0xa]  }
0x3c: {  	[sflag:s8] =	ssyncset.done @p0 $0x0;
	s10 =	rddreg [dreg:$0xb]  }
0x3d: {  	[sflag:s8] =	ssyncadd.s32 @p0 $0xFFFFE174;
	s8 =	rddreg [dreg:$0x4]  }
0x3e: {  	[spmem:s10], [sflag:s9] =	dma.local @!p0 [hbm:s8], $0x1E84  }
0x3f: {  	s8 =	simm.s32 @!p0 $0x15  }
0x40: {  	_ =	swait.ge @!p0 [sflag:s8], $0x1E84  }
0x41: {  	[sflag:s8] =	ssyncset.done @!p0 $0x0  }
0x42: {  	s12 =	rddreg [dreg:$0x6];
	[sflag:s8] =	ssyncadd.s32 @!p0 $0xFFFFE17C  }
0x43: {  	[tilespmem:s4], [sflag:$0x15] =	stream.strided.gather [hbm4b:s12+s13], $0x6400, s11, s13, $0x38;
	[tilespmem:$0x16348] =	vst v63  }
0x44: {  	_ =	swait.ge [sflag:s15], $0x6400  }
0x45: {  	[sflag:s15] =	ssyncset.done $0x0  }
0x46: {  	[sflag:s15] =	ssyncadd.s32 $0xFFFF9C00  }
0x47: {  	s10 =	simm.s32 $0x6E00;
	s9 =	rddreg [dreg:$0x1]  }
0x48: {  	[tilespmem:s10], [sflag:$0x15] =	stream.linear.gather [hbm4b:s9+s4], $0x20, $0x38;
	[tilespmem:$0x16348] =	vst v63  }
0x49: {  	_ =	swait.ge [sflag:s15], $0x20  }
0x4a: {  	[sflag:s15] =	ssyncset.done $0x0  }
0x4b: {  	[sflag:s15] =	ssyncadd.s32 $0xFFFFFFE0  }
0x4c: {  	s11 =	simm.s32 $0x6400;
	[bflag:$0x0] =	sbarrier.arrive $0xFFFF  }
0x4d: {  	[tilespmem:s11], [sflag:$0x1] =	stream.indirect.gather [spmem:s3], $0x1, s4, s13, $0xb8;
	[tilespmem:$0x16348] =	vst v63  }
0x4e: {  	s12 =	simm.s32 $0x6480  }
0x4f: {  	[tilespmem:s12], [sflag:$0x2] =	stream.indirect.gather [spmem:s3], $0x1, s13, s13, $0xb8;
	[tilespmem:$0x16348] =	vst v63  }
0x50: {  	s9 =	simm.s32 $0x100;
	s10 =	simm.s32 $0x6500  }
0x51: {  	[tilespmem:s10], [sflag:$0x3] =	stream.indirect.gather [spmem:s3], $0x1, s9, s13, $0xb8;
	[tilespmem:$0x16348] =	vst v63  }
0x52: {  	s11 =	simm.s32 $0x180;
	s12 =	simm.s32 $0x6580  }
0x53: {  	[tilespmem:s12], [sflag:$0x4] =	stream.indirect.gather [spmem:s3], $0x1, s11, s13, $0xb8;
	[tilespmem:$0x16348] =	vst v63  }
0x54: {  	s9 =	simm.s32 $0x200;
	s10 =	simm.s32 $0x6600  }
0x55: {  	[tilespmem:s10], [sflag:$0x5] =	stream.indirect.gather [spmem:s3], $0x1, s9, s13, $0xb8;
	[tilespmem:$0x16348] =	vst v63  }
0x56: {  	s11 =	simm.s32 $0x280;
	s12 =	simm.s32 $0x6680  }
0x57: {  	[tilespmem:s12], [sflag:$0x6] =	stream.indirect.gather [spmem:s3], $0x1, s11, s13, $0xb8;
	[tilespmem:$0x16348] =	vst v63  }
0x58: {  	s9 =	simm.s32 $0x300;
	s10 =	simm.s32 $0x6700  }
0x59: {  	[tilespmem:s10], [sflag:$0x7] =	stream.indirect.gather [spmem:s3], $0x1, s9, s13, $0xb8;
	[tilespmem:$0x16348] =	vst v63  }
0x5a: {  	s11 =	simm.s32 $0x380;
	s12 =	simm.s32 $0x6780  }
0x5b: {  	[tilespmem:s12], [sflag:$0x8] =	stream.indirect.gather [spmem:s3], $0x1, s11, s13, $0xb8;
	[tilespmem:$0x16348] =	vst v63  }
0x5c: {  	s9 =	simm.s32 $0x400;
	s10 =	simm.s32 $0x6800  }
0x5d: {  	[tilespmem:s10], [sflag:$0x9] =	stream.indirect.gather [spmem:s3], $0x1, s9, s13, $0xb8;
	[tilespmem:$0x16348] =	vst v63  }
0x5e: {  	s11 =	simm.s32 $0x480;
	s12 =	simm.s32 $0x6880  }
0x5f: {  	[tilespmem:s12], [sflag:$0xA] =	stream.indirect.gather [spmem:s3], $0x1, s11, s13, $0xb8;
	[tilespmem:$0x16348] =	vst v63  }
0x60: {  	s9 =	simm.s32 $0x500;
	s10 =	simm.s32 $0x6900  }
0x61: {  	[tilespmem:s10], [sflag:$0xB] =	stream.indirect.gather [spmem:s3], $0x1, s9, s13, $0xb8;
	[tilespmem:$0x16348] =	vst v63  }
0x62: {  	s11 =	simm.s32 $0x580;
	s12 =	simm.s32 $0x6980  }
0x63: {  	[tilespmem:s12], [sflag:$0xC] =	stream.indirect.gather [spmem:s3], $0x1, s11, s13, $0xb8;
	[tilespmem:$0x16348] =	vst v63  }
0x64: {  	s9 =	simm.s32 $0x600;
	s10 =	simm.s32 $0x6A00  }
0x65: {  	[tilespmem:s10], [sflag:$0xD] =	stream.indirect.gather [spmem:s3], $0x1, s9, s13, $0xb8;
	[tilespmem:$0x16348] =	vst v63  }
0x66: {  	s11 =	simm.s32 $0x680;
	s12 =	simm.s32 $0x6A80  }
0x67: {  	[tilespmem:s12], [sflag:$0xE] =	stream.indirect.gather [spmem:s3], $0x1, s11, s13, $0xb8;
	[tilespmem:$0x16348] =	vst v63  }
0x68: {  	s9 =	simm.s32 $0x700;
	s10 =	simm.s32 $0x6B00  }
0x69: {  	[tilespmem:s10], [sflag:$0xF] =	stream.indirect.gather [spmem:s3], $0x1, s9, s13, $0xb8;
	[tilespmem:$0x16348] =	vst v63  }
0x6a: {  	s11 =	simm.s32 $0x780;
	s12 =	simm.s32 $0x6B80  }
0x6b: {  	[tilespmem:s12], [sflag:$0x10] =	stream.indirect.gather [spmem:s3], $0x1, s11, s13, $0xb8;
	[tilespmem:$0x16348] =	vst v63  }
0x6c: {  	s9 =	simm.s32 $0x800;
	s10 =	simm.s32 $0x6C00  }
0x6d: {  	[tilespmem:s10], [sflag:$0x11] =	stream.indirect.gather [spmem:s3], $0x1, s9, s13, $0xb8;
	[tilespmem:$0x16348] =	vst v63  }
0x6e: {  	v0 =	vimm.f32 $0.0e+00;
	s11 =	simm.s32 $0x880;
	s12 =	simm.s32 $0x6C80  }
0x6f: {  	v1 =	vimm.f32 $0.0e+00;
	v3 =	vimm.f32 $0.0e+00;
	v5 =	vimm.f32 $0.0e+00;
	[tilespmem:s12], [sflag:$0x12] =	stream.indirect.gather [spmem:s3], $0x1, s11, s13, $0xb8;
	[tilespmem:$0x16348] =	vst v63  }
0x70: {  	v7 =	vimm.f32 $0.0e+00;
	v9 =	vimm.f32 $0.0e+00;
	v11 =	vimm.f32 $0.0e+00;
	s10 =	simm.s32 $0x900;
	s11 =	simm.s32 $0x6D00  }
0x71: {  	v13 =	vimm.f32 $0.0e+00;
	v2 =	vimm.f32 $0.0e+00;
	v4 =	vimm.f32 $0.0e+00;
	[tilespmem:s11], [sflag:$0x13] =	stream.indirect.gather [spmem:s3], $0x1, s10, s13, $0xb8;
	[tilespmem:$0x16348] =	vst v63  }
0x72: {  	v6 =	vimm.f32 $0.0e+00;
	v8 =	vimm.f32 $0.0e+00;
	v10 =	vimm.f32 $0.0e+00;
	s8 =	simm.s32 $0x0;
	s12 =	simm.s32 $0x980  }
0x73: {  	v12 =	vimm.f32 $0.0e+00;
	v14 =	vimm.f32 $0.0e+00;
	v15 =	vimm.f32 $0.0e+00;
	[tilespmem:s18], [sflag:$0x14] =	stream.indirect.gather [spmem:s3], $0x1, s12, s13, $0xb8;
	[tilespmem:$0x16348] =	vst v63  }
.LBB2_2:
0x74: {  	_ =	swait.ge [sflag:s19], $0x80  }
0x75: {  	[sflag:s19] =	ssyncset.done $0x0  }
0x76: {  	[sflag:s19] =	ssyncadd.s32 $0xFFFFFF80  }
0x77: {  	v16 =	vld [tilespmem:$0x6400]  }
0x78: {  	v17 =	vld [tilespmem:$0x6410]  }
0x79: {  	v18 =	vld [tilespmem:$0x6420]  }
0x7a: {  	v19 =	vld [tilespmem:$0x6430]  }
0x7b: {  	p1 =	seq.s32 s8, $0x16800;
	v20 =	vld [tilespmem:$0x6440]  }
0x7c: {  	s10 =	sshra.s32 @!p1 s8, $0x2;
	v21 =	vld [tilespmem:$0x6450]  }
0x7d: {  	s9 =	simm.s32 @!p1 $0x80;
	s12 =	simm.s32 @!p1 $0x6400;
	s11 =	sadd.s32 @!p1 $0xA00, s10;
	v22 =	vld [tilespmem:$0x6460]  }
0x7e: {  	v23 =	vld [tilespmem:$0x6470];
	[tilespmem:s12], [sflag:$0x1] =	stream.indirect.gather @!p1 [spmem:s3], $0x1, s11, s9, $0xb8  }
0x7f: {  	_ =	swait.ge [sflag:s20], $0x80  }
0x80: {  	[sflag:s20] =	ssyncset.done $0x0  }
0x81: {  	[sflag:s20] =	ssyncadd.s32 $0xFFFFFF80  }
0x82: {  	v24 =	vld [tilespmem:$0x6480]  }
0x83: {  	v25 =	vld [tilespmem:$0x6490];
	v39 =	vand.u32 $0xFFFF0000, v16;
	v16 =	vshll.u32 v16, $0x10;
	v55 =	vshll.u32 v20, $0x10  }
0x84: {  	v26 =	vld [tilespmem:$0x64A0];
	v56 =	vshll.u32 v21, $0x10;
	v57 =	vand.u32 $0xFFFF0000, v22;
	v58 =	vshll.u32 v22, $0x10  }
0x85: {  	v27 =	vld [tilespmem:$0x64B0];
	v59 =	vand.u32 $0xFFFF0000, v23;
	v15 =	vadd.f32 v39, v15;
	v13 =	vadd.f32 v16, v13  }
0x86: {  	v28 =	vld [tilespmem:$0x64C0];
	v60 =	vshll.u32 v23, $0x10;
	v5 =	vadd.f32 v55, v5;
	v3 =	vadd.f32 v56, v3  }
0x87: {  	v29 =	vld [tilespmem:$0x64D0];
	v16 =	vand.u32 $0xFFFF0000, v17;
	v4 =	vadd.f32 v57, v4;
	v1 =	vadd.f32 v58, v1  }
0x88: {  	s11 =	sadd.s32 @!p1 $0xA80, s10;
	s12 =	simm.s32 @!p1 $0x6480;
	v30 =	vld [tilespmem:$0x64E0];
	v17 =	vshll.u32 v17, $0x10;
	v2 =	vadd.f32 v59, v2;
	v0 =	vadd.f32 v60, v0  }
0x89: {  	v31 =	vld [tilespmem:$0x64F0];
	[tilespmem:s12], [sflag:$0x2] =	stream.indirect.gather @!p1 [spmem:s3], $0x1, s11, s9, $0xb8;
	v14 =	vadd.f32 v16, v14;
	v16 =	vand.u32 $0xFFFF0000, v18;
	v11 =	vadd.f32 v17, v11  }
0x8a: {  	_ =	swait.ge [sflag:s21], $0x80;
	v17 =	vshll.u32 v18, $0x10;
	v12 =	vadd.f32 v16, v12;
	v16 =	vand.u32 $0xFFFF0000, v19  }
0x8b: {  	[sflag:s21] =	ssyncset.done $0x0;
	v9 =	vadd.f32 v17, v9;
	v17 =	vshll.u32 v19, $0x10;
	v10 =	vadd.f32 v16, v10  }
0x8c: {  	[sflag:s21] =	ssyncadd.s32 $0xFFFFFF80;
	v7 =	vadd.f32 v17, v7;
	v16 =	vand.u32 $0xFFFF0000, v20;
	v61 =	vand.u32 $0xFFFF0000, v24  }
0x8d: {  	v32 =	vld [tilespmem:$0x6500];
	v62 =	vshll.u32 v24, $0x10;
	v63 =	vand.u32 $0xFFFF0000, v25;
	v39 =	vshll.u32 v25, $0x10  }
0x8e: {  	v33 =	vld [tilespmem:$0x6510];
	v41 =	vand.u32 $0xFFFF0000, v26;
	v42 =	vshll.u32 v26, $0x10;
	v43 =	vand.u32 $0xFFFF0000, v27  }
0x8f: {  	v34 =	vld [tilespmem:$0x6520];
	v44 =	vshll.u32 v27, $0x10;
	v46 =	vshll.u32 v28, $0x10;
	v8 =	vadd.f32 v16, v8  }
0x90: {  	v35 =	vld [tilespmem:$0x6530];
	v48 =	vshll.u32 v29, $0x10;
	v15 =	vadd.f32 v61, v15;
	v13 =	vadd.f32 v62, v13  }
0x91: {  	v36 =	vld [tilespmem:$0x6540];
	v49 =	vand.u32 $0xFFFF0000, v30;
	v14 =	vadd.f32 v63, v14;
	v11 =	vadd.f32 v39, v11  }
0x92: {  	v37 =	vld [tilespmem:$0x6550];
	v50 =	vshll.u32 v30, $0x10;
	v12 =	vadd.f32 v41, v12;
	v9 =	vadd.f32 v42, v9  }
0x93: {  	s11 =	sadd.s32 @!p1 $0xB00, s10;
	s12 =	simm.s32 @!p1 $0x6500;
	v38 =	vld [tilespmem:$0x6560];
	v51 =	vand.u32 $0xFFFF0000, v31;
	v5 =	vadd.f32 v46, v5;
	v3 =	vadd.f32 v48, v3  }
0x94: {  	v40 =	vld [tilespmem:$0x6570];
	[tilespmem:s12], [sflag:$0x3] =	stream.indirect.gather @!p1 [spmem:s3], $0x1, s11, s9, $0xb8;
	v52 =	vshll.u32 v31, $0x10;
	v4 =	vadd.f32 v49, v4;
	v1 =	vadd.f32 v50, v1  }
0x95: {  	_ =	swait.ge [sflag:s22], $0x80;
	v16 =	vand.u32 $0xFFFF0000, v21;
	v2 =	vadd.f32 v51, v2;
	v0 =	vadd.f32 v52, v0  }
0x96: {  	v45 =	vand.u32 $0xFFFF0000, v28;
	[sflag:s22] =	ssyncset.done $0x0;
	v6 =	vadd.f32 v16, v6;
	v10 =	vadd.f32 v43, v10  }
0x97: {  	v47 =	vand.u32 $0xFFFF0000, v29;
	[sflag:s22] =	ssyncadd.s32 $0xFFFFFF80;
	v7 =	vadd.f32 v44, v7;
	v8 =	vadd.f32 v45, v8  }
0x98: {  	v17 =	vld [tilespmem:$0x6580];
	v6 =	vadd.f32 v47, v6;
	v53 =	vand.u32 $0xFFFF0000, v32;
	v54 =	vshll.u32 v32, $0x10  }
0x99: {  	v19 =	vld [tilespmem:$0x6590];
	v55 =	vand.u32 $0xFFFF0000, v33;
	v56 =	vshll.u32 v33, $0x10;
	v57 =	vand.u32 $0xFFFF0000, v34  }
0x9a: {  	v16 =	vld [tilespmem:$0x65A0];
	v58 =	vshll.u32 v34, $0x10;
	v59 =	vand.u32 $0xFFFF0000, v35;
	v60 =	vshll.u32 v35, $0x10  }
0x9b: {  	v21 =	vld [tilespmem:$0x65B0];
	v61 =	vand.u32 $0xFFFF0000, v36;
	v62 =	vshll.u32 v36, $0x10;
	v15 =	vadd.f32 v53, v15  }
0x9c: {  	v20 =	vld [tilespmem:$0x65C0];
	v63 =	vand.u32 $0xFFFF0000, v37;
	v13 =	vadd.f32 v54, v13;
	v14 =	vadd.f32 v55, v14  }
0x9d: {  	v23 =	vld [tilespmem:$0x65D0];
	v36 =	vshll.u32 v37, $0x10;
	v11 =	vadd.f32 v56, v11;
	v12 =	vadd.f32 v57, v12  }
0x9e: {  	s11 =	sadd.s32 @!p1 $0xB80, s10;
	s12 =	simm.s32 @!p1 $0x6580;
	v18 =	vld [tilespmem:$0x65E0];
	v37 =	vand.u32 $0xFFFF0000, v38;
	v9 =	vadd.f32 v58, v9;
	v10 =	vadd.f32 v59, v10  }
0x9f: {  	v25 =	vld [tilespmem:$0x65F0];
	[tilespmem:s12], [sflag:$0x4] =	stream.indirect.gather @!p1 [spmem:s3], $0x1, s11, s9, $0xb8;
	v38 =	vshll.u32 v38, $0x10;
	v7 =	vadd.f32 v60, v7;
	v8 =	vadd.f32 v61, v8  }
0xa0: {  	_ =	swait.ge [sflag:s23], $0x80;
	v39 =	vand.u32 $0xFFFF0000, v40;
	v5 =	vadd.f32 v62, v5;
	v3 =	vadd.f32 v36, v3  }
0xa1: {  	v41 =	vshll.u32 v40, $0x10;
	[sflag:s23] =	ssyncset.done $0x0;
	v4 =	vadd.f32 v37, v4;
	v1 =	vadd.f32 v38, v1  }
0xa2: {  	v2 =	vadd.f32 v39, v2;
	v0 =	vadd.f32 v41, v0;
	[sflag:s23] =	ssyncadd.s32 $0xFFFFFF80  }
0xa3: {  	v6 =	vadd.f32 v63, v6;
	v24 =	vld [tilespmem:$0x6600];
	v43 =	vand.u32 $0xFFFF0000, v17;
	v17 =	vshll.u32 v17, $0x10  }
0xa4: {  	v27 =	vld [tilespmem:$0x6610];
	v45 =	vshll.u32 v21, $0x10;
	v46 =	vshll.u32 v20, $0x10;
	v47 =	vshll.u32 v23, $0x10  }
0xa5: {  	v22 =	vld [tilespmem:$0x6620];
	v48 =	vshll.u32 v25, $0x10;
	v15 =	vadd.f32 v43, v15;
	v13 =	vadd.f32 v17, v13  }
0xa6: {  	v29 =	vld [tilespmem:$0x6630];
	v17 =	vand.u32 $0xFFFF0000, v19;
	v7 =	vadd.f32 v45, v7;
	v5 =	vadd.f32 v46, v5  }
0xa7: {  	v28 =	vld [tilespmem:$0x6640];
	v19 =	vshll.u32 v19, $0x10;
	v3 =	vadd.f32 v47, v3;
	v0 =	vadd.f32 v48, v0  }
0xa8: {  	v31 =	vld [tilespmem:$0x6650];
	v14 =	vadd.f32 v17, v14;
	v17 =	vand.u32 $0xFFFF0000, v16;
	v16 =	vshll.u32 v16, $0x10  }
0xa9: {  	s11 =	sadd.s32 @!p1 $0xC00, s10;
	s12 =	simm.s32 @!p1 $0x6600;
	v26 =	vld [tilespmem:$0x6660];
	v11 =	vadd.f32 v19, v11;
	v9 =	vadd.f32 v16, v9;
	v16 =	vand.u32 $0xFFFF0000, v21  }
0xaa: {  	v33 =	vld [tilespmem:$0x6670];
	[tilespmem:s12], [sflag:$0x5] =	stream.indirect.gather @!p1 [spmem:s3], $0x1, s11, s9, $0xb8;
	v12 =	vadd.f32 v17, v12;
	v10 =	vadd.f32 v16, v10  }
0xab: {  	_ =	swait.ge [sflag:s24], $0x80;
	v16 =	vand.u32 $0xFFFF0000, v20;
	v49 =	vshll.u32 v24, $0x10;
	v50 =	vand.u32 $0xFFFF0000, v27  }
0xac: {  	[sflag:s24] =	ssyncset.done $0x0;
	v51 =	vshll.u32 v27, $0x10;
	v52 =	vand.u32 $0xFFFF0000, v22;
	v22 =	vshll.u32 v22, $0x10  }
0xad: {  	[sflag:s24] =	ssyncadd.s32 $0xFFFFFF80;
	v53 =	vand.u32 $0xFFFF0000, v29;
	v54 =	vshll.u32 v29, $0x10;
	v55 =	vand.u32 $0xFFFF0000, v28  }
0xae: {  	v32 =	vld [tilespmem:$0x6680];
	v56 =	vshll.u32 v28, $0x10;
	v57 =	vand.u32 $0xFFFF0000, v31;
	v8 =	vadd.f32 v16, v8  }
0xaf: {  	v35 =	vld [tilespmem:$0x6690];
	v58 =	vshll.u32 v31, $0x10;
	v13 =	vadd.f32 v49, v13;
	v14 =	vadd.f32 v50, v14  }
0xb0: {  	v42 =	vld [tilespmem:$0x66A0];
	v59 =	vand.u32 $0xFFFF0000, v26;
	v11 =	vadd.f32 v51, v11;
	v12 =	vadd.f32 v52, v12  }
0xb1: {  	v44 =	vld [tilespmem:$0x66B0];
	v61 =	vshll.u32 v33, $0x10;
	v9 =	vadd.f32 v22, v9;
	v7 =	vadd.f32 v54, v7  }
0xb2: {  	v34 =	vld [tilespmem:$0x66C0];
	v16 =	vand.u32 $0xFFFF0000, v23;
	v5 =	vadd.f32 v56, v5;
	v3 =	vadd.f32 v58, v3  }
0xb3: {  	v37 =	vld [tilespmem:$0x66D0];
	v26 =	vshll.u32 v26, $0x10;
	v0 =	vadd.f32 v61, v0;
	v6 =	vadd.f32 v16, v6  }
0xb4: {  	s11 =	sadd.s32 @!p1 $0xC80, s10;
	s12 =	simm.s32 @!p1 $0x6680;
	v17 =	vld [tilespmem:$0x66E0];
	v16 =	vand.u32 $0xFFFF0000, v18;
	v18 =	vshll.u32 v18, $0x10;
	v10 =	vadd.f32 v53, v10  }
0xb5: {  	v21 =	vld [tilespmem:$0x66F0];
	[tilespmem:s12], [sflag:$0x6] =	stream.indirect.gather @!p1 [spmem:s3], $0x1, s11, s9, $0xb8;
	v4 =	vadd.f32 v16, v4;
	v1 =	vadd.f32 v18, v1;
	v16 =	vand.u32 $0xFFFF0000, v25  }
0xb6: {  	_ =	swait.ge [sflag:s25], $0x80;
	v60 =	vand.u32 $0xFFFF0000, v33;
	v8 =	vadd.f32 v55, v8;
	v2 =	vadd.f32 v16, v2  }
0xb7: {  	[sflag:s25] =	ssyncset.done $0x0;
	v16 =	vand.u32 $0xFFFF0000, v24;
	v6 =	vadd.f32 v57, v6;
	v62 =	vand.u32 $0xFFFF0000, v32  }
0xb8: {  	[sflag:s25] =	ssyncadd.s32 $0xFFFFFF80;
	v32 =	vshll.u32 v32, $0x10;
	v33 =	vand.u32 $0xFFFF0000, v35;
	v35 =	vshll.u32 v35, $0x10  }
0xb9: {  	v18 =	vld [tilespmem:$0x6700];
	v38 =	vand.u32 $0xFFFF0000, v42;
	v30 =	vshll.u32 v42, $0x10;
	v40 =	vand.u32 $0xFFFF0000, v44  }
0xba: {  	v20 =	vld [tilespmem:$0x6710];
	v42 =	vshll.u32 v44, $0x10;
	v15 =	vadd.f32 v16, v15;
	v4 =	vadd.f32 v59, v4  }
0xbb: {  	v23 =	vld [tilespmem:$0x6740];
	v43 =	vand.u32 $0xFFFF0000, v34;
	v1 =	vadd.f32 v26, v1;
	v13 =	vadd.f32 v32, v13  }
0xbc: {  	v25 =	vld [tilespmem:$0x6750];
	v45 =	vshll.u32 v34, $0x10;
	v14 =	vadd.f32 v33, v14;
	v11 =	vadd.f32 v35, v11  }
0xbd: {  	v19 =	vld [tilespmem:$0x6760];
	v47 =	vand.u32 $0xFFFF0000, v37;
	v12 =	vadd.f32 v38, v12;
	v9 =	vadd.f32 v30, v9  }
0xbe: {  	v28 =	vld [tilespmem:$0x6770];
	v48 =	vshll.u32 v37, $0x10;
	v10 =	vadd.f32 v40, v10;
	v7 =	vadd.f32 v42, v7  }
0xbf: {  	s11 =	sadd.s32 @!p1 $0xD00, s10;
	s12 =	simm.s32 @!p1 $0x6700;
	v24 =	vld [tilespmem:$0x6730];
	v50 =	vand.u32 $0xFFFF0000, v17;
	v8 =	vadd.f32 v43, v8;
	v5 =	vadd.f32 v45, v5  }
0xc0: {  	v17 =	vshll.u32 v17, $0x10;
	v16 =	vld [tilespmem:$0x6720];
	[tilespmem:s12], [sflag:$0x7] =	stream.indirect.gather @!p1 [spmem:s3], $0x1, s11, s9, $0xb8;
	v3 =	vadd.f32 v48, v3;
	v2 =	vadd.f32 v60, v2  }
0xc1: {  	v51 =	vand.u32 $0xFFFF0000, v21;
	_ =	swait.ge [sflag:s26], $0x80;
	v6 =	vadd.f32 v47, v6;
	v15 =	vadd.f32 v62, v15  }
0xc2: {  	[sflag:s26] =	ssyncset.done $0x0;
	v4 =	vadd.f32 v50, v4;
	v1 =	vadd.f32 v17, v1;
	v17 =	vshll.u32 v21, $0x10  }
0xc3: {  	[sflag:s26] =	ssyncadd.s32 $0xFFFFFF80;
	v2 =	vadd.f32 v51, v2;
	v0 =	vadd.f32 v17, v0  }
0xc4: {  	v17 =	vand.u32 $0xFFFF0000, v18;
	v18 =	vshll.u32 v18, $0x10;
	v57 =	vshll.u32 v25, $0x10;
	v63 =	vld [tilespmem:$0x6780]  }
0xc5: {  	v58 =	vand.u32 $0xFFFF0000, v19;
	v19 =	vshll.u32 v19, $0x10;
	v59 =	vand.u32 $0xFFFF0000, v28;
	v29 =	vld [tilespmem:$0x6790]  }
0xc6: {  	v60 =	vshll.u32 v28, $0x10;
	v22 =	vld [tilespmem:$0x67A0];
	v15 =	vadd.f32 v17, v15;
	v13 =	vadd.f32 v18, v13  }
0xc7: {  	v39 =	vld [tilespmem:$0x67B0];
	v17 =	vand.u32 $0xFFFF0000, v20;
	v20 =	vshll.u32 v20, $0x10;
	v3 =	vadd.f32 v57, v3  }
0xc8: {  	v41 =	vld [tilespmem:$0x67C0];
	v54 =	vshll.u32 v24, $0x10;
	v4 =	vadd.f32 v58, v4;
	v1 =	vadd.f32 v19, v1  }
0xc9: {  	v44 =	vld [tilespmem:$0x67D0];
	v14 =	vadd.f32 v17, v14;
	v17 =	vand.u32 $0xFFFF0000, v16;
	v11 =	vadd.f32 v20, v11  }
0xca: {  	s11 =	sadd.s32 @!p1 $0xD80, s10;
	s12 =	simm.s32 @!p1 $0x6780;
	v46 =	vld [tilespmem:$0x67E0];
	v16 =	vshll.u32 v16, $0x10;
	v7 =	vadd.f32 v54, v7;
	v2 =	vadd.f32 v59, v2  }
0xcb: {  	v49 =	vld [tilespmem:$0x67F0];
	[tilespmem:s12], [sflag:$0x8] =	stream.indirect.gather @!p1 [spmem:s3], $0x1, s11, s9, $0xb8;
	v0 =	vadd.f32 v60, v0;
	v9 =	vadd.f32 v16, v9;
	v16 =	vand.u32 $0xFFFF0000, v24  }
0xcc: {  	_ =	swait.ge [sflag:s28], $0x80;
	v12 =	vadd.f32 v17, v12;
	v10 =	vadd.f32 v16, v10;
	v16 =	vand.u32 $0xFFFF0000, v23  }
0xcd: {  	[sflag:s28] =	ssyncset.done $0x0;
	v23 =	vshll.u32 v23, $0x10;
	v8 =	vadd.f32 v16, v8;
	v16 =	vand.u32 $0xFFFF0000, v25  }
0xce: {  	[sflag:s28] =	ssyncadd.s32 $0xFFFFFF80;
	v5 =	vadd.f32 v23, v5;
	v6 =	vadd.f32 v16, v6  }
0xcf: {  	v52 =	vld [tilespmem:$0x6800];
	v61 =	vand.u32 $0xFFFF0000, v63;
	v62 =	vshll.u32 v63, $0x10;
	v63 =	vand.u32 $0xFFFF0000, v29  }
0xd0: {  	v53 =	vld [tilespmem:$0x6810];
	v26 =	vshll.u32 v29, $0x10;
	v28 =	vand.u32 $0xFFFF0000, v22;
	v22 =	vshll.u32 v22, $0x10  }
0xd1: {  	v17 =	vld [tilespmem:$0x6820];
	v29 =	vand.u32 $0xFFFF0000, v39;
	v34 =	vshll.u32 v39, $0x10;
	v37 =	vand.u32 $0xFFFF0000, v41  }
0xd2: {  	v55 =	vld [tilespmem:$0x6830];
	v38 =	vshll.u32 v41, $0x10;
	v15 =	vadd.f32 v61, v15;
	v13 =	vadd.f32 v62, v13  }
0xd3: {  	v56 =	vld [tilespmem:$0x6840];
	v40 =	vand.u32 $0xFFFF0000, v44;
	v14 =	vadd.f32 v63, v14;
	v11 =	vadd.f32 v26, v11  }
0xd4: {  	v32 =	vld [tilespmem:$0x6850];
	v42 =	vshll.u32 v44, $0x10;
	v12 =	vadd.f32 v28, v12;
	v9 =	vadd.f32 v22, v9  }
0xd5: {  	s11 =	sadd.s32 @!p1 $0xE00, s10;
	s12 =	simm.s32 @!p1 $0x6800;
	v25 =	vld [tilespmem:$0x6870];
	v43 =	vand.u32 $0xFFFF0000, v46;
	v10 =	vadd.f32 v29, v10;
	v7 =	vadd.f32 v34, v7  }
0xd6: {  	v16 =	vld [tilespmem:$0x6860];
	[tilespmem:s12], [sflag:$0x9] =	stream.indirect.gather @!p1 [spmem:s3], $0x1, s11, s9, $0xb8;
	v27 =	vshll.u32 v46, $0x10;
	v8 =	vadd.f32 v37, v8;
	v5 =	vadd.f32 v38, v5  }
0xd7: {  	v46 =	vand.u32 $0xFFFF0000, v49;
	_ =	swait.ge [sflag:s29], $0x80;
	v3 =	vadd.f32 v42, v3;
	v4 =	vadd.f32 v43, v4  }
0xd8: {  	v47 =	vshll.u32 v49, $0x10;
	v1 =	vadd.f32 v27, v1;
	v2 =	vadd.f32 v46, v2;
	[sflag:s29] =	ssyncset.done $0x0  }
0xd9: {  	v0 =	vadd.f32 v47, v0;
	v6 =	vadd.f32 v40, v6;
	[sflag:s29] =	ssyncadd.s32 $0xFFFFFF80  }
0xda: {  	v23 =	vld [tilespmem:$0x6880];
	v49 =	vand.u32 $0xFFFF0000, v52;
	v18 =	vshll.u32 v52, $0x10;
	v50 =	vand.u32 $0xFFFF0000, v53  }
0xdb: {  	v26 =	vld [tilespmem:$0x6890];
	v51 =	vshll.u32 v53, $0x10;
	v52 =	vand.u32 $0xFFFF0000, v17;
	v17 =	vshll.u32 v17, $0x10  }
0xdc: {  	v36 =	vld [tilespmem:$0x68A0];
	v54 =	vshll.u32 v55, $0x10;
	v20 =	vshll.u32 v56, $0x10;
	v15 =	vadd.f32 v49, v15  }
0xdd: {  	v39 =	vld [tilespmem:$0x68B0];
	v57 =	vshll.u32 v32, $0x10;
	v13 =	vadd.f32 v18, v13;
	v14 =	vadd.f32 v50, v14  }
0xde: {  	v41 =	vld [tilespmem:$0x68C0];
	v61 =	vand.u32 $0xFFFF0000, v25;
	v11 =	vadd.f32 v51, v11;
	v12 =	vadd.f32 v52, v12  }
0xdf: {  	v44 =	vld [tilespmem:$0x68D0];
	v9 =	vadd.f32 v17, v9;
	v17 =	vand.u32 $0xFFFF0000, v55;
	v7 =	vadd.f32 v54, v7  }
0xe0: {  	s11 =	sadd.s32 @!p1 $0xE80, s10;
	s12 =	simm.s32 @!p1 $0x6880;
	v45 =	vld [tilespmem:$0x68E0];
	v5 =	vadd.f32 v20, v5;
	v3 =	vadd.f32 v57, v3;
	v59 =	vand.u32 $0xFFFF0000, v16  }
0xe1: {  	v48 =	vld [tilespmem:$0x68F0];
	[tilespmem:s12], [sflag:$0xA] =	stream.indirect.gather @!p1 [spmem:s3], $0x1, s11, s9, $0xb8;
	v16 =	vshll.u32 v16, $0x10;
	v2 =	vadd.f32 v61, v2;
	v10 =	vadd.f32 v17, v10  }
0xe2: {  	_ =	swait.ge [sflag:s30], $0x80;
	v17 =	vand.u32 $0xFFFF0000, v56;
	v56 =	vand.u32 $0xFFFF0000, v32;
	v4 =	vadd.f32 v59, v4  }
0xe3: {  	[sflag:s30] =	ssyncset.done $0x0;
	v1 =	vadd.f32 v16, v1;
	v16 =	vshll.u32 v25, $0x10;
	v8 =	vadd.f32 v17, v8  }
0xe4: {  	[sflag:s30] =	ssyncadd.s32 $0xFFFFFF80;
	v6 =	vadd.f32 v56, v6;
	v0 =	vadd.f32 v16, v0;
	v16 =	vand.u32 $0xFFFF0000, v23  }
0xe5: {  	v53 =	vld [tilespmem:$0x6900];
	v23 =	vshll.u32 v23, $0x10;
	v35 =	vshll.u32 v26, $0x10;
	v19 =	vshll.u32 v36, $0x10  }
0xe6: {  	v55 =	vld [tilespmem:$0x6910];
	v38 =	vshll.u32 v41, $0x10;
	v40 =	vshll.u32 v44, $0x10;
	v15 =	vadd.f32 v16, v15  }
0xe7: {  	v17 =	vld [tilespmem:$0x6920];
	v22 =	vshll.u32 v45, $0x10;
	v13 =	vadd.f32 v23, v13;
	v11 =	vadd.f32 v35, v11  }
0xe8: {  	v58 =	vld [tilespmem:$0x6930];
	v43 =	vand.u32 $0xFFFF0000, v48;
	v9 =	vadd.f32 v19, v9;
	v5 =	vadd.f32 v38, v5  }
0xe9: {  	v60 =	vld [tilespmem:$0x6940];
	v16 =	vand.u32 $0xFFFF0000, v26;
	v3 =	vadd.f32 v40, v3;
	v1 =	vadd.f32 v22, v1  }
0xea: {  	v62 =	vld [tilespmem:$0x6950];
	v2 =	vadd.f32 v43, v2;
	v14 =	vadd.f32 v16, v14;
	v16 =	vand.u32 $0xFFFF0000, v36  }
0xeb: {  	s11 =	sadd.s32 @!p1 $0xF00, s10;
	s12 =	simm.s32 @!p1 $0x6900;
	v63 =	vld [tilespmem:$0x6960];
	v36 =	vshll.u32 v39, $0x10;
	v12 =	vadd.f32 v16, v12;
	v16 =	vand.u32 $0xFFFF0000, v39  }
0xec: {  	v34 =	vld [tilespmem:$0x6970];
	[tilespmem:s12], [sflag:$0xB] =	stream.indirect.gather @!p1 [spmem:s3], $0x1, s11, s9, $0xb8;
	v7 =	vadd.f32 v36, v7;
	v10 =	vadd.f32 v16, v10  }
0xed: {  	_ =	swait.ge [sflag:s31], $0x80;
	v16 =	vand.u32 $0xFFFF0000, v41;
	v41 =	vand.u32 $0xFFFF0000, v45;
	v45 =	vshll.u32 v48, $0x10  }
0xee: {  	[sflag:s31] =	ssyncset.done $0x0;
	v46 =	vand.u32 $0xFFFF0000, v53;
	v18 =	vshll.u32 v53, $0x10;
	v49 =	vand.u32 $0xFFFF0000, v55  }
0xef: {  	[sflag:s31] =	ssyncadd.s32 $0xFFFFFF80;
	v24 =	vshll.u32 v55, $0x10;
	v51 =	vand.u32 $0xFFFF0000, v17;
	v17 =	vshll.u32 v17, $0x10  }
0xf0: {  	v37 =	vld [tilespmem:$0x6980];
	v52 =	vand.u32 $0xFFFF0000, v58;
	v53 =	vshll.u32 v60, $0x10;
	v8 =	vadd.f32 v16, v8  }
0xf1: {  	v39 =	vld [tilespmem:$0x6990];
	v55 =	vshll.u32 v62, $0x10;
	v4 =	vadd.f32 v41, v4;
	v0 =	vadd.f32 v45, v0  }
0xf2: {  	v42 =	vld [tilespmem:$0x69B0];
	v20 =	vshll.u32 v63, $0x10;
	v15 =	vadd.f32 v46, v15;
	v13 =	vadd.f32 v18, v13  }
0xf3: {  	v47 =	vld [tilespmem:$0x69D0];
	v57 =	vand.u32 $0xFFFF0000, v34;
	v14 =	vadd.f32 v49, v14;
	v11 =	vadd.f32 v24, v11  }
0xf4: {  	v50 =	vld [tilespmem:$0x69F0];
	v16 =	vand.u32 $0xFFFF0000, v44;
	v12 =	vadd.f32 v51, v12;
	v9 =	vadd.f32 v17, v9  }
0xf5: {  	v48 =	vld [tilespmem:$0x69E0];
	v17 =	vshll.u32 v58, $0x10;
	v5 =	vadd.f32 v53, v5;
	v3 =	vadd.f32 v55, v3  }
0xf6: {  	s11 =	sadd.s32 @!p1 $0xF80, s10;
	s12 =	simm.s32 @!p1 $0x6980;
	v44 =	vld [tilespmem:$0x69C0];
	v1 =	vadd.f32 v20, v1;
	v58 =	vshll.u32 v34, $0x10;
	v2 =	vadd.f32 v57, v2  }
0xf7: {  	v6 =	vadd.f32 v16, v6;
	v16 =	vld [tilespmem:$0x69A0];
	[tilespmem:s12], [sflag:$0xC] =	stream.indirect.gather @!p1 [spmem:s3], $0x1, s11, s9, $0xb8;
	v7 =	vadd.f32 v17, v7;
	v17 =	vand.u32 $0xFFFF0000, v60  }
0xf8: {  	v10 =	vadd.f32 v52, v10;
	_ =	swait.ge [sflag:s0], $0x80;
	v8 =	vadd.f32 v17, v8;
	v17 =	vand.u32 $0xFFFF0000, v62  }
0xf9: {  	v0 =	vadd.f32 v58, v0;
	[sflag:s0] =	ssyncset.done $0x0;
	v6 =	vadd.f32 v17, v6;
	v17 =	vand.u32 $0xFFFF0000, v63  }
0xfa: {  	v60 =	vand.u32 $0xFFFF0000, v37;
	v19 =	vshll.u32 v37, $0x10;
	v62 =	vand.u32 $0xFFFF0000, v39;
	[sflag:s0] =	ssyncadd.s32 $0xFFFFFF80  }
0xfb: {  	v30 =	vshll.u32 v39, $0x10;
	v35 =	vshll.u32 v42, $0x10;
	v4 =	vadd.f32 v17, v4;
	v54 =	vld [tilespmem:$0x6A00]  }
0xfc: {  	v37 =	vshll.u32 v47, $0x10;
	v15 =	vadd.f32 v60, v15;
	v13 =	vadd.f32 v19, v13;
	v56 =	vld [tilespmem:$0x6A10]  }
0xfd: {  	v40 =	vshll.u32 v50, $0x10;
	v14 =	vadd.f32 v62, v14;
	v11 =	vadd.f32 v30, v11;
	v17 =	vld [tilespmem:$0x6A20]  }
0xfe: {  	v7 =	vadd.f32 v35, v7;
	v3 =	vadd.f32 v37, v3;
	v22 =	vshll.u32 v48, $0x10;
	v59 =	vld [tilespmem:$0x6A30]  }
0xff: {  	v0 =	vadd.f32 v40, v0;
	v61 =	vld [tilespmem:$0x6A40];
	v33 =	vand.u32 $0xFFFF0000, v16;
	v16 =	vshll.u32 v16, $0x10  }
0x100: {  	v63 =	vld [tilespmem:$0x6A50];
	v36 =	vshll.u32 v44, $0x10;
	v9 =	vadd.f32 v16, v9;
	v16 =	vand.u32 $0xFFFF0000, v42  }
0x101: {  	s11 =	sadd.s32 @!p1 $0x1000, s10;
	s12 =	simm.s32 @!p1 $0x6A00;
	v32 =	vld [tilespmem:$0x6A60];
	v1 =	vadd.f32 v22, v1;
	v10 =	vadd.f32 v16, v10;
	v16 =	vand.u32 $0xFFFF0000, v44  }
0x102: {  	v34 =	vld [tilespmem:$0x6A70];
	[tilespmem:s12], [sflag:$0xD] =	stream.indirect.gather @!p1 [spmem:s3], $0x1, s11, s9, $0xb8;
	v5 =	vadd.f32 v36, v5;
	v8 =	vadd.f32 v16, v8;
	v16 =	vand.u32 $0xFFFF0000, v47  }
0x103: {  	_ =	swait.ge [sflag:s1], $0x80;
	v12 =	vadd.f32 v33, v12;
	v6 =	vadd.f32 v16, v6  }
0x104: {  	[sflag:s1] =	ssyncset.done $0x0;
	v16 =	vand.u32 $0xFFFF0000, v48;
	v41 =	vand.u32 $0xFFFF0000, v54;
	v18 =	vshll.u32 v54, $0x10  }
0x105: {  	[sflag:s1] =	ssyncadd.s32 $0xFFFFFF80;
	v43 =	vand.u32 $0xFFFF0000, v56;
	v24 =	vshll.u32 v56, $0x10;
	v45 =	vand.u32 $0xFFFF0000, v17  }
0x106: {  	v38 =	vld [tilespmem:$0x6A80];
	v17 =	vshll.u32 v17, $0x10;
	v48 =	vshll.u32 v59, $0x10;
	v21 =	vshll.u32 v61, $0x10  }
0x107: {  	v39 =	vld [tilespmem:$0x6A90];
	v20 =	vshll.u32 v32, $0x10;
	v4 =	vadd.f32 v16, v4;
	v15 =	vadd.f32 v41, v15  }
0x108: {  	v42 =	vld [tilespmem:$0x6AB0];
	v52 =	vshll.u32 v34, $0x10;
	v13 =	vadd.f32 v18, v13;
	v14 =	vadd.f32 v43, v14  }
0x109: {  	v44 =	vld [tilespmem:$0x6AC0];
	v16 =	vand.u32 $0xFFFF0000, v50;
	v11 =	vadd.f32 v24, v11;
	v12 =	vadd.f32 v45, v12  }
0x10a: {  	v46 =	vld [tilespmem:$0x6AD0];
	v9 =	vadd.f32 v17, v9;
	v17 =	vand.u32 $0xFFFF0000, v59;
	v7 =	vadd.f32 v48, v7  }
0x10b: {  	v47 =	vld [tilespmem:$0x6AE0];
	v5 =	vadd.f32 v21, v5;
	v50 =	vshll.u32 v63, $0x10;
	v1 =	vadd.f32 v20, v1  }
0x10c: {  	s11 =	sadd.s32 @!p1 $0x1080, s10;
	s12 =	simm.s32 @!p1 $0x6A80;
	v49 =	vld [tilespmem:$0x6AF0];
	v0 =	vadd.f32 v52, v0;
	v10 =	vadd.f32 v17, v10;
	v17 =	vand.u32 $0xFFFF0000, v61  }
0x10d: {  	v2 =	vadd.f32 v16, v2;
	v16 =	vld [tilespmem:$0x6AA0];
	[tilespmem:s12], [sflag:$0xE] =	stream.indirect.gather @!p1 [spmem:s3], $0x1, s11, s9, $0xb8;
	v8 =	vadd.f32 v17, v8;
	v17 =	vand.u32 $0xFFFF0000, v63  }
0x10e: {  	v3 =	vadd.f32 v50, v3;
	_ =	swait.ge [sflag:s2], $0x80;
	v6 =	vadd.f32 v17, v6  }
0x10f: {  	[sflag:s2] =	ssyncset.done $0x0;
	v17 =	vand.u32 $0xFFFF0000, v32;
	v19 =	vshll.u32 v38, $0x10;
	v54 =	vand.u32 $0xFFFF0000, v39  }
0x110: {  	v55 =	vshll.u32 v39, $0x10;
	v59 =	vand.u32 $0xFFFF0000, v42;
	v22 =	vshll.u32 v44, $0x10;
	[sflag:s2] =	ssyncadd.s32 $0xFFFFFF80  }
0x111: {  	v63 =	vshll.u32 v46, $0x10;
	v4 =	vadd.f32 v17, v4;
	v13 =	vadd.f32 v19, v13;
	v51 =	vld [tilespmem:$0x6B00]  }
0x112: {  	v18 =	vshll.u32 v47, $0x10;
	v14 =	vadd.f32 v54, v14;
	v11 =	vadd.f32 v55, v11;
	v53 =	vld [tilespmem:$0x6B10]  }
0x113: {  	v25 =	vshll.u32 v49, $0x10;
	v10 =	vadd.f32 v59, v10;
	v5 =	vadd.f32 v22, v5;
	v56 =	vld [tilespmem:$0x6B30]  }
0x114: {  	v17 =	vand.u32 $0xFFFF0000, v34;
	v3 =	vadd.f32 v63, v3;
	v1 =	vadd.f32 v18, v1;
	v58 =	vld [tilespmem:$0x6B40]  }
0x115: {  	v0 =	vadd.f32 v25, v0;
	v60 =	vld [tilespmem:$0x6B50];
	v57 =	vand.u32 $0xFFFF0000, v16;
	v16 =	vshll.u32 v16, $0x10  }
0x116: {  	v2 =	vadd.f32 v17, v2;
	v61 =	vld [tilespmem:$0x6B60];
	v9 =	vadd.f32 v16, v9;
	v16 =	vshll.u32 v42, $0x10  }
0x117: {  	v17 =	vand.u32 $0xFFFF0000, v38;
	v62 =	vld [tilespmem:$0x6B70];
	v7 =	vadd.f32 v16, v7;
	v16 =	vand.u32 $0xFFFF0000, v44  }
0x118: {  	v15 =	vadd.f32 v17, v15;
	v8 =	vadd.f32 v16, v8;
	v16 =	vand.u32 $0xFFFF0000, v46  }
0x119: {  	s11 =	sadd.s32 @!p1 $0x1100, s10;
	s12 =	simm.s32 @!p1 $0x6B00;
	v12 =	vadd.f32 v57, v12;
	v6 =	vadd.f32 v16, v6;
	v16 =	vand.u32 $0xFFFF0000, v47  }
0x11a: {  	v17 =	vld [tilespmem:$0x6B20];
	[tilespmem:s12], [sflag:$0xF] =	stream.indirect.gather @!p1 [spmem:s3], $0x1, s11, s9, $0xb8;
	v20 =	vshll.u32 v51, $0x10;
	v30 =	vshll.u32 v53, $0x10;
	v23 =	vshll.u32 v56, $0x10  }
0x11b: {  	_ =	swait.ge [sflag:s16], $0x80;
	v21 =	vshll.u32 v58, $0x10;
	v35 =	vand.u32 $0xFFFF0000, v60;
	v36 =	vshll.u32 v60, $0x10  }
0x11c: {  	[sflag:s16] =	ssyncset.done $0x0;
	v38 =	vand.u32 $0xFFFF0000, v61;
	v19 =	vshll.u32 v61, $0x10;
	v39 =	vand.u32 $0xFFFF0000, v62  }
0x11d: {  	[sflag:s16] =	ssyncadd.s32 $0xFFFFFF80;
	v40 =	vshll.u32 v62, $0x10;
	v4 =	vadd.f32 v16, v4;
	v13 =	vadd.f32 v20, v13  }
0x11e: {  	v28 =	vld [tilespmem:$0x6B80];
	v16 =	vand.u32 $0xFFFF0000, v49;
	v11 =	vadd.f32 v30, v11;
	v7 =	vadd.f32 v23, v7  }
0x11f: {  	v29 =	vld [tilespmem:$0x6B90];
	v31 =	vand.u32 $0xFFFF0000, v17;
	v5 =	vadd.f32 v21, v5;
	v3 =	vadd.f32 v36, v3  }
0x120: {  	v32 =	vld [tilespmem:$0x6BB0];
	v17 =	vshll.u32 v17, $0x10;
	v1 =	vadd.f32 v19, v1;
	v0 =	vadd.f32 v40, v0  }
0x121: {  	v33 =	vld [tilespmem:$0x6BC0];
	v2 =	vadd.f32 v16, v2;
	v16 =	vand.u32 $0xFFFF0000, v51;
	v12 =	vadd.f32 v31, v12  }
0x122: {  	v34 =	vld [tilespmem:$0x6BD0];
	v9 =	vadd.f32 v17, v9;
	v17 =	vand.u32 $0xFFFF0000, v56;
	v6 =	vadd.f32 v35, v6  }
0x123: {  	v37 =	vld [tilespmem:$0x6BF0];
	v15 =	vadd.f32 v16, v15;
	v16 =	vand.u32 $0xFFFF0000, v53;
	v10 =	vadd.f32 v17, v10  }
0x124: {  	s11 =	sadd.s32 @!p1 $0x1180, s10;
	s12 =	simm.s32 @!p1 $0x6B80;
	v17 =	vand.u32 $0xFFFF0000, v58;
	v4 =	vadd.f32 v38, v4;
	v14 =	vadd.f32 v16, v14;
	v16 =	vld [tilespmem:$0x6BA0]  }
0x125: {  	v8 =	vadd.f32 v17, v8;
	v17 =	vld [tilespmem:$0x6BE0];
	[tilespmem:s12], [sflag:$0x10] =	stream.indirect.gather @!p1 [spmem:s3], $0x1, s11, s9, $0xb8;
	v2 =	vadd.f32 v39, v2  }
0x126: {  	_ =	swait.ge [sflag:s17], $0x80;
	v41 =	vand.u32 $0xFFFF0000, v28;
	v18 =	vshll.u32 v28, $0x10;
	v42 =	vand.u32 $0xFFFF0000, v29  }
0x127: {  	v44 =	vshll.u32 v29, $0x10;
	v48 =	vshll.u32 v32, $0x10;
	[sflag:s17] =	ssyncset.done $0x0;
	v15 =	vadd.f32 v41, v15  }
0x128: {  	v20 =	vshll.u32 v33, $0x10;
	v13 =	vadd.f32 v18, v13;
	v14 =	vadd.f32 v42, v14;
	[sflag:s17] =	ssyncadd.s32 $0xFFFFFF80  }
0x129: {  	v52 =	vshll.u32 v34, $0x10;
	v11 =	vadd.f32 v44, v11;
	v7 =	vadd.f32 v48, v7;
	v43 =	vld [tilespmem:$0x6C00]  }
0x12a: {  	v55 =	vshll.u32 v37, $0x10;
	v5 =	vadd.f32 v20, v5;
	v3 =	vadd.f32 v52, v3;
	v46 =	vld [tilespmem:$0x6C10]  }
0x12b: {  	v0 =	vadd.f32 v55, v0;
	v47 =	vld [tilespmem:$0x6C20];
	v45 =	vand.u32 $0xFFFF0000, v16;
	v16 =	vshll.u32 v16, $0x10  }
0x12c: {  	v49 =	vld [tilespmem:$0x6C30];
	v53 =	vand.u32 $0xFFFF0000, v17;
	v17 =	vshll.u32 v17, $0x10;
	v12 =	vadd.f32 v45, v12  }
0x12d: {  	v50 =	vld [tilespmem:$0x6C40];
	v9 =	vadd.f32 v16, v9;
	v16 =	vand.u32 $0xFFFF0000, v32;
	v4 =	vadd.f32 v53, v4  }
0x12e: {  	v51 =	vld [tilespmem:$0x6C50];
	v1 =	vadd.f32 v17, v1;
	v10 =	vadd.f32 v16, v10;
	v16 =	vand.u32 $0xFFFF0000, v33  }
0x12f: {  	s11 =	sadd.s32 @!p1 $0x1200, s10;
	s12 =	simm.s32 @!p1 $0x6C00;
	v54 =	vld [tilespmem:$0x6C70];
	v17 =	vand.u32 $0xFFFF0000, v37;
	v8 =	vadd.f32 v16, v8;
	v16 =	vand.u32 $0xFFFF0000, v34  }
0x130: {  	v2 =	vadd.f32 v17, v2;
	v6 =	vadd.f32 v16, v6;
	v16 =	vld [tilespmem:$0x6C60];
	[tilespmem:s12], [sflag:$0x11] =	stream.indirect.gather @!p1 [spmem:s3], $0x1, s11, s9, $0xb8;
	v17 =	vand.u32 $0xFFFF0000, v43  }
0x131: {  	v19 =	vshll.u32 v43, $0x10;
	v56 =	vshll.u32 v46, $0x10;
	v18 =	vshll.u32 v47, $0x10;
	_ =	swait.ge [sflag:s14], $0x80  }
0x132: {  	v59 =	vshll.u32 v49, $0x10;
	v60 =	vand.u32 $0xFFFF0000, v50;
	v21 =	vshll.u32 v50, $0x10;
	[sflag:s14] =	ssyncset.done $0x0  }
0x133: {  	v62 =	vand.u32 $0xFFFF0000, v51;
	v15 =	vadd.f32 v17, v15;
	v13 =	vadd.f32 v19, v13;
	[sflag:s14] =	ssyncadd.s32 $0xFFFFFF80  }
0x134: {  	v28 =	vshll.u32 v51, $0x10;
	v11 =	vadd.f32 v56, v11;
	v9 =	vadd.f32 v18, v9;
	v57 =	vld [tilespmem:$0x6C80]  }
0x135: {  	v32 =	vshll.u32 v54, $0x10;
	v7 =	vadd.f32 v59, v7;
	v8 =	vadd.f32 v60, v8;
	v58 =	vld [tilespmem:$0x6C90]  }
0x136: {  	v17 =	vand.u32 $0xFFFF0000, v46;
	v5 =	vadd.f32 v21, v5;
	v3 =	vadd.f32 v28, v3;
	v61 =	vld [tilespmem:$0x6CB0]  }
0x137: {  	v0 =	vadd.f32 v32, v0;
	v14 =	vadd.f32 v17, v14;
	v17 =	vand.u32 $0xFFFF0000, v47;
	v63 =	vld [tilespmem:$0x6CC0]  }
0x138: {  	v6 =	vadd.f32 v62, v6;
	v12 =	vadd.f32 v17, v12;
	v30 =	vld [tilespmem:$0x6CD0]  }
0x139: {  	v17 =	vand.u32 $0xFFFF0000, v49;
	v31 =	vld [tilespmem:$0x6CE0];
	v29 =	vand.u32 $0xFFFF0000, v16;
	v16 =	vshll.u32 v16, $0x10  }
0x13a: {  	s11 =	sadd.s32 @!p1 $0x1280, s10;
	s12 =	simm.s32 @!p1 $0x6C80;
	v10 =	vadd.f32 v17, v10;
	v17 =	vld [tilespmem:$0x6CA0];
	v1 =	vadd.f32 v16, v1;
	v16 =	vand.u32 $0xFFFF0000, v54  }
0x13b: {  	v33 =	vld [tilespmem:$0x6CF0];
	[tilespmem:s12], [sflag:$0x12] =	stream.indirect.gather @!p1 [spmem:s3], $0x1, s11, s9, $0xb8;
	v4 =	vadd.f32 v29, v4;
	v2 =	vadd.f32 v16, v2  }
0x13c: {  	_ =	swait.ge [sflag:s5], $0x80;
	v16 =	vand.u32 $0xFFFF0000, v57;
	v19 =	vshll.u32 v57, $0x10;
	v34 =	vshll.u32 v58, $0x10  }
0x13d: {  	[sflag:s5] =	ssyncset.done $0x0;
	v35 =	vshll.u32 v61, $0x10;
	v37 =	vshll.u32 v63, $0x10;
	v38 =	vand.u32 $0xFFFF0000, v30  }
0x13e: {  	[sflag:s5] =	ssyncadd.s32 $0xFFFFFF80;
	v39 =	vshll.u32 v30, $0x10;
	v41 =	vand.u32 $0xFFFF0000, v31;
	v15 =	vadd.f32 v16, v15  }
0x13f: {  	v36 =	vld [tilespmem:$0x6D10];
	v18 =	vshll.u32 v31, $0x10;
	v13 =	vadd.f32 v19, v13;
	v11 =	vadd.f32 v34, v11  }
0x140: {  	v42 =	vld [tilespmem:$0x6D40];
	v43 =	vand.u32 $0xFFFF0000, v33;
	v7 =	vadd.f32 v35, v7;
	v5 =	vadd.f32 v37, v5  }
0x141: {  	v44 =	vld [tilespmem:$0x6D50];
	v16 =	vand.u32 $0xFFFF0000, v58;
	v6 =	vadd.f32 v38, v6;
	v3 =	vadd.f32 v39, v3  }
0x142: {  	v46 =	vld [tilespmem:$0x6D60];
	v14 =	vadd.f32 v16, v14;
	v16 =	vand.u32 $0xFFFF0000, v17;
	v17 =	vshll.u32 v17, $0x10  }
0x143: {  	v12 =	vadd.f32 v16, v12;
	v9 =	vadd.f32 v17, v9;
	v16 =	vand.u32 $0xFFFF0000, v61;
	v17 =	vld [tilespmem:$0x6D00]  }
0x144: {  	v4 =	vadd.f32 v41, v4;
	v10 =	vadd.f32 v16, v10;
	v16 =	vand.u32 $0xFFFF0000, v63  }
0x145: {  	v45 =	vshll.u32 v33, $0x10;
	v1 =	vadd.f32 v18, v1;
	v8 =	vadd.f32 v16, v8;
	v16 =	vld [tilespmem:$0x6D20]  }
0x146: {  	v40 =	vld [tilespmem:$0x6D30];
	v2 =	vadd.f32 v43, v2;
	v0 =	vadd.f32 v45, v0  }
0x147: {  	s10 =	sadd.s32 @!p1 $0x1300, s10;
	s11 =	simm.s32 @!p1 $0x6D00;
	v49 =	vshll.u32 v36, $0x10;
	v50 =	vshll.u32 v42, $0x10;
	v51 =	vshll.u32 v44, $0x10  }
0x148: {  	v48 =	vld [tilespmem:$0x6D70];
	v52 =	vand.u32 $0xFFFF0000, v46;
	[tilespmem:s11], [sflag:$0x13] =	stream.indirect.gather @!p1 [spmem:s3], $0x1, s10, s9, $0xb8;
	v47 =	vand.u32 $0xFFFF0000, v17;
	v17 =	vshll.u32 v17, $0x10  }
0x149: {  	v11 =	vadd.f32 v49, v11;
	_ =	swait.ge [sflag:s6], $0x80;
	v13 =	vadd.f32 v17, v13;
	v17 =	vand.u32 $0xFFFF0000, v36  }
0x14a: {  	[sflag:s6] =	ssyncset.done $0x0;
	v14 =	vadd.f32 v17, v14;
	v17 =	vand.u32 $0xFFFF0000, v16;
	v16 =	vshll.u32 v16, $0x10  }
0x14b: {  	[sflag:s6] =	ssyncadd.s32 $0xFFFFFF80;
	v12 =	vadd.f32 v17, v12;
	v9 =	vadd.f32 v16, v9;
	v16 =	vand.u32 $0xFFFF0000, v40  }
0x14c: {  	v53 =	vld [tilespmem:$0x6DA0];
	v17 =	vshll.u32 v40, $0x10;
	v10 =	vadd.f32 v16, v10;
	v16 =	vand.u32 $0xFFFF0000, v42  }
0x14d: {  	v7 =	vadd.f32 v17, v7;
	v17 =	vld [tilespmem:$0x6D80];
	v8 =	vadd.f32 v16, v8;
	v16 =	vand.u32 $0xFFFF0000, v44  }
0x14e: {  	v19 =	vshll.u32 v46, $0x10;
	v5 =	vadd.f32 v50, v5;
	v6 =	vadd.f32 v16, v6;
	v16 =	vld [tilespmem:$0x6D90]  }
0x14f: {  	v54 =	vand.u32 $0xFFFF0000, v48;
	v3 =	vadd.f32 v51, v3;
	v4 =	vadd.f32 v52, v4  }
0x150: {  	v56 =	vshll.u32 v48, $0x10;
	v1 =	vadd.f32 v19, v1;
	v2 =	vadd.f32 v54, v2;
	v55 =	vld [tilespmem:$0x6DB0]  }
0x151: {  	v0 =	vadd.f32 v56, v0;
	v15 =	vadd.f32 v47, v15;
	v58 =	vld [tilespmem:$0x6DC0]  }
0x152: {  	v59 =	vld [tilespmem:$0x6DD0];
	v20 =	vshll.u32 v53, $0x10;
	v57 =	vand.u32 $0xFFFF0000, v17;
	v17 =	vshll.u32 v17, $0x10  }
0x153: {  	v13 =	vadd.f32 v17, v13;
	v17 =	vand.u32 $0xFFFF0000, v16;
	v16 =	vshll.u32 v16, $0x10  }
0x154: {  	v14 =	vadd.f32 v17, v14;
	v11 =	vadd.f32 v16, v11;
	v16 =	vand.u32 $0xFFFF0000, v53;
	v17 =	vld [tilespmem:$0x6DE0]  }
0x155: {  	v19 =	vshll.u32 v55, $0x10;
	v12 =	vadd.f32 v16, v12;
	v16 =	vand.u32 $0xFFFF0000, v55  }
0x156: {  	v60 =	vand.u32 $0xFFFF0000, v58;
	v18 =	vshll.u32 v58, $0x10;
	v10 =	vadd.f32 v16, v10;
	v16 =	vld [tilespmem:$0x6DF0]  }
0x157: {  	v61 =	vand.u32 $0xFFFF0000, v59;
	v9 =	vadd.f32 v20, v9;
	v7 =	vadd.f32 v19, v7  }
.Ltmp2:
0x158: {  	v62 =	vshll.u32 v59, $0x10;
	v8 =	vadd.f32 v60, v8;
	v5 =	vadd.f32 v18, v5;
	(pc) =	sbr.rel @p1 .LBB2_4-.Ltmp2, $4  }
0x159: {  	v3 =	vadd.f32 v62, v3;
	v6 =	vadd.f32 v61, v6;
	v63 =	vand.u32 $0xFFFF0000, v17  }
0x15a: {  	v15 =	vadd.f32 v57, v15;
	v17 =	vshll.u32 v17, $0x10;
	v4 =	vadd.f32 v63, v4  }
0x15b: {  	v1 =	vadd.f32 v17, v1;
	v17 =	vand.u32 $0xFFFF0000, v16;
	v16 =	vshll.u32 v16, $0x10  }
0x15c: {  	v2 =	vadd.f32 v17, v2;
	v0 =	vadd.f32 v16, v0  }
.Ltmp3:
0x15d: {  	(pc) =	sbr.rel .LBB2_2-.Ltmp3, $4  }
0x15e: {  	_ = 	snop  }
0x15f: {  	s9 =	sshra.s32 s8, $0x2  }
0x160: {  	s8 =	sadd.s32 $0x2800, s8;
	s9 =	sadd.s32 $0x1380, s9  }
0x161: {  	[tilespmem:s18], [sflag:$0x14] =	stream.indirect.gather [spmem:s3], $0x1, s9, s13, $0xb8;
	[tilespmem:$0x16348] =	vst v63  }
.LBB2_5:
0x162: {  	_ =	sfence.sel $0x180000  }
0x163: {  	[bflag:$0x0] =	sbarrier.arrive $0xFFFF  }
0x164: {  	_ =	strace $0x90000047  }
0x165: {  	s0 =	stileid.u32;
	[bflag:$0x2] =	sbarrier.arrive $0xFFFF  }
0x166: {  	p0 =	sne.s32 s0, $0x0;
	s0 =	rddreg [dreg:$0x3]  }
0x167: {  	s0 =	sadd.s32 @!p0 $0x100000, s0  }
0x168: {  	[sflag:s0] =	ssyncadd.tile.s32 @!p0 $0x1;
	_ =	shalt  }
.Lfunc_end2:
_tile_overlayer_lowered:
.L_overlay_start_2:
0x169: {  	(tag) =	ssettag $0x2  }
0x16a: {  	s0 =	rddreg [dreg:$0x0];
	s2 =	stileid.u32  }
0x16b: {  	s1 =	rddreg [dreg:$0x1];
	p0 =	sne.s32 s2, $0x0  }
0x16c: {  	s3 =	rddreg [dreg:$0x2];
	[bflag:$0x3] =	sbarrier.arrive $0xFFFF;
	s2 =	simm.s32 @!p0 $0x1C15  }
0x16d: {  	[timem:s3], [sflag:s2] =	dma.local @!p0 [hbm:s0], s1  }
0x16e: {  	s0 =	simm.s32 @!p0 $0x15  }
0x16f: {  	_ =	swait.ge @!p0 [sflag:s0], s1  }
0x170: {  	s1 =	ssub.s32 @!p0 $0x0, s1;
	[sflag:s0] =	ssyncset.done @!p0 $0x0  }
0x171: {  	[sflag:s0] =	ssyncadd.s32 @!p0 s1  }
0x172: {  	[bflag:$0x3] =	sbarrier.arrive $0xFFFF  }
0x173: {  	_ =	shalt  }

</sc_bundles>
